<compile_context>
chip_gen: v7x
topology: tpu7x:2x2x1
jax: 0.10.2.dev20260603
libtpu: 0.0.44.dev20260713+nightly
codegen_flags: <defaults>
</compile_context>

<pallas_src>
import functools

import jax
import jax.numpy as jnp
from jax import lax
from jax.experimental import pallas as pl
from jax.experimental.pallas import tpu as pltpu
from jax.experimental.pallas import tpu_sc as plsc

_NUM_CORES = 2
_NUM_SUBCORES = 16
_LANES = 16

_ROW = 128
_BLK_ROWS = 16
_BLK = _BLK_ROWS * _ROW


def _make_sc_kernel(n_nodes, n_edges, d_feat):
    e_sc = n_edges // _NUM_CORES
    n_full = e_sc // _BLK
    tail = e_sc - n_full * _BLK
    n_blocks = n_full + (1 if tail else 0)
    acc_rows = -(-(n_blocks * _BLK_ROWS) //
                 (_BLK_ROWS * _NUM_SUBCORES)) * (_BLK_ROWS * _NUM_SUBCORES)
    out_rows = e_sc // _ROW
    wpt = d_feat // 2 // _NUM_SUBCORES
    groups_per_blk = _BLK // _LANES
    cp_rows = out_rows // 10
    mesh = plsc.VectorSubcoreMesh(
        core_axis_name="c", subcore_axis_name="s")

    @functools.partial(
        pl.kernel,
        out_type=jax.ShapeDtypeStruct((n_edges // _ROW, _ROW), jnp.float32),
        mesh=mesh,
        compiler_params=pltpu.CompilerParams(needs_layout_passes=False,
                                             use_tc_tiling_on_sc=False),
        scratch_types=dict(
            acc_sh=pltpu.VMEM_SHARED((acc_rows, _ROW), jnp.float32),
            ut_v=pltpu.VMEM((wpt, n_nodes), jnp.int32),
            mt_v=pltpu.VMEM((wpt, n_nodes), jnp.int32),
            i0_v=pltpu.VMEM((2, _BLK), jnp.int32),
            i1_v=pltpu.VMEM((2, _BLK), jnp.int32),
            p_v=pltpu.VMEM((2, _BLK_ROWS, _ROW), jnp.float32),
            z_v=pltpu.VMEM((_BLK_ROWS, _ROW), jnp.float32),
            sem_i=pltpu.SemaphoreType.DMA((2,)),
            sem_p=pltpu.SemaphoreType.DMA((2,)),
        ),
    )
    def edge_dot(xu_hbm, xm_hbm, i0_hbm, i1_hbm, out_hbm,
                 acc_sh, ut_v, mt_v, i0_v, i1_v, p_v, z_v, sem_i, sem_p):
        sub = lax.axis_index("s")
        core = lax.axis_index("c")
        ebase = core * e_sc
        zvec = jnp.zeros((_LANES,), jnp.float32)
        lane = lax.iota(jnp.int32, _LANES)

        pltpu.sync_copy(xu_hbm.at[sub], ut_v)
        pltpu.sync_copy(xm_hbm.at[sub], mt_v)

        for r in range(_BLK_ROWS):
            for k in range(_ROW // _LANES):
                z_v[r, pl.ds(k * _LANES, _LANES)] = zvec
        n_zcp = acc_rows // _BLK_ROWS // _NUM_SUBCORES
        for i in range(n_zcp):
            pltpu.sync_copy(
                z_v, acc_sh.at[pl.ds((sub * n_zcp + i) * _BLK_ROWS,
                                     _BLK_ROWS)])
        plsc.subcore_barrier()

        def fire_idx(b, slot):
            eb = ebase + b * _BLK
            pltpu.async_copy(i0_hbm.at[pl.ds(eb, _BLK)], i0_v.at[slot],
                             sem_i.at[slot])
            pltpu.async_copy(i1_hbm.at[pl.ds(eb, _BLK)], i1_v.at[slot],
                             sem_i.at[slot])

        def fire_idx_tail(slot):
            eb = ebase + n_full * _BLK
            pltpu.async_copy(i0_hbm.at[pl.ds(eb, tail)],
                             i0_v.at[slot, pl.ds(0, tail)], sem_i.at[slot])
            pltpu.async_copy(i1_hbm.at[pl.ds(eb, tail)],
                             i1_v.at[slot, pl.ds(0, tail)], sem_i.at[slot])

        def wait_idx(slot, n):
            pltpu.make_async_copy(
                i0_hbm.at[pl.ds(0, n)], i0_v.at[slot, pl.ds(0, n)],
                sem_i.at[slot]).wait()
            pltpu.make_async_copy(
                i1_hbm.at[pl.ds(0, n)], i1_v.at[slot, pl.ds(0, n)],
                sem_i.at[slot]).wait()

        fire_idx(0, 0)

        def block_body(b, _):
            slot = lax.rem(b, 2)

            @pl.when(b + 1 < n_full)
            def _():
                fire_idx(b + 1, lax.rem(b + 1, 2))

            if tail:
                @pl.when(b + 1 == n_full)
                def _():
                    fire_idx_tail(lax.rem(b + 1, 2))

            @pl.when(b >= 2)
            def _():
                pltpu.make_async_copy(
                    p_v.at[slot], acc_sh.at[pl.ds(0, _BLK_ROWS)],
                    sem_p.at[slot]).wait()

            if tail:
                @pl.when(b < n_full)
                def _():
                    wait_idx(slot, _BLK)

                @pl.when(b == n_full)
                def _():
                    wait_idx(slot, tail)
            else:
                wait_idx(slot, _BLK)

            unroll = 16

            def quad_body(t, _):
                words = []
                for u in range(unroll):
                    g = t * unroll + u
                    iv0 = i0_v[slot, pl.ds(g * _LANES, _LANES)]
                    iv1 = i1_v[slot, pl.ds(g * _LANES, _LANES)]
                    words.append([
                        (plsc.load_gather(ut_v.at[k], [iv0]),
                         plsc.load_gather(mt_v.at[k], [iv1]))
                        for k in range(wpt)])
                qs = []
                for u in range(unroll):
                    qa = None
                    qb = None
                    for k in range(wpt):
                        wu, wm = words[u][k]
                        ue = plsc.bitcast(wu, jnp.float32)
                        uo = plsc.bitcast(wu << 16, jnp.float32)
                        me = plsc.bitcast(wm, jnp.float32)
                        mo = plsc.bitcast(wm << 16, jnp.float32)
                        qk = ue * me + uo * mo
                        if k % 2 == 0:
                            qa = qk if qa is None else qa + qk
                        else:
                            qb = qk if qb is None else qb + qk
                    qs.append(qa if qb is None else qa + qb)
                for u in range(unroll):
                    g = t * unroll + u
                    r = lax.div(g, jnp.int32(_ROW // _LANES))
                    cc = lax.rem(g, jnp.int32(_ROW // _LANES))
                    p_v[slot, r, pl.ds(cc * _LANES, _LANES)] = qs[u]
                return 0

            lax.fori_loop(0, groups_per_blk // unroll, quad_body, 0)

            pltpu.async_copy(p_v.at[slot],
                             acc_sh.at[b * _BLK_ROWS + lane],
                             sem_p.at[slot], add=True)
            return 0

        lax.fori_loop(0, n_blocks, block_body, 0)

        assert n_blocks >= 2
        for slot in range(2):
            pltpu.make_async_copy(
                p_v.at[slot], acc_sh.at[pl.ds(0, _BLK_ROWS)],
                sem_p.at[slot]).wait()
        plsc.subcore_barrier()

        @pl.when(sub < 10)
        def _():
            pltpu.sync_copy(
                acc_sh.at[pl.ds(sub * cp_rows, cp_rows)],
                out_hbm.at[pl.ds(core * out_rows + sub * cp_rows, cp_rows)])

    return edge_dot


def kernel(x_user, x_movie, edge_label_index):
    n_nodes, d_feat = x_user.shape
    n_edges = edge_label_index.shape[1]
    idx0 = edge_label_index[0]
    idx1 = edge_label_index[1]
    wpn = d_feat // 2
    wpt = wpn // _NUM_SUBCORES

    def prep(x):
        xi = lax.bitcast_convert_type(
            x.astype(jnp.bfloat16).reshape(n_nodes, wpn, 2), jnp.int32)
        return xi.reshape(n_nodes, _NUM_SUBCORES, wpt).transpose(1, 2, 0)

    sc_kernel = _make_sc_kernel(n_nodes, n_edges, d_feat)
    out2d = sc_kernel(prep(x_user), prep(x_movie), idx0, idx1)
    return out2d.reshape(n_edges)

# --- scband reference (transcript-rebuilt; emitter-appended) ---
"""Pipeline reference for scband-classifier-20581483282604 (READ-ONLY COPY).

The authoritative reference and input builder live on the scoring server;
editing this copy changes nothing except your own understanding.
"""

import jax, jax.numpy as jnp
import numpy as np

N_NODES = 10000
N_EDGES = 320000
D_FEAT = 128

def setup_inputs(seed: int = 0) -> dict:
    key = jax.random.key(seed)
    k1, k2, k3 = jax.random.split(key, 3)
    x_user = jax.random.normal(k1, (N_NODES, D_FEAT), dtype=jnp.float32)
    x_movie = jax.random.normal(k2, (N_NODES, D_FEAT), dtype=jnp.float32)
    edge_label_index = jax.random.randint(k3, (2, N_EDGES), 0, N_NODES, dtype=jnp.int64 if jax.config.jax_enable_x64 else jnp.int32).astype(jnp.int32)
    return {"x_user": x_user, "x_movie": x_movie, "edge_label_index": edge_label_index}

def reference(x_user, x_movie, edge_label_index):
    # Faithful translation of Classifier.forward:
    # edge_feat_user = x_user[edge_label_index[0]]
    # edge_feat_movie = x_movie[edge_label_index[1]]
    # return (edge_feat_user * edge_feat_movie).sum(dim=-1)
    edge_feat_user = jnp.take(x_user, edge_label_index[0], axis=0)
    edge_feat_movie = jnp.take(x_movie, edge_label_index[1], axis=0)
    return (edge_feat_user * edge_feat_movie).sum(axis=-1)

if __name__ == "__main__":
    import jax
    _d = setup_inputs()
    print(jax.jit(kernel)(*tuple(_d.values())))

</pallas_src>

<mosaic_0001>
#map = affine_map<(d0, d1) -> (0, 0, 0)>
#map1 = affine_map<(d0, d1) -> (0)>
#map2 = affine_map<(d0, d1) -> (0, 0)>
module attributes {stable_mosaic.version = 14 : i64} {
  func.func @edge_dot(%arg0: i32, %arg1: i32, %arg2: memref<16x4x10000xi32, #tpu.memory_space<hbm>>, %arg3: memref<16x4x10000xi32, #tpu.memory_space<hbm>>, %arg4: memref<320000xi32, #tpu.memory_space<hbm>>, %arg5: memref<320000xi32, #tpu.memory_space<hbm>>, %arg6: memref<2500x128xf32, #tpu.memory_space<hbm>>, %arg7: memref<1280x128xf32, #tpu.memory_space<vmem_shared>>, %arg8: memref<2x2048xi32, #tpu.memory_space<vmem>>, %arg9: memref<2x2048xi32, #tpu.memory_space<vmem>>, %arg10: memref<4x10000xi32, #tpu.memory_space<vmem>>, %arg11: memref<2x16x128xf32, #tpu.memory_space<vmem>>, %arg12: memref<2x!tpu.dma_semaphore, #tpu.memory_space<semaphore_mem>>, %arg13: memref<2x!tpu.dma_semaphore, #tpu.memory_space<semaphore_mem>>, %arg14: memref<4x10000xi32, #tpu.memory_space<vmem>>, %arg15: memref<16x128xf32, #tpu.memory_space<vmem>>) attributes {dimension_semantics = [#tpu.dimension_semantics<core_parallel>, #tpu.dimension_semantics<subcore_parallel>], iteration_bounds = array<i64: 2, 16>, scalar_prefetch = 0 : i64, scratch_operands = 9 : i64, tpu.core_type = #tpu.core_type<sc_vector_subcore>, window_params = [{transform_indices = #map}, {transform_indices = #map}, {transform_indices = #map1}, {transform_indices = #map1}, {transform_indices = #map2}]} {
    %mul3A = arith.constant 160000 : i32
    %mul3A_0 = arith.muli %arg0, %mul3A : i32
    %broadcast_in_dim3A = arith.constant 0.000000e+00 : f32
    %broadcast_in_dim3A_1 = vector.broadcast %broadcast_in_dim3A : f32 to vector<16xf32>
    %iota3A = tpu.iota {dimensions = array<i32: 0>} : vector<16xi32>
    "tpu.region"() ({
      %run_scoped3A = tpu.sem_alloc : memref<!tpu.dma_semaphore, #tpu.memory_space<semaphore_mem>>
      %dma_start3A_611 = arith.constant 0 : i32
      %dma_start3A_612 = arith.constant 0 : i32
      %dma_start3A_613 = tpu.memref_slice %arg2[%arg1, %dma_start3A_611, %dma_start3A_612] : memref<16x4x10000xi32, #tpu.memory_space<hbm>> -> memref<1x4x10000xi32, #tpu.memory_space<hbm>>
      %dma_start3A_614 = tpu.memref_squeeze %dma_start3A_613 : memref<1x4x10000xi32, #tpu.memory_space<hbm>> -> memref<4x10000xi32, #tpu.memory_space<hbm>>
      %dma_start3A_615 = arith.constant 0 : i32
      %dma_start3A_616 = arith.constant 0 : i32
      %dma_start3A_617 = tpu.memref_slice %arg2[%arg1, %dma_start3A_615, %dma_start3A_616] : memref<16x4x10000xi32, #tpu.memory_space<hbm>> -> memref<1x4x10000xi32, #tpu.memory_space<hbm>>
      %dma_start3A_618 = tpu.memref_squeeze %dma_start3A_617 : memref<1x4x10000xi32, #tpu.memory_space<hbm>> -> memref<4x10000xi32, #tpu.memory_space<hbm>>
      tpu.enqueue_dma source(%dma_start3A_618 : memref<4x10000xi32, #tpu.memory_space<hbm>>) target(%arg14 : memref<4x10000xi32, #tpu.memory_space<vmem>>) target_semaphore(%run_scoped3A : memref<!tpu.dma_semaphore, #tpu.memory_space<semaphore_mem>>)
      %dma_wait3A_619 = arith.constant 0 : i32
      %dma_wait3A_620 = arith.constant 0 : i32
      %dma_wait3A_621 = tpu.memref_slice %arg2[%arg1, %dma_wait3A_619, %dma_wait3A_620] : memref<16x4x10000xi32, #tpu.memory_space<hbm>> -> memref<1x4x10000xi32, #tpu.memory_space<hbm>>
      %dma_wait3A_622 = tpu.memref_squeeze %dma_wait3A_621 : memref<1x4x10000xi32, #tpu.memory_space<hbm>> -> memref<4x10000xi32, #tpu.memory_space<hbm>>
      %dma_wait3A_623 = arith.constant 0 : i32
      %dma_wait3A_624 = arith.constant 0 : i32
      %dma_wait3A_625 = tpu.memref_slice %arg2[%arg1, %dma_wait3A_623, %dma_wait3A_624] : memref<16x4x10000xi32, #tpu.memory_space<hbm>> -> memref<1x4x10000xi32, #tpu.memory_space<hbm>>
      %dma_wait3A_626 = tpu.memref_squeeze %dma_wait3A_625 : memref<1x4x10000xi32, #tpu.memory_space<hbm>> -> memref<4x10000xi32, #tpu.memory_space<hbm>>
      tpu.wait_dma2 semaphore(%run_scoped3A : memref<!tpu.dma_semaphore, #tpu.memory_space<semaphore_mem>>) src(%dma_wait3A_626 : memref<4x10000xi32, #tpu.memory_space<hbm>>) dst(%arg14 : memref<4x10000xi32, #tpu.memory_space<vmem>>)
      tpu.yield
    }) : () -> ()
    "tpu.region"() ({
      %run_scoped3A = tpu.sem_alloc : memref<!tpu.dma_semaphore, #tpu.memory_space<semaphore_mem>>
      %dma_start3A_611 = arith.constant 0 : i32
      %dma_start3A_612 = arith.constant 0 : i32
      %dma_start3A_613 = tpu.memref_slice %arg3[%arg1, %dma_start3A_611, %dma_start3A_612] : memref<16x4x10000xi32, #tpu.memory_space<hbm>> -> memref<1x4x10000xi32, #tpu.memory_space<hbm>>
      %dma_start3A_614 = tpu.memref_squeeze %dma_start3A_613 : memref<1x4x10000xi32, #tpu.memory_space<hbm>> -> memref<4x10000xi32, #tpu.memory_space<hbm>>
      %dma_start3A_615 = arith.constant 0 : i32
      %dma_start3A_616 = arith.constant 0 : i32
      %dma_start3A_617 = tpu.memref_slice %arg3[%arg1, %dma_start3A_615, %dma_start3A_616] : memref<16x4x10000xi32, #tpu.memory_space<hbm>> -> memref<1x4x10000xi32, #tpu.memory_space<hbm>>
      %dma_start3A_618 = tpu.memref_squeeze %dma_start3A_617 : memref<1x4x10000xi32, #tpu.memory_space<hbm>> -> memref<4x10000xi32, #tpu.memory_space<hbm>>
      tpu.enqueue_dma source(%dma_start3A_618 : memref<4x10000xi32, #tpu.memory_space<hbm>>) target(%arg10 : memref<4x10000xi32, #tpu.memory_space<vmem>>) target_semaphore(%run_scoped3A : memref<!tpu.dma_semaphore, #tpu.memory_space<semaphore_mem>>)
      %dma_wait3A_619 = arith.constant 0 : i32
      %dma_wait3A_620 = arith.constant 0 : i32
      %dma_wait3A_621 = tpu.memref_slice %arg3[%arg1, %dma_wait3A_619, %dma_wait3A_620] : memref<16x4x10000xi32, #tpu.memory_space<hbm>> -> memref<1x4x10000xi32, #tpu.memory_space<hbm>>
      %dma_wait3A_622 = tpu.memref_squeeze %dma_wait3A_621 : memref<1x4x10000xi32, #tpu.memory_space<hbm>> -> memref<4x10000xi32, #tpu.memory_space<hbm>>
      %dma_wait3A_623 = arith.constant 0 : i32
      %dma_wait3A_624 = arith.constant 0 : i32
      %dma_wait3A_625 = tpu.memref_slice %arg3[%arg1, %dma_wait3A_623, %dma_wait3A_624] : memref<16x4x10000xi32, #tpu.memory_space<hbm>> -> memref<1x4x10000xi32, #tpu.memory_space<hbm>>
      %dma_wait3A_626 = tpu.memref_squeeze %dma_wait3A_625 : memref<1x4x10000xi32, #tpu.memory_space<hbm>> -> memref<4x10000xi32, #tpu.memory_space<hbm>>
      tpu.wait_dma2 semaphore(%run_scoped3A : memref<!tpu.dma_semaphore, #tpu.memory_space<semaphore_mem>>) src(%dma_wait3A_626 : memref<4x10000xi32, #tpu.memory_space<hbm>>) dst(%arg10 : memref<4x10000xi32, #tpu.memory_space<vmem>>)
      tpu.yield
    }) : () -> ()
    %swap3A = arith.constant 0 : i32
    %swap3A_2 = arith.index_cast %swap3A : i32 to index
    %swap3A_3 = arith.constant 0 : index
    %swap3A_4 = tpu.vector_load %arg15[%swap3A_2, %swap3A_3] {strides = array<i32>} : memref<16x128xf32, #tpu.memory_space<vmem>>, vector<16xf32>,
    tpu.vector_store %arg15[%swap3A_2, %swap3A_3], %broadcast_in_dim3A_1 {strides = array<i32>} : memref<16x128xf32, #tpu.memory_space<vmem>>, vector<16xf32>,
    %swap3A_5 = arith.constant 0 : i32
    %swap3A_6 = arith.index_cast %swap3A_5 : i32 to index
    %swap3A_7 = arith.constant 16 : index
    %swap3A_8 = tpu.vector_load %arg15[%swap3A_6, %swap3A_7] {strides = array<i32>} : memref<16x128xf32, #tpu.memory_space<vmem>>, vector<16xf32>,
    tpu.vector_store %arg15[%swap3A_6, %swap3A_7], %broadcast_in_dim3A_1 {strides = array<i32>} : memref<16x128xf32, #tpu.memory_space<vmem>>, vector<16xf32>,
    %swap3A_9 = arith.constant 0 : i32
    %swap3A_10 = arith.index_cast %swap3A_9 : i32 to index
    %swap3A_11 = arith.constant 32 : index
    %swap3A_12 = tpu.vector_load %arg15[%swap3A_10, %swap3A_11] {strides = array<i32>} : memref<16x128xf32, #tpu.memory_space<vmem>>, vector<16xf32>,
    tpu.vector_store %arg15[%swap3A_10, %swap3A_11], %broadcast_in_dim3A_1 {strides = array<i32>} : memref<16x128xf32, #tpu.memory_space<vmem>>, vector<16xf32>,
    %swap3A_13 = arith.constant 0 : i32
    %swap3A_14 = arith.index_cast %swap3A_13 : i32 to index
    %swap3A_15 = arith.constant 48 : index
    %swap3A_16 = tpu.vector_load %arg15[%swap3A_14, %swap3A_15] {strides = array<i32>} : memref<16x128xf32, #tpu.memory_space<vmem>>, vector<16xf32>,
    tpu.vector_store %arg15[%swap3A_14, %swap3A_15], %broadcast_in_dim3A_1 {strides = array<i32>} : memref<16x128xf32, #tpu.memory_space<vmem>>, vector<16xf32>,
    %swap3A_17 = arith.constant 0 : i32
    %swap3A_18 = arith.index_cast %swap3A_17 : i32 to index
    %swap3A_19 = arith.constant 64 : index
    %swap3A_20 = tpu.vector_load %arg15[%swap3A_18, %swap3A_19] {strides = array<i32>} : memref<16x128xf32, #tpu.memory_space<vmem>>, vector<16xf32>,
    tpu.vector_store %arg15[%swap3A_18, %swap3A_19], %broadcast_in_dim3A_1 {strides = array<i32>} : memref<16x128xf32, #tpu.memory_space<vmem>>, vector<16xf32>,
    %swap3A_21 = arith.constant 0 : i32
    %swap3A_22 = arith.index_cast %swap3A_21 : i32 to index
    %swap3A_23 = arith.constant 80 : index
    %swap3A_24 = tpu.vector_load %arg15[%swap3A_22, %swap3A_23] {strides = array<i32>} : memref<16x128xf32, #tpu.memory_space<vmem>>, vector<16xf32>,
    tpu.vector_store %arg15[%swap3A_22, %swap3A_23], %broadcast_in_dim3A_1 {strides = array<i32>} : memref<16x128xf32, #tpu.memory_space<vmem>>, vector<16xf32>,
    %swap3A_25 = arith.constant 0 : i32
    %swap3A_26 = arith.index_cast %swap3A_25 : i32 to index
    %swap3A_27 = arith.constant 96 : index
    %swap3A_28 = tpu.vector_load %arg15[%swap3A_26, %swap3A_27] {strides = array<i32>} : memref<16x128xf32, #tpu.memory_space<vmem>>, vector<16xf32>,
    tpu.vector_store %arg15[%swap3A_26, %swap3A_27], %broadcast_in_dim3A_1 {strides = array<i32>} : memref<16x128xf32, #tpu.memory_space<vmem>>, vector<16xf32>,
    %swap3A_29 = arith.constant 0 : i32
    %swap3A_30 = arith.index_cast %swap3A_29 : i32 to index
    %swap3A_31 = arith.constant 112 : index
    %swap3A_32 = tpu.vector_load %arg15[%swap3A_30, %swap3A_31] {strides = array<i32>} : memref<16x128xf32, #tpu.memory_space<vmem>>, vector<16xf32>,
    tpu.vector_store %arg15[%swap3A_30, %swap3A_31], %broadcast_in_dim3A_1 {strides = array<i32>} : memref<16x128xf32, #tpu.memory_space<vmem>>, vector<16xf32>,
    %swap3A_33 = arith.constant 1 : i32
    %swap3A_34 = arith.index_cast %swap3A_33 : i32 to index
    %swap3A_35 = arith.constant 0 : index
    %swap3A_36 = tpu.vector_load %arg15[%swap3A_34, %swap3A_35] {strides = array<i32>} : memref<16x128xf32, #tpu.memory_space<vmem>>, vector<16xf32>,
    tpu.vector_store %arg15[%swap3A_34, %swap3A_35], %broadcast_in_dim3A_1 {strides = array<i32>} : memref<16x128xf32, #tpu.memory_space<vmem>>, vector<16xf32>,
    %swap3A_37 = arith.constant 1 : i32
    %swap3A_38 = arith.index_cast %swap3A_37 : i32 to index
    %swap3A_39 = arith.constant 16 : index
    %swap3A_40 = tpu.vector_load %arg15[%swap3A_38, %swap3A_39] {strides = array<i32>} : memref<16x128xf32, #tpu.memory_space<vmem>>, vector<16xf32>,
    tpu.vector_store %arg15[%swap3A_38, %swap3A_39], %broadcast_in_dim3A_1 {strides = array<i32>} : memref<16x128xf32, #tpu.memory_space<vmem>>, vector<16xf32>,
    %swap3A_41 = arith.constant 1 : i32
    %swap3A_42 = arith.index_cast %swap3A_41 : i32 to index
    %swap3A_43 = arith.constant 32 : index
    %swap3A_44 = tpu.vector_load %arg15[%swap3A_42, %swap3A_43] {strides = array<i32>} : memref<16x128xf32, #tpu.memory_space<vmem>>, vector<16xf32>,
    tpu.vector_store %arg15[%swap3A_42, %swap3A_43], %broadcast_in_dim3A_1 {strides = array<i32>} : memref<16x128xf32, #tpu.memory_space<vmem>>, vector<16xf32>,
    %swap3A_45 = arith.constant 1 : i32
    %swap3A_46 = arith.index_cast %swap3A_45 : i32 to index
    %swap3A_47 = arith.constant 48 : index
    %swap3A_48 = tpu.vector_load %arg15[%swap3A_46, %swap3A_47] {strides = array<i32>} : memref<16x128xf32, #tpu.memory_space<vmem>>, vector<16xf32>,
    tpu.vector_store %arg15[%swap3A_46, %swap3A_47], %broadcast_in_dim3A_1 {strides = array<i32>} : memref<16x128xf32, #tpu.memory_space<vmem>>, vector<16xf32>,
    %swap3A_49 = arith.constant 1 : i32
    %swap3A_50 = arith.index_cast %swap3A_49 : i32 to index
    %swap3A_51 = arith.constant 64 : index
    %swap3A_52 = tpu.vector_load %arg15[%swap3A_50, %swap3A_51] {strides = array<i32>} : memref<16x128xf32, #tpu.memory_space<vmem>>, vector<16xf32>,
    tpu.vector_store %arg15[%swap3A_50, %swap3A_51], %broadcast_in_dim3A_1 {strides = array<i32>} : memref<16x128xf32, #tpu.memory_space<vmem>>, vector<16xf32>,
    %swap3A_53 = arith.constant 1 : i32
    %swap3A_54 = arith.index_cast %swap3A_53 : i32 to index
    %swap3A_55 = arith.constant 80 : index
    %swap3A_56 = tpu.vector_load %arg15[%swap3A_54, %swap3A_55] {strides = array<i32>} : memref<16x128xf32, #tpu.memory_space<vmem>>, vector<16xf32>,
    tpu.vector_store %arg15[%swap3A_54, %swap3A_55], %broadcast_in_dim3A_1 {strides = array<i32>} : memref<16x128xf32, #tpu.memory_space<vmem>>, vector<16xf32>,
    %swap3A_57 = arith.constant 1 : i32
    %swap3A_58 = arith.index_cast %swap3A_57 : i32 to index
    %swap3A_59 = arith.constant 96 : index
    %swap3A_60 = tpu.vector_load %arg15[%swap3A_58, %swap3A_59] {strides = array<i32>} : memref<16x128xf32, #tpu.memory_space<vmem>>, vector<16xf32>,
    tpu.vector_store %arg15[%swap3A_58, %swap3A_59], %broadcast_in_dim3A_1 {strides = array<i32>} : memref<16x128xf32, #tpu.memory_space<vmem>>, vector<16xf32>,
    %swap3A_61 = arith.constant 1 : i32
    %swap3A_62 = arith.index_cast %swap3A_61 : i32 to index
    %swap3A_63 = arith.constant 112 : index
    %swap3A_64 = tpu.vector_load %arg15[%swap3A_62, %swap3A_63] {strides = array<i32>} : memref<16x128xf32, #tpu.memory_space<vmem>>, vector<16xf32>,
    tpu.vector_store %arg15[%swap3A_62, %swap3A_63], %broadcast_in_dim3A_1 {strides = array<i32>} : memref<16x128xf32, #tpu.memory_space<vmem>>, vector<16xf32>,
    %swap3A_65 = arith.constant 2 : i32
    %swap3A_66 = arith.index_cast %swap3A_65 : i32 to index
    %swap3A_67 = arith.constant 0 : index
    %swap3A_68 = tpu.vector_load %arg15[%swap3A_66, %swap3A_67] {strides = array<i32>} : memref<16x128xf32, #tpu.memory_space<vmem>>, vector<16xf32>,
    tpu.vector_store %arg15[%swap3A_66, %swap3A_67], %broadcast_in_dim3A_1 {strides = array<i32>} : memref<16x128xf32, #tpu.memory_space<vmem>>, vector<16xf32>,
    %swap3A_69 = arith.constant 2 : i32
    %swap3A_70 = arith.index_cast %swap3A_69 : i32 to index
    %swap3A_71 = arith.constant 16 : index
    %swap3A_72 = tpu.vector_load %arg15[%swap3A_70, %swap3A_71] {strides = array<i32>} : memref<16x128xf32, #tpu.memory_space<vmem>>, vector<16xf32>,
    tpu.vector_store %arg15[%swap3A_70, %swap3A_71], %broadcast_in_dim3A_1 {strides = array<i32>} : memref<16x128xf32, #tpu.memory_space<vmem>>, vector<16xf32>,
    %swap3A_73 = arith.constant 2 : i32
    %swap3A_74 = arith.index_cast %swap3A_73 : i32 to index
    %swap3A_75 = arith.constant 32 : index
    %swap3A_76 = tpu.vector_load %arg15[%swap3A_74, %swap3A_75] {strides = array<i32>} : memref<16x128xf32, #tpu.memory_space<vmem>>, vector<16xf32>,
    tpu.vector_store %arg15[%swap3A_74, %swap3A_75], %broadcast_in_dim3A_1 {strides = array<i32>} : memref<16x128xf32, #tpu.memory_space<vmem>>, vector<16xf32>,
    %swap3A_77 = arith.constant 2 : i32
    %swap3A_78 = arith.index_cast %swap3A_77 : i32 to index
    %swap3A_79 = arith.constant 48 : index
    %swap3A_80 = tpu.vector_load %arg15[%swap3A_78, %swap3A_79] {strides = array<i32>} : memref<16x128xf32, #tpu.memory_space<vmem>>, vector<16xf32>,
    tpu.vector_store %arg15[%swap3A_78, %swap3A_79], %broadcast_in_dim3A_1 {strides = array<i32>} : memref<16x128xf32, #tpu.memory_space<vmem>>, vector<16xf32>,
    %swap3A_81 = arith.constant 2 : i32
    %swap3A_82 = arith.index_cast %swap3A_81 : i32 to index
    %swap3A_83 = arith.constant 64 : index
    %swap3A_84 = tpu.vector_load %arg15[%swap3A_82, %swap3A_83] {strides = array<i32>} : memref<16x128xf32, #tpu.memory_space<vmem>>, vector<16xf32>,
    tpu.vector_store %arg15[%swap3A_82, %swap3A_83], %broadcast_in_dim3A_1 {strides = array<i32>} : memref<16x128xf32, #tpu.memory_space<vmem>>, vector<16xf32>,
    %swap3A_85 = arith.constant 2 : i32
    %swap3A_86 = arith.index_cast %swap3A_85 : i32 to index
    %swap3A_87 = arith.constant 80 : index
    %swap3A_88 = tpu.vector_load %arg15[%swap3A_86, %swap3A_87] {strides = array<i32>} : memref<16x128xf32, #tpu.memory_space<vmem>>, vector<16xf32>,
    tpu.vector_store %arg15[%swap3A_86, %swap3A_87], %broadcast_in_dim3A_1 {strides = array<i32>} : memref<16x128xf32, #tpu.memory_space<vmem>>, vector<16xf32>,
    %swap3A_89 = arith.constant 2 : i32
    %swap3A_90 = arith.index_cast %swap3A_89 : i32 to index
    %swap3A_91 = arith.constant 96 : index
    %swap3A_92 = tpu.vector_load %arg15[%swap3A_90, %swap3A_91] {strides = array<i32>} : memref<16x128xf32, #tpu.memory_space<vmem>>, vector<16xf32>,
    tpu.vector_store %arg15[%swap3A_90, %swap3A_91], %broadcast_in_dim3A_1 {strides = array<i32>} : memref<16x128xf32, #tpu.memory_space<vmem>>, vector<16xf32>,
    %swap3A_93 = arith.constant 2 : i32
    %swap3A_94 = arith.index_cast %swap3A_93 : i32 to index
    %swap3A_95 = arith.constant 112 : index
    %swap3A_96 = tpu.vector_load %arg15[%swap3A_94, %swap3A_95] {strides = array<i32>} : memref<16x128xf32, #tpu.memory_space<vmem>>, vector<16xf32>,
    tpu.vector_store %arg15[%swap3A_94, %swap3A_95], %broadcast_in_dim3A_1 {strides = array<i32>} : memref<16x128xf32, #tpu.memory_space<vmem>>, vector<16xf32>,
    %swap3A_97 = arith.constant 3 : i32
    %swap3A_98 = arith.index_cast %swap3A_97 : i32 to index
    %swap3A_99 = arith.constant 0 : index
    %swap3A_100 = tpu.vector_load %arg15[%swap3A_98, %swap3A_99] {strides = array<i32>} : memref<16x128xf32, #tpu.memory_space<vmem>>, vector<16xf32>,
    tpu.vector_store %arg15[%swap3A_98, %swap3A_99], %broadcast_in_dim3A_1 {strides = array<i32>} : memref<16x128xf32, #tpu.memory_space<vmem>>, vector<16xf32>,
    %swap3A_101 = arith.constant 3 : i32
    %swap3A_102 = arith.index_cast %swap3A_101 : i32 to index
    %swap3A_103 = arith.constant 16 : index
    %swap3A_104 = tpu.vector_load %arg15[%swap3A_102, %swap3A_103] {strides = array<i32>} : memref<16x128xf32, #tpu.memory_space<vmem>>, vector<16xf32>,
    tpu.vector_store %arg15[%swap3A_102, %swap3A_103], %broadcast_in_dim3A_1 {strides = array<i32>} : memref<16x128xf32, #tpu.memory_space<vmem>>, vector<16xf32>,
    %swap3A_105 = arith.constant 3 : i32
    %swap3A_106 = arith.index_cast %swap3A_105 : i32 to index
    %swap3A_107 = arith.constant 32 : index
    %swap3A_108 = tpu.vector_load %arg15[%swap3A_106, %swap3A_107] {strides = array<i32>} : memref<16x128xf32, #tpu.memory_space<vmem>>, vector<16xf32>,
    tpu.vector_store %arg15[%swap3A_106, %swap3A_107], %broadcast_in_dim3A_1 {strides = array<i32>} : memref<16x128xf32, #tpu.memory_space<vmem>>, vector<16xf32>,
    %swap3A_109 = arith.constant 3 : i32
    %swap3A_110 = arith.index_cast %swap3A_109 : i32 to index
    %swap3A_111 = arith.constant 48 : index
    %swap3A_112 = tpu.vector_load %arg15[%swap3A_110, %swap3A_111] {strides = array<i32>} : memref<16x128xf32, #tpu.memory_space<vmem>>, vector<16xf32>,
    tpu.vector_store %arg15[%swap3A_110, %swap3A_111], %broadcast_in_dim3A_1 {strides = array<i32>} : memref<16x128xf32, #tpu.memory_space<vmem>>, vector<16xf32>,
    %swap3A_113 = arith.constant 3 : i32
    %swap3A_114 = arith.index_cast %swap3A_113 : i32 to index
    %swap3A_115 = arith.constant 64 : index
    %swap3A_116 = tpu.vector_load %arg15[%swap3A_114, %swap3A_115] {strides = array<i32>} : memref<16x128xf32, #tpu.memory_space<vmem>>, vector<16xf32>,
    tpu.vector_store %arg15[%swap3A_114, %swap3A_115], %broadcast_in_dim3A_1 {strides = array<i32>} : memref<16x128xf32, #tpu.memory_space<vmem>>, vector<16xf32>,
    %swap3A_117 = arith.constant 3 : i32
    %swap3A_118 = arith.index_cast %swap3A_117 : i32 to index
    %swap3A_119 = arith.constant 80 : index
    %swap3A_120 = tpu.vector_load %arg15[%swap3A_118, %swap3A_119] {strides = array<i32>} : memref<16x128xf32, #tpu.memory_space<vmem>>, vector<16xf32>,
    tpu.vector_store %arg15[%swap3A_118, %swap3A_119], %broadcast_in_dim3A_1 {strides = array<i32>} : memref<16x128xf32, #tpu.memory_space<vmem>>, vector<16xf32>,
    %swap3A_121 = arith.constant 3 : i32
    %swap3A_122 = arith.index_cast %swap3A_121 : i32 to index
    %swap3A_123 = arith.constant 96 : index
    %swap3A_124 = tpu.vector_load %arg15[%swap3A_122, %swap3A_123] {strides = array<i32>} : memref<16x128xf32, #tpu.memory_space<vmem>>, vector<16xf32>,
    tpu.vector_store %arg15[%swap3A_122, %swap3A_123], %broadcast_in_dim3A_1 {strides = array<i32>} : memref<16x128xf32, #tpu.memory_space<vmem>>, vector<16xf32>,
    %swap3A_125 = arith.constant 3 : i32
    %swap3A_126 = arith.index_cast %swap3A_125 : i32 to index
    %swap3A_127 = arith.constant 112 : index
    %swap3A_128 = tpu.vector_load %arg15[%swap3A_126, %swap3A_127] {strides = array<i32>} : memref<16x128xf32, #tpu.memory_space<vmem>>, vector<16xf32>,
    tpu.vector_store %arg15[%swap3A_126, %swap3A_127], %broadcast_in_dim3A_1 {strides = array<i32>} : memref<16x128xf32, #tpu.memory_space<vmem>>, vector<16xf32>,
    %swap3A_129 = arith.constant 4 : i32
    %swap3A_130 = arith.index_cast %swap3A_129 : i32 to index
    %swap3A_131 = arith.constant 0 : index
    %swap3A_132 = tpu.vector_load %arg15[%swap3A_130, %swap3A_131] {strides = array<i32>} : memref<16x128xf32, #tpu.memory_space<vmem>>, vector<16xf32>,
    tpu.vector_store %arg15[%swap3A_130, %swap3A_131], %broadcast_in_dim3A_1 {strides = array<i32>} : memref<16x128xf32, #tpu.memory_space<vmem>>, vector<16xf32>,
    %swap3A_133 = arith.constant 4 : i32
    %swap3A_134 = arith.index_cast %swap3A_133 : i32 to index
    %swap3A_135 = arith.constant 16 : index
    %swap3A_136 = tpu.vector_load %arg15[%swap3A_134, %swap3A_135] {strides = array<i32>} : memref<16x128xf32, #tpu.memory_space<vmem>>, vector<16xf32>,
    tpu.vector_store %arg15[%swap3A_134, %swap3A_135], %broadcast_in_dim3A_1 {strides = array<i32>} : memref<16x128xf32, #tpu.memory_space<vmem>>, vector<16xf32>,
    %swap3A_137 = arith.constant 4 : i32
    %swap3A_138 = arith.index_cast %swap3A_137 : i32 to index
    %swap3A_139 = arith.constant 32 : index
    %swap3A_140 = tpu.vector_load %arg15[%swap3A_138, %swap3A_139] {strides = array<i32>} : memref<16x128xf32, #tpu.memory_space<vmem>>, vector<16xf32>,
    tpu.vector_store %arg15[%swap3A_138, %swap3A_139], %broadcast_in_dim3A_1 {strides = array<i32>} : memref<16x128xf32, #tpu.memory_space<vmem>>, vector<16xf32>,
    %swap3A_141 = arith.constant 4 : i32
    %swap3A_142 = arith.index_cast %swap3A_141 : i32 to index
    %swap3A_143 = arith.constant 48 : index
    %swap3A_144 = tpu.vector_load %arg15[%swap3A_142, %swap3A_143] {strides = array<i32>} : memref<16x128xf32, #tpu.memory_space<vmem>>, vector<16xf32>,
    tpu.vector_store %arg15[%swap3A_142, %swap3A_143], %broadcast_in_dim3A_1 {strides = array<i32>} : memref<16x128xf32, #tpu.memory_space<vmem>>, vector<16xf32>,
    %swap3A_145 = arith.constant 4 : i32
    %swap3A_146 = arith.index_cast %swap3A_145 : i32 to index
    %swap3A_147 = arith.constant 64 : index
    %swap3A_148 = tpu.vector_load %arg15[%swap3A_146, %swap3A_147] {strides = array<i32>} : memref<16x128xf32, #tpu.memory_space<vmem>>, vector<16xf32>,
    tpu.vector_store %arg15[%swap3A_146, %swap3A_147], %broadcast_in_dim3A_1 {strides = array<i32>} : memref<16x128xf32, #tpu.memory_space<vmem>>, vector<16xf32>,
    %swap3A_149 = arith.constant 4 : i32
    %swap3A_150 = arith.index_cast %swap3A_149 : i32 to index
    %swap3A_151 = arith.constant 80 : index
    %swap3A_152 = tpu.vector_load %arg15[%swap3A_150, %swap3A_151] {strides = array<i32>} : memref<16x128xf32, #tpu.memory_space<vmem>>, vector<16xf32>,
    tpu.vector_store %arg15[%swap3A_150, %swap3A_151], %broadcast_in_dim3A_1 {strides = array<i32>} : memref<16x128xf32, #tpu.memory_space<vmem>>, vector<16xf32>,
    %swap3A_153 = arith.constant 4 : i32
    %swap3A_154 = arith.index_cast %swap3A_153 : i32 to index
    %swap3A_155 = arith.constant 96 : index
    %swap3A_156 = tpu.vector_load %arg15[%swap3A_154, %swap3A_155] {strides = array<i32>} : memref<16x128xf32, #tpu.memory_space<vmem>>, vector<16xf32>,
    tpu.vector_store %arg15[%swap3A_154, %swap3A_155], %broadcast_in_dim3A_1 {strides = array<i32>} : memref<16x128xf32, #tpu.memory_space<vmem>>, vector<16xf32>,
    %swap3A_157 = arith.constant 4 : i32
    %swap3A_158 = arith.index_cast %swap3A_157 : i32 to index
    %swap3A_159 = arith.constant 112 : index
    %swap3A_160 = tpu.vector_load %arg15[%swap3A_158, %swap3A_159] {strides = array<i32>} : memref<16x128xf32, #tpu.memory_space<vmem>>, vector<16xf32>,
    tpu.vector_store %arg15[%swap3A_158, %swap3A_159], %broadcast_in_dim3A_1 {strides = array<i32>} : memref<16x128xf32, #tpu.memory_space<vmem>>, vector<16xf32>,
    %swap3A_161 = arith.constant 5 : i32
    %swap3A_162 = arith.index_cast %swap3A_161 : i32 to index
    %swap3A_163 = arith.constant 0 : index
    %swap3A_164 = tpu.vector_load %arg15[%swap3A_162, %swap3A_163] {strides = array<i32>} : memref<16x128xf32, #tpu.memory_space<vmem>>, vector<16xf32>,
    tpu.vector_store %arg15[%swap3A_162, %swap3A_163], %broadcast_in_dim3A_1 {strides = array<i32>} : memref<16x128xf32, #tpu.memory_space<vmem>>, vector<16xf32>,
    %swap3A_165 = arith.constant 5 : i32
    %swap3A_166 = arith.index_cast %swap3A_165 : i32 to index
    %swap3A_167 = arith.constant 16 : index
    %swap3A_168 = tpu.vector_load %arg15[%swap3A_166, %swap3A_167] {strides = array<i32>} : memref<16x128xf32, #tpu.memory_space<vmem>>, vector<16xf32>,
    tpu.vector_store %arg15[%swap3A_166, %swap3A_167], %broadcast_in_dim3A_1 {strides = array<i32>} : memref<16x128xf32, #tpu.memory_space<vmem>>, vector<16xf32>,
    %swap3A_169 = arith.constant 5 : i32
    %swap3A_170 = arith.index_cast %swap3A_169 : i32 to index
    %swap3A_171 = arith.constant 32 : index
    %swap3A_172 = tpu.vector_load %arg15[%swap3A_170, %swap3A_171] {strides = array<i32>} : memref<16x128xf32, #tpu.memory_space<vmem>>, vector<16xf32>,
    tpu.vector_store %arg15[%swap3A_170, %swap3A_171], %broadcast_in_dim3A_1 {strides = array<i32>} : memref<16x128xf32, #tpu.memory_space<vmem>>, vector<16xf32>,
    %swap3A_173 = arith.constant 5 : i32
    %swap3A_174 = arith.index_cast %swap3A_173 : i32 to index
    %swap3A_175 = arith.constant 48 : index
    %swap3A_176 = tpu.vector_load %arg15[%swap3A_174, %swap3A_175] {strides = array<i32>} : memref<16x128xf32, #tpu.memory_space<vmem>>, vector<16xf32>,
    tpu.vector_store %arg15[%swap3A_174, %swap3A_175], %broadcast_in_dim3A_1 {strides = array<i32>} : memref<16x128xf32, #tpu.memory_space<vmem>>, vector<16xf32>,
    %swap3A_177 = arith.constant 5 : i32
    %swap3A_178 = arith.index_cast %swap3A_177 : i32 to index
    %swap3A_179 = arith.constant 64 : index
    %swap3A_180 = tpu.vector_load %arg15[%swap3A_178, %swap3A_179] {strides = array<i32>} : memref<16x128xf32, #tpu.memory_space<vmem>>, vector<16xf32>,
    tpu.vector_store %arg15[%swap3A_178, %swap3A_179], %broadcast_in_dim3A_1 {strides = array<i32>} : memref<16x128xf32, #tpu.memory_space<vmem>>, vector<16xf32>,
    %swap3A_181 = arith.constant 5 : i32
    %swap3A_182 = arith.index_cast %swap3A_181 : i32 to index
    %swap3A_183 = arith.constant 80 : index
    %swap3A_184 = tpu.vector_load %arg15[%swap3A_182, %swap3A_183] {strides = array<i32>} : memref<16x128xf32, #tpu.memory_space<vmem>>, vector<16xf32>,
    tpu.vector_store %arg15[%swap3A_182, %swap3A_183], %broadcast_in_dim3A_1 {strides = array<i32>} : memref<16x128xf32, #tpu.memory_space<vmem>>, vector<16xf32>,
    %swap3A_185 = arith.constant 5 : i32
    %swap3A_186 = arith.index_cast %swap3A_185 : i32 to index
    %swap3A_187 = arith.constant 96 : index
    %swap3A_188 = tpu.vector_load %arg15[%swap3A_186, %swap3A_187] {strides = array<i32>} : memref<16x128xf32, #tpu.memory_space<vmem>>, vector<16xf32>,
    tpu.vector_store %arg15[%swap3A_186, %swap3A_187], %broadcast_in_dim3A_1 {strides = array<i32>} : memref<16x128xf32, #tpu.memory_space<vmem>>, vector<16xf32>,
    %swap3A_189 = arith.constant 5 : i32
    %swap3A_190 = arith.index_cast %swap3A_189 : i32 to index
    %swap3A_191 = arith.constant 112 : index
    %swap3A_192 = tpu.vector_load %arg15[%swap3A_190, %swap3A_191] {strides = array<i32>} : memref<16x128xf32, #tpu.memory_space<vmem>>, vector<16xf32>,
    tpu.vector_store %arg15[%swap3A_190, %swap3A_191], %broadcast_in_dim3A_1 {strides = array<i32>} : memref<16x128xf32, #tpu.memory_space<vmem>>, vector<16xf32>,
    %swap3A_193 = arith.constant 6 : i32
    %swap3A_194 = arith.index_cast %swap3A_193 : i32 to index
    %swap3A_195 = arith.constant 0 : index
    %swap3A_196 = tpu.vector_load %arg15[%swap3A_194, %swap3A_195] {strides = array<i32>} : memref<16x128xf32, #tpu.memory_space<vmem>>, vector<16xf32>,
    tpu.vector_store %arg15[%swap3A_194, %swap3A_195], %broadcast_in_dim3A_1 {strides = array<i32>} : memref<16x128xf32, #tpu.memory_space<vmem>>, vector<16xf32>,
    %swap3A_197 = arith.constant 6 : i32
    %swap3A_198 = arith.index_cast %swap3A_197 : i32 to index
    %swap3A_199 = arith.constant 16 : index
    %swap3A_200 = tpu.vector_load %arg15[%swap3A_198, %swap3A_199] {strides = array<i32>} : memref<16x128xf32, #tpu.memory_space<vmem>>, vector<16xf32>,
    tpu.vector_store %arg15[%swap3A_198, %swap3A_199], %broadcast_in_dim3A_1 {strides = array<i32>} : memref<16x128xf32, #tpu.memory_space<vmem>>, vector<16xf32>,
    %swap3A_201 = arith.constant 6 : i32
    %swap3A_202 = arith.index_cast %swap3A_201 : i32 to index
    %swap3A_203 = arith.constant 32 : index
    %swap3A_204 = tpu.vector_load %arg15[%swap3A_202, %swap3A_203] {strides = array<i32>} : memref<16x128xf32, #tpu.memory_space<vmem>>, vector<16xf32>,
    tpu.vector_store %arg15[%swap3A_202, %swap3A_203], %broadcast_in_dim3A_1 {strides = array<i32>} : memref<16x128xf32, #tpu.memory_space<vmem>>, vector<16xf32>,
    %swap3A_205 = arith.constant 6 : i32
    %swap3A_206 = arith.index_cast %swap3A_205 : i32 to index
    %swap3A_207 = arith.constant 48 : index
    %swap3A_208 = tpu.vector_load %arg15[%swap3A_206, %swap3A_207] {strides = array<i32>} : memref<16x128xf32, #tpu.memory_space<vmem>>, vector<16xf32>,
    tpu.vector_store %arg15[%swap3A_206, %swap3A_207], %broadcast_in_dim3A_1 {strides = array<i32>} : memref<16x128xf32, #tpu.memory_space<vmem>>, vector<16xf32>,
    %swap3A_209 = arith.constant 6 : i32
    %swap3A_210 = arith.index_cast %swap3A_209 : i32 to index
    %swap3A_211 = arith.constant 64 : index
    %swap3A_212 = tpu.vector_load %arg15[%swap3A_210, %swap3A_211] {strides = array<i32>} : memref<16x128xf32, #tpu.memory_space<vmem>>, vector<16xf32>,
    tpu.vector_store %arg15[%swap3A_210, %swap3A_211], %broadcast_in_dim3A_1 {strides = array<i32>} : memref<16x128xf32, #tpu.memory_space<vmem>>, vector<16xf32>,
    %swap3A_213 = arith.constant 6 : i32
    %swap3A_214 = arith.index_cast %swap3A_213 : i32 to index
    %swap3A_215 = arith.constant 80 : index
    %swap3A_216 = tpu.vector_load %arg15[%swap3A_214, %swap3A_215] {strides = array<i32>} : memref<16x128xf32, #tpu.memory_space<vmem>>, vector<16xf32>,
    tpu.vector_store %arg15[%swap3A_214, %swap3A_215], %broadcast_in_dim3A_1 {strides = array<i32>} : memref<16x128xf32, #tpu.memory_space<vmem>>, vector<16xf32>,
    %swap3A_217 = arith.constant 6 : i32
    %swap3A_218 = arith.index_cast %swap3A_217 : i32 to index
    %swap3A_219 = arith.constant 96 : index
    %swap3A_220 = tpu.vector_load %arg15[%swap3A_218, %swap3A_219] {strides = array<i32>} : memref<16x128xf32, #tpu.memory_space<vmem>>, vector<16xf32>,
    tpu.vector_store %arg15[%swap3A_218, %swap3A_219], %broadcast_in_dim3A_1 {strides = array<i32>} : memref<16x128xf32, #tpu.memory_space<vmem>>, vector<16xf32>,
    %swap3A_221 = arith.constant 6 : i32
    %swap3A_222 = arith.index_cast %swap3A_221 : i32 to index
    %swap3A_223 = arith.constant 112 : index
    %swap3A_224 = tpu.vector_load %arg15[%swap3A_222, %swap3A_223] {strides = array<i32>} : memref<16x128xf32, #tpu.memory_space<vmem>>, vector<16xf32>,
    tpu.vector_store %arg15[%swap3A_222, %swap3A_223], %broadcast_in_dim3A_1 {strides = array<i32>} : memref<16x128xf32, #tpu.memory_space<vmem>>, vector<16xf32>,
    %swap3A_225 = arith.constant 7 : i32
    %swap3A_226 = arith.index_cast %swap3A_225 : i32 to index
    %swap3A_227 = arith.constant 0 : index
    %swap3A_228 = tpu.vector_load %arg15[%swap3A_226, %swap3A_227] {strides = array<i32>} : memref<16x128xf32, #tpu.memory_space<vmem>>, vector<16xf32>,
    tpu.vector_store %arg15[%swap3A_226, %swap3A_227], %broadcast_in_dim3A_1 {strides = array<i32>} : memref<16x128xf32, #tpu.memory_space<vmem>>, vector<16xf32>,
    %swap3A_229 = arith.constant 7 : i32
    %swap3A_230 = arith.index_cast %swap3A_229 : i32 to index
    %swap3A_231 = arith.constant 16 : index
    %swap3A_232 = tpu.vector_load %arg15[%swap3A_230, %swap3A_231] {strides = array<i32>} : memref<16x128xf32, #tpu.memory_space<vmem>>, vector<16xf32>,
    tpu.vector_store %arg15[%swap3A_230, %swap3A_231], %broadcast_in_dim3A_1 {strides = array<i32>} : memref<16x128xf32, #tpu.memory_space<vmem>>, vector<16xf32>,
    %swap3A_233 = arith.constant 7 : i32
    %swap3A_234 = arith.index_cast %swap3A_233 : i32 to index
    %swap3A_235 = arith.constant 32 : index
    %swap3A_236 = tpu.vector_load %arg15[%swap3A_234, %swap3A_235] {strides = array<i32>} : memref<16x128xf32, #tpu.memory_space<vmem>>, vector<16xf32>,
    tpu.vector_store %arg15[%swap3A_234, %swap3A_235], %broadcast_in_dim3A_1 {strides = array<i32>} : memref<16x128xf32, #tpu.memory_space<vmem>>, vector<16xf32>,
    %swap3A_237 = arith.constant 7 : i32
    %swap3A_238 = arith.index_cast %swap3A_237 : i32 to index
    %swap3A_239 = arith.constant 48 : index
    %swap3A_240 = tpu.vector_load %arg15[%swap3A_238, %swap3A_239] {strides = array<i32>} : memref<16x128xf32, #tpu.memory_space<vmem>>, vector<16xf32>,
    tpu.vector_store %arg15[%swap3A_238, %swap3A_239], %broadcast_in_dim3A_1 {strides = array<i32>} : memref<16x128xf32, #tpu.memory_space<vmem>>, vector<16xf32>,
    %swap3A_241 = arith.constant 7 : i32
    %swap3A_242 = arith.index_cast %swap3A_241 : i32 to index
    %swap3A_243 = arith.constant 64 : index
    %swap3A_244 = tpu.vector_load %arg15[%swap3A_242, %swap3A_243] {strides = array<i32>} : memref<16x128xf32, #tpu.memory_space<vmem>>, vector<16xf32>,
    tpu.vector_store %arg15[%swap3A_242, %swap3A_243], %broadcast_in_dim3A_1 {strides = array<i32>} : memref<16x128xf32, #tpu.memory_space<vmem>>, vector<16xf32>,
    %swap3A_245 = arith.constant 7 : i32
    %swap3A_246 = arith.index_cast %swap3A_245 : i32 to index
    %swap3A_247 = arith.constant 80 : index
    %swap3A_248 = tpu.vector_load %arg15[%swap3A_246, %swap3A_247] {strides = array<i32>} : memref<16x128xf32, #tpu.memory_space<vmem>>, vector<16xf32>,
    tpu.vector_store %arg15[%swap3A_246, %swap3A_247], %broadcast_in_dim3A_1 {strides = array<i32>} : memref<16x128xf32, #tpu.memory_space<vmem>>, vector<16xf32>,
    %swap3A_249 = arith.constant 7 : i32
    %swap3A_250 = arith.index_cast %swap3A_249 : i32 to index
    %swap3A_251 = arith.constant 96 : index
    %swap3A_252 = tpu.vector_load %arg15[%swap3A_250, %swap3A_251] {strides = array<i32>} : memref<16x128xf32, #tpu.memory_space<vmem>>, vector<16xf32>,
    tpu.vector_store %arg15[%swap3A_250, %swap3A_251], %broadcast_in_dim3A_1 {strides = array<i32>} : memref<16x128xf32, #tpu.memory_space<vmem>>, vector<16xf32>,
    %swap3A_253 = arith.constant 7 : i32
    %swap3A_254 = arith.index_cast %swap3A_253 : i32 to index
    %swap3A_255 = arith.constant 112 : index
    %swap3A_256 = tpu.vector_load %arg15[%swap3A_254, %swap3A_255] {strides = array<i32>} : memref<16x128xf32, #tpu.memory_space<vmem>>, vector<16xf32>,
    tpu.vector_store %arg15[%swap3A_254, %swap3A_255], %broadcast_in_dim3A_1 {strides = array<i32>} : memref<16x128xf32, #tpu.memory_space<vmem>>, vector<16xf32>,
    %swap3A_257 = arith.constant 8 : i32
    %swap3A_258 = arith.index_cast %swap3A_257 : i32 to index
    %swap3A_259 = arith.constant 0 : index
    %swap3A_260 = tpu.vector_load %arg15[%swap3A_258, %swap3A_259] {strides = array<i32>} : memref<16x128xf32, #tpu.memory_space<vmem>>, vector<16xf32>,
    tpu.vector_store %arg15[%swap3A_258, %swap3A_259], %broadcast_in_dim3A_1 {strides = array<i32>} : memref<16x128xf32, #tpu.memory_space<vmem>>, vector<16xf32>,
    %swap3A_261 = arith.constant 8 : i32
    %swap3A_262 = arith.index_cast %swap3A_261 : i32 to index
    %swap3A_263 = arith.constant 16 : index
    %swap3A_264 = tpu.vector_load %arg15[%swap3A_262, %swap3A_263] {strides = array<i32>} : memref<16x128xf32, #tpu.memory_space<vmem>>, vector<16xf32>,
    tpu.vector_store %arg15[%swap3A_262, %swap3A_263], %broadcast_in_dim3A_1 {strides = array<i32>} : memref<16x128xf32, #tpu.memory_space<vmem>>, vector<16xf32>,
    %swap3A_265 = arith.constant 8 : i32
    %swap3A_266 = arith.index_cast %swap3A_265 : i32 to index
    %swap3A_267 = arith.constant 32 : index
    %swap3A_268 = tpu.vector_load %arg15[%swap3A_266, %swap3A_267] {strides = array<i32>} : memref<16x128xf32, #tpu.memory_space<vmem>>, vector<16xf32>,
    tpu.vector_store %arg15[%swap3A_266, %swap3A_267], %broadcast_in_dim3A_1 {strides = array<i32>} : memref<16x128xf32, #tpu.memory_space<vmem>>, vector<16xf32>,
    %swap3A_269 = arith.constant 8 : i32
    %swap3A_270 = arith.index_cast %swap3A_269 : i32 to index
    %swap3A_271 = arith.constant 48 : index
    %swap3A_272 = tpu.vector_load %arg15[%swap3A_270, %swap3A_271] {strides = array<i32>} : memref<16x128xf32, #tpu.memory_space<vmem>>, vector<16xf32>,
    tpu.vector_store %arg15[%swap3A_270, %swap3A_271], %broadcast_in_dim3A_1 {strides = array<i32>} : memref<16x128xf32, #tpu.memory_space<vmem>>, vector<16xf32>,
    %swap3A_273 = arith.constant 8 : i32
    %swap3A_274 = arith.index_cast %swap3A_273 : i32 to index
    %swap3A_275 = arith.constant 64 : index
    %swap3A_276 = tpu.vector_load %arg15[%swap3A_274, %swap3A_275] {strides = array<i32>} : memref<16x128xf32, #tpu.memory_space<vmem>>, vector<16xf32>,
    tpu.vector_store %arg15[%swap3A_274, %swap3A_275], %broadcast_in_dim3A_1 {strides = array<i32>} : memref<16x128xf32, #tpu.memory_space<vmem>>, vector<16xf32>,
    %swap3A_277 = arith.constant 8 : i32
    %swap3A_278 = arith.index_cast %swap3A_277 : i32 to index
    %swap3A_279 = arith.constant 80 : index
    %swap3A_280 = tpu.vector_load %arg15[%swap3A_278, %swap3A_279] {strides = array<i32>} : memref<16x128xf32, #tpu.memory_space<vmem>>, vector<16xf32>,
    tpu.vector_store %arg15[%swap3A_278, %swap3A_279], %broadcast_in_dim3A_1 {strides = array<i32>} : memref<16x128xf32, #tpu.memory_space<vmem>>, vector<16xf32>,
    %swap3A_281 = arith.constant 8 : i32
    %swap3A_282 = arith.index_cast %swap3A_281 : i32 to index
    %swap3A_283 = arith.constant 96 : index
    %swap3A_284 = tpu.vector_load %arg15[%swap3A_282, %swap3A_283] {strides = array<i32>} : memref<16x128xf32, #tpu.memory_space<vmem>>, vector<16xf32>,
    tpu.vector_store %arg15[%swap3A_282, %swap3A_283], %broadcast_in_dim3A_1 {strides = array<i32>} : memref<16x128xf32, #tpu.memory_space<vmem>>, vector<16xf32>,
    %swap3A_285 = arith.constant 8 : i32
    %swap3A_286 = arith.index_cast %swap3A_285 : i32 to index
    %swap3A_287 = arith.constant 112 : index
    %swap3A_288 = tpu.vector_load %arg15[%swap3A_286, %swap3A_287] {strides = array<i32>} : memref<16x128xf32, #tpu.memory_space<vmem>>, vector<16xf32>,
    tpu.vector_store %arg15[%swap3A_286, %swap3A_287], %broadcast_in_dim3A_1 {strides = array<i32>} : memref<16x128xf32, #tpu.memory_space<vmem>>, vector<16xf32>,
    %swap3A_289 = arith.constant 9 : i32
    %swap3A_290 = arith.index_cast %swap3A_289 : i32 to index
    %swap3A_291 = arith.constant 0 : index
    %swap3A_292 = tpu.vector_load %arg15[%swap3A_290, %swap3A_291] {strides = array<i32>} : memref<16x128xf32, #tpu.memory_space<vmem>>, vector<16xf32>,
    tpu.vector_store %arg15[%swap3A_290, %swap3A_291], %broadcast_in_dim3A_1 {strides = array<i32>} : memref<16x128xf32, #tpu.memory_space<vmem>>, vector<16xf32>,
    %swap3A_293 = arith.constant 9 : i32
    %swap3A_294 = arith.index_cast %swap3A_293 : i32 to index
    %swap3A_295 = arith.constant 16 : index
    %swap3A_296 = tpu.vector_load %arg15[%swap3A_294, %swap3A_295] {strides = array<i32>} : memref<16x128xf32, #tpu.memory_space<vmem>>, vector<16xf32>,
    tpu.vector_store %arg15[%swap3A_294, %swap3A_295], %broadcast_in_dim3A_1 {strides = array<i32>} : memref<16x128xf32, #tpu.memory_space<vmem>>, vector<16xf32>,
    %swap3A_297 = arith.constant 9 : i32
    %swap3A_298 = arith.index_cast %swap3A_297 : i32 to index
    %swap3A_299 = arith.constant 32 : index
    %swap3A_300 = tpu.vector_load %arg15[%swap3A_298, %swap3A_299] {strides = array<i32>} : memref<16x128xf32, #tpu.memory_space<vmem>>, vector<16xf32>,
    tpu.vector_store %arg15[%swap3A_298, %swap3A_299], %broadcast_in_dim3A_1 {strides = array<i32>} : memref<16x128xf32, #tpu.memory_space<vmem>>, vector<16xf32>,
    %swap3A_301 = arith.constant 9 : i32
    %swap3A_302 = arith.index_cast %swap3A_301 : i32 to index
    %swap3A_303 = arith.constant 48 : index
    %swap3A_304 = tpu.vector_load %arg15[%swap3A_302, %swap3A_303] {strides = array<i32>} : memref<16x128xf32, #tpu.memory_space<vmem>>, vector<16xf32>,
    tpu.vector_store %arg15[%swap3A_302, %swap3A_303], %broadcast_in_dim3A_1 {strides = array<i32>} : memref<16x128xf32, #tpu.memory_space<vmem>>, vector<16xf32>,
    %swap3A_305 = arith.constant 9 : i32
    %swap3A_306 = arith.index_cast %swap3A_305 : i32 to index
    %swap3A_307 = arith.constant 64 : index
    %swap3A_308 = tpu.vector_load %arg15[%swap3A_306, %swap3A_307] {strides = array<i32>} : memref<16x128xf32, #tpu.memory_space<vmem>>, vector<16xf32>,
    tpu.vector_store %arg15[%swap3A_306, %swap3A_307], %broadcast_in_dim3A_1 {strides = array<i32>} : memref<16x128xf32, #tpu.memory_space<vmem>>, vector<16xf32>,
    %swap3A_309 = arith.constant 9 : i32
    %swap3A_310 = arith.index_cast %swap3A_309 : i32 to index
    %swap3A_311 = arith.constant 80 : index
    %swap3A_312 = tpu.vector_load %arg15[%swap3A_310, %swap3A_311] {strides = array<i32>} : memref<16x128xf32, #tpu.memory_space<vmem>>, vector<16xf32>,
    tpu.vector_store %arg15[%swap3A_310, %swap3A_311], %broadcast_in_dim3A_1 {strides = array<i32>} : memref<16x128xf32, #tpu.memory_space<vmem>>, vector<16xf32>,
    %swap3A_313 = arith.constant 9 : i32
    %swap3A_314 = arith.index_cast %swap3A_313 : i32 to index
    %swap3A_315 = arith.constant 96 : index
    %swap3A_316 = tpu.vector_load %arg15[%swap3A_314, %swap3A_315] {strides = array<i32>} : memref<16x128xf32, #tpu.memory_space<vmem>>, vector<16xf32>,
    tpu.vector_store %arg15[%swap3A_314, %swap3A_315], %broadcast_in_dim3A_1 {strides = array<i32>} : memref<16x128xf32, #tpu.memory_space<vmem>>, vector<16xf32>,
    %swap3A_317 = arith.constant 9 : i32
    %swap3A_318 = arith.index_cast %swap3A_317 : i32 to index
    %swap3A_319 = arith.constant 112 : index
    %swap3A_320 = tpu.vector_load %arg15[%swap3A_318, %swap3A_319] {strides = array<i32>} : memref<16x128xf32, #tpu.memory_space<vmem>>, vector<16xf32>,
    tpu.vector_store %arg15[%swap3A_318, %swap3A_319], %broadcast_in_dim3A_1 {strides = array<i32>} : memref<16x128xf32, #tpu.memory_space<vmem>>, vector<16xf32>,
    %swap3A_321 = arith.constant 10 : i32
    %swap3A_322 = arith.index_cast %swap3A_321 : i32 to index
    %swap3A_323 = arith.constant 0 : index
    %swap3A_324 = tpu.vector_load %arg15[%swap3A_322, %swap3A_323] {strides = array<i32>} : memref<16x128xf32, #tpu.memory_space<vmem>>, vector<16xf32>,
    tpu.vector_store %arg15[%swap3A_322, %swap3A_323], %broadcast_in_dim3A_1 {strides = array<i32>} : memref<16x128xf32, #tpu.memory_space<vmem>>, vector<16xf32>,
    %swap3A_325 = arith.constant 10 : i32
    %swap3A_326 = arith.index_cast %swap3A_325 : i32 to index
    %swap3A_327 = arith.constant 16 : index
    %swap3A_328 = tpu.vector_load %arg15[%swap3A_326, %swap3A_327] {strides = array<i32>} : memref<16x128xf32, #tpu.memory_space<vmem>>, vector<16xf32>,
    tpu.vector_store %arg15[%swap3A_326, %swap3A_327], %broadcast_in_dim3A_1 {strides = array<i32>} : memref<16x128xf32, #tpu.memory_space<vmem>>, vector<16xf32>,
    %swap3A_329 = arith.constant 10 : i32
    %swap3A_330 = arith.index_cast %swap3A_329 : i32 to index
    %swap3A_331 = arith.constant 32 : index
    %swap3A_332 = tpu.vector_load %arg15[%swap3A_330, %swap3A_331] {strides = array<i32>} : memref<16x128xf32, #tpu.memory_space<vmem>>, vector<16xf32>,
    tpu.vector_store %arg15[%swap3A_330, %swap3A_331], %broadcast_in_dim3A_1 {strides = array<i32>} : memref<16x128xf32, #tpu.memory_space<vmem>>, vector<16xf32>,
    %swap3A_333 = arith.constant 10 : i32
    %swap3A_334 = arith.index_cast %swap3A_333 : i32 to index
    %swap3A_335 = arith.constant 48 : index
    %swap3A_336 = tpu.vector_load %arg15[%swap3A_334, %swap3A_335] {strides = array<i32>} : memref<16x128xf32, #tpu.memory_space<vmem>>, vector<16xf32>,
    tpu.vector_store %arg15[%swap3A_334, %swap3A_335], %broadcast_in_dim3A_1 {strides = array<i32>} : memref<16x128xf32, #tpu.memory_space<vmem>>, vector<16xf32>,
    %swap3A_337 = arith.constant 10 : i32
    %swap3A_338 = arith.index_cast %swap3A_337 : i32 to index
    %swap3A_339 = arith.constant 64 : index
    %swap3A_340 = tpu.vector_load %arg15[%swap3A_338, %swap3A_339] {strides = array<i32>} : memref<16x128xf32, #tpu.memory_space<vmem>>, vector<16xf32>,
    tpu.vector_store %arg15[%swap3A_338, %swap3A_339], %broadcast_in_dim3A_1 {strides = array<i32>} : memref<16x128xf32, #tpu.memory_space<vmem>>, vector<16xf32>,
    %swap3A_341 = arith.constant 10 : i32
    %swap3A_342 = arith.index_cast %swap3A_341 : i32 to index
    %swap3A_343 = arith.constant 80 : index
    %swap3A_344 = tpu.vector_load %arg15[%swap3A_342, %swap3A_343] {strides = array<i32>} : memref<16x128xf32, #tpu.memory_space<vmem>>, vector<16xf32>,
    tpu.vector_store %arg15[%swap3A_342, %swap3A_343], %broadcast_in_dim3A_1 {strides = array<i32>} : memref<16x128xf32, #tpu.memory_space<vmem>>, vector<16xf32>,
    %swap3A_345 = arith.constant 10 : i32
    %swap3A_346 = arith.index_cast %swap3A_345 : i32 to index
    %swap3A_347 = arith.constant 96 : index
    %swap3A_348 = tpu.vector_load %arg15[%swap3A_346, %swap3A_347] {strides = array<i32>} : memref<16x128xf32, #tpu.memory_space<vmem>>, vector<16xf32>,
    tpu.vector_store %arg15[%swap3A_346, %swap3A_347], %broadcast_in_dim3A_1 {strides = array<i32>} : memref<16x128xf32, #tpu.memory_space<vmem>>, vector<16xf32>,
    %swap3A_349 = arith.constant 10 : i32
    %swap3A_350 = arith.index_cast %swap3A_349 : i32 to index
    %swap3A_351 = arith.constant 112 : index
    %swap3A_352 = tpu.vector_load %arg15[%swap3A_350, %swap3A_351] {strides = array<i32>} : memref<16x128xf32, #tpu.memory_space<vmem>>, vector<16xf32>,
    tpu.vector_store %arg15[%swap3A_350, %swap3A_351], %broadcast_in_dim3A_1 {strides = array<i32>} : memref<16x128xf32, #tpu.memory_space<vmem>>, vector<16xf32>,
    %swap3A_353 = arith.constant 11 : i32
    %swap3A_354 = arith.index_cast %swap3A_353 : i32 to index
    %swap3A_355 = arith.constant 0 : index
    %swap3A_356 = tpu.vector_load %arg15[%swap3A_354, %swap3A_355] {strides = array<i32>} : memref<16x128xf32, #tpu.memory_space<vmem>>, vector<16xf32>,
    tpu.vector_store %arg15[%swap3A_354, %swap3A_355], %broadcast_in_dim3A_1 {strides = array<i32>} : memref<16x128xf32, #tpu.memory_space<vmem>>, vector<16xf32>,
    %swap3A_357 = arith.constant 11 : i32
    %swap3A_358 = arith.index_cast %swap3A_357 : i32 to index
    %swap3A_359 = arith.constant 16 : index
    %swap3A_360 = tpu.vector_load %arg15[%swap3A_358, %swap3A_359] {strides = array<i32>} : memref<16x128xf32, #tpu.memory_space<vmem>>, vector<16xf32>,
    tpu.vector_store %arg15[%swap3A_358, %swap3A_359], %broadcast_in_dim3A_1 {strides = array<i32>} : memref<16x128xf32, #tpu.memory_space<vmem>>, vector<16xf32>,
    %swap3A_361 = arith.constant 11 : i32
    %swap3A_362 = arith.index_cast %swap3A_361 : i32 to index
    %swap3A_363 = arith.constant 32 : index
    %swap3A_364 = tpu.vector_load %arg15[%swap3A_362, %swap3A_363] {strides = array<i32>} : memref<16x128xf32, #tpu.memory_space<vmem>>, vector<16xf32>,
    tpu.vector_store %arg15[%swap3A_362, %swap3A_363], %broadcast_in_dim3A_1 {strides = array<i32>} : memref<16x128xf32, #tpu.memory_space<vmem>>, vector<16xf32>,
    %swap3A_365 = arith.constant 11 : i32
    %swap3A_366 = arith.index_cast %swap3A_365 : i32 to index
    %swap3A_367 = arith.constant 48 : index
    %swap3A_368 = tpu.vector_load %arg15[%swap3A_366, %swap3A_367] {strides = array<i32>} : memref<16x128xf32, #tpu.memory_space<vmem>>, vector<16xf32>,
    tpu.vector_store %arg15[%swap3A_366, %swap3A_367], %broadcast_in_dim3A_1 {strides = array<i32>} : memref<16x128xf32, #tpu.memory_space<vmem>>, vector<16xf32>,
    %swap3A_369 = arith.constant 11 : i32
    %swap3A_370 = arith.index_cast %swap3A_369 : i32 to index
    %swap3A_371 = arith.constant 64 : index
    %swap3A_372 = tpu.vector_load %arg15[%swap3A_370, %swap3A_371] {strides = array<i32>} : memref<16x128xf32, #tpu.memory_space<vmem>>, vector<16xf32>,
    tpu.vector_store %arg15[%swap3A_370, %swap3A_371], %broadcast_in_dim3A_1 {strides = array<i32>} : memref<16x128xf32, #tpu.memory_space<vmem>>, vector<16xf32>,
    %swap3A_373 = arith.constant 11 : i32
    %swap3A_374 = arith.index_cast %swap3A_373 : i32 to index
    %swap3A_375 = arith.constant 80 : index
    %swap3A_376 = tpu.vector_load %arg15[%swap3A_374, %swap3A_375] {strides = array<i32>} : memref<16x128xf32, #tpu.memory_space<vmem>>, vector<16xf32>,
    tpu.vector_store %arg15[%swap3A_374, %swap3A_375], %broadcast_in_dim3A_1 {strides = array<i32>} : memref<16x128xf32, #tpu.memory_space<vmem>>, vector<16xf32>,
    %swap3A_377 = arith.constant 11 : i32
    %swap3A_378 = arith.index_cast %swap3A_377 : i32 to index
    %swap3A_379 = arith.constant 96 : index
    %swap3A_380 = tpu.vector_load %arg15[%swap3A_378, %swap3A_379] {strides = array<i32>} : memref<16x128xf32, #tpu.memory_space<vmem>>, vector<16xf32>,
    tpu.vector_store %arg15[%swap3A_378, %swap3A_379], %broadcast_in_dim3A_1 {strides = array<i32>} : memref<16x128xf32, #tpu.memory_space<vmem>>, vector<16xf32>,
    %swap3A_381 = arith.constant 11 : i32
    %swap3A_382 = arith.index_cast %swap3A_381 : i32 to index
    %swap3A_383 = arith.constant 112 : index
    %swap3A_384 = tpu.vector_load %arg15[%swap3A_382, %swap3A_383] {strides = array<i32>} : memref<16x128xf32, #tpu.memory_space<vmem>>, vector<16xf32>,
    tpu.vector_store %arg15[%swap3A_382, %swap3A_383], %broadcast_in_dim3A_1 {strides = array<i32>} : memref<16x128xf32, #tpu.memory_space<vmem>>, vector<16xf32>,
    %swap3A_385 = arith.constant 12 : i32
    %swap3A_386 = arith.index_cast %swap3A_385 : i32 to index
    %swap3A_387 = arith.constant 0 : index
    %swap3A_388 = tpu.vector_load %arg15[%swap3A_386, %swap3A_387] {strides = array<i32>} : memref<16x128xf32, #tpu.memory_space<vmem>>, vector<16xf32>,
    tpu.vector_store %arg15[%swap3A_386, %swap3A_387], %broadcast_in_dim3A_1 {strides = array<i32>} : memref<16x128xf32, #tpu.memory_space<vmem>>, vector<16xf32>,
    %swap3A_389 = arith.constant 12 : i32
    %swap3A_390 = arith.index_cast %swap3A_389 : i32 to index
    %swap3A_391 = arith.constant 16 : index
    %swap3A_392 = tpu.vector_load %arg15[%swap3A_390, %swap3A_391] {strides = array<i32>} : memref<16x128xf32, #tpu.memory_space<vmem>>, vector<16xf32>,
    tpu.vector_store %arg15[%swap3A_390, %swap3A_391], %broadcast_in_dim3A_1 {strides = array<i32>} : memref<16x128xf32, #tpu.memory_space<vmem>>, vector<16xf32>,
    %swap3A_393 = arith.constant 12 : i32
    %swap3A_394 = arith.index_cast %swap3A_393 : i32 to index
    %swap3A_395 = arith.constant 32 : index
    %swap3A_396 = tpu.vector_load %arg15[%swap3A_394, %swap3A_395] {strides = array<i32>} : memref<16x128xf32, #tpu.memory_space<vmem>>, vector<16xf32>,
    tpu.vector_store %arg15[%swap3A_394, %swap3A_395], %broadcast_in_dim3A_1 {strides = array<i32>} : memref<16x128xf32, #tpu.memory_space<vmem>>, vector<16xf32>,
    %swap3A_397 = arith.constant 12 : i32
    %swap3A_398 = arith.index_cast %swap3A_397 : i32 to index
    %swap3A_399 = arith.constant 48 : index
    %swap3A_400 = tpu.vector_load %arg15[%swap3A_398, %swap3A_399] {strides = array<i32>} : memref<16x128xf32, #tpu.memory_space<vmem>>, vector<16xf32>,
    tpu.vector_store %arg15[%swap3A_398, %swap3A_399], %broadcast_in_dim3A_1 {strides = array<i32>} : memref<16x128xf32, #tpu.memory_space<vmem>>, vector<16xf32>,
    %swap3A_401 = arith.constant 12 : i32
    %swap3A_402 = arith.index_cast %swap3A_401 : i32 to index
    %swap3A_403 = arith.constant 64 : index
    %swap3A_404 = tpu.vector_load %arg15[%swap3A_402, %swap3A_403] {strides = array<i32>} : memref<16x128xf32, #tpu.memory_space<vmem>>, vector<16xf32>,
    tpu.vector_store %arg15[%swap3A_402, %swap3A_403], %broadcast_in_dim3A_1 {strides = array<i32>} : memref<16x128xf32, #tpu.memory_space<vmem>>, vector<16xf32>,
    %swap3A_405 = arith.constant 12 : i32
    %swap3A_406 = arith.index_cast %swap3A_405 : i32 to index
    %swap3A_407 = arith.constant 80 : index
    %swap3A_408 = tpu.vector_load %arg15[%swap3A_406, %swap3A_407] {strides = array<i32>} : memref<16x128xf32, #tpu.memory_space<vmem>>, vector<16xf32>,
    tpu.vector_store %arg15[%swap3A_406, %swap3A_407], %broadcast_in_dim3A_1 {strides = array<i32>} : memref<16x128xf32, #tpu.memory_space<vmem>>, vector<16xf32>,
    %swap3A_409 = arith.constant 12 : i32
    %swap3A_410 = arith.index_cast %swap3A_409 : i32 to index
    %swap3A_411 = arith.constant 96 : index
    %swap3A_412 = tpu.vector_load %arg15[%swap3A_410, %swap3A_411] {strides = array<i32>} : memref<16x128xf32, #tpu.memory_space<vmem>>, vector<16xf32>,
    tpu.vector_store %arg15[%swap3A_410, %swap3A_411], %broadcast_in_dim3A_1 {strides = array<i32>} : memref<16x128xf32, #tpu.memory_space<vmem>>, vector<16xf32>,
    %swap3A_413 = arith.constant 12 : i32
    %swap3A_414 = arith.index_cast %swap3A_413 : i32 to index
    %swap3A_415 = arith.constant 112 : index
    %swap3A_416 = tpu.vector_load %arg15[%swap3A_414, %swap3A_415] {strides = array<i32>} : memref<16x128xf32, #tpu.memory_space<vmem>>, vector<16xf32>,
    tpu.vector_store %arg15[%swap3A_414, %swap3A_415], %broadcast_in_dim3A_1 {strides = array<i32>} : memref<16x128xf32, #tpu.memory_space<vmem>>, vector<16xf32>,
    %swap3A_417 = arith.constant 13 : i32
    %swap3A_418 = arith.index_cast %swap3A_417 : i32 to index
    %swap3A_419 = arith.constant 0 : index
    %swap3A_420 = tpu.vector_load %arg15[%swap3A_418, %swap3A_419] {strides = array<i32>} : memref<16x128xf32, #tpu.memory_space<vmem>>, vector<16xf32>,
    tpu.vector_store %arg15[%swap3A_418, %swap3A_419], %broadcast_in_dim3A_1 {strides = array<i32>} : memref<16x128xf32, #tpu.memory_space<vmem>>, vector<16xf32>,
    %swap3A_421 = arith.constant 13 : i32
    %swap3A_422 = arith.index_cast %swap3A_421 : i32 to index
    %swap3A_423 = arith.constant 16 : index
    %swap3A_424 = tpu.vector_load %arg15[%swap3A_422, %swap3A_423] {strides = array<i32>} : memref<16x128xf32, #tpu.memory_space<vmem>>, vector<16xf32>,
    tpu.vector_store %arg15[%swap3A_422, %swap3A_423], %broadcast_in_dim3A_1 {strides = array<i32>} : memref<16x128xf32, #tpu.memory_space<vmem>>, vector<16xf32>,
    %swap3A_425 = arith.constant 13 : i32
    %swap3A_426 = arith.index_cast %swap3A_425 : i32 to index
    %swap3A_427 = arith.constant 32 : index
    %swap3A_428 = tpu.vector_load %arg15[%swap3A_426, %swap3A_427] {strides = array<i32>} : memref<16x128xf32, #tpu.memory_space<vmem>>, vector<16xf32>,
    tpu.vector_store %arg15[%swap3A_426, %swap3A_427], %broadcast_in_dim3A_1 {strides = array<i32>} : memref<16x128xf32, #tpu.memory_space<vmem>>, vector<16xf32>,
    %swap3A_429 = arith.constant 13 : i32
    %swap3A_430 = arith.index_cast %swap3A_429 : i32 to index
    %swap3A_431 = arith.constant 48 : index
    %swap3A_432 = tpu.vector_load %arg15[%swap3A_430, %swap3A_431] {strides = array<i32>} : memref<16x128xf32, #tpu.memory_space<vmem>>, vector<16xf32>,
    tpu.vector_store %arg15[%swap3A_430, %swap3A_431], %broadcast_in_dim3A_1 {strides = array<i32>} : memref<16x128xf32, #tpu.memory_space<vmem>>, vector<16xf32>,
    %swap3A_433 = arith.constant 13 : i32
    %swap3A_434 = arith.index_cast %swap3A_433 : i32 to index
    %swap3A_435 = arith.constant 64 : index
    %swap3A_436 = tpu.vector_load %arg15[%swap3A_434, %swap3A_435] {strides = array<i32>} : memref<16x128xf32, #tpu.memory_space<vmem>>, vector<16xf32>,
    tpu.vector_store %arg15[%swap3A_434, %swap3A_435], %broadcast_in_dim3A_1 {strides = array<i32>} : memref<16x128xf32, #tpu.memory_space<vmem>>, vector<16xf32>,
    %swap3A_437 = arith.constant 13 : i32
    %swap3A_438 = arith.index_cast %swap3A_437 : i32 to index
    %swap3A_439 = arith.constant 80 : index
    %swap3A_440 = tpu.vector_load %arg15[%swap3A_438, %swap3A_439] {strides = array<i32>} : memref<16x128xf32, #tpu.memory_space<vmem>>, vector<16xf32>,
    tpu.vector_store %arg15[%swap3A_438, %swap3A_439], %broadcast_in_dim3A_1 {strides = array<i32>} : memref<16x128xf32, #tpu.memory_space<vmem>>, vector<16xf32>,
    %swap3A_441 = arith.constant 13 : i32
    %swap3A_442 = arith.index_cast %swap3A_441 : i32 to index
    %swap3A_443 = arith.constant 96 : index
    %swap3A_444 = tpu.vector_load %arg15[%swap3A_442, %swap3A_443] {strides = array<i32>} : memref<16x128xf32, #tpu.memory_space<vmem>>, vector<16xf32>,
    tpu.vector_store %arg15[%swap3A_442, %swap3A_443], %broadcast_in_dim3A_1 {strides = array<i32>} : memref<16x128xf32, #tpu.memory_space<vmem>>, vector<16xf32>,
    %swap3A_445 = arith.constant 13 : i32
    %swap3A_446 = arith.index_cast %swap3A_445 : i32 to index
    %swap3A_447 = arith.constant 112 : index
    %swap3A_448 = tpu.vector_load %arg15[%swap3A_446, %swap3A_447] {strides = array<i32>} : memref<16x128xf32, #tpu.memory_space<vmem>>, vector<16xf32>,
    tpu.vector_store %arg15[%swap3A_446, %swap3A_447], %broadcast_in_dim3A_1 {strides = array<i32>} : memref<16x128xf32, #tpu.memory_space<vmem>>, vector<16xf32>,
    %swap3A_449 = arith.constant 14 : i32
    %swap3A_450 = arith.index_cast %swap3A_449 : i32 to index
    %swap3A_451 = arith.constant 0 : index
    %swap3A_452 = tpu.vector_load %arg15[%swap3A_450, %swap3A_451] {strides = array<i32>} : memref<16x128xf32, #tpu.memory_space<vmem>>, vector<16xf32>,
    tpu.vector_store %arg15[%swap3A_450, %swap3A_451], %broadcast_in_dim3A_1 {strides = array<i32>} : memref<16x128xf32, #tpu.memory_space<vmem>>, vector<16xf32>,
    %swap3A_453 = arith.constant 14 : i32
    %swap3A_454 = arith.index_cast %swap3A_453 : i32 to index
    %swap3A_455 = arith.constant 16 : index
    %swap3A_456 = tpu.vector_load %arg15[%swap3A_454, %swap3A_455] {strides = array<i32>} : memref<16x128xf32, #tpu.memory_space<vmem>>, vector<16xf32>,
    tpu.vector_store %arg15[%swap3A_454, %swap3A_455], %broadcast_in_dim3A_1 {strides = array<i32>} : memref<16x128xf32, #tpu.memory_space<vmem>>, vector<16xf32>,
    %swap3A_457 = arith.constant 14 : i32
    %swap3A_458 = arith.index_cast %swap3A_457 : i32 to index
    %swap3A_459 = arith.constant 32 : index
    %swap3A_460 = tpu.vector_load %arg15[%swap3A_458, %swap3A_459] {strides = array<i32>} : memref<16x128xf32, #tpu.memory_space<vmem>>, vector<16xf32>,
    tpu.vector_store %arg15[%swap3A_458, %swap3A_459], %broadcast_in_dim3A_1 {strides = array<i32>} : memref<16x128xf32, #tpu.memory_space<vmem>>, vector<16xf32>,
    %swap3A_461 = arith.constant 14 : i32
    %swap3A_462 = arith.index_cast %swap3A_461 : i32 to index
    %swap3A_463 = arith.constant 48 : index
    %swap3A_464 = tpu.vector_load %arg15[%swap3A_462, %swap3A_463] {strides = array<i32>} : memref<16x128xf32, #tpu.memory_space<vmem>>, vector<16xf32>,
    tpu.vector_store %arg15[%swap3A_462, %swap3A_463], %broadcast_in_dim3A_1 {strides = array<i32>} : memref<16x128xf32, #tpu.memory_space<vmem>>, vector<16xf32>,
    %swap3A_465 = arith.constant 14 : i32
    %swap3A_466 = arith.index_cast %swap3A_465 : i32 to index
    %swap3A_467 = arith.constant 64 : index
    %swap3A_468 = tpu.vector_load %arg15[%swap3A_466, %swap3A_467] {strides = array<i32>} : memref<16x128xf32, #tpu.memory_space<vmem>>, vector<16xf32>,
    tpu.vector_store %arg15[%swap3A_466, %swap3A_467], %broadcast_in_dim3A_1 {strides = array<i32>} : memref<16x128xf32, #tpu.memory_space<vmem>>, vector<16xf32>,
    %swap3A_469 = arith.constant 14 : i32
    %swap3A_470 = arith.index_cast %swap3A_469 : i32 to index
    %swap3A_471 = arith.constant 80 : index
    %swap3A_472 = tpu.vector_load %arg15[%swap3A_470, %swap3A_471] {strides = array<i32>} : memref<16x128xf32, #tpu.memory_space<vmem>>, vector<16xf32>,
    tpu.vector_store %arg15[%swap3A_470, %swap3A_471], %broadcast_in_dim3A_1 {strides = array<i32>} : memref<16x128xf32, #tpu.memory_space<vmem>>, vector<16xf32>,
    %swap3A_473 = arith.constant 14 : i32
    %swap3A_474 = arith.index_cast %swap3A_473 : i32 to index
    %swap3A_475 = arith.constant 96 : index
    %swap3A_476 = tpu.vector_load %arg15[%swap3A_474, %swap3A_475] {strides = array<i32>} : memref<16x128xf32, #tpu.memory_space<vmem>>, vector<16xf32>,
    tpu.vector_store %arg15[%swap3A_474, %swap3A_475], %broadcast_in_dim3A_1 {strides = array<i32>} : memref<16x128xf32, #tpu.memory_space<vmem>>, vector<16xf32>,
    %swap3A_477 = arith.constant 14 : i32
    %swap3A_478 = arith.index_cast %swap3A_477 : i32 to index
    %swap3A_479 = arith.constant 112 : index
    %swap3A_480 = tpu.vector_load %arg15[%swap3A_478, %swap3A_479] {strides = array<i32>} : memref<16x128xf32, #tpu.memory_space<vmem>>, vector<16xf32>,
    tpu.vector_store %arg15[%swap3A_478, %swap3A_479], %broadcast_in_dim3A_1 {strides = array<i32>} : memref<16x128xf32, #tpu.memory_space<vmem>>, vector<16xf32>,
    %swap3A_481 = arith.constant 15 : i32
    %swap3A_482 = arith.index_cast %swap3A_481 : i32 to index
    %swap3A_483 = arith.constant 0 : index
    %swap3A_484 = tpu.vector_load %arg15[%swap3A_482, %swap3A_483] {strides = array<i32>} : memref<16x128xf32, #tpu.memory_space<vmem>>, vector<16xf32>,
    tpu.vector_store %arg15[%swap3A_482, %swap3A_483], %broadcast_in_dim3A_1 {strides = array<i32>} : memref<16x128xf32, #tpu.memory_space<vmem>>, vector<16xf32>,
    %swap3A_485 = arith.constant 15 : i32
    %swap3A_486 = arith.index_cast %swap3A_485 : i32 to index
    %swap3A_487 = arith.constant 16 : index
    %swap3A_488 = tpu.vector_load %arg15[%swap3A_486, %swap3A_487] {strides = array<i32>} : memref<16x128xf32, #tpu.memory_space<vmem>>, vector<16xf32>,
    tpu.vector_store %arg15[%swap3A_486, %swap3A_487], %broadcast_in_dim3A_1 {strides = array<i32>} : memref<16x128xf32, #tpu.memory_space<vmem>>, vector<16xf32>,
    %swap3A_489 = arith.constant 15 : i32
    %swap3A_490 = arith.index_cast %swap3A_489 : i32 to index
    %swap3A_491 = arith.constant 32 : index
    %swap3A_492 = tpu.vector_load %arg15[%swap3A_490, %swap3A_491] {strides = array<i32>} : memref<16x128xf32, #tpu.memory_space<vmem>>, vector<16xf32>,
    tpu.vector_store %arg15[%swap3A_490, %swap3A_491], %broadcast_in_dim3A_1 {strides = array<i32>} : memref<16x128xf32, #tpu.memory_space<vmem>>, vector<16xf32>,
    %swap3A_493 = arith.constant 15 : i32
    %swap3A_494 = arith.index_cast %swap3A_493 : i32 to index
    %swap3A_495 = arith.constant 48 : index
    %swap3A_496 = tpu.vector_load %arg15[%swap3A_494, %swap3A_495] {strides = array<i32>} : memref<16x128xf32, #tpu.memory_space<vmem>>, vector<16xf32>,
    tpu.vector_store %arg15[%swap3A_494, %swap3A_495], %broadcast_in_dim3A_1 {strides = array<i32>} : memref<16x128xf32, #tpu.memory_space<vmem>>, vector<16xf32>,
    %swap3A_497 = arith.constant 15 : i32
    %swap3A_498 = arith.index_cast %swap3A_497 : i32 to index
    %swap3A_499 = arith.constant 64 : index
    %swap3A_500 = tpu.vector_load %arg15[%swap3A_498, %swap3A_499] {strides = array<i32>} : memref<16x128xf32, #tpu.memory_space<vmem>>, vector<16xf32>,
    tpu.vector_store %arg15[%swap3A_498, %swap3A_499], %broadcast_in_dim3A_1 {strides = array<i32>} : memref<16x128xf32, #tpu.memory_space<vmem>>, vector<16xf32>,
    %swap3A_501 = arith.constant 15 : i32
    %swap3A_502 = arith.index_cast %swap3A_501 : i32 to index
    %swap3A_503 = arith.constant 80 : index
    %swap3A_504 = tpu.vector_load %arg15[%swap3A_502, %swap3A_503] {strides = array<i32>} : memref<16x128xf32, #tpu.memory_space<vmem>>, vector<16xf32>,
    tpu.vector_store %arg15[%swap3A_502, %swap3A_503], %broadcast_in_dim3A_1 {strides = array<i32>} : memref<16x128xf32, #tpu.memory_space<vmem>>, vector<16xf32>,
    %swap3A_505 = arith.constant 15 : i32
    %swap3A_506 = arith.index_cast %swap3A_505 : i32 to index
    %swap3A_507 = arith.constant 96 : index
    %swap3A_508 = tpu.vector_load %arg15[%swap3A_506, %swap3A_507] {strides = array<i32>} : memref<16x128xf32, #tpu.memory_space<vmem>>, vector<16xf32>,
    tpu.vector_store %arg15[%swap3A_506, %swap3A_507], %broadcast_in_dim3A_1 {strides = array<i32>} : memref<16x128xf32, #tpu.memory_space<vmem>>, vector<16xf32>,
    %swap3A_509 = arith.constant 15 : i32
    %swap3A_510 = arith.index_cast %swap3A_509 : i32 to index
    %swap3A_511 = arith.constant 112 : index
    %swap3A_512 = tpu.vector_load %arg15[%swap3A_510, %swap3A_511] {strides = array<i32>} : memref<16x128xf32, #tpu.memory_space<vmem>>, vector<16xf32>,
    tpu.vector_store %arg15[%swap3A_510, %swap3A_511], %broadcast_in_dim3A_1 {strides = array<i32>} : memref<16x128xf32, #tpu.memory_space<vmem>>, vector<16xf32>,
    %mul3A_513 = arith.constant 5 : i32
    %mul3A_514 = arith.muli %arg1, %mul3A_513 : i32
    %add3A = arith.constant 0 : i32
    %add3A_515 = arith.addi %mul3A_514, %add3A : i32
    %mul3A_516 = arith.constant 16 : i32
    %mul3A_517 = arith.muli %add3A_515, %mul3A_516 : i32
    "tpu.region"() ({
      %run_scoped3A = tpu.sem_alloc : memref<!tpu.dma_semaphore, #tpu.memory_space<semaphore_mem>>
      %dma_start3A_611 = arith.constant 0 : i32
      %dma_start3A_612 = tpu.memref_slice %arg7[%mul3A_517, %dma_start3A_611] : memref<1280x128xf32, #tpu.memory_space<vmem_shared>> -> memref<16x128xf32, #tpu.memory_space<vmem_shared>>
      %dma_start3A_613 = arith.constant 0 : i32
      %dma_start3A_614 = tpu.memref_slice %arg7[%mul3A_517, %dma_start3A_613] : memref<1280x128xf32, #tpu.memory_space<vmem_shared>> -> memref<16x128xf32, #tpu.memory_space<vmem_shared>>
      tpu.enqueue_dma source(%arg15 : memref<16x128xf32, #tpu.memory_space<vmem>>) target(%dma_start3A_614 : memref<16x128xf32, #tpu.memory_space<vmem_shared>>) target_semaphore(%run_scoped3A : memref<!tpu.dma_semaphore, #tpu.memory_space<semaphore_mem>>)
      %dma_wait3A_615 = arith.constant 0 : i32
      %dma_wait3A_616 = tpu.memref_slice %arg7[%mul3A_517, %dma_wait3A_615] : memref<1280x128xf32, #tpu.memory_space<vmem_shared>> -> memref<16x128xf32, #tpu.memory_space<vmem_shared>>
      %dma_wait3A_617 = arith.constant 0 : i32
      %dma_wait3A_618 = tpu.memref_slice %arg7[%mul3A_517, %dma_wait3A_617] : memref<1280x128xf32, #tpu.memory_space<vmem_shared>> -> memref<16x128xf32, #tpu.memory_space<vmem_shared>>
      tpu.wait_dma2 semaphore(%run_scoped3A : memref<!tpu.dma_semaphore, #tpu.memory_space<semaphore_mem>>) src(%arg15 : memref<16x128xf32, #tpu.memory_space<vmem>>) dst(%dma_wait3A_618 : memref<16x128xf32, #tpu.memory_space<vmem_shared>>)
      tpu.yield
    }) : () -> ()
    %mul3A_518 = arith.constant 5 : i32
    %mul3A_519 = arith.muli %arg1, %mul3A_518 : i32
    %add3A_520 = arith.constant 1 : i32
    %add3A_521 = arith.addi %mul3A_519, %add3A_520 : i32
    %mul3A_522 = arith.constant 16 : i32
    %mul3A_523 = arith.muli %add3A_521, %mul3A_522 : i32
    "tpu.region"() ({
      %run_scoped3A = tpu.sem_alloc : memref<!tpu.dma_semaphore, #tpu.memory_space<semaphore_mem>>
      %dma_start3A_611 = arith.constant 0 : i32
      %dma_start3A_612 = tpu.memref_slice %arg7[%mul3A_523, %dma_start3A_611] : memref<1280x128xf32, #tpu.memory_space<vmem_shared>> -> memref<16x128xf32, #tpu.memory_space<vmem_shared>>
      %dma_start3A_613 = arith.constant 0 : i32
      %dma_start3A_614 = tpu.memref_slice %arg7[%mul3A_523, %dma_start3A_613] : memref<1280x128xf32, #tpu.memory_space<vmem_shared>> -> memref<16x128xf32, #tpu.memory_space<vmem_shared>>
      tpu.enqueue_dma source(%arg15 : memref<16x128xf32, #tpu.memory_space<vmem>>) target(%dma_start3A_614 : memref<16x128xf32, #tpu.memory_space<vmem_shared>>) target_semaphore(%run_scoped3A : memref<!tpu.dma_semaphore, #tpu.memory_space<semaphore_mem>>)
      %dma_wait3A_615 = arith.constant 0 : i32
      %dma_wait3A_616 = tpu.memref_slice %arg7[%mul3A_523, %dma_wait3A_615] : memref<1280x128xf32, #tpu.memory_space<vmem_shared>> -> memref<16x128xf32, #tpu.memory_space<vmem_shared>>
      %dma_wait3A_617 = arith.constant 0 : i32
      %dma_wait3A_618 = tpu.memref_slice %arg7[%mul3A_523, %dma_wait3A_617] : memref<1280x128xf32, #tpu.memory_space<vmem_shared>> -> memref<16x128xf32, #tpu.memory_space<vmem_shared>>
      tpu.wait_dma2 semaphore(%run_scoped3A : memref<!tpu.dma_semaphore, #tpu.memory_space<semaphore_mem>>) src(%arg15 : memref<16x128xf32, #tpu.memory_space<vmem>>) dst(%dma_wait3A_618 : memref<16x128xf32, #tpu.memory_space<vmem_shared>>)
      tpu.yield
    }) : () -> ()
    %mul3A_524 = arith.constant 5 : i32
    %mul3A_525 = arith.muli %arg1, %mul3A_524 : i32
    %add3A_526 = arith.constant 2 : i32
    %add3A_527 = arith.addi %mul3A_525, %add3A_526 : i32
    %mul3A_528 = arith.constant 16 : i32
    %mul3A_529 = arith.muli %add3A_527, %mul3A_528 : i32
    "tpu.region"() ({
      %run_scoped3A = tpu.sem_alloc : memref<!tpu.dma_semaphore, #tpu.memory_space<semaphore_mem>>
      %dma_start3A_611 = arith.constant 0 : i32
      %dma_start3A_612 = tpu.memref_slice %arg7[%mul3A_529, %dma_start3A_611] : memref<1280x128xf32, #tpu.memory_space<vmem_shared>> -> memref<16x128xf32, #tpu.memory_space<vmem_shared>>
      %dma_start3A_613 = arith.constant 0 : i32
      %dma_start3A_614 = tpu.memref_slice %arg7[%mul3A_529, %dma_start3A_613] : memref<1280x128xf32, #tpu.memory_space<vmem_shared>> -> memref<16x128xf32, #tpu.memory_space<vmem_shared>>
      tpu.enqueue_dma source(%arg15 : memref<16x128xf32, #tpu.memory_space<vmem>>) target(%dma_start3A_614 : memref<16x128xf32, #tpu.memory_space<vmem_shared>>) target_semaphore(%run_scoped3A : memref<!tpu.dma_semaphore, #tpu.memory_space<semaphore_mem>>)
      %dma_wait3A_615 = arith.constant 0 : i32
      %dma_wait3A_616 = tpu.memref_slice %arg7[%mul3A_529, %dma_wait3A_615] : memref<1280x128xf32, #tpu.memory_space<vmem_shared>> -> memref<16x128xf32, #tpu.memory_space<vmem_shared>>
      %dma_wait3A_617 = arith.constant 0 : i32
      %dma_wait3A_618 = tpu.memref_slice %arg7[%mul3A_529, %dma_wait3A_617] : memref<1280x128xf32, #tpu.memory_space<vmem_shared>> -> memref<16x128xf32, #tpu.memory_space<vmem_shared>>
      tpu.wait_dma2 semaphore(%run_scoped3A : memref<!tpu.dma_semaphore, #tpu.memory_space<semaphore_mem>>) src(%arg15 : memref<16x128xf32, #tpu.memory_space<vmem>>) dst(%dma_wait3A_618 : memref<16x128xf32, #tpu.memory_space<vmem_shared>>)
      tpu.yield
    }) : () -> ()
    %mul3A_530 = arith.constant 5 : i32
    %mul3A_531 = arith.muli %arg1, %mul3A_530 : i32
    %add3A_532 = arith.constant 3 : i32
    %add3A_533 = arith.addi %mul3A_531, %add3A_532 : i32
    %mul3A_534 = arith.constant 16 : i32
    %mul3A_535 = arith.muli %add3A_533, %mul3A_534 : i32
    "tpu.region"() ({
      %run_scoped3A = tpu.sem_alloc : memref<!tpu.dma_semaphore, #tpu.memory_space<semaphore_mem>>
      %dma_start3A_611 = arith.constant 0 : i32
      %dma_start3A_612 = tpu.memref_slice %arg7[%mul3A_535, %dma_start3A_611] : memref<1280x128xf32, #tpu.memory_space<vmem_shared>> -> memref<16x128xf32, #tpu.memory_space<vmem_shared>>
      %dma_start3A_613 = arith.constant 0 : i32
      %dma_start3A_614 = tpu.memref_slice %arg7[%mul3A_535, %dma_start3A_613] : memref<1280x128xf32, #tpu.memory_space<vmem_shared>> -> memref<16x128xf32, #tpu.memory_space<vmem_shared>>
      tpu.enqueue_dma source(%arg15 : memref<16x128xf32, #tpu.memory_space<vmem>>) target(%dma_start3A_614 : memref<16x128xf32, #tpu.memory_space<vmem_shared>>) target_semaphore(%run_scoped3A : memref<!tpu.dma_semaphore, #tpu.memory_space<semaphore_mem>>)
      %dma_wait3A_615 = arith.constant 0 : i32
      %dma_wait3A_616 = tpu.memref_slice %arg7[%mul3A_535, %dma_wait3A_615] : memref<1280x128xf32, #tpu.memory_space<vmem_shared>> -> memref<16x128xf32, #tpu.memory_space<vmem_shared>>
      %dma_wait3A_617 = arith.constant 0 : i32
      %dma_wait3A_618 = tpu.memref_slice %arg7[%mul3A_535, %dma_wait3A_617] : memref<1280x128xf32, #tpu.memory_space<vmem_shared>> -> memref<16x128xf32, #tpu.memory_space<vmem_shared>>
      tpu.wait_dma2 semaphore(%run_scoped3A : memref<!tpu.dma_semaphore, #tpu.memory_space<semaphore_mem>>) src(%arg15 : memref<16x128xf32, #tpu.memory_space<vmem>>) dst(%dma_wait3A_618 : memref<16x128xf32, #tpu.memory_space<vmem_shared>>)
      tpu.yield
    }) : () -> ()
    %mul3A_536 = arith.constant 5 : i32
    %mul3A_537 = arith.muli %arg1, %mul3A_536 : i32
    %add3A_538 = arith.constant 4 : i32
    %add3A_539 = arith.addi %mul3A_537, %add3A_538 : i32
    %mul3A_540 = arith.constant 16 : i32
    %mul3A_541 = arith.muli %add3A_539, %mul3A_540 : i32
    "tpu.region"() ({
      %run_scoped3A = tpu.sem_alloc : memref<!tpu.dma_semaphore, #tpu.memory_space<semaphore_mem>>
      %dma_start3A_611 = arith.constant 0 : i32
      %dma_start3A_612 = tpu.memref_slice %arg7[%mul3A_541, %dma_start3A_611] : memref<1280x128xf32, #tpu.memory_space<vmem_shared>> -> memref<16x128xf32, #tpu.memory_space<vmem_shared>>
      %dma_start3A_613 = arith.constant 0 : i32
      %dma_start3A_614 = tpu.memref_slice %arg7[%mul3A_541, %dma_start3A_613] : memref<1280x128xf32, #tpu.memory_space<vmem_shared>> -> memref<16x128xf32, #tpu.memory_space<vmem_shared>>
      tpu.enqueue_dma source(%arg15 : memref<16x128xf32, #tpu.memory_space<vmem>>) target(%dma_start3A_614 : memref<16x128xf32, #tpu.memory_space<vmem_shared>>) target_semaphore(%run_scoped3A : memref<!tpu.dma_semaphore, #tpu.memory_space<semaphore_mem>>)
      %dma_wait3A_615 = arith.constant 0 : i32
      %dma_wait3A_616 = tpu.memref_slice %arg7[%mul3A_541, %dma_wait3A_615] : memref<1280x128xf32, #tpu.memory_space<vmem_shared>> -> memref<16x128xf32, #tpu.memory_space<vmem_shared>>
      %dma_wait3A_617 = arith.constant 0 : i32
      %dma_wait3A_618 = tpu.memref_slice %arg7[%mul3A_541, %dma_wait3A_617] : memref<1280x128xf32, #tpu.memory_space<vmem_shared>> -> memref<16x128xf32, #tpu.memory_space<vmem_shared>>
      tpu.wait_dma2 semaphore(%run_scoped3A : memref<!tpu.dma_semaphore, #tpu.memory_space<semaphore_mem>>) src(%arg15 : memref<16x128xf32, #tpu.memory_space<vmem>>) dst(%dma_wait3A_618 : memref<16x128xf32, #tpu.memory_space<vmem_shared>>)
      tpu.yield
    }) : () -> ()
    %barrier3A = arith.constant 0 : index
    tpu.barrier barrier_id(%barrier3A)
    %add3A_542 = arith.constant 0 : i32
    %add3A_543 = arith.addi %mul3A_0, %add3A_542 : i32
    %dma_start3A = arith.constant 0 : i32
    %dma_start3A_544 = arith.constant 0 : i32
    %dma_start3A_545 = arith.constant 0 : i32
    %dma_start3A_546 = tpu.memref_slice %arg8[%dma_start3A, %dma_start3A_545] : memref<2x2048xi32, #tpu.memory_space<vmem>> -> memref<1x2048xi32, #tpu.memory_space<vmem>>
    %dma_start3A_547 = tpu.memref_squeeze %dma_start3A_546 : memref<1x2048xi32, #tpu.memory_space<vmem>> -> memref<2048xi32, #tpu.memory_space<vmem>>
    %dma_start3A_548 = tpu.memref_slice %arg4[%add3A_543] : memref<320000xi32, #tpu.memory_space<hbm>> -> memref<2048xi32, #tpu.memory_space<hbm>>
    %dma_start3A_549 = tpu.memref_slice %arg12[%dma_start3A_544] : memref<2x!tpu.dma_semaphore, #tpu.memory_space<semaphore_mem>> -> memref<1x!tpu.dma_semaphore, #tpu.memory_space<semaphore_mem>>
    %dma_start3A_550 = tpu.memref_squeeze %dma_start3A_549 : memref<1x!tpu.dma_semaphore, #tpu.memory_space<semaphore_mem>> -> memref<!tpu.dma_semaphore, #tpu.memory_space<semaphore_mem>>
    %dma_start3A_551 = arith.constant 0 : i32
    %dma_start3A_552 = tpu.memref_slice %arg8[%dma_start3A, %dma_start3A_551] : memref<2x2048xi32, #tpu.memory_space<vmem>> -> memref<1x2048xi32, #tpu.memory_space<vmem>>
    %dma_start3A_553 = tpu.memref_squeeze %dma_start3A_552 : memref<1x2048xi32, #tpu.memory_space<vmem>> -> memref<2048xi32, #tpu.memory_space<vmem>>
    %dma_start3A_554 = tpu.memref_slice %arg4[%add3A_543] : memref<320000xi32, #tpu.memory_space<hbm>> -> memref<2048xi32, #tpu.memory_space<hbm>>
    tpu.enqueue_dma source(%dma_start3A_554 : memref<2048xi32, #tpu.memory_space<hbm>>) target(%dma_start3A_553 : memref<2048xi32, #tpu.memory_space<vmem>>) target_semaphore(%dma_start3A_550 : memref<!tpu.dma_semaphore, #tpu.memory_space<semaphore_mem>>)
    %dma_start3A_555 = arith.constant 0 : i32
    %dma_start3A_556 = arith.constant 0 : i32
    %dma_start3A_557 = arith.constant 0 : i32
    %dma_start3A_558 = tpu.memref_slice %arg9[%dma_start3A_555, %dma_start3A_557] : memref<2x2048xi32, #tpu.memory_space<vmem>> -> memref<1x2048xi32, #tpu.memory_space<vmem>>
    %dma_start3A_559 = tpu.memref_squeeze %dma_start3A_558 : memref<1x2048xi32, #tpu.memory_space<vmem>> -> memref<2048xi32, #tpu.memory_space<vmem>>
    %dma_start3A_560 = tpu.memref_slice %arg5[%add3A_543] : memref<320000xi32, #tpu.memory_space<hbm>> -> memref<2048xi32, #tpu.memory_space<hbm>>
    %dma_start3A_561 = tpu.memref_slice %arg12[%dma_start3A_556] : memref<2x!tpu.dma_semaphore, #tpu.memory_space<semaphore_mem>> -> memref<1x!tpu.dma_semaphore, #tpu.memory_space<semaphore_mem>>
    %dma_start3A_562 = tpu.memref_squeeze %dma_start3A_561 : memref<1x!tpu.dma_semaphore, #tpu.memory_space<semaphore_mem>> -> memref<!tpu.dma_semaphore, #tpu.memory_space<semaphore_mem>>
    %dma_start3A_563 = arith.constant 0 : i32
    %dma_start3A_564 = tpu.memref_slice %arg9[%dma_start3A_555, %dma_start3A_563] : memref<2x2048xi32, #tpu.memory_space<vmem>> -> memref<1x2048xi32, #tpu.memory_space<vmem>>
    %dma_start3A_565 = tpu.memref_squeeze %dma_start3A_564 : memref<1x2048xi32, #tpu.memory_space<vmem>> -> memref<2048xi32, #tpu.memory_space<vmem>>
    %dma_start3A_566 = tpu.memref_slice %arg5[%add3A_543] : memref<320000xi32, #tpu.memory_space<hbm>> -> memref<2048xi32, #tpu.memory_space<hbm>>
    tpu.enqueue_dma source(%dma_start3A_566 : memref<2048xi32, #tpu.memory_space<hbm>>) target(%dma_start3A_565 : memref<2048xi32, #tpu.memory_space<vmem>>) target_semaphore(%dma_start3A_562 : memref<!tpu.dma_semaphore, #tpu.memory_space<semaphore_mem>>)
    %scan3A = arith.constant 0 : i32
    %scan3A_567 = arith.constant 0 : i32
    %scan3A_568 = arith.constant 79 : i32
    %scan3A_569 = arith.addi %scan3A_567, %scan3A_568 : i32
    %scan3A_570 = arith.constant 1 : i32
    %scan3A_571 = scf.for %scan3A_611 = %scan3A_567 to %scan3A_569 step %scan3A_570 iter_args(%scan3A_612 = %scan3A) -> (i32)  : i32 {
      %rem3A = arith.constant 2 : i32
      %rem3A_613 = arith.remsi %scan3A_611, %rem3A : i32
      %add3A_614 = arith.constant 1 : i32
      %add3A_615 = arith.addi %scan3A_611, %add3A_614 : i32
      %lt3A_616 = arith.constant 78 : i32
      %lt3A_617 = arith.cmpi slt, %add3A_615, %lt3A_616 : i32
      %convert_element_type3A_618 = arith.extui %lt3A_617 : i1 to i32
      %cond3A_619 = arith.constant 0 : i32
      %cond3A_620 = arith.cmpi ne, %convert_element_type3A_618, %cond3A_619 : i32
      scf.if %cond3A_620 {
        %add3A_662 = arith.constant 1 : i32
        %add3A_663 = arith.addi %scan3A_611, %add3A_662 : i32
        %add3A_664 = arith.constant 1 : i32
        %add3A_665 = arith.addi %scan3A_611, %add3A_664 : i32
        %rem3A_666 = arith.constant 2 : i32
        %rem3A_667 = arith.remsi %add3A_665, %rem3A_666 : i32
        %mul3A_668 = arith.constant 2048 : i32
        %mul3A_669 = arith.muli %add3A_663, %mul3A_668 : i32
        %add3A_670 = arith.addi %mul3A_0, %mul3A_669 : i32
        %dma_start3A_671 = arith.constant 0 : i32
        %dma_start3A_672 = tpu.memref_slice %arg8[%rem3A_667, %dma_start3A_671] : memref<2x2048xi32, #tpu.memory_space<vmem>> -> memref<1x2048xi32, #tpu.memory_space<vmem>>
        %dma_start3A_673 = tpu.memref_squeeze %dma_start3A_672 : memref<1x2048xi32, #tpu.memory_space<vmem>> -> memref<2048xi32, #tpu.memory_space<vmem>>
        %dma_start3A_674 = tpu.memref_slice %arg4[%add3A_670] : memref<320000xi32, #tpu.memory_space<hbm>> -> memref<2048xi32, #tpu.memory_space<hbm>>
        %dma_start3A_675 = tpu.memref_slice %arg12[%rem3A_667] : memref<2x!tpu.dma_semaphore, #tpu.memory_space<semaphore_mem>> -> memref<1x!tpu.dma_semaphore, #tpu.memory_space<semaphore_mem>>
        %dma_start3A_676 = tpu.memref_squeeze %dma_start3A_675 : memref<1x!tpu.dma_semaphore, #tpu.memory_space<semaphore_mem>> -> memref<!tpu.dma_semaphore, #tpu.memory_space<semaphore_mem>>
        %dma_start3A_677 = arith.constant 0 : i32
        %dma_start3A_678 = tpu.memref_slice %arg8[%rem3A_667, %dma_start3A_677] : memref<2x2048xi32, #tpu.memory_space<vmem>> -> memref<1x2048xi32, #tpu.memory_space<vmem>>
        %dma_start3A_679 = tpu.memref_squeeze %dma_start3A_678 : memref<1x2048xi32, #tpu.memory_space<vmem>> -> memref<2048xi32, #tpu.memory_space<vmem>>
        %dma_start3A_680 = tpu.memref_slice %arg4[%add3A_670] : memref<320000xi32, #tpu.memory_space<hbm>> -> memref<2048xi32, #tpu.memory_space<hbm>>
        tpu.enqueue_dma source(%dma_start3A_680 : memref<2048xi32, #tpu.memory_space<hbm>>) target(%dma_start3A_679 : memref<2048xi32, #tpu.memory_space<vmem>>) target_semaphore(%dma_start3A_676 : memref<!tpu.dma_semaphore, #tpu.memory_space<semaphore_mem>>)
        %dma_start3A_681 = arith.constant 0 : i32
        %dma_start3A_682 = tpu.memref_slice %arg9[%rem3A_667, %dma_start3A_681] : memref<2x2048xi32, #tpu.memory_space<vmem>> -> memref<1x2048xi32, #tpu.memory_space<vmem>>
        %dma_start3A_683 = tpu.memref_squeeze %dma_start3A_682 : memref<1x2048xi32, #tpu.memory_space<vmem>> -> memref<2048xi32, #tpu.memory_space<vmem>>
        %dma_start3A_684 = tpu.memref_slice %arg5[%add3A_670] : memref<320000xi32, #tpu.memory_space<hbm>> -> memref<2048xi32, #tpu.memory_space<hbm>>
        %dma_start3A_685 = tpu.memref_slice %arg12[%rem3A_667] : memref<2x!tpu.dma_semaphore, #tpu.memory_space<semaphore_mem>> -> memref<1x!tpu.dma_semaphore, #tpu.memory_space<semaphore_mem>>
        %dma_start3A_686 = tpu.memref_squeeze %dma_start3A_685 : memref<1x!tpu.dma_semaphore, #tpu.memory_space<semaphore_mem>> -> memref<!tpu.dma_semaphore, #tpu.memory_space<semaphore_mem>>
        %dma_start3A_687 = arith.constant 0 : i32
        %dma_start3A_688 = tpu.memref_slice %arg9[%rem3A_667, %dma_start3A_687] : memref<2x2048xi32, #tpu.memory_space<vmem>> -> memref<1x2048xi32, #tpu.memory_space<vmem>>
        %dma_start3A_689 = tpu.memref_squeeze %dma_start3A_688 : memref<1x2048xi32, #tpu.memory_space<vmem>> -> memref<2048xi32, #tpu.memory_space<vmem>>
        %dma_start3A_690 = tpu.memref_slice %arg5[%add3A_670] : memref<320000xi32, #tpu.memory_space<hbm>> -> memref<2048xi32, #tpu.memory_space<hbm>>
        tpu.enqueue_dma source(%dma_start3A_690 : memref<2048xi32, #tpu.memory_space<hbm>>) target(%dma_start3A_689 : memref<2048xi32, #tpu.memory_space<vmem>>) target_semaphore(%dma_start3A_686 : memref<!tpu.dma_semaphore, #tpu.memory_space<semaphore_mem>>)
      } else {
      }
      %add3A_621 = arith.constant 1 : i32
      %add3A_622 = arith.addi %scan3A_611, %add3A_621 : i32
      %eq3A = arith.constant 78 : i32
      %eq3A_623 = arith.cmpi eq, %add3A_622, %eq3A : i32
      %convert_element_type3A_624 = arith.extui %eq3A_623 : i1 to i32
      %cond3A_625 = arith.constant 0 : i32
      %cond3A_626 = arith.cmpi ne, %convert_element_type3A_624, %cond3A_625 : i32
      scf.if %cond3A_626 {
        %add3A_662 = arith.constant 1 : i32
        %add3A_663 = arith.addi %scan3A_611, %add3A_662 : i32
        %rem3A_664 = arith.constant 2 : i32
        %rem3A_665 = arith.remsi %add3A_663, %rem3A_664 : i32
        %add3A_666 = arith.constant 159744 : i32
        %add3A_667 = arith.addi %mul3A_0, %add3A_666 : i32
        %dma_start3A_668 = arith.constant 0 : i32
        %dma_start3A_669 = tpu.memref_slice %arg8[%rem3A_665, %dma_start3A_668] : memref<2x2048xi32, #tpu.memory_space<vmem>> -> memref<1x256xi32, #tpu.memory_space<vmem>>
        %dma_start3A_670 = tpu.memref_squeeze %dma_start3A_669 : memref<1x256xi32, #tpu.memory_space<vmem>> -> memref<256xi32, #tpu.memory_space<vmem>>
        %dma_start3A_671 = tpu.memref_slice %arg4[%add3A_667] : memref<320000xi32, #tpu.memory_space<hbm>> -> memref<256xi32, #tpu.memory_space<hbm>>
        %dma_start3A_672 = tpu.memref_slice %arg12[%rem3A_665] : memref<2x!tpu.dma_semaphore, #tpu.memory_space<semaphore_mem>> -> memref<1x!tpu.dma_semaphore, #tpu.memory_space<semaphore_mem>>
        %dma_start3A_673 = tpu.memref_squeeze %dma_start3A_672 : memref<1x!tpu.dma_semaphore, #tpu.memory_space<semaphore_mem>> -> memref<!tpu.dma_semaphore, #tpu.memory_space<semaphore_mem>>
        %dma_start3A_674 = arith.constant 0 : i32
        %dma_start3A_675 = tpu.memref_slice %arg8[%rem3A_665, %dma_start3A_674] : memref<2x2048xi32, #tpu.memory_space<vmem>> -> memref<1x256xi32, #tpu.memory_space<vmem>>
        %dma_start3A_676 = tpu.memref_squeeze %dma_start3A_675 : memref<1x256xi32, #tpu.memory_space<vmem>> -> memref<256xi32, #tpu.memory_space<vmem>>
        %dma_start3A_677 = tpu.memref_slice %arg4[%add3A_667] : memref<320000xi32, #tpu.memory_space<hbm>> -> memref<256xi32, #tpu.memory_space<hbm>>
        tpu.enqueue_dma source(%dma_start3A_677 : memref<256xi32, #tpu.memory_space<hbm>>) target(%dma_start3A_676 : memref<256xi32, #tpu.memory_space<vmem>>) target_semaphore(%dma_start3A_673 : memref<!tpu.dma_semaphore, #tpu.memory_space<semaphore_mem>>)
        %dma_start3A_678 = arith.constant 0 : i32
        %dma_start3A_679 = tpu.memref_slice %arg9[%rem3A_665, %dma_start3A_678] : memref<2x2048xi32, #tpu.memory_space<vmem>> -> memref<1x256xi32, #tpu.memory_space<vmem>>
        %dma_start3A_680 = tpu.memref_squeeze %dma_start3A_679 : memref<1x256xi32, #tpu.memory_space<vmem>> -> memref<256xi32, #tpu.memory_space<vmem>>
        %dma_start3A_681 = tpu.memref_slice %arg5[%add3A_667] : memref<320000xi32, #tpu.memory_space<hbm>> -> memref<256xi32, #tpu.memory_space<hbm>>
        %dma_start3A_682 = tpu.memref_slice %arg12[%rem3A_665] : memref<2x!tpu.dma_semaphore, #tpu.memory_space<semaphore_mem>> -> memref<1x!tpu.dma_semaphore, #tpu.memory_space<semaphore_mem>>
        %dma_start3A_683 = tpu.memref_squeeze %dma_start3A_682 : memref<1x!tpu.dma_semaphore, #tpu.memory_space<semaphore_mem>> -> memref<!tpu.dma_semaphore, #tpu.memory_space<semaphore_mem>>
        %dma_start3A_684 = arith.constant 0 : i32
        %dma_start3A_685 = tpu.memref_slice %arg9[%rem3A_665, %dma_start3A_684] : memref<2x2048xi32, #tpu.memory_space<vmem>> -> memref<1x256xi32, #tpu.memory_space<vmem>>
        %dma_start3A_686 = tpu.memref_squeeze %dma_start3A_685 : memref<1x256xi32, #tpu.memory_space<vmem>> -> memref<256xi32, #tpu.memory_space<vmem>>
        %dma_start3A_687 = tpu.memref_slice %arg5[%add3A_667] : memref<320000xi32, #tpu.memory_space<hbm>> -> memref<256xi32, #tpu.memory_space<hbm>>
        tpu.enqueue_dma source(%dma_start3A_687 : memref<256xi32, #tpu.memory_space<hbm>>) target(%dma_start3A_686 : memref<256xi32, #tpu.memory_space<vmem>>) target_semaphore(%dma_start3A_683 : memref<!tpu.dma_semaphore, #tpu.memory_space<semaphore_mem>>)
      } else {
      }
      %ge3A = arith.constant 2 : i32
      %ge3A_627 = arith.cmpi sge, %scan3A_611, %ge3A : i32
      %convert_element_type3A_628 = arith.extui %ge3A_627 : i1 to i32
      %cond3A_629 = arith.constant 0 : i32
      %cond3A_630 = arith.cmpi ne, %convert_element_type3A_628, %cond3A_629 : i32
      scf.if %cond3A_630 {
        %dma_wait3A_662 = arith.constant 0 : i32
        %dma_wait3A_663 = arith.constant 0 : i32
        %dma_wait3A_664 = tpu.memref_slice %arg11[%rem3A_613, %dma_wait3A_662, %dma_wait3A_663] : memref<2x16x128xf32, #tpu.memory_space<vmem>> -> memref<1x16x128xf32, #tpu.memory_space<vmem>>
        %dma_wait3A_665 = tpu.memref_squeeze %dma_wait3A_664 : memref<1x16x128xf32, #tpu.memory_space<vmem>> -> memref<16x128xf32, #tpu.memory_space<vmem>>
        %dma_wait3A_666 = arith.constant 0 : i32
        %dma_wait3A_667 = arith.constant 0 : i32
        %dma_wait3A_668 = tpu.memref_slice %arg7[%dma_wait3A_666, %dma_wait3A_667] : memref<1280x128xf32, #tpu.memory_space<vmem_shared>> -> memref<16x128xf32, #tpu.memory_space<vmem_shared>>
        %dma_wait3A_669 = tpu.memref_slice %arg13[%rem3A_613] : memref<2x!tpu.dma_semaphore, #tpu.memory_space<semaphore_mem>> -> memref<1x!tpu.dma_semaphore, #tpu.memory_space<semaphore_mem>>
        %dma_wait3A_670 = tpu.memref_squeeze %dma_wait3A_669 : memref<1x!tpu.dma_semaphore, #tpu.memory_space<semaphore_mem>> -> memref<!tpu.dma_semaphore, #tpu.memory_space<semaphore_mem>>
        %dma_wait3A_671 = arith.constant 0 : i32
        %dma_wait3A_672 = arith.constant 0 : i32
        %dma_wait3A_673 = tpu.memref_slice %arg7[%dma_wait3A_671, %dma_wait3A_672] : memref<1280x128xf32, #tpu.memory_space<vmem_shared>> -> memref<16x128xf32, #tpu.memory_space<vmem_shared>>
        %dma_wait3A_674 = arith.constant 0 : i32
        %dma_wait3A_675 = arith.constant 0 : i32
        %dma_wait3A_676 = tpu.memref_slice %arg11[%rem3A_613, %dma_wait3A_674, %dma_wait3A_675] : memref<2x16x128xf32, #tpu.memory_space<vmem>> -> memref<1x16x128xf32, #tpu.memory_space<vmem>>
        %dma_wait3A_677 = tpu.memref_squeeze %dma_wait3A_676 : memref<1x16x128xf32, #tpu.memory_space<vmem>> -> memref<16x128xf32, #tpu.memory_space<vmem>>
        tpu.wait_dma2 semaphore(%dma_wait3A_670 : memref<!tpu.dma_semaphore, #tpu.memory_space<semaphore_mem>>) src(%dma_wait3A_677 : memref<16x128xf32, #tpu.memory_space<vmem>>) dst(%dma_wait3A_673 : memref<16x128xf32, #tpu.memory_space<vmem_shared>>)
      } else {
      }
      %lt3A_631 = arith.constant 78 : i32
      %lt3A_632 = arith.cmpi slt, %scan3A_611, %lt3A_631 : i32
      %convert_element_type3A_633 = arith.extui %lt3A_632 : i1 to i32
      %cond3A_634 = arith.constant 0 : i32
      %cond3A_635 = arith.cmpi ne, %convert_element_type3A_633, %cond3A_634 : i32
      scf.if %cond3A_635 {
        %dma_wait3A_662 = arith.constant 0 : i32
        %dma_wait3A_663 = tpu.memref_slice %arg8[%rem3A_613, %dma_wait3A_662] : memref<2x2048xi32, #tpu.memory_space<vmem>> -> memref<1x2048xi32, #tpu.memory_space<vmem>>
        %dma_wait3A_664 = tpu.memref_squeeze %dma_wait3A_663 : memref<1x2048xi32, #tpu.memory_space<vmem>> -> memref<2048xi32, #tpu.memory_space<vmem>>
        %dma_wait3A_665 = arith.constant 0 : i32
        %dma_wait3A_666 = tpu.memref_slice %arg4[%dma_wait3A_665] : memref<320000xi32, #tpu.memory_space<hbm>> -> memref<2048xi32, #tpu.memory_space<hbm>>
        %dma_wait3A_667 = tpu.memref_slice %arg12[%rem3A_613] : memref<2x!tpu.dma_semaphore, #tpu.memory_space<semaphore_mem>> -> memref<1x!tpu.dma_semaphore, #tpu.memory_space<semaphore_mem>>
        %dma_wait3A_668 = tpu.memref_squeeze %dma_wait3A_667 : memref<1x!tpu.dma_semaphore, #tpu.memory_space<semaphore_mem>> -> memref<!tpu.dma_semaphore, #tpu.memory_space<semaphore_mem>>
        %dma_wait3A_669 = arith.constant 0 : i32
        %dma_wait3A_670 = tpu.memref_slice %arg8[%rem3A_613, %dma_wait3A_669] : memref<2x2048xi32, #tpu.memory_space<vmem>> -> memref<1x2048xi32, #tpu.memory_space<vmem>>
        %dma_wait3A_671 = tpu.memref_squeeze %dma_wait3A_670 : memref<1x2048xi32, #tpu.memory_space<vmem>> -> memref<2048xi32, #tpu.memory_space<vmem>>
        %dma_wait3A_672 = arith.constant 0 : i32
        %dma_wait3A_673 = tpu.memref_slice %arg4[%dma_wait3A_672] : memref<320000xi32, #tpu.memory_space<hbm>> -> memref<2048xi32, #tpu.memory_space<hbm>>
        tpu.wait_dma2 semaphore(%dma_wait3A_668 : memref<!tpu.dma_semaphore, #tpu.memory_space<semaphore_mem>>) src(%dma_wait3A_673 : memref<2048xi32, #tpu.memory_space<hbm>>) dst(%dma_wait3A_671 : memref<2048xi32, #tpu.memory_space<vmem>>)
        %dma_wait3A_674 = arith.constant 0 : i32
        %dma_wait3A_675 = tpu.memref_slice %arg9[%rem3A_613, %dma_wait3A_674] : memref<2x2048xi32, #tpu.memory_space<vmem>> -> memref<1x2048xi32, #tpu.memory_space<vmem>>
        %dma_wait3A_676 = tpu.memref_squeeze %dma_wait3A_675 : memref<1x2048xi32, #tpu.memory_space<vmem>> -> memref<2048xi32, #tpu.memory_space<vmem>>
        %dma_wait3A_677 = arith.constant 0 : i32
        %dma_wait3A_678 = tpu.memref_slice %arg5[%dma_wait3A_677] : memref<320000xi32, #tpu.memory_space<hbm>> -> memref<2048xi32, #tpu.memory_space<hbm>>
        %dma_wait3A_679 = tpu.memref_slice %arg12[%rem3A_613] : memref<2x!tpu.dma_semaphore, #tpu.memory_space<semaphore_mem>> -> memref<1x!tpu.dma_semaphore, #tpu.memory_space<semaphore_mem>>
        %dma_wait3A_680 = tpu.memref_squeeze %dma_wait3A_679 : memref<1x!tpu.dma_semaphore, #tpu.memory_space<semaphore_mem>> -> memref<!tpu.dma_semaphore, #tpu.memory_space<semaphore_mem>>
        %dma_wait3A_681 = arith.constant 0 : i32
        %dma_wait3A_682 = tpu.memref_slice %arg9[%rem3A_613, %dma_wait3A_681] : memref<2x2048xi32, #tpu.memory_space<vmem>> -> memref<1x2048xi32, #tpu.memory_space<vmem>>
        %dma_wait3A_683 = tpu.memref_squeeze %dma_wait3A_682 : memref<1x2048xi32, #tpu.memory_space<vmem>> -> memref<2048xi32, #tpu.memory_space<vmem>>
        %dma_wait3A_684 = arith.constant 0 : i32
        %dma_wait3A_685 = tpu.memref_slice %arg5[%dma_wait3A_684] : memref<320000xi32, #tpu.memory_space<hbm>> -> memref<2048xi32, #tpu.memory_space<hbm>>
        tpu.wait_dma2 semaphore(%dma_wait3A_680 : memref<!tpu.dma_semaphore, #tpu.memory_space<semaphore_mem>>) src(%dma_wait3A_685 : memref<2048xi32, #tpu.memory_space<hbm>>) dst(%dma_wait3A_683 : memref<2048xi32, #tpu.memory_space<vmem>>)
      } else {
      }
      %eq3A_636 = arith.constant 78 : i32
      %eq3A_637 = arith.cmpi eq, %scan3A_611, %eq3A_636 : i32
      %convert_element_type3A_638 = arith.extui %eq3A_637 : i1 to i32
      %cond3A_639 = arith.constant 0 : i32
      %cond3A_640 = arith.cmpi ne, %convert_element_type3A_638, %cond3A_639 : i32
      scf.if %cond3A_640 {
        %dma_wait3A_662 = arith.constant 0 : i32
        %dma_wait3A_663 = tpu.memref_slice %arg8[%rem3A_613, %dma_wait3A_662] : memref<2x2048xi32, #tpu.memory_space<vmem>> -> memref<1x256xi32, #tpu.memory_space<vmem>>
        %dma_wait3A_664 = tpu.memref_squeeze %dma_wait3A_663 : memref<1x256xi32, #tpu.memory_space<vmem>> -> memref<256xi32, #tpu.memory_space<vmem>>
        %dma_wait3A_665 = arith.constant 0 : i32
        %dma_wait3A_666 = tpu.memref_slice %arg4[%dma_wait3A_665] : memref<320000xi32, #tpu.memory_space<hbm>> -> memref<256xi32, #tpu.memory_space<hbm>>
        %dma_wait3A_667 = tpu.memref_slice %arg12[%rem3A_613] : memref<2x!tpu.dma_semaphore, #tpu.memory_space<semaphore_mem>> -> memref<1x!tpu.dma_semaphore, #tpu.memory_space<semaphore_mem>>
        %dma_wait3A_668 = tpu.memref_squeeze %dma_wait3A_667 : memref<1x!tpu.dma_semaphore, #tpu.memory_space<semaphore_mem>> -> memref<!tpu.dma_semaphore, #tpu.memory_space<semaphore_mem>>
        %dma_wait3A_669 = arith.constant 0 : i32
        %dma_wait3A_670 = tpu.memref_slice %arg8[%rem3A_613, %dma_wait3A_669] : memref<2x2048xi32, #tpu.memory_space<vmem>> -> memref<1x256xi32, #tpu.memory_space<vmem>>
        %dma_wait3A_671 = tpu.memref_squeeze %dma_wait3A_670 : memref<1x256xi32, #tpu.memory_space<vmem>> -> memref<256xi32, #tpu.memory_space<vmem>>
        %dma_wait3A_672 = arith.constant 0 : i32
        %dma_wait3A_673 = tpu.memref_slice %arg4[%dma_wait3A_672] : memref<320000xi32, #tpu.memory_space<hbm>> -> memref<256xi32, #tpu.memory_space<hbm>>
        tpu.wait_dma2 semaphore(%dma_wait3A_668 : memref<!tpu.dma_semaphore, #tpu.memory_space<semaphore_mem>>) src(%dma_wait3A_673 : memref<256xi32, #tpu.memory_space<hbm>>) dst(%dma_wait3A_671 : memref<256xi32, #tpu.memory_space<vmem>>)
        %dma_wait3A_674 = arith.constant 0 : i32
        %dma_wait3A_675 = tpu.memref_slice %arg9[%rem3A_613, %dma_wait3A_674] : memref<2x2048xi32, #tpu.memory_space<vmem>> -> memref<1x256xi32, #tpu.memory_space<vmem>>
        %dma_wait3A_676 = tpu.memref_squeeze %dma_wait3A_675 : memref<1x256xi32, #tpu.memory_space<vmem>> -> memref<256xi32, #tpu.memory_space<vmem>>
        %dma_wait3A_677 = arith.constant 0 : i32
        %dma_wait3A_678 = tpu.memref_slice %arg5[%dma_wait3A_677] : memref<320000xi32, #tpu.memory_space<hbm>> -> memref<256xi32, #tpu.memory_space<hbm>>
        %dma_wait3A_679 = tpu.memref_slice %arg12[%rem3A_613] : memref<2x!tpu.dma_semaphore, #tpu.memory_space<semaphore_mem>> -> memref<1x!tpu.dma_semaphore, #tpu.memory_space<semaphore_mem>>
        %dma_wait3A_680 = tpu.memref_squeeze %dma_wait3A_679 : memref<1x!tpu.dma_semaphore, #tpu.memory_space<semaphore_mem>> -> memref<!tpu.dma_semaphore, #tpu.memory_space<semaphore_mem>>
        %dma_wait3A_681 = arith.constant 0 : i32
        %dma_wait3A_682 = tpu.memref_slice %arg9[%rem3A_613, %dma_wait3A_681] : memref<2x2048xi32, #tpu.memory_space<vmem>> -> memref<1x256xi32, #tpu.memory_space<vmem>>
        %dma_wait3A_683 = tpu.memref_squeeze %dma_wait3A_682 : memref<1x256xi32, #tpu.memory_space<vmem>> -> memref<256xi32, #tpu.memory_space<vmem>>
        %dma_wait3A_684 = arith.constant 0 : i32
        %dma_wait3A_685 = tpu.memref_slice %arg5[%dma_wait3A_684] : memref<320000xi32, #tpu.memory_space<hbm>> -> memref<256xi32, #tpu.memory_space<hbm>>
        tpu.wait_dma2 semaphore(%dma_wait3A_680 : memref<!tpu.dma_semaphore, #tpu.memory_space<semaphore_mem>>) src(%dma_wait3A_685 : memref<256xi32, #tpu.memory_space<hbm>>) dst(%dma_wait3A_683 : memref<256xi32, #tpu.memory_space<vmem>>)
      } else {
      }
      %scan3A_641 = arith.constant 0 : i32
      %scan3A_642 = arith.constant 0 : i32
      %scan3A_643 = arith.constant 8 : i32
      %scan3A_644 = arith.addi %scan3A_642, %scan3A_643 : i32
      %scan3A_645 = arith.constant 1 : i32
      %scan3A_646 = scf.for %scan3A_662 = %scan3A_642 to %scan3A_644 step %scan3A_645 iter_args(%scan3A_663 = %scan3A_641) -> (i32)  : i32 {
        %mul3A_664 = arith.constant 16 : i32
        %mul3A_665 = arith.muli %scan3A_662, %mul3A_664 : i32
        %add3A_666 = arith.constant 0 : i32
        %add3A_667 = arith.addi %mul3A_665, %add3A_666 : i32
        %mul3A_668 = arith.constant 16 : i32
        %mul3A_669 = arith.muli %add3A_667, %mul3A_668 : i32
        %get3A = arith.index_cast %rem3A_613 : i32 to index
        %get3A_670 = arith.index_cast %mul3A_669 : i32 to index
        %get3A_671 = tpu.vector_load %arg8[%get3A, %get3A_670] {strides = array<i32>} : memref<2x2048xi32, #tpu.memory_space<vmem>>, vector<16xi32>,
        %mul3A_672 = arith.constant 16 : i32
        %mul3A_673 = arith.muli %add3A_667, %mul3A_672 : i32
        %get3A_674 = arith.index_cast %rem3A_613 : i32 to index
        %get3A_675 = arith.index_cast %mul3A_673 : i32 to index
        %get3A_676 = tpu.vector_load %arg9[%get3A_674, %get3A_675] {strides = array<i32>} : memref<2x2048xi32, #tpu.memory_space<vmem>>, vector<16xi32>,
        %gather3A = arith.constant 0 : i32
        %gather3A_677 = arith.constant 0 : i32
        %gather3A_678 = tpu.memref_slice %arg14[%gather3A, %gather3A_677] : memref<4x10000xi32, #tpu.memory_space<vmem>> -> memref<1x10000xi32, #tpu.memory_space<vmem>>
        %gather3A_679 = tpu.memref_squeeze %gather3A_678 : memref<1x10000xi32, #tpu.memory_space<vmem>> -> memref<10000xi32, #tpu.memory_space<vmem>>
        %gather3A_680 = tpu.vector_load_idx %gather3A_679[%get3A_671] : memref<10000xi32, #tpu.memory_space<vmem>>[vector<16xi32>], vector<16xi32>,
        %gather3A_681 = arith.constant 0 : i32
        %gather3A_682 = arith.constant 0 : i32
        %gather3A_683 = tpu.memref_slice %arg10[%gather3A_681, %gather3A_682] : memref<4x10000xi32, #tpu.memory_space<vmem>> -> memref<1x10000xi32, #tpu.memory_space<vmem>>
        %gather3A_684 = tpu.memref_squeeze %gather3A_683 : memref<1x10000xi32, #tpu.memory_space<vmem>> -> memref<10000xi32, #tpu.memory_space<vmem>>
        %gather3A_685 = tpu.vector_load_idx %gather3A_684[%get3A_676] : memref<10000xi32, #tpu.memory_space<vmem>>[vector<16xi32>], vector<16xi32>,
        %gather3A_686 = arith.constant 1 : i32
        %gather3A_687 = arith.constant 0 : i32
        %gather3A_688 = tpu.memref_slice %arg14[%gather3A_686, %gather3A_687] : memref<4x10000xi32, #tpu.memory_space<vmem>> -> memref<1x10000xi32, #tpu.memory_space<vmem>>
        %gather3A_689 = tpu.memref_squeeze %gather3A_688 : memref<1x10000xi32, #tpu.memory_space<vmem>> -> memref<10000xi32, #tpu.memory_space<vmem>>
        %gather3A_690 = tpu.vector_load_idx %gather3A_689[%get3A_671] : memref<10000xi32, #tpu.memory_space<vmem>>[vector<16xi32>], vector<16xi32>,
        %gather3A_691 = arith.constant 1 : i32
        %gather3A_692 = arith.constant 0 : i32
        %gather3A_693 = tpu.memref_slice %arg10[%gather3A_691, %gather3A_692] : memref<4x10000xi32, #tpu.memory_space<vmem>> -> memref<1x10000xi32, #tpu.memory_space<vmem>>
        %gather3A_694 = tpu.memref_squeeze %gather3A_693 : memref<1x10000xi32, #tpu.memory_space<vmem>> -> memref<10000xi32, #tpu.memory_space<vmem>>
        %gather3A_695 = tpu.vector_load_idx %gather3A_694[%get3A_676] : memref<10000xi32, #tpu.memory_space<vmem>>[vector<16xi32>], vector<16xi32>,
        %gather3A_696 = arith.constant 2 : i32
        %gather3A_697 = arith.constant 0 : i32
        %gather3A_698 = tpu.memref_slice %arg14[%gather3A_696, %gather3A_697] : memref<4x10000xi32, #tpu.memory_space<vmem>> -> memref<1x10000xi32, #tpu.memory_space<vmem>>
        %gather3A_699 = tpu.memref_squeeze %gather3A_698 : memref<1x10000xi32, #tpu.memory_space<vmem>> -> memref<10000xi32, #tpu.memory_space<vmem>>
        %gather3A_700 = tpu.vector_load_idx %gather3A_699[%get3A_671] : memref<10000xi32, #tpu.memory_space<vmem>>[vector<16xi32>], vector<16xi32>,
        %gather3A_701 = arith.constant 2 : i32
        %gather3A_702 = arith.constant 0 : i32
        %gather3A_703 = tpu.memref_slice %arg10[%gather3A_701, %gather3A_702] : memref<4x10000xi32, #tpu.memory_space<vmem>> -> memref<1x10000xi32, #tpu.memory_space<vmem>>
        %gather3A_704 = tpu.memref_squeeze %gather3A_703 : memref<1x10000xi32, #tpu.memory_space<vmem>> -> memref<10000xi32, #tpu.memory_space<vmem>>
        %gather3A_705 = tpu.vector_load_idx %gather3A_704[%get3A_676] : memref<10000xi32, #tpu.memory_space<vmem>>[vector<16xi32>], vector<16xi32>,
        %gather3A_706 = arith.constant 3 : i32
        %gather3A_707 = arith.constant 0 : i32
        %gather3A_708 = tpu.memref_slice %arg14[%gather3A_706, %gather3A_707] : memref<4x10000xi32, #tpu.memory_space<vmem>> -> memref<1x10000xi32, #tpu.memory_space<vmem>>
        %gather3A_709 = tpu.memref_squeeze %gather3A_708 : memref<1x10000xi32, #tpu.memory_space<vmem>> -> memref<10000xi32, #tpu.memory_space<vmem>>
        %gather3A_710 = tpu.vector_load_idx %gather3A_709[%get3A_671] : memref<10000xi32, #tpu.memory_space<vmem>>[vector<16xi32>], vector<16xi32>,
        %gather3A_711 = arith.constant 3 : i32
        %gather3A_712 = arith.constant 0 : i32
        %gather3A_713 = tpu.memref_slice %arg10[%gather3A_711, %gather3A_712] : memref<4x10000xi32, #tpu.memory_space<vmem>> -> memref<1x10000xi32, #tpu.memory_space<vmem>>
        %gather3A_714 = tpu.memref_squeeze %gather3A_713 : memref<1x10000xi32, #tpu.memory_space<vmem>> -> memref<10000xi32, #tpu.memory_space<vmem>>
        %gather3A_715 = tpu.vector_load_idx %gather3A_714[%get3A_676] : memref<10000xi32, #tpu.memory_space<vmem>>[vector<16xi32>], vector<16xi32>,
        %mul3A_716 = arith.constant 16 : i32
        %mul3A_717 = arith.muli %scan3A_662, %mul3A_716 : i32
        %add3A_718 = arith.constant 1 : i32
        %add3A_719 = arith.addi %mul3A_717, %add3A_718 : i32
        %mul3A_720 = arith.constant 16 : i32
        %mul3A_721 = arith.muli %add3A_719, %mul3A_720 : i32
        %get3A_722 = arith.index_cast %rem3A_613 : i32 to index
        %get3A_723 = arith.index_cast %mul3A_721 : i32 to index
        %get3A_724 = tpu.vector_load %arg8[%get3A_722, %get3A_723] {strides = array<i32>} : memref<2x2048xi32, #tpu.memory_space<vmem>>, vector<16xi32>,
        %mul3A_725 = arith.constant 16 : i32
        %mul3A_726 = arith.muli %add3A_719, %mul3A_725 : i32
        %get3A_727 = arith.index_cast %rem3A_613 : i32 to index
        %get3A_728 = arith.index_cast %mul3A_726 : i32 to index
        %get3A_729 = tpu.vector_load %arg9[%get3A_727, %get3A_728] {strides = array<i32>} : memref<2x2048xi32, #tpu.memory_space<vmem>>, vector<16xi32>,
        %gather3A_730 = arith.constant 0 : i32
        %gather3A_731 = arith.constant 0 : i32
        %gather3A_732 = tpu.memref_slice %arg14[%gather3A_730, %gather3A_731] : memref<4x10000xi32, #tpu.memory_space<vmem>> -> memref<1x10000xi32, #tpu.memory_space<vmem>>
        %gather3A_733 = tpu.memref_squeeze %gather3A_732 : memref<1x10000xi32, #tpu.memory_space<vmem>> -> memref<10000xi32, #tpu.memory_space<vmem>>
        %gather3A_734 = tpu.vector_load_idx %gather3A_733[%get3A_724] : memref<10000xi32, #tpu.memory_space<vmem>>[vector<16xi32>], vector<16xi32>,
        %gather3A_735 = arith.constant 0 : i32
        %gather3A_736 = arith.constant 0 : i32
        %gather3A_737 = tpu.memref_slice %arg10[%gather3A_735, %gather3A_736] : memref<4x10000xi32, #tpu.memory_space<vmem>> -> memref<1x10000xi32, #tpu.memory_space<vmem>>
        %gather3A_738 = tpu.memref_squeeze %gather3A_737 : memref<1x10000xi32, #tpu.memory_space<vmem>> -> memref<10000xi32, #tpu.memory_space<vmem>>
        %gather3A_739 = tpu.vector_load_idx %gather3A_738[%get3A_729] : memref<10000xi32, #tpu.memory_space<vmem>>[vector<16xi32>], vector<16xi32>,
        %gather3A_740 = arith.constant 1 : i32
        %gather3A_741 = arith.constant 0 : i32
        %gather3A_742 = tpu.memref_slice %arg14[%gather3A_740, %gather3A_741] : memref<4x10000xi32, #tpu.memory_space<vmem>> -> memref<1x10000xi32, #tpu.memory_space<vmem>>
        %gather3A_743 = tpu.memref_squeeze %gather3A_742 : memref<1x10000xi32, #tpu.memory_space<vmem>> -> memref<10000xi32, #tpu.memory_space<vmem>>
        %gather3A_744 = tpu.vector_load_idx %gather3A_743[%get3A_724] : memref<10000xi32, #tpu.memory_space<vmem>>[vector<16xi32>], vector<16xi32>,
        %gather3A_745 = arith.constant 1 : i32
        %gather3A_746 = arith.constant 0 : i32
        %gather3A_747 = tpu.memref_slice %arg10[%gather3A_745, %gather3A_746] : memref<4x10000xi32, #tpu.memory_space<vmem>> -> memref<1x10000xi32, #tpu.memory_space<vmem>>
        %gather3A_748 = tpu.memref_squeeze %gather3A_747 : memref<1x10000xi32, #tpu.memory_space<vmem>> -> memref<10000xi32, #tpu.memory_space<vmem>>
        %gather3A_749 = tpu.vector_load_idx %gather3A_748[%get3A_729] : memref<10000xi32, #tpu.memory_space<vmem>>[vector<16xi32>], vector<16xi32>,
        %gather3A_750 = arith.constant 2 : i32
        %gather3A_751 = arith.constant 0 : i32
        %gather3A_752 = tpu.memref_slice %arg14[%gather3A_750, %gather3A_751] : memref<4x10000xi32, #tpu.memory_space<vmem>> -> memref<1x10000xi32, #tpu.memory_space<vmem>>
        %gather3A_753 = tpu.memref_squeeze %gather3A_752 : memref<1x10000xi32, #tpu.memory_space<vmem>> -> memref<10000xi32, #tpu.memory_space<vmem>>
        %gather3A_754 = tpu.vector_load_idx %gather3A_753[%get3A_724] : memref<10000xi32, #tpu.memory_space<vmem>>[vector<16xi32>], vector<16xi32>,
        %gather3A_755 = arith.constant 2 : i32
        %gather3A_756 = arith.constant 0 : i32
        %gather3A_757 = tpu.memref_slice %arg10[%gather3A_755, %gather3A_756] : memref<4x10000xi32, #tpu.memory_space<vmem>> -> memref<1x10000xi32, #tpu.memory_space<vmem>>
        %gather3A_758 = tpu.memref_squeeze %gather3A_757 : memref<1x10000xi32, #tpu.memory_space<vmem>> -> memref<10000xi32, #tpu.memory_space<vmem>>
        %gather3A_759 = tpu.vector_load_idx %gather3A_758[%get3A_729] : memref<10000xi32, #tpu.memory_space<vmem>>[vector<16xi32>], vector<16xi32>,
        %gather3A_760 = arith.constant 3 : i32
        %gather3A_761 = arith.constant 0 : i32
        %gather3A_762 = tpu.memref_slice %arg14[%gather3A_760, %gather3A_761] : memref<4x10000xi32, #tpu.memory_space<vmem>> -> memref<1x10000xi32, #tpu.memory_space<vmem>>
        %gather3A_763 = tpu.memref_squeeze %gather3A_762 : memref<1x10000xi32, #tpu.memory_space<vmem>> -> memref<10000xi32, #tpu.memory_space<vmem>>
        %gather3A_764 = tpu.vector_load_idx %gather3A_763[%get3A_724] : memref<10000xi32, #tpu.memory_space<vmem>>[vector<16xi32>], vector<16xi32>,
        %gather3A_765 = arith.constant 3 : i32
        %gather3A_766 = arith.constant 0 : i32
        %gather3A_767 = tpu.memref_slice %arg10[%gather3A_765, %gather3A_766] : memref<4x10000xi32, #tpu.memory_space<vmem>> -> memref<1x10000xi32, #tpu.memory_space<vmem>>
        %gather3A_768 = tpu.memref_squeeze %gather3A_767 : memref<1x10000xi32, #tpu.memory_space<vmem>> -> memref<10000xi32, #tpu.memory_space<vmem>>
        %gather3A_769 = tpu.vector_load_idx %gather3A_768[%get3A_729] : memref<10000xi32, #tpu.memory_space<vmem>>[vector<16xi32>], vector<16xi32>,
        %mul3A_770 = arith.constant 16 : i32
        %mul3A_771 = arith.muli %scan3A_662, %mul3A_770 : i32
        %add3A_772 = arith.constant 2 : i32
        %add3A_773 = arith.addi %mul3A_771, %add3A_772 : i32
        %mul3A_774 = arith.constant 16 : i32
        %mul3A_775 = arith.muli %add3A_773, %mul3A_774 : i32
        %get3A_776 = arith.index_cast %rem3A_613 : i32 to index
        %get3A_777 = arith.index_cast %mul3A_775 : i32 to index
        %get3A_778 = tpu.vector_load %arg8[%get3A_776, %get3A_777] {strides = array<i32>} : memref<2x2048xi32, #tpu.memory_space<vmem>>, vector<16xi32>,
        %mul3A_779 = arith.constant 16 : i32
        %mul3A_780 = arith.muli %add3A_773, %mul3A_779 : i32
        %get3A_781 = arith.index_cast %rem3A_613 : i32 to index
        %get3A_782 = arith.index_cast %mul3A_780 : i32 to index
        %get3A_783 = tpu.vector_load %arg9[%get3A_781, %get3A_782] {strides = array<i32>} : memref<2x2048xi32, #tpu.memory_space<vmem>>, vector<16xi32>,
        %gather3A_784 = arith.constant 0 : i32
        %gather3A_785 = arith.constant 0 : i32
        %gather3A_786 = tpu.memref_slice %arg14[%gather3A_784, %gather3A_785] : memref<4x10000xi32, #tpu.memory_space<vmem>> -> memref<1x10000xi32, #tpu.memory_space<vmem>>
        %gather3A_787 = tpu.memref_squeeze %gather3A_786 : memref<1x10000xi32, #tpu.memory_space<vmem>> -> memref<10000xi32, #tpu.memory_space<vmem>>
        %gather3A_788 = tpu.vector_load_idx %gather3A_787[%get3A_778] : memref<10000xi32, #tpu.memory_space<vmem>>[vector<16xi32>], vector<16xi32>,
        %gather3A_789 = arith.constant 0 : i32
        %gather3A_790 = arith.constant 0 : i32
        %gather3A_791 = tpu.memref_slice %arg10[%gather3A_789, %gather3A_790] : memref<4x10000xi32, #tpu.memory_space<vmem>> -> memref<1x10000xi32, #tpu.memory_space<vmem>>
        %gather3A_792 = tpu.memref_squeeze %gather3A_791 : memref<1x10000xi32, #tpu.memory_space<vmem>> -> memref<10000xi32, #tpu.memory_space<vmem>>
        %gather3A_793 = tpu.vector_load_idx %gather3A_792[%get3A_783] : memref<10000xi32, #tpu.memory_space<vmem>>[vector<16xi32>], vector<16xi32>,
        %gather3A_794 = arith.constant 1 : i32
        %gather3A_795 = arith.constant 0 : i32
        %gather3A_796 = tpu.memref_slice %arg14[%gather3A_794, %gather3A_795] : memref<4x10000xi32, #tpu.memory_space<vmem>> -> memref<1x10000xi32, #tpu.memory_space<vmem>>
        %gather3A_797 = tpu.memref_squeeze %gather3A_796 : memref<1x10000xi32, #tpu.memory_space<vmem>> -> memref<10000xi32, #tpu.memory_space<vmem>>
        %gather3A_798 = tpu.vector_load_idx %gather3A_797[%get3A_778] : memref<10000xi32, #tpu.memory_space<vmem>>[vector<16xi32>], vector<16xi32>,
        %gather3A_799 = arith.constant 1 : i32
        %gather3A_800 = arith.constant 0 : i32
        %gather3A_801 = tpu.memref_slice %arg10[%gather3A_799, %gather3A_800] : memref<4x10000xi32, #tpu.memory_space<vmem>> -> memref<1x10000xi32, #tpu.memory_space<vmem>>
        %gather3A_802 = tpu.memref_squeeze %gather3A_801 : memref<1x10000xi32, #tpu.memory_space<vmem>> -> memref<10000xi32, #tpu.memory_space<vmem>>
        %gather3A_803 = tpu.vector_load_idx %gather3A_802[%get3A_783] : memref<10000xi32, #tpu.memory_space<vmem>>[vector<16xi32>], vector<16xi32>,
        %gather3A_804 = arith.constant 2 : i32
        %gather3A_805 = arith.constant 0 : i32
        %gather3A_806 = tpu.memref_slice %arg14[%gather3A_804, %gather3A_805] : memref<4x10000xi32, #tpu.memory_space<vmem>> -> memref<1x10000xi32, #tpu.memory_space<vmem>>
        %gather3A_807 = tpu.memref_squeeze %gather3A_806 : memref<1x10000xi32, #tpu.memory_space<vmem>> -> memref<10000xi32, #tpu.memory_space<vmem>>
        %gather3A_808 = tpu.vector_load_idx %gather3A_807[%get3A_778] : memref<10000xi32, #tpu.memory_space<vmem>>[vector<16xi32>], vector<16xi32>,
        %gather3A_809 = arith.constant 2 : i32
        %gather3A_810 = arith.constant 0 : i32
        %gather3A_811 = tpu.memref_slice %arg10[%gather3A_809, %gather3A_810] : memref<4x10000xi32, #tpu.memory_space<vmem>> -> memref<1x10000xi32, #tpu.memory_space<vmem>>
        %gather3A_812 = tpu.memref_squeeze %gather3A_811 : memref<1x10000xi32, #tpu.memory_space<vmem>> -> memref<10000xi32, #tpu.memory_space<vmem>>
        %gather3A_813 = tpu.vector_load_idx %gather3A_812[%get3A_783] : memref<10000xi32, #tpu.memory_space<vmem>>[vector<16xi32>], vector<16xi32>,
        %gather3A_814 = arith.constant 3 : i32
        %gather3A_815 = arith.constant 0 : i32
        %gather3A_816 = tpu.memref_slice %arg14[%gather3A_814, %gather3A_815] : memref<4x10000xi32, #tpu.memory_space<vmem>> -> memref<1x10000xi32, #tpu.memory_space<vmem>>
        %gather3A_817 = tpu.memref_squeeze %gather3A_816 : memref<1x10000xi32, #tpu.memory_space<vmem>> -> memref<10000xi32, #tpu.memory_space<vmem>>
        %gather3A_818 = tpu.vector_load_idx %gather3A_817[%get3A_778] : memref<10000xi32, #tpu.memory_space<vmem>>[vector<16xi32>], vector<16xi32>,
        %gather3A_819 = arith.constant 3 : i32
        %gather3A_820 = arith.constant 0 : i32
        %gather3A_821 = tpu.memref_slice %arg10[%gather3A_819, %gather3A_820] : memref<4x10000xi32, #tpu.memory_space<vmem>> -> memref<1x10000xi32, #tpu.memory_space<vmem>>
        %gather3A_822 = tpu.memref_squeeze %gather3A_821 : memref<1x10000xi32, #tpu.memory_space<vmem>> -> memref<10000xi32, #tpu.memory_space<vmem>>
        %gather3A_823 = tpu.vector_load_idx %gather3A_822[%get3A_783] : memref<10000xi32, #tpu.memory_space<vmem>>[vector<16xi32>], vector<16xi32>,
        %mul3A_824 = arith.constant 16 : i32
        %mul3A_825 = arith.muli %scan3A_662, %mul3A_824 : i32
        %add3A_826 = arith.constant 3 : i32
        %add3A_827 = arith.addi %mul3A_825, %add3A_826 : i32
        %mul3A_828 = arith.constant 16 : i32
        %mul3A_829 = arith.muli %add3A_827, %mul3A_828 : i32
        %get3A_830 = arith.index_cast %rem3A_613 : i32 to index
        %get3A_831 = arith.index_cast %mul3A_829 : i32 to index
        %get3A_832 = tpu.vector_load %arg8[%get3A_830, %get3A_831] {strides = array<i32>} : memref<2x2048xi32, #tpu.memory_space<vmem>>, vector<16xi32>,
        %mul3A_833 = arith.constant 16 : i32
        %mul3A_834 = arith.muli %add3A_827, %mul3A_833 : i32
        %get3A_835 = arith.index_cast %rem3A_613 : i32 to index
        %get3A_836 = arith.index_cast %mul3A_834 : i32 to index
        %get3A_837 = tpu.vector_load %arg9[%get3A_835, %get3A_836] {strides = array<i32>} : memref<2x2048xi32, #tpu.memory_space<vmem>>, vector<16xi32>,
        %gather3A_838 = arith.constant 0 : i32
        %gather3A_839 = arith.constant 0 : i32
        %gather3A_840 = tpu.memref_slice %arg14[%gather3A_838, %gather3A_839] : memref<4x10000xi32, #tpu.memory_space<vmem>> -> memref<1x10000xi32, #tpu.memory_space<vmem>>
        %gather3A_841 = tpu.memref_squeeze %gather3A_840 : memref<1x10000xi32, #tpu.memory_space<vmem>> -> memref<10000xi32, #tpu.memory_space<vmem>>
        %gather3A_842 = tpu.vector_load_idx %gather3A_841[%get3A_832] : memref<10000xi32, #tpu.memory_space<vmem>>[vector<16xi32>], vector<16xi32>,
        %gather3A_843 = arith.constant 0 : i32
        %gather3A_844 = arith.constant 0 : i32
        %gather3A_845 = tpu.memref_slice %arg10[%gather3A_843, %gather3A_844] : memref<4x10000xi32, #tpu.memory_space<vmem>> -> memref<1x10000xi32, #tpu.memory_space<vmem>>
        %gather3A_846 = tpu.memref_squeeze %gather3A_845 : memref<1x10000xi32, #tpu.memory_space<vmem>> -> memref<10000xi32, #tpu.memory_space<vmem>>
        %gather3A_847 = tpu.vector_load_idx %gather3A_846[%get3A_837] : memref<10000xi32, #tpu.memory_space<vmem>>[vector<16xi32>], vector<16xi32>,
        %gather3A_848 = arith.constant 1 : i32
        %gather3A_849 = arith.constant 0 : i32
        %gather3A_850 = tpu.memref_slice %arg14[%gather3A_848, %gather3A_849] : memref<4x10000xi32, #tpu.memory_space<vmem>> -> memref<1x10000xi32, #tpu.memory_space<vmem>>
        %gather3A_851 = tpu.memref_squeeze %gather3A_850 : memref<1x10000xi32, #tpu.memory_space<vmem>> -> memref<10000xi32, #tpu.memory_space<vmem>>
        %gather3A_852 = tpu.vector_load_idx %gather3A_851[%get3A_832] : memref<10000xi32, #tpu.memory_space<vmem>>[vector<16xi32>], vector<16xi32>,
        %gather3A_853 = arith.constant 1 : i32
        %gather3A_854 = arith.constant 0 : i32
        %gather3A_855 = tpu.memref_slice %arg10[%gather3A_853, %gather3A_854] : memref<4x10000xi32, #tpu.memory_space<vmem>> -> memref<1x10000xi32, #tpu.memory_space<vmem>>
        %gather3A_856 = tpu.memref_squeeze %gather3A_855 : memref<1x10000xi32, #tpu.memory_space<vmem>> -> memref<10000xi32, #tpu.memory_space<vmem>>
        %gather3A_857 = tpu.vector_load_idx %gather3A_856[%get3A_837] : memref<10000xi32, #tpu.memory_space<vmem>>[vector<16xi32>], vector<16xi32>,
        %gather3A_858 = arith.constant 2 : i32
        %gather3A_859 = arith.constant 0 : i32
        %gather3A_860 = tpu.memref_slice %arg14[%gather3A_858, %gather3A_859] : memref<4x10000xi32, #tpu.memory_space<vmem>> -> memref<1x10000xi32, #tpu.memory_space<vmem>>
        %gather3A_861 = tpu.memref_squeeze %gather3A_860 : memref<1x10000xi32, #tpu.memory_space<vmem>> -> memref<10000xi32, #tpu.memory_space<vmem>>
        %gather3A_862 = tpu.vector_load_idx %gather3A_861[%get3A_832] : memref<10000xi32, #tpu.memory_space<vmem>>[vector<16xi32>], vector<16xi32>,
        %gather3A_863 = arith.constant 2 : i32
        %gather3A_864 = arith.constant 0 : i32
        %gather3A_865 = tpu.memref_slice %arg10[%gather3A_863, %gather3A_864] : memref<4x10000xi32, #tpu.memory_space<vmem>> -> memref<1x10000xi32, #tpu.memory_space<vmem>>
        %gather3A_866 = tpu.memref_squeeze %gather3A_865 : memref<1x10000xi32, #tpu.memory_space<vmem>> -> memref<10000xi32, #tpu.memory_space<vmem>>
        %gather3A_867 = tpu.vector_load_idx %gather3A_866[%get3A_837] : memref<10000xi32, #tpu.memory_space<vmem>>[vector<16xi32>], vector<16xi32>,
        %gather3A_868 = arith.constant 3 : i32
        %gather3A_869 = arith.constant 0 : i32
        %gather3A_870 = tpu.memref_slice %arg14[%gather3A_868, %gather3A_869] : memref<4x10000xi32, #tpu.memory_space<vmem>> -> memref<1x10000xi32, #tpu.memory_space<vmem>>
        %gather3A_871 = tpu.memref_squeeze %gather3A_870 : memref<1x10000xi32, #tpu.memory_space<vmem>> -> memref<10000xi32, #tpu.memory_space<vmem>>
        %gather3A_872 = tpu.vector_load_idx %gather3A_871[%get3A_832] : memref<10000xi32, #tpu.memory_space<vmem>>[vector<16xi32>], vector<16xi32>,
        %gather3A_873 = arith.constant 3 : i32
        %gather3A_874 = arith.constant 0 : i32
        %gather3A_875 = tpu.memref_slice %arg10[%gather3A_873, %gather3A_874] : memref<4x10000xi32, #tpu.memory_space<vmem>> -> memref<1x10000xi32, #tpu.memory_space<vmem>>
        %gather3A_876 = tpu.memref_squeeze %gather3A_875 : memref<1x10000xi32, #tpu.memory_space<vmem>> -> memref<10000xi32, #tpu.memory_space<vmem>>
        %gather3A_877 = tpu.vector_load_idx %gather3A_876[%get3A_837] : memref<10000xi32, #tpu.memory_space<vmem>>[vector<16xi32>], vector<16xi32>,
        %mul3A_878 = arith.constant 16 : i32
        %mul3A_879 = arith.muli %scan3A_662, %mul3A_878 : i32
        %add3A_880 = arith.constant 4 : i32
        %add3A_881 = arith.addi %mul3A_879, %add3A_880 : i32
        %mul3A_882 = arith.constant 16 : i32
        %mul3A_883 = arith.muli %add3A_881, %mul3A_882 : i32
        %get3A_884 = arith.index_cast %rem3A_613 : i32 to index
        %get3A_885 = arith.index_cast %mul3A_883 : i32 to index
        %get3A_886 = tpu.vector_load %arg8[%get3A_884, %get3A_885] {strides = array<i32>} : memref<2x2048xi32, #tpu.memory_space<vmem>>, vector<16xi32>,
        %mul3A_887 = arith.constant 16 : i32
        %mul3A_888 = arith.muli %add3A_881, %mul3A_887 : i32
        %get3A_889 = arith.index_cast %rem3A_613 : i32 to index
        %get3A_890 = arith.index_cast %mul3A_888 : i32 to index
        %get3A_891 = tpu.vector_load %arg9[%get3A_889, %get3A_890] {strides = array<i32>} : memref<2x2048xi32, #tpu.memory_space<vmem>>, vector<16xi32>,
        %gather3A_892 = arith.constant 0 : i32
        %gather3A_893 = arith.constant 0 : i32
        %gather3A_894 = tpu.memref_slice %arg14[%gather3A_892, %gather3A_893] : memref<4x10000xi32, #tpu.memory_space<vmem>> -> memref<1x10000xi32, #tpu.memory_space<vmem>>
        %gather3A_895 = tpu.memref_squeeze %gather3A_894 : memref<1x10000xi32, #tpu.memory_space<vmem>> -> memref<10000xi32, #tpu.memory_space<vmem>>
        %gather3A_896 = tpu.vector_load_idx %gather3A_895[%get3A_886] : memref<10000xi32, #tpu.memory_space<vmem>>[vector<16xi32>], vector<16xi32>,
        %gather3A_897 = arith.constant 0 : i32
        %gather3A_898 = arith.constant 0 : i32
        %gather3A_899 = tpu.memref_slice %arg10[%gather3A_897, %gather3A_898] : memref<4x10000xi32, #tpu.memory_space<vmem>> -> memref<1x10000xi32, #tpu.memory_space<vmem>>
        %gather3A_900 = tpu.memref_squeeze %gather3A_899 : memref<1x10000xi32, #tpu.memory_space<vmem>> -> memref<10000xi32, #tpu.memory_space<vmem>>
        %gather3A_901 = tpu.vector_load_idx %gather3A_900[%get3A_891] : memref<10000xi32, #tpu.memory_space<vmem>>[vector<16xi32>], vector<16xi32>,
        %gather3A_902 = arith.constant 1 : i32
        %gather3A_903 = arith.constant 0 : i32
        %gather3A_904 = tpu.memref_slice %arg14[%gather3A_902, %gather3A_903] : memref<4x10000xi32, #tpu.memory_space<vmem>> -> memref<1x10000xi32, #tpu.memory_space<vmem>>
        %gather3A_905 = tpu.memref_squeeze %gather3A_904 : memref<1x10000xi32, #tpu.memory_space<vmem>> -> memref<10000xi32, #tpu.memory_space<vmem>>
        %gather3A_906 = tpu.vector_load_idx %gather3A_905[%get3A_886] : memref<10000xi32, #tpu.memory_space<vmem>>[vector<16xi32>], vector<16xi32>,
        %gather3A_907 = arith.constant 1 : i32
        %gather3A_908 = arith.constant 0 : i32
        %gather3A_909 = tpu.memref_slice %arg10[%gather3A_907, %gather3A_908] : memref<4x10000xi32, #tpu.memory_space<vmem>> -> memref<1x10000xi32, #tpu.memory_space<vmem>>
        %gather3A_910 = tpu.memref_squeeze %gather3A_909 : memref<1x10000xi32, #tpu.memory_space<vmem>> -> memref<10000xi32, #tpu.memory_space<vmem>>
        %gather3A_911 = tpu.vector_load_idx %gather3A_910[%get3A_891] : memref<10000xi32, #tpu.memory_space<vmem>>[vector<16xi32>], vector<16xi32>,
        %gather3A_912 = arith.constant 2 : i32
        %gather3A_913 = arith.constant 0 : i32
        %gather3A_914 = tpu.memref_slice %arg14[%gather3A_912, %gather3A_913] : memref<4x10000xi32, #tpu.memory_space<vmem>> -> memref<1x10000xi32, #tpu.memory_space<vmem>>
        %gather3A_915 = tpu.memref_squeeze %gather3A_914 : memref<1x10000xi32, #tpu.memory_space<vmem>> -> memref<10000xi32, #tpu.memory_space<vmem>>
        %gather3A_916 = tpu.vector_load_idx %gather3A_915[%get3A_886] : memref<10000xi32, #tpu.memory_space<vmem>>[vector<16xi32>], vector<16xi32>,
        %gather3A_917 = arith.constant 2 : i32
        %gather3A_918 = arith.constant 0 : i32
        %gather3A_919 = tpu.memref_slice %arg10[%gather3A_917, %gather3A_918] : memref<4x10000xi32, #tpu.memory_space<vmem>> -> memref<1x10000xi32, #tpu.memory_space<vmem>>
        %gather3A_920 = tpu.memref_squeeze %gather3A_919 : memref<1x10000xi32, #tpu.memory_space<vmem>> -> memref<10000xi32, #tpu.memory_space<vmem>>
        %gather3A_921 = tpu.vector_load_idx %gather3A_920[%get3A_891] : memref<10000xi32, #tpu.memory_space<vmem>>[vector<16xi32>], vector<16xi32>,
        %gather3A_922 = arith.constant 3 : i32
        %gather3A_923 = arith.constant 0 : i32
        %gather3A_924 = tpu.memref_slice %arg14[%gather3A_922, %gather3A_923] : memref<4x10000xi32, #tpu.memory_space<vmem>> -> memref<1x10000xi32, #tpu.memory_space<vmem>>
        %gather3A_925 = tpu.memref_squeeze %gather3A_924 : memref<1x10000xi32, #tpu.memory_space<vmem>> -> memref<10000xi32, #tpu.memory_space<vmem>>
        %gather3A_926 = tpu.vector_load_idx %gather3A_925[%get3A_886] : memref<10000xi32, #tpu.memory_space<vmem>>[vector<16xi32>], vector<16xi32>,
        %gather3A_927 = arith.constant 3 : i32
        %gather3A_928 = arith.constant 0 : i32
        %gather3A_929 = tpu.memref_slice %arg10[%gather3A_927, %gather3A_928] : memref<4x10000xi32, #tpu.memory_space<vmem>> -> memref<1x10000xi32, #tpu.memory_space<vmem>>
        %gather3A_930 = tpu.memref_squeeze %gather3A_929 : memref<1x10000xi32, #tpu.memory_space<vmem>> -> memref<10000xi32, #tpu.memory_space<vmem>>
        %gather3A_931 = tpu.vector_load_idx %gather3A_930[%get3A_891] : memref<10000xi32, #tpu.memory_space<vmem>>[vector<16xi32>], vector<16xi32>,
        %mul3A_932 = arith.constant 16 : i32
        %mul3A_933 = arith.muli %scan3A_662, %mul3A_932 : i32
        %add3A_934 = arith.constant 5 : i32
        %add3A_935 = arith.addi %mul3A_933, %add3A_934 : i32
        %mul3A_936 = arith.constant 16 : i32
        %mul3A_937 = arith.muli %add3A_935, %mul3A_936 : i32
        %get3A_938 = arith.index_cast %rem3A_613 : i32 to index
        %get3A_939 = arith.index_cast %mul3A_937 : i32 to index
        %get3A_940 = tpu.vector_load %arg8[%get3A_938, %get3A_939] {strides = array<i32>} : memref<2x2048xi32, #tpu.memory_space<vmem>>, vector<16xi32>,
        %mul3A_941 = arith.constant 16 : i32
        %mul3A_942 = arith.muli %add3A_935, %mul3A_941 : i32
        %get3A_943 = arith.index_cast %rem3A_613 : i32 to index
        %get3A_944 = arith.index_cast %mul3A_942 : i32 to index
        %get3A_945 = tpu.vector_load %arg9[%get3A_943, %get3A_944] {strides = array<i32>} : memref<2x2048xi32, #tpu.memory_space<vmem>>, vector<16xi32>,
        %gather3A_946 = arith.constant 0 : i32
        %gather3A_947 = arith.constant 0 : i32
        %gather3A_948 = tpu.memref_slice %arg14[%gather3A_946, %gather3A_947] : memref<4x10000xi32, #tpu.memory_space<vmem>> -> memref<1x10000xi32, #tpu.memory_space<vmem>>
        %gather3A_949 = tpu.memref_squeeze %gather3A_948 : memref<1x10000xi32, #tpu.memory_space<vmem>> -> memref<10000xi32, #tpu.memory_space<vmem>>
        %gather3A_950 = tpu.vector_load_idx %gather3A_949[%get3A_940] : memref<10000xi32, #tpu.memory_space<vmem>>[vector<16xi32>], vector<16xi32>,
        %gather3A_951 = arith.constant 0 : i32
        %gather3A_952 = arith.constant 0 : i32
        %gather3A_953 = tpu.memref_slice %arg10[%gather3A_951, %gather3A_952] : memref<4x10000xi32, #tpu.memory_space<vmem>> -> memref<1x10000xi32, #tpu.memory_space<vmem>>
        %gather3A_954 = tpu.memref_squeeze %gather3A_953 : memref<1x10000xi32, #tpu.memory_space<vmem>> -> memref<10000xi32, #tpu.memory_space<vmem>>
        %gather3A_955 = tpu.vector_load_idx %gather3A_954[%get3A_945] : memref<10000xi32, #tpu.memory_space<vmem>>[vector<16xi32>], vector<16xi32>,
        %gather3A_956 = arith.constant 1 : i32
        %gather3A_957 = arith.constant 0 : i32
        %gather3A_958 = tpu.memref_slice %arg14[%gather3A_956, %gather3A_957] : memref<4x10000xi32, #tpu.memory_space<vmem>> -> memref<1x10000xi32, #tpu.memory_space<vmem>>
        %gather3A_959 = tpu.memref_squeeze %gather3A_958 : memref<1x10000xi32, #tpu.memory_space<vmem>> -> memref<10000xi32, #tpu.memory_space<vmem>>
        %gather3A_960 = tpu.vector_load_idx %gather3A_959[%get3A_940] : memref<10000xi32, #tpu.memory_space<vmem>>[vector<16xi32>], vector<16xi32>,
        %gather3A_961 = arith.constant 1 : i32
        %gather3A_962 = arith.constant 0 : i32
        %gather3A_963 = tpu.memref_slice %arg10[%gather3A_961, %gather3A_962] : memref<4x10000xi32, #tpu.memory_space<vmem>> -> memref<1x10000xi32, #tpu.memory_space<vmem>>
        %gather3A_964 = tpu.memref_squeeze %gather3A_963 : memref<1x10000xi32, #tpu.memory_space<vmem>> -> memref<10000xi32, #tpu.memory_space<vmem>>
        %gather3A_965 = tpu.vector_load_idx %gather3A_964[%get3A_945] : memref<10000xi32, #tpu.memory_space<vmem>>[vector<16xi32>], vector<16xi32>,
        %gather3A_966 = arith.constant 2 : i32
        %gather3A_967 = arith.constant 0 : i32
        %gather3A_968 = tpu.memref_slice %arg14[%gather3A_966, %gather3A_967] : memref<4x10000xi32, #tpu.memory_space<vmem>> -> memref<1x10000xi32, #tpu.memory_space<vmem>>
        %gather3A_969 = tpu.memref_squeeze %gather3A_968 : memref<1x10000xi32, #tpu.memory_space<vmem>> -> memref<10000xi32, #tpu.memory_space<vmem>>
        %gather3A_970 = tpu.vector_load_idx %gather3A_969[%get3A_940] : memref<10000xi32, #tpu.memory_space<vmem>>[vector<16xi32>], vector<16xi32>,
        %gather3A_971 = arith.constant 2 : i32
        %gather3A_972 = arith.constant 0 : i32
        %gather3A_973 = tpu.memref_slice %arg10[%gather3A_971, %gather3A_972] : memref<4x10000xi32, #tpu.memory_space<vmem>> -> memref<1x10000xi32, #tpu.memory_space<vmem>>
        %gather3A_974 = tpu.memref_squeeze %gather3A_973 : memref<1x10000xi32, #tpu.memory_space<vmem>> -> memref<10000xi32, #tpu.memory_space<vmem>>
        %gather3A_975 = tpu.vector_load_idx %gather3A_974[%get3A_945] : memref<10000xi32, #tpu.memory_space<vmem>>[vector<16xi32>], vector<16xi32>,
        %gather3A_976 = arith.constant 3 : i32
        %gather3A_977 = arith.constant 0 : i32
        %gather3A_978 = tpu.memref_slice %arg14[%gather3A_976, %gather3A_977] : memref<4x10000xi32, #tpu.memory_space<vmem>> -> memref<1x10000xi32, #tpu.memory_space<vmem>>
        %gather3A_979 = tpu.memref_squeeze %gather3A_978 : memref<1x10000xi32, #tpu.memory_space<vmem>> -> memref<10000xi32, #tpu.memory_space<vmem>>
        %gather3A_980 = tpu.vector_load_idx %gather3A_979[%get3A_940] : memref<10000xi32, #tpu.memory_space<vmem>>[vector<16xi32>], vector<16xi32>,
        %gather3A_981 = arith.constant 3 : i32
        %gather3A_982 = arith.constant 0 : i32
        %gather3A_983 = tpu.memref_slice %arg10[%gather3A_981, %gather3A_982] : memref<4x10000xi32, #tpu.memory_space<vmem>> -> memref<1x10000xi32, #tpu.memory_space<vmem>>
        %gather3A_984 = tpu.memref_squeeze %gather3A_983 : memref<1x10000xi32, #tpu.memory_space<vmem>> -> memref<10000xi32, #tpu.memory_space<vmem>>
        %gather3A_985 = tpu.vector_load_idx %gather3A_984[%get3A_945] : memref<10000xi32, #tpu.memory_space<vmem>>[vector<16xi32>], vector<16xi32>,
        %mul3A_986 = arith.constant 16 : i32
        %mul3A_987 = arith.muli %scan3A_662, %mul3A_986 : i32
        %add3A_988 = arith.constant 6 : i32
        %add3A_989 = arith.addi %mul3A_987, %add3A_988 : i32
        %mul3A_990 = arith.constant 16 : i32
        %mul3A_991 = arith.muli %add3A_989, %mul3A_990 : i32
        %get3A_992 = arith.index_cast %rem3A_613 : i32 to index
        %get3A_993 = arith.index_cast %mul3A_991 : i32 to index
        %get3A_994 = tpu.vector_load %arg8[%get3A_992, %get3A_993] {strides = array<i32>} : memref<2x2048xi32, #tpu.memory_space<vmem>>, vector<16xi32>,
        %mul3A_995 = arith.constant 16 : i32
        %mul3A_996 = arith.muli %add3A_989, %mul3A_995 : i32
        %get3A_997 = arith.index_cast %rem3A_613 : i32 to index
        %get3A_998 = arith.index_cast %mul3A_996 : i32 to index
        %get3A_999 = tpu.vector_load %arg9[%get3A_997, %get3A_998] {strides = array<i32>} : memref<2x2048xi32, #tpu.memory_space<vmem>>, vector<16xi32>,
        %gather3A_1000 = arith.constant 0 : i32
        %gather3A_1001 = arith.constant 0 : i32
        %gather3A_1002 = tpu.memref_slice %arg14[%gather3A_1000, %gather3A_1001] : memref<4x10000xi32, #tpu.memory_space<vmem>> -> memref<1x10000xi32, #tpu.memory_space<vmem>>
        %gather3A_1003 = tpu.memref_squeeze %gather3A_1002 : memref<1x10000xi32, #tpu.memory_space<vmem>> -> memref<10000xi32, #tpu.memory_space<vmem>>
        %gather3A_1004 = tpu.vector_load_idx %gather3A_1003[%get3A_994] : memref<10000xi32, #tpu.memory_space<vmem>>[vector<16xi32>], vector<16xi32>,
        %gather3A_1005 = arith.constant 0 : i32
        %gather3A_1006 = arith.constant 0 : i32
        %gather3A_1007 = tpu.memref_slice %arg10[%gather3A_1005, %gather3A_1006] : memref<4x10000xi32, #tpu.memory_space<vmem>> -> memref<1x10000xi32, #tpu.memory_space<vmem>>
        %gather3A_1008 = tpu.memref_squeeze %gather3A_1007 : memref<1x10000xi32, #tpu.memory_space<vmem>> -> memref<10000xi32, #tpu.memory_space<vmem>>
        %gather3A_1009 = tpu.vector_load_idx %gather3A_1008[%get3A_999] : memref<10000xi32, #tpu.memory_space<vmem>>[vector<16xi32>], vector<16xi32>,
        %gather3A_1010 = arith.constant 1 : i32
        %gather3A_1011 = arith.constant 0 : i32
        %gather3A_1012 = tpu.memref_slice %arg14[%gather3A_1010, %gather3A_1011] : memref<4x10000xi32, #tpu.memory_space<vmem>> -> memref<1x10000xi32, #tpu.memory_space<vmem>>
        %gather3A_1013 = tpu.memref_squeeze %gather3A_1012 : memref<1x10000xi32, #tpu.memory_space<vmem>> -> memref<10000xi32, #tpu.memory_space<vmem>>
        %gather3A_1014 = tpu.vector_load_idx %gather3A_1013[%get3A_994] : memref<10000xi32, #tpu.memory_space<vmem>>[vector<16xi32>], vector<16xi32>,
        %gather3A_1015 = arith.constant 1 : i32
        %gather3A_1016 = arith.constant 0 : i32
        %gather3A_1017 = tpu.memref_slice %arg10[%gather3A_1015, %gather3A_1016] : memref<4x10000xi32, #tpu.memory_space<vmem>> -> memref<1x10000xi32, #tpu.memory_space<vmem>>
        %gather3A_1018 = tpu.memref_squeeze %gather3A_1017 : memref<1x10000xi32, #tpu.memory_space<vmem>> -> memref<10000xi32, #tpu.memory_space<vmem>>
        %gather3A_1019 = tpu.vector_load_idx %gather3A_1018[%get3A_999] : memref<10000xi32, #tpu.memory_space<vmem>>[vector<16xi32>], vector<16xi32>,
        %gather3A_1020 = arith.constant 2 : i32
        %gather3A_1021 = arith.constant 0 : i32
        %gather3A_1022 = tpu.memref_slice %arg14[%gather3A_1020, %gather3A_1021] : memref<4x10000xi32, #tpu.memory_space<vmem>> -> memref<1x10000xi32, #tpu.memory_space<vmem>>
        %gather3A_1023 = tpu.memref_squeeze %gather3A_1022 : memref<1x10000xi32, #tpu.memory_space<vmem>> -> memref<10000xi32, #tpu.memory_space<vmem>>
        %gather3A_1024 = tpu.vector_load_idx %gather3A_1023[%get3A_994] : memref<10000xi32, #tpu.memory_space<vmem>>[vector<16xi32>], vector<16xi32>,
        %gather3A_1025 = arith.constant 2 : i32
        %gather3A_1026 = arith.constant 0 : i32
        %gather3A_1027 = tpu.memref_slice %arg10[%gather3A_1025, %gather3A_1026] : memref<4x10000xi32, #tpu.memory_space<vmem>> -> memref<1x10000xi32, #tpu.memory_space<vmem>>
        %gather3A_1028 = tpu.memref_squeeze %gather3A_1027 : memref<1x10000xi32, #tpu.memory_space<vmem>> -> memref<10000xi32, #tpu.memory_space<vmem>>
        %gather3A_1029 = tpu.vector_load_idx %gather3A_1028[%get3A_999] : memref<10000xi32, #tpu.memory_space<vmem>>[vector<16xi32>], vector<16xi32>,
        %gather3A_1030 = arith.constant 3 : i32
        %gather3A_1031 = arith.constant 0 : i32
        %gather3A_1032 = tpu.memref_slice %arg14[%gather3A_1030, %gather3A_1031] : memref<4x10000xi32, #tpu.memory_space<vmem>> -> memref<1x10000xi32, #tpu.memory_space<vmem>>
        %gather3A_1033 = tpu.memref_squeeze %gather3A_1032 : memref<1x10000xi32, #tpu.memory_space<vmem>> -> memref<10000xi32, #tpu.memory_space<vmem>>
        %gather3A_1034 = tpu.vector_load_idx %gather3A_1033[%get3A_994] : memref<10000xi32, #tpu.memory_space<vmem>>[vector<16xi32>], vector<16xi32>,
        %gather3A_1035 = arith.constant 3 : i32
        %gather3A_1036 = arith.constant 0 : i32
        %gather3A_1037 = tpu.memref_slice %arg10[%gather3A_1035, %gather3A_1036] : memref<4x10000xi32, #tpu.memory_space<vmem>> -> memref<1x10000xi32, #tpu.memory_space<vmem>>
        %gather3A_1038 = tpu.memref_squeeze %gather3A_1037 : memref<1x10000xi32, #tpu.memory_space<vmem>> -> memref<10000xi32, #tpu.memory_space<vmem>>
        %gather3A_1039 = tpu.vector_load_idx %gather3A_1038[%get3A_999] : memref<10000xi32, #tpu.memory_space<vmem>>[vector<16xi32>], vector<16xi32>,
        %mul3A_1040 = arith.constant 16 : i32
        %mul3A_1041 = arith.muli %scan3A_662, %mul3A_1040 : i32
        %add3A_1042 = arith.constant 7 : i32
        %add3A_1043 = arith.addi %mul3A_1041, %add3A_1042 : i32
        %mul3A_1044 = arith.constant 16 : i32
        %mul3A_1045 = arith.muli %add3A_1043, %mul3A_1044 : i32
        %get3A_1046 = arith.index_cast %rem3A_613 : i32 to index
        %get3A_1047 = arith.index_cast %mul3A_1045 : i32 to index
        %get3A_1048 = tpu.vector_load %arg8[%get3A_1046, %get3A_1047] {strides = array<i32>} : memref<2x2048xi32, #tpu.memory_space<vmem>>, vector<16xi32>,
        %mul3A_1049 = arith.constant 16 : i32
        %mul3A_1050 = arith.muli %add3A_1043, %mul3A_1049 : i32
        %get3A_1051 = arith.index_cast %rem3A_613 : i32 to index
        %get3A_1052 = arith.index_cast %mul3A_1050 : i32 to index
        %get3A_1053 = tpu.vector_load %arg9[%get3A_1051, %get3A_1052] {strides = array<i32>} : memref<2x2048xi32, #tpu.memory_space<vmem>>, vector<16xi32>,
        %gather3A_1054 = arith.constant 0 : i32
        %gather3A_1055 = arith.constant 0 : i32
        %gather3A_1056 = tpu.memref_slice %arg14[%gather3A_1054, %gather3A_1055] : memref<4x10000xi32, #tpu.memory_space<vmem>> -> memref<1x10000xi32, #tpu.memory_space<vmem>>
        %gather3A_1057 = tpu.memref_squeeze %gather3A_1056 : memref<1x10000xi32, #tpu.memory_space<vmem>> -> memref<10000xi32, #tpu.memory_space<vmem>>
        %gather3A_1058 = tpu.vector_load_idx %gather3A_1057[%get3A_1048] : memref<10000xi32, #tpu.memory_space<vmem>>[vector<16xi32>], vector<16xi32>,
        %gather3A_1059 = arith.constant 0 : i32
        %gather3A_1060 = arith.constant 0 : i32
        %gather3A_1061 = tpu.memref_slice %arg10[%gather3A_1059, %gather3A_1060] : memref<4x10000xi32, #tpu.memory_space<vmem>> -> memref<1x10000xi32, #tpu.memory_space<vmem>>
        %gather3A_1062 = tpu.memref_squeeze %gather3A_1061 : memref<1x10000xi32, #tpu.memory_space<vmem>> -> memref<10000xi32, #tpu.memory_space<vmem>>
        %gather3A_1063 = tpu.vector_load_idx %gather3A_1062[%get3A_1053] : memref<10000xi32, #tpu.memory_space<vmem>>[vector<16xi32>], vector<16xi32>,
        %gather3A_1064 = arith.constant 1 : i32
        %gather3A_1065 = arith.constant 0 : i32
        %gather3A_1066 = tpu.memref_slice %arg14[%gather3A_1064, %gather3A_1065] : memref<4x10000xi32, #tpu.memory_space<vmem>> -> memref<1x10000xi32, #tpu.memory_space<vmem>>
        %gather3A_1067 = tpu.memref_squeeze %gather3A_1066 : memref<1x10000xi32, #tpu.memory_space<vmem>> -> memref<10000xi32, #tpu.memory_space<vmem>>
        %gather3A_1068 = tpu.vector_load_idx %gather3A_1067[%get3A_1048] : memref<10000xi32, #tpu.memory_space<vmem>>[vector<16xi32>], vector<16xi32>,
        %gather3A_1069 = arith.constant 1 : i32
        %gather3A_1070 = arith.constant 0 : i32
        %gather3A_1071 = tpu.memref_slice %arg10[%gather3A_1069, %gather3A_1070] : memref<4x10000xi32, #tpu.memory_space<vmem>> -> memref<1x10000xi32, #tpu.memory_space<vmem>>
        %gather3A_1072 = tpu.memref_squeeze %gather3A_1071 : memref<1x10000xi32, #tpu.memory_space<vmem>> -> memref<10000xi32, #tpu.memory_space<vmem>>
        %gather3A_1073 = tpu.vector_load_idx %gather3A_1072[%get3A_1053] : memref<10000xi32, #tpu.memory_space<vmem>>[vector<16xi32>], vector<16xi32>,
        %gather3A_1074 = arith.constant 2 : i32
        %gather3A_1075 = arith.constant 0 : i32
        %gather3A_1076 = tpu.memref_slice %arg14[%gather3A_1074, %gather3A_1075] : memref<4x10000xi32, #tpu.memory_space<vmem>> -> memref<1x10000xi32, #tpu.memory_space<vmem>>
        %gather3A_1077 = tpu.memref_squeeze %gather3A_1076 : memref<1x10000xi32, #tpu.memory_space<vmem>> -> memref<10000xi32, #tpu.memory_space<vmem>>
        %gather3A_1078 = tpu.vector_load_idx %gather3A_1077[%get3A_1048] : memref<10000xi32, #tpu.memory_space<vmem>>[vector<16xi32>], vector<16xi32>,
        %gather3A_1079 = arith.constant 2 : i32
        %gather3A_1080 = arith.constant 0 : i32
        %gather3A_1081 = tpu.memref_slice %arg10[%gather3A_1079, %gather3A_1080] : memref<4x10000xi32, #tpu.memory_space<vmem>> -> memref<1x10000xi32, #tpu.memory_space<vmem>>
        %gather3A_1082 = tpu.memref_squeeze %gather3A_1081 : memref<1x10000xi32, #tpu.memory_space<vmem>> -> memref<10000xi32, #tpu.memory_space<vmem>>
        %gather3A_1083 = tpu.vector_load_idx %gather3A_1082[%get3A_1053] : memref<10000xi32, #tpu.memory_space<vmem>>[vector<16xi32>], vector<16xi32>,
        %gather3A_1084 = arith.constant 3 : i32
        %gather3A_1085 = arith.constant 0 : i32
        %gather3A_1086 = tpu.memref_slice %arg14[%gather3A_1084, %gather3A_1085] : memref<4x10000xi32, #tpu.memory_space<vmem>> -> memref<1x10000xi32, #tpu.memory_space<vmem>>
        %gather3A_1087 = tpu.memref_squeeze %gather3A_1086 : memref<1x10000xi32, #tpu.memory_space<vmem>> -> memref<10000xi32, #tpu.memory_space<vmem>>
        %gather3A_1088 = tpu.vector_load_idx %gather3A_1087[%get3A_1048] : memref<10000xi32, #tpu.memory_space<vmem>>[vector<16xi32>], vector<16xi32>,
        %gather3A_1089 = arith.constant 3 : i32
        %gather3A_1090 = arith.constant 0 : i32
        %gather3A_1091 = tpu.memref_slice %arg10[%gather3A_1089, %gather3A_1090] : memref<4x10000xi32, #tpu.memory_space<vmem>> -> memref<1x10000xi32, #tpu.memory_space<vmem>>
        %gather3A_1092 = tpu.memref_squeeze %gather3A_1091 : memref<1x10000xi32, #tpu.memory_space<vmem>> -> memref<10000xi32, #tpu.memory_space<vmem>>
        %gather3A_1093 = tpu.vector_load_idx %gather3A_1092[%get3A_1053] : memref<10000xi32, #tpu.memory_space<vmem>>[vector<16xi32>], vector<16xi32>,
        %mul3A_1094 = arith.constant 16 : i32
        %mul3A_1095 = arith.muli %scan3A_662, %mul3A_1094 : i32
        %add3A_1096 = arith.constant 8 : i32
        %add3A_1097 = arith.addi %mul3A_1095, %add3A_1096 : i32
        %mul3A_1098 = arith.constant 16 : i32
        %mul3A_1099 = arith.muli %add3A_1097, %mul3A_1098 : i32
        %get3A_1100 = arith.index_cast %rem3A_613 : i32 to index
        %get3A_1101 = arith.index_cast %mul3A_1099 : i32 to index
        %get3A_1102 = tpu.vector_load %arg8[%get3A_1100, %get3A_1101] {strides = array<i32>} : memref<2x2048xi32, #tpu.memory_space<vmem>>, vector<16xi32>,
        %mul3A_1103 = arith.constant 16 : i32
        %mul3A_1104 = arith.muli %add3A_1097, %mul3A_1103 : i32
        %get3A_1105 = arith.index_cast %rem3A_613 : i32 to index
        %get3A_1106 = arith.index_cast %mul3A_1104 : i32 to index
        %get3A_1107 = tpu.vector_load %arg9[%get3A_1105, %get3A_1106] {strides = array<i32>} : memref<2x2048xi32, #tpu.memory_space<vmem>>, vector<16xi32>,
        %gather3A_1108 = arith.constant 0 : i32
        %gather3A_1109 = arith.constant 0 : i32
        %gather3A_1110 = tpu.memref_slice %arg14[%gather3A_1108, %gather3A_1109] : memref<4x10000xi32, #tpu.memory_space<vmem>> -> memref<1x10000xi32, #tpu.memory_space<vmem>>
        %gather3A_1111 = tpu.memref_squeeze %gather3A_1110 : memref<1x10000xi32, #tpu.memory_space<vmem>> -> memref<10000xi32, #tpu.memory_space<vmem>>
        %gather3A_1112 = tpu.vector_load_idx %gather3A_1111[%get3A_1102] : memref<10000xi32, #tpu.memory_space<vmem>>[vector<16xi32>], vector<16xi32>,
        %gather3A_1113 = arith.constant 0 : i32
        %gather3A_1114 = arith.constant 0 : i32
        %gather3A_1115 = tpu.memref_slice %arg10[%gather3A_1113, %gather3A_1114] : memref<4x10000xi32, #tpu.memory_space<vmem>> -> memref<1x10000xi32, #tpu.memory_space<vmem>>
        %gather3A_1116 = tpu.memref_squeeze %gather3A_1115 : memref<1x10000xi32, #tpu.memory_space<vmem>> -> memref<10000xi32, #tpu.memory_space<vmem>>
        %gather3A_1117 = tpu.vector_load_idx %gather3A_1116[%get3A_1107] : memref<10000xi32, #tpu.memory_space<vmem>>[vector<16xi32>], vector<16xi32>,
        %gather3A_1118 = arith.constant 1 : i32
        %gather3A_1119 = arith.constant 0 : i32
        %gather3A_1120 = tpu.memref_slice %arg14[%gather3A_1118, %gather3A_1119] : memref<4x10000xi32, #tpu.memory_space<vmem>> -> memref<1x10000xi32, #tpu.memory_space<vmem>>
        %gather3A_1121 = tpu.memref_squeeze %gather3A_1120 : memref<1x10000xi32, #tpu.memory_space<vmem>> -> memref<10000xi32, #tpu.memory_space<vmem>>
        %gather3A_1122 = tpu.vector_load_idx %gather3A_1121[%get3A_1102] : memref<10000xi32, #tpu.memory_space<vmem>>[vector<16xi32>], vector<16xi32>,
        %gather3A_1123 = arith.constant 1 : i32
        %gather3A_1124 = arith.constant 0 : i32
        %gather3A_1125 = tpu.memref_slice %arg10[%gather3A_1123, %gather3A_1124] : memref<4x10000xi32, #tpu.memory_space<vmem>> -> memref<1x10000xi32, #tpu.memory_space<vmem>>
        %gather3A_1126 = tpu.memref_squeeze %gather3A_1125 : memref<1x10000xi32, #tpu.memory_space<vmem>> -> memref<10000xi32, #tpu.memory_space<vmem>>
        %gather3A_1127 = tpu.vector_load_idx %gather3A_1126[%get3A_1107] : memref<10000xi32, #tpu.memory_space<vmem>>[vector<16xi32>], vector<16xi32>,
        %gather3A_1128 = arith.constant 2 : i32
        %gather3A_1129 = arith.constant 0 : i32
        %gather3A_1130 = tpu.memref_slice %arg14[%gather3A_1128, %gather3A_1129] : memref<4x10000xi32, #tpu.memory_space<vmem>> -> memref<1x10000xi32, #tpu.memory_space<vmem>>
        %gather3A_1131 = tpu.memref_squeeze %gather3A_1130 : memref<1x10000xi32, #tpu.memory_space<vmem>> -> memref<10000xi32, #tpu.memory_space<vmem>>
        %gather3A_1132 = tpu.vector_load_idx %gather3A_1131[%get3A_1102] : memref<10000xi32, #tpu.memory_space<vmem>>[vector<16xi32>], vector<16xi32>,
        %gather3A_1133 = arith.constant 2 : i32
        %gather3A_1134 = arith.constant 0 : i32
        %gather3A_1135 = tpu.memref_slice %arg10[%gather3A_1133, %gather3A_1134] : memref<4x10000xi32, #tpu.memory_space<vmem>> -> memref<1x10000xi32, #tpu.memory_space<vmem>>
        %gather3A_1136 = tpu.memref_squeeze %gather3A_1135 : memref<1x10000xi32, #tpu.memory_space<vmem>> -> memref<10000xi32, #tpu.memory_space<vmem>>
        %gather3A_1137 = tpu.vector_load_idx %gather3A_1136[%get3A_1107] : memref<10000xi32, #tpu.memory_space<vmem>>[vector<16xi32>], vector<16xi32>,
        %gather3A_1138 = arith.constant 3 : i32
        %gather3A_1139 = arith.constant 0 : i32
        %gather3A_1140 = tpu.memref_slice %arg14[%gather3A_1138, %gather3A_1139] : memref<4x10000xi32, #tpu.memory_space<vmem>> -> memref<1x10000xi32, #tpu.memory_space<vmem>>
        %gather3A_1141 = tpu.memref_squeeze %gather3A_1140 : memref<1x10000xi32, #tpu.memory_space<vmem>> -> memref<10000xi32, #tpu.memory_space<vmem>>
        %gather3A_1142 = tpu.vector_load_idx %gather3A_1141[%get3A_1102] : memref<10000xi32, #tpu.memory_space<vmem>>[vector<16xi32>], vector<16xi32>,
        %gather3A_1143 = arith.constant 3 : i32
        %gather3A_1144 = arith.constant 0 : i32
        %gather3A_1145 = tpu.memref_slice %arg10[%gather3A_1143, %gather3A_1144] : memref<4x10000xi32, #tpu.memory_space<vmem>> -> memref<1x10000xi32, #tpu.memory_space<vmem>>
        %gather3A_1146 = tpu.memref_squeeze %gather3A_1145 : memref<1x10000xi32, #tpu.memory_space<vmem>> -> memref<10000xi32, #tpu.memory_space<vmem>>
        %gather3A_1147 = tpu.vector_load_idx %gather3A_1146[%get3A_1107] : memref<10000xi32, #tpu.memory_space<vmem>>[vector<16xi32>], vector<16xi32>,
        %mul3A_1148 = arith.constant 16 : i32
        %mul3A_1149 = arith.muli %scan3A_662, %mul3A_1148 : i32
        %add3A_1150 = arith.constant 9 : i32
        %add3A_1151 = arith.addi %mul3A_1149, %add3A_1150 : i32
        %mul3A_1152 = arith.constant 16 : i32
        %mul3A_1153 = arith.muli %add3A_1151, %mul3A_1152 : i32
        %get3A_1154 = arith.index_cast %rem3A_613 : i32 to index
        %get3A_1155 = arith.index_cast %mul3A_1153 : i32 to index
        %get3A_1156 = tpu.vector_load %arg8[%get3A_1154, %get3A_1155] {strides = array<i32>} : memref<2x2048xi32, #tpu.memory_space<vmem>>, vector<16xi32>,
        %mul3A_1157 = arith.constant 16 : i32
        %mul3A_1158 = arith.muli %add3A_1151, %mul3A_1157 : i32
        %get3A_1159 = arith.index_cast %rem3A_613 : i32 to index
        %get3A_1160 = arith.index_cast %mul3A_1158 : i32 to index
        %get3A_1161 = tpu.vector_load %arg9[%get3A_1159, %get3A_1160] {strides = array<i32>} : memref<2x2048xi32, #tpu.memory_space<vmem>>, vector<16xi32>,
        %gather3A_1162 = arith.constant 0 : i32
        %gather3A_1163 = arith.constant 0 : i32
        %gather3A_1164 = tpu.memref_slice %arg14[%gather3A_1162, %gather3A_1163] : memref<4x10000xi32, #tpu.memory_space<vmem>> -> memref<1x10000xi32, #tpu.memory_space<vmem>>
        %gather3A_1165 = tpu.memref_squeeze %gather3A_1164 : memref<1x10000xi32, #tpu.memory_space<vmem>> -> memref<10000xi32, #tpu.memory_space<vmem>>
        %gather3A_1166 = tpu.vector_load_idx %gather3A_1165[%get3A_1156] : memref<10000xi32, #tpu.memory_space<vmem>>[vector<16xi32>], vector<16xi32>,
        %gather3A_1167 = arith.constant 0 : i32
        %gather3A_1168 = arith.constant 0 : i32
        %gather3A_1169 = tpu.memref_slice %arg10[%gather3A_1167, %gather3A_1168] : memref<4x10000xi32, #tpu.memory_space<vmem>> -> memref<1x10000xi32, #tpu.memory_space<vmem>>
        %gather3A_1170 = tpu.memref_squeeze %gather3A_1169 : memref<1x10000xi32, #tpu.memory_space<vmem>> -> memref<10000xi32, #tpu.memory_space<vmem>>
        %gather3A_1171 = tpu.vector_load_idx %gather3A_1170[%get3A_1161] : memref<10000xi32, #tpu.memory_space<vmem>>[vector<16xi32>], vector<16xi32>,
        %gather3A_1172 = arith.constant 1 : i32
        %gather3A_1173 = arith.constant 0 : i32
        %gather3A_1174 = tpu.memref_slice %arg14[%gather3A_1172, %gather3A_1173] : memref<4x10000xi32, #tpu.memory_space<vmem>> -> memref<1x10000xi32, #tpu.memory_space<vmem>>
        %gather3A_1175 = tpu.memref_squeeze %gather3A_1174 : memref<1x10000xi32, #tpu.memory_space<vmem>> -> memref<10000xi32, #tpu.memory_space<vmem>>
        %gather3A_1176 = tpu.vector_load_idx %gather3A_1175[%get3A_1156] : memref<10000xi32, #tpu.memory_space<vmem>>[vector<16xi32>], vector<16xi32>,
        %gather3A_1177 = arith.constant 1 : i32
        %gather3A_1178 = arith.constant 0 : i32
        %gather3A_1179 = tpu.memref_slice %arg10[%gather3A_1177, %gather3A_1178] : memref<4x10000xi32, #tpu.memory_space<vmem>> -> memref<1x10000xi32, #tpu.memory_space<vmem>>
        %gather3A_1180 = tpu.memref_squeeze %gather3A_1179 : memref<1x10000xi32, #tpu.memory_space<vmem>> -> memref<10000xi32, #tpu.memory_space<vmem>>
        %gather3A_1181 = tpu.vector_load_idx %gather3A_1180[%get3A_1161] : memref<10000xi32, #tpu.memory_space<vmem>>[vector<16xi32>], vector<16xi32>,
        %gather3A_1182 = arith.constant 2 : i32
        %gather3A_1183 = arith.constant 0 : i32
        %gather3A_1184 = tpu.memref_slice %arg14[%gather3A_1182, %gather3A_1183] : memref<4x10000xi32, #tpu.memory_space<vmem>> -> memref<1x10000xi32, #tpu.memory_space<vmem>>
        %gather3A_1185 = tpu.memref_squeeze %gather3A_1184 : memref<1x10000xi32, #tpu.memory_space<vmem>> -> memref<10000xi32, #tpu.memory_space<vmem>>
        %gather3A_1186 = tpu.vector_load_idx %gather3A_1185[%get3A_1156] : memref<10000xi32, #tpu.memory_space<vmem>>[vector<16xi32>], vector<16xi32>,
        %gather3A_1187 = arith.constant 2 : i32
        %gather3A_1188 = arith.constant 0 : i32
        %gather3A_1189 = tpu.memref_slice %arg10[%gather3A_1187, %gather3A_1188] : memref<4x10000xi32, #tpu.memory_space<vmem>> -> memref<1x10000xi32, #tpu.memory_space<vmem>>
        %gather3A_1190 = tpu.memref_squeeze %gather3A_1189 : memref<1x10000xi32, #tpu.memory_space<vmem>> -> memref<10000xi32, #tpu.memory_space<vmem>>
        %gather3A_1191 = tpu.vector_load_idx %gather3A_1190[%get3A_1161] : memref<10000xi32, #tpu.memory_space<vmem>>[vector<16xi32>], vector<16xi32>,
        %gather3A_1192 = arith.constant 3 : i32
        %gather3A_1193 = arith.constant 0 : i32
        %gather3A_1194 = tpu.memref_slice %arg14[%gather3A_1192, %gather3A_1193] : memref<4x10000xi32, #tpu.memory_space<vmem>> -> memref<1x10000xi32, #tpu.memory_space<vmem>>
        %gather3A_1195 = tpu.memref_squeeze %gather3A_1194 : memref<1x10000xi32, #tpu.memory_space<vmem>> -> memref<10000xi32, #tpu.memory_space<vmem>>
        %gather3A_1196 = tpu.vector_load_idx %gather3A_1195[%get3A_1156] : memref<10000xi32, #tpu.memory_space<vmem>>[vector<16xi32>], vector<16xi32>,
        %gather3A_1197 = arith.constant 3 : i32
        %gather3A_1198 = arith.constant 0 : i32
        %gather3A_1199 = tpu.memref_slice %arg10[%gather3A_1197, %gather3A_1198] : memref<4x10000xi32, #tpu.memory_space<vmem>> -> memref<1x10000xi32, #tpu.memory_space<vmem>>
        %gather3A_1200 = tpu.memref_squeeze %gather3A_1199 : memref<1x10000xi32, #tpu.memory_space<vmem>> -> memref<10000xi32, #tpu.memory_space<vmem>>
        %gather3A_1201 = tpu.vector_load_idx %gather3A_1200[%get3A_1161] : memref<10000xi32, #tpu.memory_space<vmem>>[vector<16xi32>], vector<16xi32>,
        %mul3A_1202 = arith.constant 16 : i32
        %mul3A_1203 = arith.muli %scan3A_662, %mul3A_1202 : i32
        %add3A_1204 = arith.constant 10 : i32
        %add3A_1205 = arith.addi %mul3A_1203, %add3A_1204 : i32
        %mul3A_1206 = arith.constant 16 : i32
        %mul3A_1207 = arith.muli %add3A_1205, %mul3A_1206 : i32
        %get3A_1208 = arith.index_cast %rem3A_613 : i32 to index
        %get3A_1209 = arith.index_cast %mul3A_1207 : i32 to index
        %get3A_1210 = tpu.vector_load %arg8[%get3A_1208, %get3A_1209] {strides = array<i32>} : memref<2x2048xi32, #tpu.memory_space<vmem>>, vector<16xi32>,
        %mul3A_1211 = arith.constant 16 : i32
        %mul3A_1212 = arith.muli %add3A_1205, %mul3A_1211 : i32
        %get3A_1213 = arith.index_cast %rem3A_613 : i32 to index
        %get3A_1214 = arith.index_cast %mul3A_1212 : i32 to index
        %get3A_1215 = tpu.vector_load %arg9[%get3A_1213, %get3A_1214] {strides = array<i32>} : memref<2x2048xi32, #tpu.memory_space<vmem>>, vector<16xi32>,
        %gather3A_1216 = arith.constant 0 : i32
        %gather3A_1217 = arith.constant 0 : i32
        %gather3A_1218 = tpu.memref_slice %arg14[%gather3A_1216, %gather3A_1217] : memref<4x10000xi32, #tpu.memory_space<vmem>> -> memref<1x10000xi32, #tpu.memory_space<vmem>>
        %gather3A_1219 = tpu.memref_squeeze %gather3A_1218 : memref<1x10000xi32, #tpu.memory_space<vmem>> -> memref<10000xi32, #tpu.memory_space<vmem>>
        %gather3A_1220 = tpu.vector_load_idx %gather3A_1219[%get3A_1210] : memref<10000xi32, #tpu.memory_space<vmem>>[vector<16xi32>], vector<16xi32>,
        %gather3A_1221 = arith.constant 0 : i32
        %gather3A_1222 = arith.constant 0 : i32
        %gather3A_1223 = tpu.memref_slice %arg10[%gather3A_1221, %gather3A_1222] : memref<4x10000xi32, #tpu.memory_space<vmem>> -> memref<1x10000xi32, #tpu.memory_space<vmem>>
        %gather3A_1224 = tpu.memref_squeeze %gather3A_1223 : memref<1x10000xi32, #tpu.memory_space<vmem>> -> memref<10000xi32, #tpu.memory_space<vmem>>
        %gather3A_1225 = tpu.vector_load_idx %gather3A_1224[%get3A_1215] : memref<10000xi32, #tpu.memory_space<vmem>>[vector<16xi32>], vector<16xi32>,
        %gather3A_1226 = arith.constant 1 : i32
        %gather3A_1227 = arith.constant 0 : i32
        %gather3A_1228 = tpu.memref_slice %arg14[%gather3A_1226, %gather3A_1227] : memref<4x10000xi32, #tpu.memory_space<vmem>> -> memref<1x10000xi32, #tpu.memory_space<vmem>>
        %gather3A_1229 = tpu.memref_squeeze %gather3A_1228 : memref<1x10000xi32, #tpu.memory_space<vmem>> -> memref<10000xi32, #tpu.memory_space<vmem>>
        %gather3A_1230 = tpu.vector_load_idx %gather3A_1229[%get3A_1210] : memref<10000xi32, #tpu.memory_space<vmem>>[vector<16xi32>], vector<16xi32>,
        %gather3A_1231 = arith.constant 1 : i32
        %gather3A_1232 = arith.constant 0 : i32
        %gather3A_1233 = tpu.memref_slice %arg10[%gather3A_1231, %gather3A_1232] : memref<4x10000xi32, #tpu.memory_space<vmem>> -> memref<1x10000xi32, #tpu.memory_space<vmem>>
        %gather3A_1234 = tpu.memref_squeeze %gather3A_1233 : memref<1x10000xi32, #tpu.memory_space<vmem>> -> memref<10000xi32, #tpu.memory_space<vmem>>
        %gather3A_1235 = tpu.vector_load_idx %gather3A_1234[%get3A_1215] : memref<10000xi32, #tpu.memory_space<vmem>>[vector<16xi32>], vector<16xi32>,
        %gather3A_1236 = arith.constant 2 : i32
        %gather3A_1237 = arith.constant 0 : i32
        %gather3A_1238 = tpu.memref_slice %arg14[%gather3A_1236, %gather3A_1237] : memref<4x10000xi32, #tpu.memory_space<vmem>> -> memref<1x10000xi32, #tpu.memory_space<vmem>>
        %gather3A_1239 = tpu.memref_squeeze %gather3A_1238 : memref<1x10000xi32, #tpu.memory_space<vmem>> -> memref<10000xi32, #tpu.memory_space<vmem>>
        %gather3A_1240 = tpu.vector_load_idx %gather3A_1239[%get3A_1210] : memref<10000xi32, #tpu.memory_space<vmem>>[vector<16xi32>], vector<16xi32>,
        %gather3A_1241 = arith.constant 2 : i32
        %gather3A_1242 = arith.constant 0 : i32
        %gather3A_1243 = tpu.memref_slice %arg10[%gather3A_1241, %gather3A_1242] : memref<4x10000xi32, #tpu.memory_space<vmem>> -> memref<1x10000xi32, #tpu.memory_space<vmem>>
        %gather3A_1244 = tpu.memref_squeeze %gather3A_1243 : memref<1x10000xi32, #tpu.memory_space<vmem>> -> memref<10000xi32, #tpu.memory_space<vmem>>
        %gather3A_1245 = tpu.vector_load_idx %gather3A_1244[%get3A_1215] : memref<10000xi32, #tpu.memory_space<vmem>>[vector<16xi32>], vector<16xi32>,
        %gather3A_1246 = arith.constant 3 : i32
        %gather3A_1247 = arith.constant 0 : i32
        %gather3A_1248 = tpu.memref_slice %arg14[%gather3A_1246, %gather3A_1247] : memref<4x10000xi32, #tpu.memory_space<vmem>> -> memref<1x10000xi32, #tpu.memory_space<vmem>>
        %gather3A_1249 = tpu.memref_squeeze %gather3A_1248 : memref<1x10000xi32, #tpu.memory_space<vmem>> -> memref<10000xi32, #tpu.memory_space<vmem>>
        %gather3A_1250 = tpu.vector_load_idx %gather3A_1249[%get3A_1210] : memref<10000xi32, #tpu.memory_space<vmem>>[vector<16xi32>], vector<16xi32>,
        %gather3A_1251 = arith.constant 3 : i32
        %gather3A_1252 = arith.constant 0 : i32
        %gather3A_1253 = tpu.memref_slice %arg10[%gather3A_1251, %gather3A_1252] : memref<4x10000xi32, #tpu.memory_space<vmem>> -> memref<1x10000xi32, #tpu.memory_space<vmem>>
        %gather3A_1254 = tpu.memref_squeeze %gather3A_1253 : memref<1x10000xi32, #tpu.memory_space<vmem>> -> memref<10000xi32, #tpu.memory_space<vmem>>
        %gather3A_1255 = tpu.vector_load_idx %gather3A_1254[%get3A_1215] : memref<10000xi32, #tpu.memory_space<vmem>>[vector<16xi32>], vector<16xi32>,
        %mul3A_1256 = arith.constant 16 : i32
        %mul3A_1257 = arith.muli %scan3A_662, %mul3A_1256 : i32
        %add3A_1258 = arith.constant 11 : i32
        %add3A_1259 = arith.addi %mul3A_1257, %add3A_1258 : i32
        %mul3A_1260 = arith.constant 16 : i32
        %mul3A_1261 = arith.muli %add3A_1259, %mul3A_1260 : i32
        %get3A_1262 = arith.index_cast %rem3A_613 : i32 to index
        %get3A_1263 = arith.index_cast %mul3A_1261 : i32 to index
        %get3A_1264 = tpu.vector_load %arg8[%get3A_1262, %get3A_1263] {strides = array<i32>} : memref<2x2048xi32, #tpu.memory_space<vmem>>, vector<16xi32>,
        %mul3A_1265 = arith.constant 16 : i32
        %mul3A_1266 = arith.muli %add3A_1259, %mul3A_1265 : i32
        %get3A_1267 = arith.index_cast %rem3A_613 : i32 to index
        %get3A_1268 = arith.index_cast %mul3A_1266 : i32 to index
        %get3A_1269 = tpu.vector_load %arg9[%get3A_1267, %get3A_1268] {strides = array<i32>} : memref<2x2048xi32, #tpu.memory_space<vmem>>, vector<16xi32>,
        %gather3A_1270 = arith.constant 0 : i32
        %gather3A_1271 = arith.constant 0 : i32
        %gather3A_1272 = tpu.memref_slice %arg14[%gather3A_1270, %gather3A_1271] : memref<4x10000xi32, #tpu.memory_space<vmem>> -> memref<1x10000xi32, #tpu.memory_space<vmem>>
        %gather3A_1273 = tpu.memref_squeeze %gather3A_1272 : memref<1x10000xi32, #tpu.memory_space<vmem>> -> memref<10000xi32, #tpu.memory_space<vmem>>
        %gather3A_1274 = tpu.vector_load_idx %gather3A_1273[%get3A_1264] : memref<10000xi32, #tpu.memory_space<vmem>>[vector<16xi32>], vector<16xi32>,
        %gather3A_1275 = arith.constant 0 : i32
        %gather3A_1276 = arith.constant 0 : i32
        %gather3A_1277 = tpu.memref_slice %arg10[%gather3A_1275, %gather3A_1276] : memref<4x10000xi32, #tpu.memory_space<vmem>> -> memref<1x10000xi32, #tpu.memory_space<vmem>>
        %gather3A_1278 = tpu.memref_squeeze %gather3A_1277 : memref<1x10000xi32, #tpu.memory_space<vmem>> -> memref<10000xi32, #tpu.memory_space<vmem>>
        %gather3A_1279 = tpu.vector_load_idx %gather3A_1278[%get3A_1269] : memref<10000xi32, #tpu.memory_space<vmem>>[vector<16xi32>], vector<16xi32>,
        %gather3A_1280 = arith.constant 1 : i32
        %gather3A_1281 = arith.constant 0 : i32
        %gather3A_1282 = tpu.memref_slice %arg14[%gather3A_1280, %gather3A_1281] : memref<4x10000xi32, #tpu.memory_space<vmem>> -> memref<1x10000xi32, #tpu.memory_space<vmem>>
        %gather3A_1283 = tpu.memref_squeeze %gather3A_1282 : memref<1x10000xi32, #tpu.memory_space<vmem>> -> memref<10000xi32, #tpu.memory_space<vmem>>
        %gather3A_1284 = tpu.vector_load_idx %gather3A_1283[%get3A_1264] : memref<10000xi32, #tpu.memory_space<vmem>>[vector<16xi32>], vector<16xi32>,
        %gather3A_1285 = arith.constant 1 : i32
        %gather3A_1286 = arith.constant 0 : i32
        %gather3A_1287 = tpu.memref_slice %arg10[%gather3A_1285, %gather3A_1286] : memref<4x10000xi32, #tpu.memory_space<vmem>> -> memref<1x10000xi32, #tpu.memory_space<vmem>>
        %gather3A_1288 = tpu.memref_squeeze %gather3A_1287 : memref<1x10000xi32, #tpu.memory_space<vmem>> -> memref<10000xi32, #tpu.memory_space<vmem>>
        %gather3A_1289 = tpu.vector_load_idx %gather3A_1288[%get3A_1269] : memref<10000xi32, #tpu.memory_space<vmem>>[vector<16xi32>], vector<16xi32>,
        %gather3A_1290 = arith.constant 2 : i32
        %gather3A_1291 = arith.constant 0 : i32
        %gather3A_1292 = tpu.memref_slice %arg14[%gather3A_1290, %gather3A_1291] : memref<4x10000xi32, #tpu.memory_space<vmem>> -> memref<1x10000xi32, #tpu.memory_space<vmem>>
        %gather3A_1293 = tpu.memref_squeeze %gather3A_1292 : memref<1x10000xi32, #tpu.memory_space<vmem>> -> memref<10000xi32, #tpu.memory_space<vmem>>
        %gather3A_1294 = tpu.vector_load_idx %gather3A_1293[%get3A_1264] : memref<10000xi32, #tpu.memory_space<vmem>>[vector<16xi32>], vector<16xi32>,
        %gather3A_1295 = arith.constant 2 : i32
        %gather3A_1296 = arith.constant 0 : i32
        %gather3A_1297 = tpu.memref_slice %arg10[%gather3A_1295, %gather3A_1296] : memref<4x10000xi32, #tpu.memory_space<vmem>> -> memref<1x10000xi32, #tpu.memory_space<vmem>>
        %gather3A_1298 = tpu.memref_squeeze %gather3A_1297 : memref<1x10000xi32, #tpu.memory_space<vmem>> -> memref<10000xi32, #tpu.memory_space<vmem>>
        %gather3A_1299 = tpu.vector_load_idx %gather3A_1298[%get3A_1269] : memref<10000xi32, #tpu.memory_space<vmem>>[vector<16xi32>], vector<16xi32>,
        %gather3A_1300 = arith.constant 3 : i32
        %gather3A_1301 = arith.constant 0 : i32
        %gather3A_1302 = tpu.memref_slice %arg14[%gather3A_1300, %gather3A_1301] : memref<4x10000xi32, #tpu.memory_space<vmem>> -> memref<1x10000xi32, #tpu.memory_space<vmem>>
        %gather3A_1303 = tpu.memref_squeeze %gather3A_1302 : memref<1x10000xi32, #tpu.memory_space<vmem>> -> memref<10000xi32, #tpu.memory_space<vmem>>
        %gather3A_1304 = tpu.vector_load_idx %gather3A_1303[%get3A_1264] : memref<10000xi32, #tpu.memory_space<vmem>>[vector<16xi32>], vector<16xi32>,
        %gather3A_1305 = arith.constant 3 : i32
        %gather3A_1306 = arith.constant 0 : i32
        %gather3A_1307 = tpu.memref_slice %arg10[%gather3A_1305, %gather3A_1306] : memref<4x10000xi32, #tpu.memory_space<vmem>> -> memref<1x10000xi32, #tpu.memory_space<vmem>>
        %gather3A_1308 = tpu.memref_squeeze %gather3A_1307 : memref<1x10000xi32, #tpu.memory_space<vmem>> -> memref<10000xi32, #tpu.memory_space<vmem>>
        %gather3A_1309 = tpu.vector_load_idx %gather3A_1308[%get3A_1269] : memref<10000xi32, #tpu.memory_space<vmem>>[vector<16xi32>], vector<16xi32>,
        %mul3A_1310 = arith.constant 16 : i32
        %mul3A_1311 = arith.muli %scan3A_662, %mul3A_1310 : i32
        %add3A_1312 = arith.constant 12 : i32
        %add3A_1313 = arith.addi %mul3A_1311, %add3A_1312 : i32
        %mul3A_1314 = arith.constant 16 : i32
        %mul3A_1315 = arith.muli %add3A_1313, %mul3A_1314 : i32
        %get3A_1316 = arith.index_cast %rem3A_613 : i32 to index
        %get3A_1317 = arith.index_cast %mul3A_1315 : i32 to index
        %get3A_1318 = tpu.vector_load %arg8[%get3A_1316, %get3A_1317] {strides = array<i32>} : memref<2x2048xi32, #tpu.memory_space<vmem>>, vector<16xi32>,
        %mul3A_1319 = arith.constant 16 : i32
        %mul3A_1320 = arith.muli %add3A_1313, %mul3A_1319 : i32
        %get3A_1321 = arith.index_cast %rem3A_613 : i32 to index
        %get3A_1322 = arith.index_cast %mul3A_1320 : i32 to index
        %get3A_1323 = tpu.vector_load %arg9[%get3A_1321, %get3A_1322] {strides = array<i32>} : memref<2x2048xi32, #tpu.memory_space<vmem>>, vector<16xi32>,
        %gather3A_1324 = arith.constant 0 : i32
        %gather3A_1325 = arith.constant 0 : i32
        %gather3A_1326 = tpu.memref_slice %arg14[%gather3A_1324, %gather3A_1325] : memref<4x10000xi32, #tpu.memory_space<vmem>> -> memref<1x10000xi32, #tpu.memory_space<vmem>>
        %gather3A_1327 = tpu.memref_squeeze %gather3A_1326 : memref<1x10000xi32, #tpu.memory_space<vmem>> -> memref<10000xi32, #tpu.memory_space<vmem>>
        %gather3A_1328 = tpu.vector_load_idx %gather3A_1327[%get3A_1318] : memref<10000xi32, #tpu.memory_space<vmem>>[vector<16xi32>], vector<16xi32>,
        %gather3A_1329 = arith.constant 0 : i32
        %gather3A_1330 = arith.constant 0 : i32
        %gather3A_1331 = tpu.memref_slice %arg10[%gather3A_1329, %gather3A_1330] : memref<4x10000xi32, #tpu.memory_space<vmem>> -> memref<1x10000xi32, #tpu.memory_space<vmem>>
        %gather3A_1332 = tpu.memref_squeeze %gather3A_1331 : memref<1x10000xi32, #tpu.memory_space<vmem>> -> memref<10000xi32, #tpu.memory_space<vmem>>
        %gather3A_1333 = tpu.vector_load_idx %gather3A_1332[%get3A_1323] : memref<10000xi32, #tpu.memory_space<vmem>>[vector<16xi32>], vector<16xi32>,
        %gather3A_1334 = arith.constant 1 : i32
        %gather3A_1335 = arith.constant 0 : i32
        %gather3A_1336 = tpu.memref_slice %arg14[%gather3A_1334, %gather3A_1335] : memref<4x10000xi32, #tpu.memory_space<vmem>> -> memref<1x10000xi32, #tpu.memory_space<vmem>>
        %gather3A_1337 = tpu.memref_squeeze %gather3A_1336 : memref<1x10000xi32, #tpu.memory_space<vmem>> -> memref<10000xi32, #tpu.memory_space<vmem>>
        %gather3A_1338 = tpu.vector_load_idx %gather3A_1337[%get3A_1318] : memref<10000xi32, #tpu.memory_space<vmem>>[vector<16xi32>], vector<16xi32>,
        %gather3A_1339 = arith.constant 1 : i32
        %gather3A_1340 = arith.constant 0 : i32
        %gather3A_1341 = tpu.memref_slice %arg10[%gather3A_1339, %gather3A_1340] : memref<4x10000xi32, #tpu.memory_space<vmem>> -> memref<1x10000xi32, #tpu.memory_space<vmem>>
        %gather3A_1342 = tpu.memref_squeeze %gather3A_1341 : memref<1x10000xi32, #tpu.memory_space<vmem>> -> memref<10000xi32, #tpu.memory_space<vmem>>
        %gather3A_1343 = tpu.vector_load_idx %gather3A_1342[%get3A_1323] : memref<10000xi32, #tpu.memory_space<vmem>>[vector<16xi32>], vector<16xi32>,
        %gather3A_1344 = arith.constant 2 : i32
        %gather3A_1345 = arith.constant 0 : i32
        %gather3A_1346 = tpu.memref_slice %arg14[%gather3A_1344, %gather3A_1345] : memref<4x10000xi32, #tpu.memory_space<vmem>> -> memref<1x10000xi32, #tpu.memory_space<vmem>>
        %gather3A_1347 = tpu.memref_squeeze %gather3A_1346 : memref<1x10000xi32, #tpu.memory_space<vmem>> -> memref<10000xi32, #tpu.memory_space<vmem>>
        %gather3A_1348 = tpu.vector_load_idx %gather3A_1347[%get3A_1318] : memref<10000xi32, #tpu.memory_space<vmem>>[vector<16xi32>], vector<16xi32>,
        %gather3A_1349 = arith.constant 2 : i32
        %gather3A_1350 = arith.constant 0 : i32
        %gather3A_1351 = tpu.memref_slice %arg10[%gather3A_1349, %gather3A_1350] : memref<4x10000xi32, #tpu.memory_space<vmem>> -> memref<1x10000xi32, #tpu.memory_space<vmem>>
        %gather3A_1352 = tpu.memref_squeeze %gather3A_1351 : memref<1x10000xi32, #tpu.memory_space<vmem>> -> memref<10000xi32, #tpu.memory_space<vmem>>
        %gather3A_1353 = tpu.vector_load_idx %gather3A_1352[%get3A_1323] : memref<10000xi32, #tpu.memory_space<vmem>>[vector<16xi32>], vector<16xi32>,
        %gather3A_1354 = arith.constant 3 : i32
        %gather3A_1355 = arith.constant 0 : i32
        %gather3A_1356 = tpu.memref_slice %arg14[%gather3A_1354, %gather3A_1355] : memref<4x10000xi32, #tpu.memory_space<vmem>> -> memref<1x10000xi32, #tpu.memory_space<vmem>>
        %gather3A_1357 = tpu.memref_squeeze %gather3A_1356 : memref<1x10000xi32, #tpu.memory_space<vmem>> -> memref<10000xi32, #tpu.memory_space<vmem>>
        %gather3A_1358 = tpu.vector_load_idx %gather3A_1357[%get3A_1318] : memref<10000xi32, #tpu.memory_space<vmem>>[vector<16xi32>], vector<16xi32>,
        %gather3A_1359 = arith.constant 3 : i32
        %gather3A_1360 = arith.constant 0 : i32
        %gather3A_1361 = tpu.memref_slice %arg10[%gather3A_1359, %gather3A_1360] : memref<4x10000xi32, #tpu.memory_space<vmem>> -> memref<1x10000xi32, #tpu.memory_space<vmem>>
        %gather3A_1362 = tpu.memref_squeeze %gather3A_1361 : memref<1x10000xi32, #tpu.memory_space<vmem>> -> memref<10000xi32, #tpu.memory_space<vmem>>
        %gather3A_1363 = tpu.vector_load_idx %gather3A_1362[%get3A_1323] : memref<10000xi32, #tpu.memory_space<vmem>>[vector<16xi32>], vector<16xi32>,
        %mul3A_1364 = arith.constant 16 : i32
        %mul3A_1365 = arith.muli %scan3A_662, %mul3A_1364 : i32
        %add3A_1366 = arith.constant 13 : i32
        %add3A_1367 = arith.addi %mul3A_1365, %add3A_1366 : i32
        %mul3A_1368 = arith.constant 16 : i32
        %mul3A_1369 = arith.muli %add3A_1367, %mul3A_1368 : i32
        %get3A_1370 = arith.index_cast %rem3A_613 : i32 to index
        %get3A_1371 = arith.index_cast %mul3A_1369 : i32 to index
        %get3A_1372 = tpu.vector_load %arg8[%get3A_1370, %get3A_1371] {strides = array<i32>} : memref<2x2048xi32, #tpu.memory_space<vmem>>, vector<16xi32>,
        %mul3A_1373 = arith.constant 16 : i32
        %mul3A_1374 = arith.muli %add3A_1367, %mul3A_1373 : i32
        %get3A_1375 = arith.index_cast %rem3A_613 : i32 to index
        %get3A_1376 = arith.index_cast %mul3A_1374 : i32 to index
        %get3A_1377 = tpu.vector_load %arg9[%get3A_1375, %get3A_1376] {strides = array<i32>} : memref<2x2048xi32, #tpu.memory_space<vmem>>, vector<16xi32>,
        %gather3A_1378 = arith.constant 0 : i32
        %gather3A_1379 = arith.constant 0 : i32
        %gather3A_1380 = tpu.memref_slice %arg14[%gather3A_1378, %gather3A_1379] : memref<4x10000xi32, #tpu.memory_space<vmem>> -> memref<1x10000xi32, #tpu.memory_space<vmem>>
        %gather3A_1381 = tpu.memref_squeeze %gather3A_1380 : memref<1x10000xi32, #tpu.memory_space<vmem>> -> memref<10000xi32, #tpu.memory_space<vmem>>
        %gather3A_1382 = tpu.vector_load_idx %gather3A_1381[%get3A_1372] : memref<10000xi32, #tpu.memory_space<vmem>>[vector<16xi32>], vector<16xi32>,
        %gather3A_1383 = arith.constant 0 : i32
        %gather3A_1384 = arith.constant 0 : i32
        %gather3A_1385 = tpu.memref_slice %arg10[%gather3A_1383, %gather3A_1384] : memref<4x10000xi32, #tpu.memory_space<vmem>> -> memref<1x10000xi32, #tpu.memory_space<vmem>>
        %gather3A_1386 = tpu.memref_squeeze %gather3A_1385 : memref<1x10000xi32, #tpu.memory_space<vmem>> -> memref<10000xi32, #tpu.memory_space<vmem>>
        %gather3A_1387 = tpu.vector_load_idx %gather3A_1386[%get3A_1377] : memref<10000xi32, #tpu.memory_space<vmem>>[vector<16xi32>], vector<16xi32>,
        %gather3A_1388 = arith.constant 1 : i32
        %gather3A_1389 = arith.constant 0 : i32
        %gather3A_1390 = tpu.memref_slice %arg14[%gather3A_1388, %gather3A_1389] : memref<4x10000xi32, #tpu.memory_space<vmem>> -> memref<1x10000xi32, #tpu.memory_space<vmem>>
        %gather3A_1391 = tpu.memref_squeeze %gather3A_1390 : memref<1x10000xi32, #tpu.memory_space<vmem>> -> memref<10000xi32, #tpu.memory_space<vmem>>
        %gather3A_1392 = tpu.vector_load_idx %gather3A_1391[%get3A_1372] : memref<10000xi32, #tpu.memory_space<vmem>>[vector<16xi32>], vector<16xi32>,
        %gather3A_1393 = arith.constant 1 : i32
        %gather3A_1394 = arith.constant 0 : i32
        %gather3A_1395 = tpu.memref_slice %arg10[%gather3A_1393, %gather3A_1394] : memref<4x10000xi32, #tpu.memory_space<vmem>> -> memref<1x10000xi32, #tpu.memory_space<vmem>>
        %gather3A_1396 = tpu.memref_squeeze %gather3A_1395 : memref<1x10000xi32, #tpu.memory_space<vmem>> -> memref<10000xi32, #tpu.memory_space<vmem>>
        %gather3A_1397 = tpu.vector_load_idx %gather3A_1396[%get3A_1377] : memref<10000xi32, #tpu.memory_space<vmem>>[vector<16xi32>], vector<16xi32>,
        %gather3A_1398 = arith.constant 2 : i32
        %gather3A_1399 = arith.constant 0 : i32
        %gather3A_1400 = tpu.memref_slice %arg14[%gather3A_1398, %gather3A_1399] : memref<4x10000xi32, #tpu.memory_space<vmem>> -> memref<1x10000xi32, #tpu.memory_space<vmem>>
        %gather3A_1401 = tpu.memref_squeeze %gather3A_1400 : memref<1x10000xi32, #tpu.memory_space<vmem>> -> memref<10000xi32, #tpu.memory_space<vmem>>
        %gather3A_1402 = tpu.vector_load_idx %gather3A_1401[%get3A_1372] : memref<10000xi32, #tpu.memory_space<vmem>>[vector<16xi32>], vector<16xi32>,
        %gather3A_1403 = arith.constant 2 : i32
        %gather3A_1404 = arith.constant 0 : i32
        %gather3A_1405 = tpu.memref_slice %arg10[%gather3A_1403, %gather3A_1404] : memref<4x10000xi32, #tpu.memory_space<vmem>> -> memref<1x10000xi32, #tpu.memory_space<vmem>>
        %gather3A_1406 = tpu.memref_squeeze %gather3A_1405 : memref<1x10000xi32, #tpu.memory_space<vmem>> -> memref<10000xi32, #tpu.memory_space<vmem>>
        %gather3A_1407 = tpu.vector_load_idx %gather3A_1406[%get3A_1377] : memref<10000xi32, #tpu.memory_space<vmem>>[vector<16xi32>], vector<16xi32>,
        %gather3A_1408 = arith.constant 3 : i32
        %gather3A_1409 = arith.constant 0 : i32
        %gather3A_1410 = tpu.memref_slice %arg14[%gather3A_1408, %gather3A_1409] : memref<4x10000xi32, #tpu.memory_space<vmem>> -> memref<1x10000xi32, #tpu.memory_space<vmem>>
        %gather3A_1411 = tpu.memref_squeeze %gather3A_1410 : memref<1x10000xi32, #tpu.memory_space<vmem>> -> memref<10000xi32, #tpu.memory_space<vmem>>
        %gather3A_1412 = tpu.vector_load_idx %gather3A_1411[%get3A_1372] : memref<10000xi32, #tpu.memory_space<vmem>>[vector<16xi32>], vector<16xi32>,
        %gather3A_1413 = arith.constant 3 : i32
        %gather3A_1414 = arith.constant 0 : i32
        %gather3A_1415 = tpu.memref_slice %arg10[%gather3A_1413, %gather3A_1414] : memref<4x10000xi32, #tpu.memory_space<vmem>> -> memref<1x10000xi32, #tpu.memory_space<vmem>>
        %gather3A_1416 = tpu.memref_squeeze %gather3A_1415 : memref<1x10000xi32, #tpu.memory_space<vmem>> -> memref<10000xi32, #tpu.memory_space<vmem>>
        %gather3A_1417 = tpu.vector_load_idx %gather3A_1416[%get3A_1377] : memref<10000xi32, #tpu.memory_space<vmem>>[vector<16xi32>], vector<16xi32>,
        %mul3A_1418 = arith.constant 16 : i32
        %mul3A_1419 = arith.muli %scan3A_662, %mul3A_1418 : i32
        %add3A_1420 = arith.constant 14 : i32
        %add3A_1421 = arith.addi %mul3A_1419, %add3A_1420 : i32
        %mul3A_1422 = arith.constant 16 : i32
        %mul3A_1423 = arith.muli %add3A_1421, %mul3A_1422 : i32
        %get3A_1424 = arith.index_cast %rem3A_613 : i32 to index
        %get3A_1425 = arith.index_cast %mul3A_1423 : i32 to index
        %get3A_1426 = tpu.vector_load %arg8[%get3A_1424, %get3A_1425] {strides = array<i32>} : memref<2x2048xi32, #tpu.memory_space<vmem>>, vector<16xi32>,
        %mul3A_1427 = arith.constant 16 : i32
        %mul3A_1428 = arith.muli %add3A_1421, %mul3A_1427 : i32
        %get3A_1429 = arith.index_cast %rem3A_613 : i32 to index
        %get3A_1430 = arith.index_cast %mul3A_1428 : i32 to index
        %get3A_1431 = tpu.vector_load %arg9[%get3A_1429, %get3A_1430] {strides = array<i32>} : memref<2x2048xi32, #tpu.memory_space<vmem>>, vector<16xi32>,
        %gather3A_1432 = arith.constant 0 : i32
        %gather3A_1433 = arith.constant 0 : i32
        %gather3A_1434 = tpu.memref_slice %arg14[%gather3A_1432, %gather3A_1433] : memref<4x10000xi32, #tpu.memory_space<vmem>> -> memref<1x10000xi32, #tpu.memory_space<vmem>>
        %gather3A_1435 = tpu.memref_squeeze %gather3A_1434 : memref<1x10000xi32, #tpu.memory_space<vmem>> -> memref<10000xi32, #tpu.memory_space<vmem>>
        %gather3A_1436 = tpu.vector_load_idx %gather3A_1435[%get3A_1426] : memref<10000xi32, #tpu.memory_space<vmem>>[vector<16xi32>], vector<16xi32>,
        %gather3A_1437 = arith.constant 0 : i32
        %gather3A_1438 = arith.constant 0 : i32
        %gather3A_1439 = tpu.memref_slice %arg10[%gather3A_1437, %gather3A_1438] : memref<4x10000xi32, #tpu.memory_space<vmem>> -> memref<1x10000xi32, #tpu.memory_space<vmem>>
        %gather3A_1440 = tpu.memref_squeeze %gather3A_1439 : memref<1x10000xi32, #tpu.memory_space<vmem>> -> memref<10000xi32, #tpu.memory_space<vmem>>
        %gather3A_1441 = tpu.vector_load_idx %gather3A_1440[%get3A_1431] : memref<10000xi32, #tpu.memory_space<vmem>>[vector<16xi32>], vector<16xi32>,
        %gather3A_1442 = arith.constant 1 : i32
        %gather3A_1443 = arith.constant 0 : i32
        %gather3A_1444 = tpu.memref_slice %arg14[%gather3A_1442, %gather3A_1443] : memref<4x10000xi32, #tpu.memory_space<vmem>> -> memref<1x10000xi32, #tpu.memory_space<vmem>>
        %gather3A_1445 = tpu.memref_squeeze %gather3A_1444 : memref<1x10000xi32, #tpu.memory_space<vmem>> -> memref<10000xi32, #tpu.memory_space<vmem>>
        %gather3A_1446 = tpu.vector_load_idx %gather3A_1445[%get3A_1426] : memref<10000xi32, #tpu.memory_space<vmem>>[vector<16xi32>], vector<16xi32>,
        %gather3A_1447 = arith.constant 1 : i32
        %gather3A_1448 = arith.constant 0 : i32
        %gather3A_1449 = tpu.memref_slice %arg10[%gather3A_1447, %gather3A_1448] : memref<4x10000xi32, #tpu.memory_space<vmem>> -> memref<1x10000xi32, #tpu.memory_space<vmem>>
        %gather3A_1450 = tpu.memref_squeeze %gather3A_1449 : memref<1x10000xi32, #tpu.memory_space<vmem>> -> memref<10000xi32, #tpu.memory_space<vmem>>
        %gather3A_1451 = tpu.vector_load_idx %gather3A_1450[%get3A_1431] : memref<10000xi32, #tpu.memory_space<vmem>>[vector<16xi32>], vector<16xi32>,
        %gather3A_1452 = arith.constant 2 : i32
        %gather3A_1453 = arith.constant 0 : i32
        %gather3A_1454 = tpu.memref_slice %arg14[%gather3A_1452, %gather3A_1453] : memref<4x10000xi32, #tpu.memory_space<vmem>> -> memref<1x10000xi32, #tpu.memory_space<vmem>>
        %gather3A_1455 = tpu.memref_squeeze %gather3A_1454 : memref<1x10000xi32, #tpu.memory_space<vmem>> -> memref<10000xi32, #tpu.memory_space<vmem>>
        %gather3A_1456 = tpu.vector_load_idx %gather3A_1455[%get3A_1426] : memref<10000xi32, #tpu.memory_space<vmem>>[vector<16xi32>], vector<16xi32>,
        %gather3A_1457 = arith.constant 2 : i32
        %gather3A_1458 = arith.constant 0 : i32
        %gather3A_1459 = tpu.memref_slice %arg10[%gather3A_1457, %gather3A_1458] : memref<4x10000xi32, #tpu.memory_space<vmem>> -> memref<1x10000xi32, #tpu.memory_space<vmem>>
        %gather3A_1460 = tpu.memref_squeeze %gather3A_1459 : memref<1x10000xi32, #tpu.memory_space<vmem>> -> memref<10000xi32, #tpu.memory_space<vmem>>
        %gather3A_1461 = tpu.vector_load_idx %gather3A_1460[%get3A_1431] : memref<10000xi32, #tpu.memory_space<vmem>>[vector<16xi32>], vector<16xi32>,
        %gather3A_1462 = arith.constant 3 : i32
        %gather3A_1463 = arith.constant 0 : i32
        %gather3A_1464 = tpu.memref_slice %arg14[%gather3A_1462, %gather3A_1463] : memref<4x10000xi32, #tpu.memory_space<vmem>> -> memref<1x10000xi32, #tpu.memory_space<vmem>>
        %gather3A_1465 = tpu.memref_squeeze %gather3A_1464 : memref<1x10000xi32, #tpu.memory_space<vmem>> -> memref<10000xi32, #tpu.memory_space<vmem>>
        %gather3A_1466 = tpu.vector_load_idx %gather3A_1465[%get3A_1426] : memref<10000xi32, #tpu.memory_space<vmem>>[vector<16xi32>], vector<16xi32>,
        %gather3A_1467 = arith.constant 3 : i32
        %gather3A_1468 = arith.constant 0 : i32
        %gather3A_1469 = tpu.memref_slice %arg10[%gather3A_1467, %gather3A_1468] : memref<4x10000xi32, #tpu.memory_space<vmem>> -> memref<1x10000xi32, #tpu.memory_space<vmem>>
        %gather3A_1470 = tpu.memref_squeeze %gather3A_1469 : memref<1x10000xi32, #tpu.memory_space<vmem>> -> memref<10000xi32, #tpu.memory_space<vmem>>
        %gather3A_1471 = tpu.vector_load_idx %gather3A_1470[%get3A_1431] : memref<10000xi32, #tpu.memory_space<vmem>>[vector<16xi32>], vector<16xi32>,
        %mul3A_1472 = arith.constant 16 : i32
        %mul3A_1473 = arith.muli %scan3A_662, %mul3A_1472 : i32
        %add3A_1474 = arith.constant 15 : i32
        %add3A_1475 = arith.addi %mul3A_1473, %add3A_1474 : i32
        %mul3A_1476 = arith.constant 16 : i32
        %mul3A_1477 = arith.muli %add3A_1475, %mul3A_1476 : i32
        %get3A_1478 = arith.index_cast %rem3A_613 : i32 to index
        %get3A_1479 = arith.index_cast %mul3A_1477 : i32 to index
        %get3A_1480 = tpu.vector_load %arg8[%get3A_1478, %get3A_1479] {strides = array<i32>} : memref<2x2048xi32, #tpu.memory_space<vmem>>, vector<16xi32>,
        %mul3A_1481 = arith.constant 16 : i32
        %mul3A_1482 = arith.muli %add3A_1475, %mul3A_1481 : i32
        %get3A_1483 = arith.index_cast %rem3A_613 : i32 to index
        %get3A_1484 = arith.index_cast %mul3A_1482 : i32 to index
        %get3A_1485 = tpu.vector_load %arg9[%get3A_1483, %get3A_1484] {strides = array<i32>} : memref<2x2048xi32, #tpu.memory_space<vmem>>, vector<16xi32>,
        %gather3A_1486 = arith.constant 0 : i32
        %gather3A_1487 = arith.constant 0 : i32
        %gather3A_1488 = tpu.memref_slice %arg14[%gather3A_1486, %gather3A_1487] : memref<4x10000xi32, #tpu.memory_space<vmem>> -> memref<1x10000xi32, #tpu.memory_space<vmem>>
        %gather3A_1489 = tpu.memref_squeeze %gather3A_1488 : memref<1x10000xi32, #tpu.memory_space<vmem>> -> memref<10000xi32, #tpu.memory_space<vmem>>
        %gather3A_1490 = tpu.vector_load_idx %gather3A_1489[%get3A_1480] : memref<10000xi32, #tpu.memory_space<vmem>>[vector<16xi32>], vector<16xi32>,
        %gather3A_1491 = arith.constant 0 : i32
        %gather3A_1492 = arith.constant 0 : i32
        %gather3A_1493 = tpu.memref_slice %arg10[%gather3A_1491, %gather3A_1492] : memref<4x10000xi32, #tpu.memory_space<vmem>> -> memref<1x10000xi32, #tpu.memory_space<vmem>>
        %gather3A_1494 = tpu.memref_squeeze %gather3A_1493 : memref<1x10000xi32, #tpu.memory_space<vmem>> -> memref<10000xi32, #tpu.memory_space<vmem>>
        %gather3A_1495 = tpu.vector_load_idx %gather3A_1494[%get3A_1485] : memref<10000xi32, #tpu.memory_space<vmem>>[vector<16xi32>], vector<16xi32>,
        %gather3A_1496 = arith.constant 1 : i32
        %gather3A_1497 = arith.constant 0 : i32
        %gather3A_1498 = tpu.memref_slice %arg14[%gather3A_1496, %gather3A_1497] : memref<4x10000xi32, #tpu.memory_space<vmem>> -> memref<1x10000xi32, #tpu.memory_space<vmem>>
        %gather3A_1499 = tpu.memref_squeeze %gather3A_1498 : memref<1x10000xi32, #tpu.memory_space<vmem>> -> memref<10000xi32, #tpu.memory_space<vmem>>
        %gather3A_1500 = tpu.vector_load_idx %gather3A_1499[%get3A_1480] : memref<10000xi32, #tpu.memory_space<vmem>>[vector<16xi32>], vector<16xi32>,
        %gather3A_1501 = arith.constant 1 : i32
        %gather3A_1502 = arith.constant 0 : i32
        %gather3A_1503 = tpu.memref_slice %arg10[%gather3A_1501, %gather3A_1502] : memref<4x10000xi32, #tpu.memory_space<vmem>> -> memref<1x10000xi32, #tpu.memory_space<vmem>>
        %gather3A_1504 = tpu.memref_squeeze %gather3A_1503 : memref<1x10000xi32, #tpu.memory_space<vmem>> -> memref<10000xi32, #tpu.memory_space<vmem>>
        %gather3A_1505 = tpu.vector_load_idx %gather3A_1504[%get3A_1485] : memref<10000xi32, #tpu.memory_space<vmem>>[vector<16xi32>], vector<16xi32>,
        %gather3A_1506 = arith.constant 2 : i32
        %gather3A_1507 = arith.constant 0 : i32
        %gather3A_1508 = tpu.memref_slice %arg14[%gather3A_1506, %gather3A_1507] : memref<4x10000xi32, #tpu.memory_space<vmem>> -> memref<1x10000xi32, #tpu.memory_space<vmem>>
        %gather3A_1509 = tpu.memref_squeeze %gather3A_1508 : memref<1x10000xi32, #tpu.memory_space<vmem>> -> memref<10000xi32, #tpu.memory_space<vmem>>
        %gather3A_1510 = tpu.vector_load_idx %gather3A_1509[%get3A_1480] : memref<10000xi32, #tpu.memory_space<vmem>>[vector<16xi32>], vector<16xi32>,
        %gather3A_1511 = arith.constant 2 : i32
        %gather3A_1512 = arith.constant 0 : i32
        %gather3A_1513 = tpu.memref_slice %arg10[%gather3A_1511, %gather3A_1512] : memref<4x10000xi32, #tpu.memory_space<vmem>> -> memref<1x10000xi32, #tpu.memory_space<vmem>>
        %gather3A_1514 = tpu.memref_squeeze %gather3A_1513 : memref<1x10000xi32, #tpu.memory_space<vmem>> -> memref<10000xi32, #tpu.memory_space<vmem>>
        %gather3A_1515 = tpu.vector_load_idx %gather3A_1514[%get3A_1485] : memref<10000xi32, #tpu.memory_space<vmem>>[vector<16xi32>], vector<16xi32>,
        %gather3A_1516 = arith.constant 3 : i32
        %gather3A_1517 = arith.constant 0 : i32
        %gather3A_1518 = tpu.memref_slice %arg14[%gather3A_1516, %gather3A_1517] : memref<4x10000xi32, #tpu.memory_space<vmem>> -> memref<1x10000xi32, #tpu.memory_space<vmem>>
        %gather3A_1519 = tpu.memref_squeeze %gather3A_1518 : memref<1x10000xi32, #tpu.memory_space<vmem>> -> memref<10000xi32, #tpu.memory_space<vmem>>
        %gather3A_1520 = tpu.vector_load_idx %gather3A_1519[%get3A_1480] : memref<10000xi32, #tpu.memory_space<vmem>>[vector<16xi32>], vector<16xi32>,
        %gather3A_1521 = arith.constant 3 : i32
        %gather3A_1522 = arith.constant 0 : i32
        %gather3A_1523 = tpu.memref_slice %arg10[%gather3A_1521, %gather3A_1522] : memref<4x10000xi32, #tpu.memory_space<vmem>> -> memref<1x10000xi32, #tpu.memory_space<vmem>>
        %gather3A_1524 = tpu.memref_squeeze %gather3A_1523 : memref<1x10000xi32, #tpu.memory_space<vmem>> -> memref<10000xi32, #tpu.memory_space<vmem>>
        %gather3A_1525 = tpu.vector_load_idx %gather3A_1524[%get3A_1485] : memref<10000xi32, #tpu.memory_space<vmem>>[vector<16xi32>], vector<16xi32>,
        %bitcast3A = vector.bitcast %gather3A_680 : vector<16xi32> to vector<16xf32>
        %shift_left3A = arith.constant 16 : i32
        %shift_left3A_1526 = vector.broadcast %shift_left3A : i32 to vector<16xi32>
        %shift_left3A_1527 = arith.shli %gather3A_680, %shift_left3A_1526 : vector<16xi32>
        %bitcast3A_1528 = vector.bitcast %shift_left3A_1527 : vector<16xi32> to vector<16xf32>
        %bitcast3A_1529 = vector.bitcast %gather3A_685 : vector<16xi32> to vector<16xf32>
        %shift_left3A_1530 = arith.constant 16 : i32
        %shift_left3A_1531 = vector.broadcast %shift_left3A_1530 : i32 to vector<16xi32>
        %shift_left3A_1532 = arith.shli %gather3A_685, %shift_left3A_1531 : vector<16xi32>
        %bitcast3A_1533 = vector.bitcast %shift_left3A_1532 : vector<16xi32> to vector<16xf32>
        %mul3A_1534 = arith.mulf %bitcast3A, %bitcast3A_1529 : vector<16xf32>
        %mul3A_1535 = arith.mulf %bitcast3A_1528, %bitcast3A_1533 : vector<16xf32>
        %add3A_1536 = arith.addf %mul3A_1534, %mul3A_1535 : vector<16xf32>
        %bitcast3A_1537 = vector.bitcast %gather3A_690 : vector<16xi32> to vector<16xf32>
        %shift_left3A_1538 = arith.constant 16 : i32
        %shift_left3A_1539 = vector.broadcast %shift_left3A_1538 : i32 to vector<16xi32>
        %shift_left3A_1540 = arith.shli %gather3A_690, %shift_left3A_1539 : vector<16xi32>
        %bitcast3A_1541 = vector.bitcast %shift_left3A_1540 : vector<16xi32> to vector<16xf32>
        %bitcast3A_1542 = vector.bitcast %gather3A_695 : vector<16xi32> to vector<16xf32>
        %shift_left3A_1543 = arith.constant 16 : i32
        %shift_left3A_1544 = vector.broadcast %shift_left3A_1543 : i32 to vector<16xi32>
        %shift_left3A_1545 = arith.shli %gather3A_695, %shift_left3A_1544 : vector<16xi32>
        %bitcast3A_1546 = vector.bitcast %shift_left3A_1545 : vector<16xi32> to vector<16xf32>
        %mul3A_1547 = arith.mulf %bitcast3A_1537, %bitcast3A_1542 : vector<16xf32>
        %mul3A_1548 = arith.mulf %bitcast3A_1541, %bitcast3A_1546 : vector<16xf32>
        %add3A_1549 = arith.addf %mul3A_1547, %mul3A_1548 : vector<16xf32>
        %bitcast3A_1550 = vector.bitcast %gather3A_700 : vector<16xi32> to vector<16xf32>
        %shift_left3A_1551 = arith.constant 16 : i32
        %shift_left3A_1552 = vector.broadcast %shift_left3A_1551 : i32 to vector<16xi32>
        %shift_left3A_1553 = arith.shli %gather3A_700, %shift_left3A_1552 : vector<16xi32>
        %bitcast3A_1554 = vector.bitcast %shift_left3A_1553 : vector<16xi32> to vector<16xf32>
        %bitcast3A_1555 = vector.bitcast %gather3A_705 : vector<16xi32> to vector<16xf32>
        %shift_left3A_1556 = arith.constant 16 : i32
        %shift_left3A_1557 = vector.broadcast %shift_left3A_1556 : i32 to vector<16xi32>
        %shift_left3A_1558 = arith.shli %gather3A_705, %shift_left3A_1557 : vector<16xi32>
        %bitcast3A_1559 = vector.bitcast %shift_left3A_1558 : vector<16xi32> to vector<16xf32>
        %mul3A_1560 = arith.mulf %bitcast3A_1550, %bitcast3A_1555 : vector<16xf32>
        %mul3A_1561 = arith.mulf %bitcast3A_1554, %bitcast3A_1559 : vector<16xf32>
        %add3A_1562 = arith.addf %mul3A_1560, %mul3A_1561 : vector<16xf32>
        %add3A_1563 = arith.addf %add3A_1536, %add3A_1562 : vector<16xf32>
        %bitcast3A_1564 = vector.bitcast %gather3A_710 : vector<16xi32> to vector<16xf32>
        %shift_left3A_1565 = arith.constant 16 : i32
        %shift_left3A_1566 = vector.broadcast %shift_left3A_1565 : i32 to vector<16xi32>
        %shift_left3A_1567 = arith.shli %gather3A_710, %shift_left3A_1566 : vector<16xi32>
        %bitcast3A_1568 = vector.bitcast %shift_left3A_1567 : vector<16xi32> to vector<16xf32>
        %bitcast3A_1569 = vector.bitcast %gather3A_715 : vector<16xi32> to vector<16xf32>
        %shift_left3A_1570 = arith.constant 16 : i32
        %shift_left3A_1571 = vector.broadcast %shift_left3A_1570 : i32 to vector<16xi32>
        %shift_left3A_1572 = arith.shli %gather3A_715, %shift_left3A_1571 : vector<16xi32>
        %bitcast3A_1573 = vector.bitcast %shift_left3A_1572 : vector<16xi32> to vector<16xf32>
        %mul3A_1574 = arith.mulf %bitcast3A_1564, %bitcast3A_1569 : vector<16xf32>
        %mul3A_1575 = arith.mulf %bitcast3A_1568, %bitcast3A_1573 : vector<16xf32>
        %add3A_1576 = arith.addf %mul3A_1574, %mul3A_1575 : vector<16xf32>
        %add3A_1577 = arith.addf %add3A_1549, %add3A_1576 : vector<16xf32>
        %add3A_1578 = arith.addf %add3A_1563, %add3A_1577 : vector<16xf32>
        %bitcast3A_1579 = vector.bitcast %gather3A_734 : vector<16xi32> to vector<16xf32>
        %shift_left3A_1580 = arith.constant 16 : i32
        %shift_left3A_1581 = vector.broadcast %shift_left3A_1580 : i32 to vector<16xi32>
        %shift_left3A_1582 = arith.shli %gather3A_734, %shift_left3A_1581 : vector<16xi32>
        %bitcast3A_1583 = vector.bitcast %shift_left3A_1582 : vector<16xi32> to vector<16xf32>
        %bitcast3A_1584 = vector.bitcast %gather3A_739 : vector<16xi32> to vector<16xf32>
        %shift_left3A_1585 = arith.constant 16 : i32
        %shift_left3A_1586 = vector.broadcast %shift_left3A_1585 : i32 to vector<16xi32>
        %shift_left3A_1587 = arith.shli %gather3A_739, %shift_left3A_1586 : vector<16xi32>
        %bitcast3A_1588 = vector.bitcast %shift_left3A_1587 : vector<16xi32> to vector<16xf32>
        %mul3A_1589 = arith.mulf %bitcast3A_1579, %bitcast3A_1584 : vector<16xf32>
        %mul3A_1590 = arith.mulf %bitcast3A_1583, %bitcast3A_1588 : vector<16xf32>
        %add3A_1591 = arith.addf %mul3A_1589, %mul3A_1590 : vector<16xf32>
        %bitcast3A_1592 = vector.bitcast %gather3A_744 : vector<16xi32> to vector<16xf32>
        %shift_left3A_1593 = arith.constant 16 : i32
        %shift_left3A_1594 = vector.broadcast %shift_left3A_1593 : i32 to vector<16xi32>
        %shift_left3A_1595 = arith.shli %gather3A_744, %shift_left3A_1594 : vector<16xi32>
        %bitcast3A_1596 = vector.bitcast %shift_left3A_1595 : vector<16xi32> to vector<16xf32>
        %bitcast3A_1597 = vector.bitcast %gather3A_749 : vector<16xi32> to vector<16xf32>
        %shift_left3A_1598 = arith.constant 16 : i32
        %shift_left3A_1599 = vector.broadcast %shift_left3A_1598 : i32 to vector<16xi32>
        %shift_left3A_1600 = arith.shli %gather3A_749, %shift_left3A_1599 : vector<16xi32>
        %bitcast3A_1601 = vector.bitcast %shift_left3A_1600 : vector<16xi32> to vector<16xf32>
        %mul3A_1602 = arith.mulf %bitcast3A_1592, %bitcast3A_1597 : vector<16xf32>
        %mul3A_1603 = arith.mulf %bitcast3A_1596, %bitcast3A_1601 : vector<16xf32>
        %add3A_1604 = arith.addf %mul3A_1602, %mul3A_1603 : vector<16xf32>
        %bitcast3A_1605 = vector.bitcast %gather3A_754 : vector<16xi32> to vector<16xf32>
        %shift_left3A_1606 = arith.constant 16 : i32
        %shift_left3A_1607 = vector.broadcast %shift_left3A_1606 : i32 to vector<16xi32>
        %shift_left3A_1608 = arith.shli %gather3A_754, %shift_left3A_1607 : vector<16xi32>
        %bitcast3A_1609 = vector.bitcast %shift_left3A_1608 : vector<16xi32> to vector<16xf32>
        %bitcast3A_1610 = vector.bitcast %gather3A_759 : vector<16xi32> to vector<16xf32>
        %shift_left3A_1611 = arith.constant 16 : i32
        %shift_left3A_1612 = vector.broadcast %shift_left3A_1611 : i32 to vector<16xi32>
        %shift_left3A_1613 = arith.shli %gather3A_759, %shift_left3A_1612 : vector<16xi32>
        %bitcast3A_1614 = vector.bitcast %shift_left3A_1613 : vector<16xi32> to vector<16xf32>
        %mul3A_1615 = arith.mulf %bitcast3A_1605, %bitcast3A_1610 : vector<16xf32>
        %mul3A_1616 = arith.mulf %bitcast3A_1609, %bitcast3A_1614 : vector<16xf32>
        %add3A_1617 = arith.addf %mul3A_1615, %mul3A_1616 : vector<16xf32>
        %add3A_1618 = arith.addf %add3A_1591, %add3A_1617 : vector<16xf32>
        %bitcast3A_1619 = vector.bitcast %gather3A_764 : vector<16xi32> to vector<16xf32>
        %shift_left3A_1620 = arith.constant 16 : i32
        %shift_left3A_1621 = vector.broadcast %shift_left3A_1620 : i32 to vector<16xi32>
        %shift_left3A_1622 = arith.shli %gather3A_764, %shift_left3A_1621 : vector<16xi32>
        %bitcast3A_1623 = vector.bitcast %shift_left3A_1622 : vector<16xi32> to vector<16xf32>
        %bitcast3A_1624 = vector.bitcast %gather3A_769 : vector<16xi32> to vector<16xf32>
        %shift_left3A_1625 = arith.constant 16 : i32
        %shift_left3A_1626 = vector.broadcast %shift_left3A_1625 : i32 to vector<16xi32>
        %shift_left3A_1627 = arith.shli %gather3A_769, %shift_left3A_1626 : vector<16xi32>
        %bitcast3A_1628 = vector.bitcast %shift_left3A_1627 : vector<16xi32> to vector<16xf32>
        %mul3A_1629 = arith.mulf %bitcast3A_1619, %bitcast3A_1624 : vector<16xf32>
        %mul3A_1630 = arith.mulf %bitcast3A_1623, %bitcast3A_1628 : vector<16xf32>
        %add3A_1631 = arith.addf %mul3A_1629, %mul3A_1630 : vector<16xf32>
        %add3A_1632 = arith.addf %add3A_1604, %add3A_1631 : vector<16xf32>
        %add3A_1633 = arith.addf %add3A_1618, %add3A_1632 : vector<16xf32>
        %bitcast3A_1634 = vector.bitcast %gather3A_788 : vector<16xi32> to vector<16xf32>
        %shift_left3A_1635 = arith.constant 16 : i32
        %shift_left3A_1636 = vector.broadcast %shift_left3A_1635 : i32 to vector<16xi32>
        %shift_left3A_1637 = arith.shli %gather3A_788, %shift_left3A_1636 : vector<16xi32>
        %bitcast3A_1638 = vector.bitcast %shift_left3A_1637 : vector<16xi32> to vector<16xf32>
        %bitcast3A_1639 = vector.bitcast %gather3A_793 : vector<16xi32> to vector<16xf32>
        %shift_left3A_1640 = arith.constant 16 : i32
        %shift_left3A_1641 = vector.broadcast %shift_left3A_1640 : i32 to vector<16xi32>
        %shift_left3A_1642 = arith.shli %gather3A_793, %shift_left3A_1641 : vector<16xi32>
        %bitcast3A_1643 = vector.bitcast %shift_left3A_1642 : vector<16xi32> to vector<16xf32>
        %mul3A_1644 = arith.mulf %bitcast3A_1634, %bitcast3A_1639 : vector<16xf32>
        %mul3A_1645 = arith.mulf %bitcast3A_1638, %bitcast3A_1643 : vector<16xf32>
        %add3A_1646 = arith.addf %mul3A_1644, %mul3A_1645 : vector<16xf32>
        %bitcast3A_1647 = vector.bitcast %gather3A_798 : vector<16xi32> to vector<16xf32>
        %shift_left3A_1648 = arith.constant 16 : i32
        %shift_left3A_1649 = vector.broadcast %shift_left3A_1648 : i32 to vector<16xi32>
        %shift_left3A_1650 = arith.shli %gather3A_798, %shift_left3A_1649 : vector<16xi32>
        %bitcast3A_1651 = vector.bitcast %shift_left3A_1650 : vector<16xi32> to vector<16xf32>
        %bitcast3A_1652 = vector.bitcast %gather3A_803 : vector<16xi32> to vector<16xf32>
        %shift_left3A_1653 = arith.constant 16 : i32
        %shift_left3A_1654 = vector.broadcast %shift_left3A_1653 : i32 to vector<16xi32>
        %shift_left3A_1655 = arith.shli %gather3A_803, %shift_left3A_1654 : vector<16xi32>
        %bitcast3A_1656 = vector.bitcast %shift_left3A_1655 : vector<16xi32> to vector<16xf32>
        %mul3A_1657 = arith.mulf %bitcast3A_1647, %bitcast3A_1652 : vector<16xf32>
        %mul3A_1658 = arith.mulf %bitcast3A_1651, %bitcast3A_1656 : vector<16xf32>
        %add3A_1659 = arith.addf %mul3A_1657, %mul3A_1658 : vector<16xf32>
        %bitcast3A_1660 = vector.bitcast %gather3A_808 : vector<16xi32> to vector<16xf32>
        %shift_left3A_1661 = arith.constant 16 : i32
        %shift_left3A_1662 = vector.broadcast %shift_left3A_1661 : i32 to vector<16xi32>
        %shift_left3A_1663 = arith.shli %gather3A_808, %shift_left3A_1662 : vector<16xi32>
        %bitcast3A_1664 = vector.bitcast %shift_left3A_1663 : vector<16xi32> to vector<16xf32>
        %bitcast3A_1665 = vector.bitcast %gather3A_813 : vector<16xi32> to vector<16xf32>
        %shift_left3A_1666 = arith.constant 16 : i32
        %shift_left3A_1667 = vector.broadcast %shift_left3A_1666 : i32 to vector<16xi32>
        %shift_left3A_1668 = arith.shli %gather3A_813, %shift_left3A_1667 : vector<16xi32>
        %bitcast3A_1669 = vector.bitcast %shift_left3A_1668 : vector<16xi32> to vector<16xf32>
        %mul3A_1670 = arith.mulf %bitcast3A_1660, %bitcast3A_1665 : vector<16xf32>
        %mul3A_1671 = arith.mulf %bitcast3A_1664, %bitcast3A_1669 : vector<16xf32>
        %add3A_1672 = arith.addf %mul3A_1670, %mul3A_1671 : vector<16xf32>
        %add3A_1673 = arith.addf %add3A_1646, %add3A_1672 : vector<16xf32>
        %bitcast3A_1674 = vector.bitcast %gather3A_818 : vector<16xi32> to vector<16xf32>
        %shift_left3A_1675 = arith.constant 16 : i32
        %shift_left3A_1676 = vector.broadcast %shift_left3A_1675 : i32 to vector<16xi32>
        %shift_left3A_1677 = arith.shli %gather3A_818, %shift_left3A_1676 : vector<16xi32>
        %bitcast3A_1678 = vector.bitcast %shift_left3A_1677 : vector<16xi32> to vector<16xf32>
        %bitcast3A_1679 = vector.bitcast %gather3A_823 : vector<16xi32> to vector<16xf32>
        %shift_left3A_1680 = arith.constant 16 : i32
        %shift_left3A_1681 = vector.broadcast %shift_left3A_1680 : i32 to vector<16xi32>
        %shift_left3A_1682 = arith.shli %gather3A_823, %shift_left3A_1681 : vector<16xi32>
        %bitcast3A_1683 = vector.bitcast %shift_left3A_1682 : vector<16xi32> to vector<16xf32>
        %mul3A_1684 = arith.mulf %bitcast3A_1674, %bitcast3A_1679 : vector<16xf32>
        %mul3A_1685 = arith.mulf %bitcast3A_1678, %bitcast3A_1683 : vector<16xf32>
        %add3A_1686 = arith.addf %mul3A_1684, %mul3A_1685 : vector<16xf32>
        %add3A_1687 = arith.addf %add3A_1659, %add3A_1686 : vector<16xf32>
        %add3A_1688 = arith.addf %add3A_1673, %add3A_1687 : vector<16xf32>
        %bitcast3A_1689 = vector.bitcast %gather3A_842 : vector<16xi32> to vector<16xf32>
        %shift_left3A_1690 = arith.constant 16 : i32
        %shift_left3A_1691 = vector.broadcast %shift_left3A_1690 : i32 to vector<16xi32>
        %shift_left3A_1692 = arith.shli %gather3A_842, %shift_left3A_1691 : vector<16xi32>
        %bitcast3A_1693 = vector.bitcast %shift_left3A_1692 : vector<16xi32> to vector<16xf32>
        %bitcast3A_1694 = vector.bitcast %gather3A_847 : vector<16xi32> to vector<16xf32>
        %shift_left3A_1695 = arith.constant 16 : i32
        %shift_left3A_1696 = vector.broadcast %shift_left3A_1695 : i32 to vector<16xi32>
        %shift_left3A_1697 = arith.shli %gather3A_847, %shift_left3A_1696 : vector<16xi32>
        %bitcast3A_1698 = vector.bitcast %shift_left3A_1697 : vector<16xi32> to vector<16xf32>
        %mul3A_1699 = arith.mulf %bitcast3A_1689, %bitcast3A_1694 : vector<16xf32>
        %mul3A_1700 = arith.mulf %bitcast3A_1693, %bitcast3A_1698 : vector<16xf32>
        %add3A_1701 = arith.addf %mul3A_1699, %mul3A_1700 : vector<16xf32>
        %bitcast3A_1702 = vector.bitcast %gather3A_852 : vector<16xi32> to vector<16xf32>
        %shift_left3A_1703 = arith.constant 16 : i32
        %shift_left3A_1704 = vector.broadcast %shift_left3A_1703 : i32 to vector<16xi32>
        %shift_left3A_1705 = arith.shli %gather3A_852, %shift_left3A_1704 : vector<16xi32>
        %bitcast3A_1706 = vector.bitcast %shift_left3A_1705 : vector<16xi32> to vector<16xf32>
        %bitcast3A_1707 = vector.bitcast %gather3A_857 : vector<16xi32> to vector<16xf32>
        %shift_left3A_1708 = arith.constant 16 : i32
        %shift_left3A_1709 = vector.broadcast %shift_left3A_1708 : i32 to vector<16xi32>
        %shift_left3A_1710 = arith.shli %gather3A_857, %shift_left3A_1709 : vector<16xi32>
        %bitcast3A_1711 = vector.bitcast %shift_left3A_1710 : vector<16xi32> to vector<16xf32>
        %mul3A_1712 = arith.mulf %bitcast3A_1702, %bitcast3A_1707 : vector<16xf32>
        %mul3A_1713 = arith.mulf %bitcast3A_1706, %bitcast3A_1711 : vector<16xf32>
        %add3A_1714 = arith.addf %mul3A_1712, %mul3A_1713 : vector<16xf32>
        %bitcast3A_1715 = vector.bitcast %gather3A_862 : vector<16xi32> to vector<16xf32>
        %shift_left3A_1716 = arith.constant 16 : i32
        %shift_left3A_1717 = vector.broadcast %shift_left3A_1716 : i32 to vector<16xi32>
        %shift_left3A_1718 = arith.shli %gather3A_862, %shift_left3A_1717 : vector<16xi32>
        %bitcast3A_1719 = vector.bitcast %shift_left3A_1718 : vector<16xi32> to vector<16xf32>
        %bitcast3A_1720 = vector.bitcast %gather3A_867 : vector<16xi32> to vector<16xf32>
        %shift_left3A_1721 = arith.constant 16 : i32
        %shift_left3A_1722 = vector.broadcast %shift_left3A_1721 : i32 to vector<16xi32>
        %shift_left3A_1723 = arith.shli %gather3A_867, %shift_left3A_1722 : vector<16xi32>
        %bitcast3A_1724 = vector.bitcast %shift_left3A_1723 : vector<16xi32> to vector<16xf32>
        %mul3A_1725 = arith.mulf %bitcast3A_1715, %bitcast3A_1720 : vector<16xf32>
        %mul3A_1726 = arith.mulf %bitcast3A_1719, %bitcast3A_1724 : vector<16xf32>
        %add3A_1727 = arith.addf %mul3A_1725, %mul3A_1726 : vector<16xf32>
        %add3A_1728 = arith.addf %add3A_1701, %add3A_1727 : vector<16xf32>
        %bitcast3A_1729 = vector.bitcast %gather3A_872 : vector<16xi32> to vector<16xf32>
        %shift_left3A_1730 = arith.constant 16 : i32
        %shift_left3A_1731 = vector.broadcast %shift_left3A_1730 : i32 to vector<16xi32>
        %shift_left3A_1732 = arith.shli %gather3A_872, %shift_left3A_1731 : vector<16xi32>
        %bitcast3A_1733 = vector.bitcast %shift_left3A_1732 : vector<16xi32> to vector<16xf32>
        %bitcast3A_1734 = vector.bitcast %gather3A_877 : vector<16xi32> to vector<16xf32>
        %shift_left3A_1735 = arith.constant 16 : i32
        %shift_left3A_1736 = vector.broadcast %shift_left3A_1735 : i32 to vector<16xi32>
        %shift_left3A_1737 = arith.shli %gather3A_877, %shift_left3A_1736 : vector<16xi32>
        %bitcast3A_1738 = vector.bitcast %shift_left3A_1737 : vector<16xi32> to vector<16xf32>
        %mul3A_1739 = arith.mulf %bitcast3A_1729, %bitcast3A_1734 : vector<16xf32>
        %mul3A_1740 = arith.mulf %bitcast3A_1733, %bitcast3A_1738 : vector<16xf32>
        %add3A_1741 = arith.addf %mul3A_1739, %mul3A_1740 : vector<16xf32>
        %add3A_1742 = arith.addf %add3A_1714, %add3A_1741 : vector<16xf32>
        %add3A_1743 = arith.addf %add3A_1728, %add3A_1742 : vector<16xf32>
        %bitcast3A_1744 = vector.bitcast %gather3A_896 : vector<16xi32> to vector<16xf32>
        %shift_left3A_1745 = arith.constant 16 : i32
        %shift_left3A_1746 = vector.broadcast %shift_left3A_1745 : i32 to vector<16xi32>
        %shift_left3A_1747 = arith.shli %gather3A_896, %shift_left3A_1746 : vector<16xi32>
        %bitcast3A_1748 = vector.bitcast %shift_left3A_1747 : vector<16xi32> to vector<16xf32>
        %bitcast3A_1749 = vector.bitcast %gather3A_901 : vector<16xi32> to vector<16xf32>
        %shift_left3A_1750 = arith.constant 16 : i32
        %shift_left3A_1751 = vector.broadcast %shift_left3A_1750 : i32 to vector<16xi32>
        %shift_left3A_1752 = arith.shli %gather3A_901, %shift_left3A_1751 : vector<16xi32>
        %bitcast3A_1753 = vector.bitcast %shift_left3A_1752 : vector<16xi32> to vector<16xf32>
        %mul3A_1754 = arith.mulf %bitcast3A_1744, %bitcast3A_1749 : vector<16xf32>
        %mul3A_1755 = arith.mulf %bitcast3A_1748, %bitcast3A_1753 : vector<16xf32>
        %add3A_1756 = arith.addf %mul3A_1754, %mul3A_1755 : vector<16xf32>
        %bitcast3A_1757 = vector.bitcast %gather3A_906 : vector<16xi32> to vector<16xf32>
        %shift_left3A_1758 = arith.constant 16 : i32
        %shift_left3A_1759 = vector.broadcast %shift_left3A_1758 : i32 to vector<16xi32>
        %shift_left3A_1760 = arith.shli %gather3A_906, %shift_left3A_1759 : vector<16xi32>
        %bitcast3A_1761 = vector.bitcast %shift_left3A_1760 : vector<16xi32> to vector<16xf32>
        %bitcast3A_1762 = vector.bitcast %gather3A_911 : vector<16xi32> to vector<16xf32>
        %shift_left3A_1763 = arith.constant 16 : i32
        %shift_left3A_1764 = vector.broadcast %shift_left3A_1763 : i32 to vector<16xi32>
        %shift_left3A_1765 = arith.shli %gather3A_911, %shift_left3A_1764 : vector<16xi32>
        %bitcast3A_1766 = vector.bitcast %shift_left3A_1765 : vector<16xi32> to vector<16xf32>
        %mul3A_1767 = arith.mulf %bitcast3A_1757, %bitcast3A_1762 : vector<16xf32>
        %mul3A_1768 = arith.mulf %bitcast3A_1761, %bitcast3A_1766 : vector<16xf32>
        %add3A_1769 = arith.addf %mul3A_1767, %mul3A_1768 : vector<16xf32>
        %bitcast3A_1770 = vector.bitcast %gather3A_916 : vector<16xi32> to vector<16xf32>
        %shift_left3A_1771 = arith.constant 16 : i32
        %shift_left3A_1772 = vector.broadcast %shift_left3A_1771 : i32 to vector<16xi32>
        %shift_left3A_1773 = arith.shli %gather3A_916, %shift_left3A_1772 : vector<16xi32>
        %bitcast3A_1774 = vector.bitcast %shift_left3A_1773 : vector<16xi32> to vector<16xf32>
        %bitcast3A_1775 = vector.bitcast %gather3A_921 : vector<16xi32> to vector<16xf32>
        %shift_left3A_1776 = arith.constant 16 : i32
        %shift_left3A_1777 = vector.broadcast %shift_left3A_1776 : i32 to vector<16xi32>
        %shift_left3A_1778 = arith.shli %gather3A_921, %shift_left3A_1777 : vector<16xi32>
        %bitcast3A_1779 = vector.bitcast %shift_left3A_1778 : vector<16xi32> to vector<16xf32>
        %mul3A_1780 = arith.mulf %bitcast3A_1770, %bitcast3A_1775 : vector<16xf32>
        %mul3A_1781 = arith.mulf %bitcast3A_1774, %bitcast3A_1779 : vector<16xf32>
        %add3A_1782 = arith.addf %mul3A_1780, %mul3A_1781 : vector<16xf32>
        %add3A_1783 = arith.addf %add3A_1756, %add3A_1782 : vector<16xf32>
        %bitcast3A_1784 = vector.bitcast %gather3A_926 : vector<16xi32> to vector<16xf32>
        %shift_left3A_1785 = arith.constant 16 : i32
        %shift_left3A_1786 = vector.broadcast %shift_left3A_1785 : i32 to vector<16xi32>
        %shift_left3A_1787 = arith.shli %gather3A_926, %shift_left3A_1786 : vector<16xi32>
        %bitcast3A_1788 = vector.bitcast %shift_left3A_1787 : vector<16xi32> to vector<16xf32>
        %bitcast3A_1789 = vector.bitcast %gather3A_931 : vector<16xi32> to vector<16xf32>
        %shift_left3A_1790 = arith.constant 16 : i32
        %shift_left3A_1791 = vector.broadcast %shift_left3A_1790 : i32 to vector<16xi32>
        %shift_left3A_1792 = arith.shli %gather3A_931, %shift_left3A_1791 : vector<16xi32>
        %bitcast3A_1793 = vector.bitcast %shift_left3A_1792 : vector<16xi32> to vector<16xf32>
        %mul3A_1794 = arith.mulf %bitcast3A_1784, %bitcast3A_1789 : vector<16xf32>
        %mul3A_1795 = arith.mulf %bitcast3A_1788, %bitcast3A_1793 : vector<16xf32>
        %add3A_1796 = arith.addf %mul3A_1794, %mul3A_1795 : vector<16xf32>
        %add3A_1797 = arith.addf %add3A_1769, %add3A_1796 : vector<16xf32>
        %add3A_1798 = arith.addf %add3A_1783, %add3A_1797 : vector<16xf32>
        %bitcast3A_1799 = vector.bitcast %gather3A_950 : vector<16xi32> to vector<16xf32>
        %shift_left3A_1800 = arith.constant 16 : i32
        %shift_left3A_1801 = vector.broadcast %shift_left3A_1800 : i32 to vector<16xi32>
        %shift_left3A_1802 = arith.shli %gather3A_950, %shift_left3A_1801 : vector<16xi32>
        %bitcast3A_1803 = vector.bitcast %shift_left3A_1802 : vector<16xi32> to vector<16xf32>
        %bitcast3A_1804 = vector.bitcast %gather3A_955 : vector<16xi32> to vector<16xf32>
        %shift_left3A_1805 = arith.constant 16 : i32
        %shift_left3A_1806 = vector.broadcast %shift_left3A_1805 : i32 to vector<16xi32>
        %shift_left3A_1807 = arith.shli %gather3A_955, %shift_left3A_1806 : vector<16xi32>
        %bitcast3A_1808 = vector.bitcast %shift_left3A_1807 : vector<16xi32> to vector<16xf32>
        %mul3A_1809 = arith.mulf %bitcast3A_1799, %bitcast3A_1804 : vector<16xf32>
        %mul3A_1810 = arith.mulf %bitcast3A_1803, %bitcast3A_1808 : vector<16xf32>
        %add3A_1811 = arith.addf %mul3A_1809, %mul3A_1810 : vector<16xf32>
        %bitcast3A_1812 = vector.bitcast %gather3A_960 : vector<16xi32> to vector<16xf32>
        %shift_left3A_1813 = arith.constant 16 : i32
        %shift_left3A_1814 = vector.broadcast %shift_left3A_1813 : i32 to vector<16xi32>
        %shift_left3A_1815 = arith.shli %gather3A_960, %shift_left3A_1814 : vector<16xi32>
        %bitcast3A_1816 = vector.bitcast %shift_left3A_1815 : vector<16xi32> to vector<16xf32>
        %bitcast3A_1817 = vector.bitcast %gather3A_965 : vector<16xi32> to vector<16xf32>
        %shift_left3A_1818 = arith.constant 16 : i32
        %shift_left3A_1819 = vector.broadcast %shift_left3A_1818 : i32 to vector<16xi32>
        %shift_left3A_1820 = arith.shli %gather3A_965, %shift_left3A_1819 : vector<16xi32>
        %bitcast3A_1821 = vector.bitcast %shift_left3A_1820 : vector<16xi32> to vector<16xf32>
        %mul3A_1822 = arith.mulf %bitcast3A_1812, %bitcast3A_1817 : vector<16xf32>
        %mul3A_1823 = arith.mulf %bitcast3A_1816, %bitcast3A_1821 : vector<16xf32>
        %add3A_1824 = arith.addf %mul3A_1822, %mul3A_1823 : vector<16xf32>
        %bitcast3A_1825 = vector.bitcast %gather3A_970 : vector<16xi32> to vector<16xf32>
        %shift_left3A_1826 = arith.constant 16 : i32
        %shift_left3A_1827 = vector.broadcast %shift_left3A_1826 : i32 to vector<16xi32>
        %shift_left3A_1828 = arith.shli %gather3A_970, %shift_left3A_1827 : vector<16xi32>
        %bitcast3A_1829 = vector.bitcast %shift_left3A_1828 : vector<16xi32> to vector<16xf32>
        %bitcast3A_1830 = vector.bitcast %gather3A_975 : vector<16xi32> to vector<16xf32>
        %shift_left3A_1831 = arith.constant 16 : i32
        %shift_left3A_1832 = vector.broadcast %shift_left3A_1831 : i32 to vector<16xi32>
        %shift_left3A_1833 = arith.shli %gather3A_975, %shift_left3A_1832 : vector<16xi32>
        %bitcast3A_1834 = vector.bitcast %shift_left3A_1833 : vector<16xi32> to vector<16xf32>
        %mul3A_1835 = arith.mulf %bitcast3A_1825, %bitcast3A_1830 : vector<16xf32>
        %mul3A_1836 = arith.mulf %bitcast3A_1829, %bitcast3A_1834 : vector<16xf32>
        %add3A_1837 = arith.addf %mul3A_1835, %mul3A_1836 : vector<16xf32>
        %add3A_1838 = arith.addf %add3A_1811, %add3A_1837 : vector<16xf32>
        %bitcast3A_1839 = vector.bitcast %gather3A_980 : vector<16xi32> to vector<16xf32>
        %shift_left3A_1840 = arith.constant 16 : i32
        %shift_left3A_1841 = vector.broadcast %shift_left3A_1840 : i32 to vector<16xi32>
        %shift_left3A_1842 = arith.shli %gather3A_980, %shift_left3A_1841 : vector<16xi32>
        %bitcast3A_1843 = vector.bitcast %shift_left3A_1842 : vector<16xi32> to vector<16xf32>
        %bitcast3A_1844 = vector.bitcast %gather3A_985 : vector<16xi32> to vector<16xf32>
        %shift_left3A_1845 = arith.constant 16 : i32
        %shift_left3A_1846 = vector.broadcast %shift_left3A_1845 : i32 to vector<16xi32>
        %shift_left3A_1847 = arith.shli %gather3A_985, %shift_left3A_1846 : vector<16xi32>
        %bitcast3A_1848 = vector.bitcast %shift_left3A_1847 : vector<16xi32> to vector<16xf32>
        %mul3A_1849 = arith.mulf %bitcast3A_1839, %bitcast3A_1844 : vector<16xf32>
        %mul3A_1850 = arith.mulf %bitcast3A_1843, %bitcast3A_1848 : vector<16xf32>
        %add3A_1851 = arith.addf %mul3A_1849, %mul3A_1850 : vector<16xf32>
        %add3A_1852 = arith.addf %add3A_1824, %add3A_1851 : vector<16xf32>
        %add3A_1853 = arith.addf %add3A_1838, %add3A_1852 : vector<16xf32>
        %bitcast3A_1854 = vector.bitcast %gather3A_1004 : vector<16xi32> to vector<16xf32>
        %shift_left3A_1855 = arith.constant 16 : i32
        %shift_left3A_1856 = vector.broadcast %shift_left3A_1855 : i32 to vector<16xi32>
        %shift_left3A_1857 = arith.shli %gather3A_1004, %shift_left3A_1856 : vector<16xi32>
        %bitcast3A_1858 = vector.bitcast %shift_left3A_1857 : vector<16xi32> to vector<16xf32>
        %bitcast3A_1859 = vector.bitcast %gather3A_1009 : vector<16xi32> to vector<16xf32>
        %shift_left3A_1860 = arith.constant 16 : i32
        %shift_left3A_1861 = vector.broadcast %shift_left3A_1860 : i32 to vector<16xi32>
        %shift_left3A_1862 = arith.shli %gather3A_1009, %shift_left3A_1861 : vector<16xi32>
        %bitcast3A_1863 = vector.bitcast %shift_left3A_1862 : vector<16xi32> to vector<16xf32>
        %mul3A_1864 = arith.mulf %bitcast3A_1854, %bitcast3A_1859 : vector<16xf32>
        %mul3A_1865 = arith.mulf %bitcast3A_1858, %bitcast3A_1863 : vector<16xf32>
        %add3A_1866 = arith.addf %mul3A_1864, %mul3A_1865 : vector<16xf32>
        %bitcast3A_1867 = vector.bitcast %gather3A_1014 : vector<16xi32> to vector<16xf32>
        %shift_left3A_1868 = arith.constant 16 : i32
        %shift_left3A_1869 = vector.broadcast %shift_left3A_1868 : i32 to vector<16xi32>
        %shift_left3A_1870 = arith.shli %gather3A_1014, %shift_left3A_1869 : vector<16xi32>
        %bitcast3A_1871 = vector.bitcast %shift_left3A_1870 : vector<16xi32> to vector<16xf32>
        %bitcast3A_1872 = vector.bitcast %gather3A_1019 : vector<16xi32> to vector<16xf32>
        %shift_left3A_1873 = arith.constant 16 : i32
        %shift_left3A_1874 = vector.broadcast %shift_left3A_1873 : i32 to vector<16xi32>
        %shift_left3A_1875 = arith.shli %gather3A_1019, %shift_left3A_1874 : vector<16xi32>
        %bitcast3A_1876 = vector.bitcast %shift_left3A_1875 : vector<16xi32> to vector<16xf32>
        %mul3A_1877 = arith.mulf %bitcast3A_1867, %bitcast3A_1872 : vector<16xf32>
        %mul3A_1878 = arith.mulf %bitcast3A_1871, %bitcast3A_1876 : vector<16xf32>
        %add3A_1879 = arith.addf %mul3A_1877, %mul3A_1878 : vector<16xf32>
        %bitcast3A_1880 = vector.bitcast %gather3A_1024 : vector<16xi32> to vector<16xf32>
        %shift_left3A_1881 = arith.constant 16 : i32
        %shift_left3A_1882 = vector.broadcast %shift_left3A_1881 : i32 to vector<16xi32>
        %shift_left3A_1883 = arith.shli %gather3A_1024, %shift_left3A_1882 : vector<16xi32>
        %bitcast3A_1884 = vector.bitcast %shift_left3A_1883 : vector<16xi32> to vector<16xf32>
        %bitcast3A_1885 = vector.bitcast %gather3A_1029 : vector<16xi32> to vector<16xf32>
        %shift_left3A_1886 = arith.constant 16 : i32
        %shift_left3A_1887 = vector.broadcast %shift_left3A_1886 : i32 to vector<16xi32>
        %shift_left3A_1888 = arith.shli %gather3A_1029, %shift_left3A_1887 : vector<16xi32>
        %bitcast3A_1889 = vector.bitcast %shift_left3A_1888 : vector<16xi32> to vector<16xf32>
        %mul3A_1890 = arith.mulf %bitcast3A_1880, %bitcast3A_1885 : vector<16xf32>
        %mul3A_1891 = arith.mulf %bitcast3A_1884, %bitcast3A_1889 : vector<16xf32>
        %add3A_1892 = arith.addf %mul3A_1890, %mul3A_1891 : vector<16xf32>
        %add3A_1893 = arith.addf %add3A_1866, %add3A_1892 : vector<16xf32>
        %bitcast3A_1894 = vector.bitcast %gather3A_1034 : vector<16xi32> to vector<16xf32>
        %shift_left3A_1895 = arith.constant 16 : i32
        %shift_left3A_1896 = vector.broadcast %shift_left3A_1895 : i32 to vector<16xi32>
        %shift_left3A_1897 = arith.shli %gather3A_1034, %shift_left3A_1896 : vector<16xi32>
        %bitcast3A_1898 = vector.bitcast %shift_left3A_1897 : vector<16xi32> to vector<16xf32>
        %bitcast3A_1899 = vector.bitcast %gather3A_1039 : vector<16xi32> to vector<16xf32>
        %shift_left3A_1900 = arith.constant 16 : i32
        %shift_left3A_1901 = vector.broadcast %shift_left3A_1900 : i32 to vector<16xi32>
        %shift_left3A_1902 = arith.shli %gather3A_1039, %shift_left3A_1901 : vector<16xi32>
        %bitcast3A_1903 = vector.bitcast %shift_left3A_1902 : vector<16xi32> to vector<16xf32>
        %mul3A_1904 = arith.mulf %bitcast3A_1894, %bitcast3A_1899 : vector<16xf32>
        %mul3A_1905 = arith.mulf %bitcast3A_1898, %bitcast3A_1903 : vector<16xf32>
        %add3A_1906 = arith.addf %mul3A_1904, %mul3A_1905 : vector<16xf32>
        %add3A_1907 = arith.addf %add3A_1879, %add3A_1906 : vector<16xf32>
        %add3A_1908 = arith.addf %add3A_1893, %add3A_1907 : vector<16xf32>
        %bitcast3A_1909 = vector.bitcast %gather3A_1058 : vector<16xi32> to vector<16xf32>
        %shift_left3A_1910 = arith.constant 16 : i32
        %shift_left3A_1911 = vector.broadcast %shift_left3A_1910 : i32 to vector<16xi32>
        %shift_left3A_1912 = arith.shli %gather3A_1058, %shift_left3A_1911 : vector<16xi32>
        %bitcast3A_1913 = vector.bitcast %shift_left3A_1912 : vector<16xi32> to vector<16xf32>
        %bitcast3A_1914 = vector.bitcast %gather3A_1063 : vector<16xi32> to vector<16xf32>
        %shift_left3A_1915 = arith.constant 16 : i32
        %shift_left3A_1916 = vector.broadcast %shift_left3A_1915 : i32 to vector<16xi32>
        %shift_left3A_1917 = arith.shli %gather3A_1063, %shift_left3A_1916 : vector<16xi32>
        %bitcast3A_1918 = vector.bitcast %shift_left3A_1917 : vector<16xi32> to vector<16xf32>
        %mul3A_1919 = arith.mulf %bitcast3A_1909, %bitcast3A_1914 : vector<16xf32>
        %mul3A_1920 = arith.mulf %bitcast3A_1913, %bitcast3A_1918 : vector<16xf32>
        %add3A_1921 = arith.addf %mul3A_1919, %mul3A_1920 : vector<16xf32>
        %bitcast3A_1922 = vector.bitcast %gather3A_1068 : vector<16xi32> to vector<16xf32>
        %shift_left3A_1923 = arith.constant 16 : i32
        %shift_left3A_1924 = vector.broadcast %shift_left3A_1923 : i32 to vector<16xi32>
        %shift_left3A_1925 = arith.shli %gather3A_1068, %shift_left3A_1924 : vector<16xi32>
        %bitcast3A_1926 = vector.bitcast %shift_left3A_1925 : vector<16xi32> to vector<16xf32>
        %bitcast3A_1927 = vector.bitcast %gather3A_1073 : vector<16xi32> to vector<16xf32>
        %shift_left3A_1928 = arith.constant 16 : i32
        %shift_left3A_1929 = vector.broadcast %shift_left3A_1928 : i32 to vector<16xi32>
        %shift_left3A_1930 = arith.shli %gather3A_1073, %shift_left3A_1929 : vector<16xi32>
        %bitcast3A_1931 = vector.bitcast %shift_left3A_1930 : vector<16xi32> to vector<16xf32>
        %mul3A_1932 = arith.mulf %bitcast3A_1922, %bitcast3A_1927 : vector<16xf32>
        %mul3A_1933 = arith.mulf %bitcast3A_1926, %bitcast3A_1931 : vector<16xf32>
        %add3A_1934 = arith.addf %mul3A_1932, %mul3A_1933 : vector<16xf32>
        %bitcast3A_1935 = vector.bitcast %gather3A_1078 : vector<16xi32> to vector<16xf32>
        %shift_left3A_1936 = arith.constant 16 : i32
        %shift_left3A_1937 = vector.broadcast %shift_left3A_1936 : i32 to vector<16xi32>
        %shift_left3A_1938 = arith.shli %gather3A_1078, %shift_left3A_1937 : vector<16xi32>
        %bitcast3A_1939 = vector.bitcast %shift_left3A_1938 : vector<16xi32> to vector<16xf32>
        %bitcast3A_1940 = vector.bitcast %gather3A_1083 : vector<16xi32> to vector<16xf32>
        %shift_left3A_1941 = arith.constant 16 : i32
        %shift_left3A_1942 = vector.broadcast %shift_left3A_1941 : i32 to vector<16xi32>
        %shift_left3A_1943 = arith.shli %gather3A_1083, %shift_left3A_1942 : vector<16xi32>
        %bitcast3A_1944 = vector.bitcast %shift_left3A_1943 : vector<16xi32> to vector<16xf32>
        %mul3A_1945 = arith.mulf %bitcast3A_1935, %bitcast3A_1940 : vector<16xf32>
        %mul3A_1946 = arith.mulf %bitcast3A_1939, %bitcast3A_1944 : vector<16xf32>
        %add3A_1947 = arith.addf %mul3A_1945, %mul3A_1946 : vector<16xf32>
        %add3A_1948 = arith.addf %add3A_1921, %add3A_1947 : vector<16xf32>
        %bitcast3A_1949 = vector.bitcast %gather3A_1088 : vector<16xi32> to vector<16xf32>
        %shift_left3A_1950 = arith.constant 16 : i32
        %shift_left3A_1951 = vector.broadcast %shift_left3A_1950 : i32 to vector<16xi32>
        %shift_left3A_1952 = arith.shli %gather3A_1088, %shift_left3A_1951 : vector<16xi32>
        %bitcast3A_1953 = vector.bitcast %shift_left3A_1952 : vector<16xi32> to vector<16xf32>
        %bitcast3A_1954 = vector.bitcast %gather3A_1093 : vector<16xi32> to vector<16xf32>
        %shift_left3A_1955 = arith.constant 16 : i32
        %shift_left3A_1956 = vector.broadcast %shift_left3A_1955 : i32 to vector<16xi32>
        %shift_left3A_1957 = arith.shli %gather3A_1093, %shift_left3A_1956 : vector<16xi32>
        %bitcast3A_1958 = vector.bitcast %shift_left3A_1957 : vector<16xi32> to vector<16xf32>
        %mul3A_1959 = arith.mulf %bitcast3A_1949, %bitcast3A_1954 : vector<16xf32>
        %mul3A_1960 = arith.mulf %bitcast3A_1953, %bitcast3A_1958 : vector<16xf32>
        %add3A_1961 = arith.addf %mul3A_1959, %mul3A_1960 : vector<16xf32>
        %add3A_1962 = arith.addf %add3A_1934, %add3A_1961 : vector<16xf32>
        %add3A_1963 = arith.addf %add3A_1948, %add3A_1962 : vector<16xf32>
        %bitcast3A_1964 = vector.bitcast %gather3A_1112 : vector<16xi32> to vector<16xf32>
        %shift_left3A_1965 = arith.constant 16 : i32
        %shift_left3A_1966 = vector.broadcast %shift_left3A_1965 : i32 to vector<16xi32>
        %shift_left3A_1967 = arith.shli %gather3A_1112, %shift_left3A_1966 : vector<16xi32>
        %bitcast3A_1968 = vector.bitcast %shift_left3A_1967 : vector<16xi32> to vector<16xf32>
        %bitcast3A_1969 = vector.bitcast %gather3A_1117 : vector<16xi32> to vector<16xf32>
        %shift_left3A_1970 = arith.constant 16 : i32
        %shift_left3A_1971 = vector.broadcast %shift_left3A_1970 : i32 to vector<16xi32>
        %shift_left3A_1972 = arith.shli %gather3A_1117, %shift_left3A_1971 : vector<16xi32>
        %bitcast3A_1973 = vector.bitcast %shift_left3A_1972 : vector<16xi32> to vector<16xf32>
        %mul3A_1974 = arith.mulf %bitcast3A_1964, %bitcast3A_1969 : vector<16xf32>
        %mul3A_1975 = arith.mulf %bitcast3A_1968, %bitcast3A_1973 : vector<16xf32>
        %add3A_1976 = arith.addf %mul3A_1974, %mul3A_1975 : vector<16xf32>
        %bitcast3A_1977 = vector.bitcast %gather3A_1122 : vector<16xi32> to vector<16xf32>
        %shift_left3A_1978 = arith.constant 16 : i32
        %shift_left3A_1979 = vector.broadcast %shift_left3A_1978 : i32 to vector<16xi32>
        %shift_left3A_1980 = arith.shli %gather3A_1122, %shift_left3A_1979 : vector<16xi32>
        %bitcast3A_1981 = vector.bitcast %shift_left3A_1980 : vector<16xi32> to vector<16xf32>
        %bitcast3A_1982 = vector.bitcast %gather3A_1127 : vector<16xi32> to vector<16xf32>
        %shift_left3A_1983 = arith.constant 16 : i32
        %shift_left3A_1984 = vector.broadcast %shift_left3A_1983 : i32 to vector<16xi32>
        %shift_left3A_1985 = arith.shli %gather3A_1127, %shift_left3A_1984 : vector<16xi32>
        %bitcast3A_1986 = vector.bitcast %shift_left3A_1985 : vector<16xi32> to vector<16xf32>
        %mul3A_1987 = arith.mulf %bitcast3A_1977, %bitcast3A_1982 : vector<16xf32>
        %mul3A_1988 = arith.mulf %bitcast3A_1981, %bitcast3A_1986 : vector<16xf32>
        %add3A_1989 = arith.addf %mul3A_1987, %mul3A_1988 : vector<16xf32>
        %bitcast3A_1990 = vector.bitcast %gather3A_1132 : vector<16xi32> to vector<16xf32>
        %shift_left3A_1991 = arith.constant 16 : i32
        %shift_left3A_1992 = vector.broadcast %shift_left3A_1991 : i32 to vector<16xi32>
        %shift_left3A_1993 = arith.shli %gather3A_1132, %shift_left3A_1992 : vector<16xi32>
        %bitcast3A_1994 = vector.bitcast %shift_left3A_1993 : vector<16xi32> to vector<16xf32>
        %bitcast3A_1995 = vector.bitcast %gather3A_1137 : vector<16xi32> to vector<16xf32>
        %shift_left3A_1996 = arith.constant 16 : i32
        %shift_left3A_1997 = vector.broadcast %shift_left3A_1996 : i32 to vector<16xi32>
        %shift_left3A_1998 = arith.shli %gather3A_1137, %shift_left3A_1997 : vector<16xi32>
        %bitcast3A_1999 = vector.bitcast %shift_left3A_1998 : vector<16xi32> to vector<16xf32>
        %mul3A_2000 = arith.mulf %bitcast3A_1990, %bitcast3A_1995 : vector<16xf32>
        %mul3A_2001 = arith.mulf %bitcast3A_1994, %bitcast3A_1999 : vector<16xf32>
        %add3A_2002 = arith.addf %mul3A_2000, %mul3A_2001 : vector<16xf32>
        %add3A_2003 = arith.addf %add3A_1976, %add3A_2002 : vector<16xf32>
        %bitcast3A_2004 = vector.bitcast %gather3A_1142 : vector<16xi32> to vector<16xf32>
        %shift_left3A_2005 = arith.constant 16 : i32
        %shift_left3A_2006 = vector.broadcast %shift_left3A_2005 : i32 to vector<16xi32>
        %shift_left3A_2007 = arith.shli %gather3A_1142, %shift_left3A_2006 : vector<16xi32>
        %bitcast3A_2008 = vector.bitcast %shift_left3A_2007 : vector<16xi32> to vector<16xf32>
        %bitcast3A_2009 = vector.bitcast %gather3A_1147 : vector<16xi32> to vector<16xf32>
        %shift_left3A_2010 = arith.constant 16 : i32
        %shift_left3A_2011 = vector.broadcast %shift_left3A_2010 : i32 to vector<16xi32>
        %shift_left3A_2012 = arith.shli %gather3A_1147, %shift_left3A_2011 : vector<16xi32>
        %bitcast3A_2013 = vector.bitcast %shift_left3A_2012 : vector<16xi32> to vector<16xf32>
        %mul3A_2014 = arith.mulf %bitcast3A_2004, %bitcast3A_2009 : vector<16xf32>
        %mul3A_2015 = arith.mulf %bitcast3A_2008, %bitcast3A_2013 : vector<16xf32>
        %add3A_2016 = arith.addf %mul3A_2014, %mul3A_2015 : vector<16xf32>
        %add3A_2017 = arith.addf %add3A_1989, %add3A_2016 : vector<16xf32>
        %add3A_2018 = arith.addf %add3A_2003, %add3A_2017 : vector<16xf32>
        %bitcast3A_2019 = vector.bitcast %gather3A_1166 : vector<16xi32> to vector<16xf32>
        %shift_left3A_2020 = arith.constant 16 : i32
        %shift_left3A_2021 = vector.broadcast %shift_left3A_2020 : i32 to vector<16xi32>
        %shift_left3A_2022 = arith.shli %gather3A_1166, %shift_left3A_2021 : vector<16xi32>
        %bitcast3A_2023 = vector.bitcast %shift_left3A_2022 : vector<16xi32> to vector<16xf32>
        %bitcast3A_2024 = vector.bitcast %gather3A_1171 : vector<16xi32> to vector<16xf32>
        %shift_left3A_2025 = arith.constant 16 : i32
        %shift_left3A_2026 = vector.broadcast %shift_left3A_2025 : i32 to vector<16xi32>
        %shift_left3A_2027 = arith.shli %gather3A_1171, %shift_left3A_2026 : vector<16xi32>
        %bitcast3A_2028 = vector.bitcast %shift_left3A_2027 : vector<16xi32> to vector<16xf32>
        %mul3A_2029 = arith.mulf %bitcast3A_2019, %bitcast3A_2024 : vector<16xf32>
        %mul3A_2030 = arith.mulf %bitcast3A_2023, %bitcast3A_2028 : vector<16xf32>
        %add3A_2031 = arith.addf %mul3A_2029, %mul3A_2030 : vector<16xf32>
        %bitcast3A_2032 = vector.bitcast %gather3A_1176 : vector<16xi32> to vector<16xf32>
        %shift_left3A_2033 = arith.constant 16 : i32
        %shift_left3A_2034 = vector.broadcast %shift_left3A_2033 : i32 to vector<16xi32>
        %shift_left3A_2035 = arith.shli %gather3A_1176, %shift_left3A_2034 : vector<16xi32>
        %bitcast3A_2036 = vector.bitcast %shift_left3A_2035 : vector<16xi32> to vector<16xf32>
        %bitcast3A_2037 = vector.bitcast %gather3A_1181 : vector<16xi32> to vector<16xf32>
        %shift_left3A_2038 = arith.constant 16 : i32
        %shift_left3A_2039 = vector.broadcast %shift_left3A_2038 : i32 to vector<16xi32>
        %shift_left3A_2040 = arith.shli %gather3A_1181, %shift_left3A_2039 : vector<16xi32>
        %bitcast3A_2041 = vector.bitcast %shift_left3A_2040 : vector<16xi32> to vector<16xf32>
        %mul3A_2042 = arith.mulf %bitcast3A_2032, %bitcast3A_2037 : vector<16xf32>
        %mul3A_2043 = arith.mulf %bitcast3A_2036, %bitcast3A_2041 : vector<16xf32>
        %add3A_2044 = arith.addf %mul3A_2042, %mul3A_2043 : vector<16xf32>
        %bitcast3A_2045 = vector.bitcast %gather3A_1186 : vector<16xi32> to vector<16xf32>
        %shift_left3A_2046 = arith.constant 16 : i32
        %shift_left3A_2047 = vector.broadcast %shift_left3A_2046 : i32 to vector<16xi32>
        %shift_left3A_2048 = arith.shli %gather3A_1186, %shift_left3A_2047 : vector<16xi32>
        %bitcast3A_2049 = vector.bitcast %shift_left3A_2048 : vector<16xi32> to vector<16xf32>
        %bitcast3A_2050 = vector.bitcast %gather3A_1191 : vector<16xi32> to vector<16xf32>
        %shift_left3A_2051 = arith.constant 16 : i32
        %shift_left3A_2052 = vector.broadcast %shift_left3A_2051 : i32 to vector<16xi32>
        %shift_left3A_2053 = arith.shli %gather3A_1191, %shift_left3A_2052 : vector<16xi32>
        %bitcast3A_2054 = vector.bitcast %shift_left3A_2053 : vector<16xi32> to vector<16xf32>
        %mul3A_2055 = arith.mulf %bitcast3A_2045, %bitcast3A_2050 : vector<16xf32>
        %mul3A_2056 = arith.mulf %bitcast3A_2049, %bitcast3A_2054 : vector<16xf32>
        %add3A_2057 = arith.addf %mul3A_2055, %mul3A_2056 : vector<16xf32>
        %add3A_2058 = arith.addf %add3A_2031, %add3A_2057 : vector<16xf32>
        %bitcast3A_2059 = vector.bitcast %gather3A_1196 : vector<16xi32> to vector<16xf32>
        %shift_left3A_2060 = arith.constant 16 : i32
        %shift_left3A_2061 = vector.broadcast %shift_left3A_2060 : i32 to vector<16xi32>
        %shift_left3A_2062 = arith.shli %gather3A_1196, %shift_left3A_2061 : vector<16xi32>
        %bitcast3A_2063 = vector.bitcast %shift_left3A_2062 : vector<16xi32> to vector<16xf32>
        %bitcast3A_2064 = vector.bitcast %gather3A_1201 : vector<16xi32> to vector<16xf32>
        %shift_left3A_2065 = arith.constant 16 : i32
        %shift_left3A_2066 = vector.broadcast %shift_left3A_2065 : i32 to vector<16xi32>
        %shift_left3A_2067 = arith.shli %gather3A_1201, %shift_left3A_2066 : vector<16xi32>
        %bitcast3A_2068 = vector.bitcast %shift_left3A_2067 : vector<16xi32> to vector<16xf32>
        %mul3A_2069 = arith.mulf %bitcast3A_2059, %bitcast3A_2064 : vector<16xf32>
        %mul3A_2070 = arith.mulf %bitcast3A_2063, %bitcast3A_2068 : vector<16xf32>
        %add3A_2071 = arith.addf %mul3A_2069, %mul3A_2070 : vector<16xf32>
        %add3A_2072 = arith.addf %add3A_2044, %add3A_2071 : vector<16xf32>
        %add3A_2073 = arith.addf %add3A_2058, %add3A_2072 : vector<16xf32>
        %bitcast3A_2074 = vector.bitcast %gather3A_1220 : vector<16xi32> to vector<16xf32>
        %shift_left3A_2075 = arith.constant 16 : i32
        %shift_left3A_2076 = vector.broadcast %shift_left3A_2075 : i32 to vector<16xi32>
        %shift_left3A_2077 = arith.shli %gather3A_1220, %shift_left3A_2076 : vector<16xi32>
        %bitcast3A_2078 = vector.bitcast %shift_left3A_2077 : vector<16xi32> to vector<16xf32>
        %bitcast3A_2079 = vector.bitcast %gather3A_1225 : vector<16xi32> to vector<16xf32>
        %shift_left3A_2080 = arith.constant 16 : i32
        %shift_left3A_2081 = vector.broadcast %shift_left3A_2080 : i32 to vector<16xi32>
        %shift_left3A_2082 = arith.shli %gather3A_1225, %shift_left3A_2081 : vector<16xi32>
        %bitcast3A_2083 = vector.bitcast %shift_left3A_2082 : vector<16xi32> to vector<16xf32>
        %mul3A_2084 = arith.mulf %bitcast3A_2074, %bitcast3A_2079 : vector<16xf32>
        %mul3A_2085 = arith.mulf %bitcast3A_2078, %bitcast3A_2083 : vector<16xf32>
        %add3A_2086 = arith.addf %mul3A_2084, %mul3A_2085 : vector<16xf32>
        %bitcast3A_2087 = vector.bitcast %gather3A_1230 : vector<16xi32> to vector<16xf32>
        %shift_left3A_2088 = arith.constant 16 : i32
        %shift_left3A_2089 = vector.broadcast %shift_left3A_2088 : i32 to vector<16xi32>
        %shift_left3A_2090 = arith.shli %gather3A_1230, %shift_left3A_2089 : vector<16xi32>
        %bitcast3A_2091 = vector.bitcast %shift_left3A_2090 : vector<16xi32> to vector<16xf32>
        %bitcast3A_2092 = vector.bitcast %gather3A_1235 : vector<16xi32> to vector<16xf32>
        %shift_left3A_2093 = arith.constant 16 : i32
        %shift_left3A_2094 = vector.broadcast %shift_left3A_2093 : i32 to vector<16xi32>
        %shift_left3A_2095 = arith.shli %gather3A_1235, %shift_left3A_2094 : vector<16xi32>
        %bitcast3A_2096 = vector.bitcast %shift_left3A_2095 : vector<16xi32> to vector<16xf32>
        %mul3A_2097 = arith.mulf %bitcast3A_2087, %bitcast3A_2092 : vector<16xf32>
        %mul3A_2098 = arith.mulf %bitcast3A_2091, %bitcast3A_2096 : vector<16xf32>
        %add3A_2099 = arith.addf %mul3A_2097, %mul3A_2098 : vector<16xf32>
        %bitcast3A_2100 = vector.bitcast %gather3A_1240 : vector<16xi32> to vector<16xf32>
        %shift_left3A_2101 = arith.constant 16 : i32
        %shift_left3A_2102 = vector.broadcast %shift_left3A_2101 : i32 to vector<16xi32>
        %shift_left3A_2103 = arith.shli %gather3A_1240, %shift_left3A_2102 : vector<16xi32>
        %bitcast3A_2104 = vector.bitcast %shift_left3A_2103 : vector<16xi32> to vector<16xf32>
        %bitcast3A_2105 = vector.bitcast %gather3A_1245 : vector<16xi32> to vector<16xf32>
        %shift_left3A_2106 = arith.constant 16 : i32
        %shift_left3A_2107 = vector.broadcast %shift_left3A_2106 : i32 to vector<16xi32>
        %shift_left3A_2108 = arith.shli %gather3A_1245, %shift_left3A_2107 : vector<16xi32>
        %bitcast3A_2109 = vector.bitcast %shift_left3A_2108 : vector<16xi32> to vector<16xf32>
        %mul3A_2110 = arith.mulf %bitcast3A_2100, %bitcast3A_2105 : vector<16xf32>
        %mul3A_2111 = arith.mulf %bitcast3A_2104, %bitcast3A_2109 : vector<16xf32>
        %add3A_2112 = arith.addf %mul3A_2110, %mul3A_2111 : vector<16xf32>
        %add3A_2113 = arith.addf %add3A_2086, %add3A_2112 : vector<16xf32>
        %bitcast3A_2114 = vector.bitcast %gather3A_1250 : vector<16xi32> to vector<16xf32>
        %shift_left3A_2115 = arith.constant 16 : i32
        %shift_left3A_2116 = vector.broadcast %shift_left3A_2115 : i32 to vector<16xi32>
        %shift_left3A_2117 = arith.shli %gather3A_1250, %shift_left3A_2116 : vector<16xi32>
        %bitcast3A_2118 = vector.bitcast %shift_left3A_2117 : vector<16xi32> to vector<16xf32>
        %bitcast3A_2119 = vector.bitcast %gather3A_1255 : vector<16xi32> to vector<16xf32>
        %shift_left3A_2120 = arith.constant 16 : i32
        %shift_left3A_2121 = vector.broadcast %shift_left3A_2120 : i32 to vector<16xi32>
        %shift_left3A_2122 = arith.shli %gather3A_1255, %shift_left3A_2121 : vector<16xi32>
        %bitcast3A_2123 = vector.bitcast %shift_left3A_2122 : vector<16xi32> to vector<16xf32>
        %mul3A_2124 = arith.mulf %bitcast3A_2114, %bitcast3A_2119 : vector<16xf32>
        %mul3A_2125 = arith.mulf %bitcast3A_2118, %bitcast3A_2123 : vector<16xf32>
        %add3A_2126 = arith.addf %mul3A_2124, %mul3A_2125 : vector<16xf32>
        %add3A_2127 = arith.addf %add3A_2099, %add3A_2126 : vector<16xf32>
        %add3A_2128 = arith.addf %add3A_2113, %add3A_2127 : vector<16xf32>
        %bitcast3A_2129 = vector.bitcast %gather3A_1274 : vector<16xi32> to vector<16xf32>
        %shift_left3A_2130 = arith.constant 16 : i32
        %shift_left3A_2131 = vector.broadcast %shift_left3A_2130 : i32 to vector<16xi32>
        %shift_left3A_2132 = arith.shli %gather3A_1274, %shift_left3A_2131 : vector<16xi32>
        %bitcast3A_2133 = vector.bitcast %shift_left3A_2132 : vector<16xi32> to vector<16xf32>
        %bitcast3A_2134 = vector.bitcast %gather3A_1279 : vector<16xi32> to vector<16xf32>
        %shift_left3A_2135 = arith.constant 16 : i32
        %shift_left3A_2136 = vector.broadcast %shift_left3A_2135 : i32 to vector<16xi32>
        %shift_left3A_2137 = arith.shli %gather3A_1279, %shift_left3A_2136 : vector<16xi32>
        %bitcast3A_2138 = vector.bitcast %shift_left3A_2137 : vector<16xi32> to vector<16xf32>
        %mul3A_2139 = arith.mulf %bitcast3A_2129, %bitcast3A_2134 : vector<16xf32>
        %mul3A_2140 = arith.mulf %bitcast3A_2133, %bitcast3A_2138 : vector<16xf32>
        %add3A_2141 = arith.addf %mul3A_2139, %mul3A_2140 : vector<16xf32>
        %bitcast3A_2142 = vector.bitcast %gather3A_1284 : vector<16xi32> to vector<16xf32>
        %shift_left3A_2143 = arith.constant 16 : i32
        %shift_left3A_2144 = vector.broadcast %shift_left3A_2143 : i32 to vector<16xi32>
        %shift_left3A_2145 = arith.shli %gather3A_1284, %shift_left3A_2144 : vector<16xi32>
        %bitcast3A_2146 = vector.bitcast %shift_left3A_2145 : vector<16xi32> to vector<16xf32>
        %bitcast3A_2147 = vector.bitcast %gather3A_1289 : vector<16xi32> to vector<16xf32>
        %shift_left3A_2148 = arith.constant 16 : i32
        %shift_left3A_2149 = vector.broadcast %shift_left3A_2148 : i32 to vector<16xi32>
        %shift_left3A_2150 = arith.shli %gather3A_1289, %shift_left3A_2149 : vector<16xi32>
        %bitcast3A_2151 = vector.bitcast %shift_left3A_2150 : vector<16xi32> to vector<16xf32>
        %mul3A_2152 = arith.mulf %bitcast3A_2142, %bitcast3A_2147 : vector<16xf32>
        %mul3A_2153 = arith.mulf %bitcast3A_2146, %bitcast3A_2151 : vector<16xf32>
        %add3A_2154 = arith.addf %mul3A_2152, %mul3A_2153 : vector<16xf32>
        %bitcast3A_2155 = vector.bitcast %gather3A_1294 : vector<16xi32> to vector<16xf32>
        %shift_left3A_2156 = arith.constant 16 : i32
        %shift_left3A_2157 = vector.broadcast %shift_left3A_2156 : i32 to vector<16xi32>
        %shift_left3A_2158 = arith.shli %gather3A_1294, %shift_left3A_2157 : vector<16xi32>
        %bitcast3A_2159 = vector.bitcast %shift_left3A_2158 : vector<16xi32> to vector<16xf32>
        %bitcast3A_2160 = vector.bitcast %gather3A_1299 : vector<16xi32> to vector<16xf32>
        %shift_left3A_2161 = arith.constant 16 : i32
        %shift_left3A_2162 = vector.broadcast %shift_left3A_2161 : i32 to vector<16xi32>
        %shift_left3A_2163 = arith.shli %gather3A_1299, %shift_left3A_2162 : vector<16xi32>
        %bitcast3A_2164 = vector.bitcast %shift_left3A_2163 : vector<16xi32> to vector<16xf32>
        %mul3A_2165 = arith.mulf %bitcast3A_2155, %bitcast3A_2160 : vector<16xf32>
        %mul3A_2166 = arith.mulf %bitcast3A_2159, %bitcast3A_2164 : vector<16xf32>
        %add3A_2167 = arith.addf %mul3A_2165, %mul3A_2166 : vector<16xf32>
        %add3A_2168 = arith.addf %add3A_2141, %add3A_2167 : vector<16xf32>
        %bitcast3A_2169 = vector.bitcast %gather3A_1304 : vector<16xi32> to vector<16xf32>
        %shift_left3A_2170 = arith.constant 16 : i32
        %shift_left3A_2171 = vector.broadcast %shift_left3A_2170 : i32 to vector<16xi32>
        %shift_left3A_2172 = arith.shli %gather3A_1304, %shift_left3A_2171 : vector<16xi32>
        %bitcast3A_2173 = vector.bitcast %shift_left3A_2172 : vector<16xi32> to vector<16xf32>
        %bitcast3A_2174 = vector.bitcast %gather3A_1309 : vector<16xi32> to vector<16xf32>
        %shift_left3A_2175 = arith.constant 16 : i32
        %shift_left3A_2176 = vector.broadcast %shift_left3A_2175 : i32 to vector<16xi32>
        %shift_left3A_2177 = arith.shli %gather3A_1309, %shift_left3A_2176 : vector<16xi32>
        %bitcast3A_2178 = vector.bitcast %shift_left3A_2177 : vector<16xi32> to vector<16xf32>
        %mul3A_2179 = arith.mulf %bitcast3A_2169, %bitcast3A_2174 : vector<16xf32>
        %mul3A_2180 = arith.mulf %bitcast3A_2173, %bitcast3A_2178 : vector<16xf32>
        %add3A_2181 = arith.addf %mul3A_2179, %mul3A_2180 : vector<16xf32>
        %add3A_2182 = arith.addf %add3A_2154, %add3A_2181 : vector<16xf32>
        %add3A_2183 = arith.addf %add3A_2168, %add3A_2182 : vector<16xf32>
        %bitcast3A_2184 = vector.bitcast %gather3A_1328 : vector<16xi32> to vector<16xf32>
        %shift_left3A_2185 = arith.constant 16 : i32
        %shift_left3A_2186 = vector.broadcast %shift_left3A_2185 : i32 to vector<16xi32>
        %shift_left3A_2187 = arith.shli %gather3A_1328, %shift_left3A_2186 : vector<16xi32>
        %bitcast3A_2188 = vector.bitcast %shift_left3A_2187 : vector<16xi32> to vector<16xf32>
        %bitcast3A_2189 = vector.bitcast %gather3A_1333 : vector<16xi32> to vector<16xf32>
        %shift_left3A_2190 = arith.constant 16 : i32
        %shift_left3A_2191 = vector.broadcast %shift_left3A_2190 : i32 to vector<16xi32>
        %shift_left3A_2192 = arith.shli %gather3A_1333, %shift_left3A_2191 : vector<16xi32>
        %bitcast3A_2193 = vector.bitcast %shift_left3A_2192 : vector<16xi32> to vector<16xf32>
        %mul3A_2194 = arith.mulf %bitcast3A_2184, %bitcast3A_2189 : vector<16xf32>
        %mul3A_2195 = arith.mulf %bitcast3A_2188, %bitcast3A_2193 : vector<16xf32>
        %add3A_2196 = arith.addf %mul3A_2194, %mul3A_2195 : vector<16xf32>
        %bitcast3A_2197 = vector.bitcast %gather3A_1338 : vector<16xi32> to vector<16xf32>
        %shift_left3A_2198 = arith.constant 16 : i32
        %shift_left3A_2199 = vector.broadcast %shift_left3A_2198 : i32 to vector<16xi32>
        %shift_left3A_2200 = arith.shli %gather3A_1338, %shift_left3A_2199 : vector<16xi32>
        %bitcast3A_2201 = vector.bitcast %shift_left3A_2200 : vector<16xi32> to vector<16xf32>
        %bitcast3A_2202 = vector.bitcast %gather3A_1343 : vector<16xi32> to vector<16xf32>
        %shift_left3A_2203 = arith.constant 16 : i32
        %shift_left3A_2204 = vector.broadcast %shift_left3A_2203 : i32 to vector<16xi32>
        %shift_left3A_2205 = arith.shli %gather3A_1343, %shift_left3A_2204 : vector<16xi32>
        %bitcast3A_2206 = vector.bitcast %shift_left3A_2205 : vector<16xi32> to vector<16xf32>
        %mul3A_2207 = arith.mulf %bitcast3A_2197, %bitcast3A_2202 : vector<16xf32>
        %mul3A_2208 = arith.mulf %bitcast3A_2201, %bitcast3A_2206 : vector<16xf32>
        %add3A_2209 = arith.addf %mul3A_2207, %mul3A_2208 : vector<16xf32>
        %bitcast3A_2210 = vector.bitcast %gather3A_1348 : vector<16xi32> to vector<16xf32>
        %shift_left3A_2211 = arith.constant 16 : i32
        %shift_left3A_2212 = vector.broadcast %shift_left3A_2211 : i32 to vector<16xi32>
        %shift_left3A_2213 = arith.shli %gather3A_1348, %shift_left3A_2212 : vector<16xi32>
        %bitcast3A_2214 = vector.bitcast %shift_left3A_2213 : vector<16xi32> to vector<16xf32>
        %bitcast3A_2215 = vector.bitcast %gather3A_1353 : vector<16xi32> to vector<16xf32>
        %shift_left3A_2216 = arith.constant 16 : i32
        %shift_left3A_2217 = vector.broadcast %shift_left3A_2216 : i32 to vector<16xi32>
        %shift_left3A_2218 = arith.shli %gather3A_1353, %shift_left3A_2217 : vector<16xi32>
        %bitcast3A_2219 = vector.bitcast %shift_left3A_2218 : vector<16xi32> to vector<16xf32>
        %mul3A_2220 = arith.mulf %bitcast3A_2210, %bitcast3A_2215 : vector<16xf32>
        %mul3A_2221 = arith.mulf %bitcast3A_2214, %bitcast3A_2219 : vector<16xf32>
        %add3A_2222 = arith.addf %mul3A_2220, %mul3A_2221 : vector<16xf32>
        %add3A_2223 = arith.addf %add3A_2196, %add3A_2222 : vector<16xf32>
        %bitcast3A_2224 = vector.bitcast %gather3A_1358 : vector<16xi32> to vector<16xf32>
        %shift_left3A_2225 = arith.constant 16 : i32
        %shift_left3A_2226 = vector.broadcast %shift_left3A_2225 : i32 to vector<16xi32>
        %shift_left3A_2227 = arith.shli %gather3A_1358, %shift_left3A_2226 : vector<16xi32>
        %bitcast3A_2228 = vector.bitcast %shift_left3A_2227 : vector<16xi32> to vector<16xf32>
        %bitcast3A_2229 = vector.bitcast %gather3A_1363 : vector<16xi32> to vector<16xf32>
        %shift_left3A_2230 = arith.constant 16 : i32
        %shift_left3A_2231 = vector.broadcast %shift_left3A_2230 : i32 to vector<16xi32>
        %shift_left3A_2232 = arith.shli %gather3A_1363, %shift_left3A_2231 : vector<16xi32>
        %bitcast3A_2233 = vector.bitcast %shift_left3A_2232 : vector<16xi32> to vector<16xf32>
        %mul3A_2234 = arith.mulf %bitcast3A_2224, %bitcast3A_2229 : vector<16xf32>
        %mul3A_2235 = arith.mulf %bitcast3A_2228, %bitcast3A_2233 : vector<16xf32>
        %add3A_2236 = arith.addf %mul3A_2234, %mul3A_2235 : vector<16xf32>
        %add3A_2237 = arith.addf %add3A_2209, %add3A_2236 : vector<16xf32>
        %add3A_2238 = arith.addf %add3A_2223, %add3A_2237 : vector<16xf32>
        %bitcast3A_2239 = vector.bitcast %gather3A_1382 : vector<16xi32> to vector<16xf32>
        %shift_left3A_2240 = arith.constant 16 : i32
        %shift_left3A_2241 = vector.broadcast %shift_left3A_2240 : i32 to vector<16xi32>
        %shift_left3A_2242 = arith.shli %gather3A_1382, %shift_left3A_2241 : vector<16xi32>
        %bitcast3A_2243 = vector.bitcast %shift_left3A_2242 : vector<16xi32> to vector<16xf32>
        %bitcast3A_2244 = vector.bitcast %gather3A_1387 : vector<16xi32> to vector<16xf32>
        %shift_left3A_2245 = arith.constant 16 : i32
        %shift_left3A_2246 = vector.broadcast %shift_left3A_2245 : i32 to vector<16xi32>
        %shift_left3A_2247 = arith.shli %gather3A_1387, %shift_left3A_2246 : vector<16xi32>
        %bitcast3A_2248 = vector.bitcast %shift_left3A_2247 : vector<16xi32> to vector<16xf32>
        %mul3A_2249 = arith.mulf %bitcast3A_2239, %bitcast3A_2244 : vector<16xf32>
        %mul3A_2250 = arith.mulf %bitcast3A_2243, %bitcast3A_2248 : vector<16xf32>
        %add3A_2251 = arith.addf %mul3A_2249, %mul3A_2250 : vector<16xf32>
        %bitcast3A_2252 = vector.bitcast %gather3A_1392 : vector<16xi32> to vector<16xf32>
        %shift_left3A_2253 = arith.constant 16 : i32
        %shift_left3A_2254 = vector.broadcast %shift_left3A_2253 : i32 to vector<16xi32>
        %shift_left3A_2255 = arith.shli %gather3A_1392, %shift_left3A_2254 : vector<16xi32>
        %bitcast3A_2256 = vector.bitcast %shift_left3A_2255 : vector<16xi32> to vector<16xf32>
        %bitcast3A_2257 = vector.bitcast %gather3A_1397 : vector<16xi32> to vector<16xf32>
        %shift_left3A_2258 = arith.constant 16 : i32
        %shift_left3A_2259 = vector.broadcast %shift_left3A_2258 : i32 to vector<16xi32>
        %shift_left3A_2260 = arith.shli %gather3A_1397, %shift_left3A_2259 : vector<16xi32>
        %bitcast3A_2261 = vector.bitcast %shift_left3A_2260 : vector<16xi32> to vector<16xf32>
        %mul3A_2262 = arith.mulf %bitcast3A_2252, %bitcast3A_2257 : vector<16xf32>
        %mul3A_2263 = arith.mulf %bitcast3A_2256, %bitcast3A_2261 : vector<16xf32>
        %add3A_2264 = arith.addf %mul3A_2262, %mul3A_2263 : vector<16xf32>
        %bitcast3A_2265 = vector.bitcast %gather3A_1402 : vector<16xi32> to vector<16xf32>
        %shift_left3A_2266 = arith.constant 16 : i32
        %shift_left3A_2267 = vector.broadcast %shift_left3A_2266 : i32 to vector<16xi32>
        %shift_left3A_2268 = arith.shli %gather3A_1402, %shift_left3A_2267 : vector<16xi32>
        %bitcast3A_2269 = vector.bitcast %shift_left3A_2268 : vector<16xi32> to vector<16xf32>
        %bitcast3A_2270 = vector.bitcast %gather3A_1407 : vector<16xi32> to vector<16xf32>
        %shift_left3A_2271 = arith.constant 16 : i32
        %shift_left3A_2272 = vector.broadcast %shift_left3A_2271 : i32 to vector<16xi32>
        %shift_left3A_2273 = arith.shli %gather3A_1407, %shift_left3A_2272 : vector<16xi32>
        %bitcast3A_2274 = vector.bitcast %shift_left3A_2273 : vector<16xi32> to vector<16xf32>
        %mul3A_2275 = arith.mulf %bitcast3A_2265, %bitcast3A_2270 : vector<16xf32>
        %mul3A_2276 = arith.mulf %bitcast3A_2269, %bitcast3A_2274 : vector<16xf32>
        %add3A_2277 = arith.addf %mul3A_2275, %mul3A_2276 : vector<16xf32>
        %add3A_2278 = arith.addf %add3A_2251, %add3A_2277 : vector<16xf32>
        %bitcast3A_2279 = vector.bitcast %gather3A_1412 : vector<16xi32> to vector<16xf32>
        %shift_left3A_2280 = arith.constant 16 : i32
        %shift_left3A_2281 = vector.broadcast %shift_left3A_2280 : i32 to vector<16xi32>
        %shift_left3A_2282 = arith.shli %gather3A_1412, %shift_left3A_2281 : vector<16xi32>
        %bitcast3A_2283 = vector.bitcast %shift_left3A_2282 : vector<16xi32> to vector<16xf32>
        %bitcast3A_2284 = vector.bitcast %gather3A_1417 : vector<16xi32> to vector<16xf32>
        %shift_left3A_2285 = arith.constant 16 : i32
        %shift_left3A_2286 = vector.broadcast %shift_left3A_2285 : i32 to vector<16xi32>
        %shift_left3A_2287 = arith.shli %gather3A_1417, %shift_left3A_2286 : vector<16xi32>
        %bitcast3A_2288 = vector.bitcast %shift_left3A_2287 : vector<16xi32> to vector<16xf32>
        %mul3A_2289 = arith.mulf %bitcast3A_2279, %bitcast3A_2284 : vector<16xf32>
        %mul3A_2290 = arith.mulf %bitcast3A_2283, %bitcast3A_2288 : vector<16xf32>
        %add3A_2291 = arith.addf %mul3A_2289, %mul3A_2290 : vector<16xf32>
        %add3A_2292 = arith.addf %add3A_2264, %add3A_2291 : vector<16xf32>
        %add3A_2293 = arith.addf %add3A_2278, %add3A_2292 : vector<16xf32>
        %bitcast3A_2294 = vector.bitcast %gather3A_1436 : vector<16xi32> to vector<16xf32>
        %shift_left3A_2295 = arith.constant 16 : i32
        %shift_left3A_2296 = vector.broadcast %shift_left3A_2295 : i32 to vector<16xi32>
        %shift_left3A_2297 = arith.shli %gather3A_1436, %shift_left3A_2296 : vector<16xi32>
        %bitcast3A_2298 = vector.bitcast %shift_left3A_2297 : vector<16xi32> to vector<16xf32>
        %bitcast3A_2299 = vector.bitcast %gather3A_1441 : vector<16xi32> to vector<16xf32>
        %shift_left3A_2300 = arith.constant 16 : i32
        %shift_left3A_2301 = vector.broadcast %shift_left3A_2300 : i32 to vector<16xi32>
        %shift_left3A_2302 = arith.shli %gather3A_1441, %shift_left3A_2301 : vector<16xi32>
        %bitcast3A_2303 = vector.bitcast %shift_left3A_2302 : vector<16xi32> to vector<16xf32>
        %mul3A_2304 = arith.mulf %bitcast3A_2294, %bitcast3A_2299 : vector<16xf32>
        %mul3A_2305 = arith.mulf %bitcast3A_2298, %bitcast3A_2303 : vector<16xf32>
        %add3A_2306 = arith.addf %mul3A_2304, %mul3A_2305 : vector<16xf32>
        %bitcast3A_2307 = vector.bitcast %gather3A_1446 : vector<16xi32> to vector<16xf32>
        %shift_left3A_2308 = arith.constant 16 : i32
        %shift_left3A_2309 = vector.broadcast %shift_left3A_2308 : i32 to vector<16xi32>
        %shift_left3A_2310 = arith.shli %gather3A_1446, %shift_left3A_2309 : vector<16xi32>
        %bitcast3A_2311 = vector.bitcast %shift_left3A_2310 : vector<16xi32> to vector<16xf32>
        %bitcast3A_2312 = vector.bitcast %gather3A_1451 : vector<16xi32> to vector<16xf32>
        %shift_left3A_2313 = arith.constant 16 : i32
        %shift_left3A_2314 = vector.broadcast %shift_left3A_2313 : i32 to vector<16xi32>
        %shift_left3A_2315 = arith.shli %gather3A_1451, %shift_left3A_2314 : vector<16xi32>
        %bitcast3A_2316 = vector.bitcast %shift_left3A_2315 : vector<16xi32> to vector<16xf32>
        %mul3A_2317 = arith.mulf %bitcast3A_2307, %bitcast3A_2312 : vector<16xf32>
        %mul3A_2318 = arith.mulf %bitcast3A_2311, %bitcast3A_2316 : vector<16xf32>
        %add3A_2319 = arith.addf %mul3A_2317, %mul3A_2318 : vector<16xf32>
        %bitcast3A_2320 = vector.bitcast %gather3A_1456 : vector<16xi32> to vector<16xf32>
        %shift_left3A_2321 = arith.constant 16 : i32
        %shift_left3A_2322 = vector.broadcast %shift_left3A_2321 : i32 to vector<16xi32>
        %shift_left3A_2323 = arith.shli %gather3A_1456, %shift_left3A_2322 : vector<16xi32>
        %bitcast3A_2324 = vector.bitcast %shift_left3A_2323 : vector<16xi32> to vector<16xf32>
        %bitcast3A_2325 = vector.bitcast %gather3A_1461 : vector<16xi32> to vector<16xf32>
        %shift_left3A_2326 = arith.constant 16 : i32
        %shift_left3A_2327 = vector.broadcast %shift_left3A_2326 : i32 to vector<16xi32>
        %shift_left3A_2328 = arith.shli %gather3A_1461, %shift_left3A_2327 : vector<16xi32>
        %bitcast3A_2329 = vector.bitcast %shift_left3A_2328 : vector<16xi32> to vector<16xf32>
        %mul3A_2330 = arith.mulf %bitcast3A_2320, %bitcast3A_2325 : vector<16xf32>
        %mul3A_2331 = arith.mulf %bitcast3A_2324, %bitcast3A_2329 : vector<16xf32>
        %add3A_2332 = arith.addf %mul3A_2330, %mul3A_2331 : vector<16xf32>
        %add3A_2333 = arith.addf %add3A_2306, %add3A_2332 : vector<16xf32>
        %bitcast3A_2334 = vector.bitcast %gather3A_1466 : vector<16xi32> to vector<16xf32>
        %shift_left3A_2335 = arith.constant 16 : i32
        %shift_left3A_2336 = vector.broadcast %shift_left3A_2335 : i32 to vector<16xi32>
        %shift_left3A_2337 = arith.shli %gather3A_1466, %shift_left3A_2336 : vector<16xi32>
        %bitcast3A_2338 = vector.bitcast %shift_left3A_2337 : vector<16xi32> to vector<16xf32>
        %bitcast3A_2339 = vector.bitcast %gather3A_1471 : vector<16xi32> to vector<16xf32>
        %shift_left3A_2340 = arith.constant 16 : i32
        %shift_left3A_2341 = vector.broadcast %shift_left3A_2340 : i32 to vector<16xi32>
        %shift_left3A_2342 = arith.shli %gather3A_1471, %shift_left3A_2341 : vector<16xi32>
        %bitcast3A_2343 = vector.bitcast %shift_left3A_2342 : vector<16xi32> to vector<16xf32>
        %mul3A_2344 = arith.mulf %bitcast3A_2334, %bitcast3A_2339 : vector<16xf32>
        %mul3A_2345 = arith.mulf %bitcast3A_2338, %bitcast3A_2343 : vector<16xf32>
        %add3A_2346 = arith.addf %mul3A_2344, %mul3A_2345 : vector<16xf32>
        %add3A_2347 = arith.addf %add3A_2319, %add3A_2346 : vector<16xf32>
        %add3A_2348 = arith.addf %add3A_2333, %add3A_2347 : vector<16xf32>
        %bitcast3A_2349 = vector.bitcast %gather3A_1490 : vector<16xi32> to vector<16xf32>
        %shift_left3A_2350 = arith.constant 16 : i32
        %shift_left3A_2351 = vector.broadcast %shift_left3A_2350 : i32 to vector<16xi32>
        %shift_left3A_2352 = arith.shli %gather3A_1490, %shift_left3A_2351 : vector<16xi32>
        %bitcast3A_2353 = vector.bitcast %shift_left3A_2352 : vector<16xi32> to vector<16xf32>
        %bitcast3A_2354 = vector.bitcast %gather3A_1495 : vector<16xi32> to vector<16xf32>
        %shift_left3A_2355 = arith.constant 16 : i32
        %shift_left3A_2356 = vector.broadcast %shift_left3A_2355 : i32 to vector<16xi32>
        %shift_left3A_2357 = arith.shli %gather3A_1495, %shift_left3A_2356 : vector<16xi32>
        %bitcast3A_2358 = vector.bitcast %shift_left3A_2357 : vector<16xi32> to vector<16xf32>
        %mul3A_2359 = arith.mulf %bitcast3A_2349, %bitcast3A_2354 : vector<16xf32>
        %mul3A_2360 = arith.mulf %bitcast3A_2353, %bitcast3A_2358 : vector<16xf32>
        %add3A_2361 = arith.addf %mul3A_2359, %mul3A_2360 : vector<16xf32>
        %bitcast3A_2362 = vector.bitcast %gather3A_1500 : vector<16xi32> to vector<16xf32>
        %shift_left3A_2363 = arith.constant 16 : i32
        %shift_left3A_2364 = vector.broadcast %shift_left3A_2363 : i32 to vector<16xi32>
        %shift_left3A_2365 = arith.shli %gather3A_1500, %shift_left3A_2364 : vector<16xi32>
        %bitcast3A_2366 = vector.bitcast %shift_left3A_2365 : vector<16xi32> to vector<16xf32>
        %bitcast3A_2367 = vector.bitcast %gather3A_1505 : vector<16xi32> to vector<16xf32>
        %shift_left3A_2368 = arith.constant 16 : i32
        %shift_left3A_2369 = vector.broadcast %shift_left3A_2368 : i32 to vector<16xi32>
        %shift_left3A_2370 = arith.shli %gather3A_1505, %shift_left3A_2369 : vector<16xi32>
        %bitcast3A_2371 = vector.bitcast %shift_left3A_2370 : vector<16xi32> to vector<16xf32>
        %mul3A_2372 = arith.mulf %bitcast3A_2362, %bitcast3A_2367 : vector<16xf32>
        %mul3A_2373 = arith.mulf %bitcast3A_2366, %bitcast3A_2371 : vector<16xf32>
        %add3A_2374 = arith.addf %mul3A_2372, %mul3A_2373 : vector<16xf32>
        %bitcast3A_2375 = vector.bitcast %gather3A_1510 : vector<16xi32> to vector<16xf32>
        %shift_left3A_2376 = arith.constant 16 : i32
        %shift_left3A_2377 = vector.broadcast %shift_left3A_2376 : i32 to vector<16xi32>
        %shift_left3A_2378 = arith.shli %gather3A_1510, %shift_left3A_2377 : vector<16xi32>
        %bitcast3A_2379 = vector.bitcast %shift_left3A_2378 : vector<16xi32> to vector<16xf32>
        %bitcast3A_2380 = vector.bitcast %gather3A_1515 : vector<16xi32> to vector<16xf32>
        %shift_left3A_2381 = arith.constant 16 : i32
        %shift_left3A_2382 = vector.broadcast %shift_left3A_2381 : i32 to vector<16xi32>
        %shift_left3A_2383 = arith.shli %gather3A_1515, %shift_left3A_2382 : vector<16xi32>
        %bitcast3A_2384 = vector.bitcast %shift_left3A_2383 : vector<16xi32> to vector<16xf32>
        %mul3A_2385 = arith.mulf %bitcast3A_2375, %bitcast3A_2380 : vector<16xf32>
        %mul3A_2386 = arith.mulf %bitcast3A_2379, %bitcast3A_2384 : vector<16xf32>
        %add3A_2387 = arith.addf %mul3A_2385, %mul3A_2386 : vector<16xf32>
        %add3A_2388 = arith.addf %add3A_2361, %add3A_2387 : vector<16xf32>
        %bitcast3A_2389 = vector.bitcast %gather3A_1520 : vector<16xi32> to vector<16xf32>
        %shift_left3A_2390 = arith.constant 16 : i32
        %shift_left3A_2391 = vector.broadcast %shift_left3A_2390 : i32 to vector<16xi32>
        %shift_left3A_2392 = arith.shli %gather3A_1520, %shift_left3A_2391 : vector<16xi32>
        %bitcast3A_2393 = vector.bitcast %shift_left3A_2392 : vector<16xi32> to vector<16xf32>
        %bitcast3A_2394 = vector.bitcast %gather3A_1525 : vector<16xi32> to vector<16xf32>
        %shift_left3A_2395 = arith.constant 16 : i32
        %shift_left3A_2396 = vector.broadcast %shift_left3A_2395 : i32 to vector<16xi32>
        %shift_left3A_2397 = arith.shli %gather3A_1525, %shift_left3A_2396 : vector<16xi32>
        %bitcast3A_2398 = vector.bitcast %shift_left3A_2397 : vector<16xi32> to vector<16xf32>
        %mul3A_2399 = arith.mulf %bitcast3A_2389, %bitcast3A_2394 : vector<16xf32>
        %mul3A_2400 = arith.mulf %bitcast3A_2393, %bitcast3A_2398 : vector<16xf32>
        %add3A_2401 = arith.addf %mul3A_2399, %mul3A_2400 : vector<16xf32>
        %add3A_2402 = arith.addf %add3A_2374, %add3A_2401 : vector<16xf32>
        %add3A_2403 = arith.addf %add3A_2388, %add3A_2402 : vector<16xf32>
        %mul3A_2404 = arith.constant 16 : i32
        %mul3A_2405 = arith.muli %scan3A_662, %mul3A_2404 : i32
        %add3A_2406 = arith.constant 0 : i32
        %add3A_2407 = arith.addi %mul3A_2405, %add3A_2406 : i32
        %div3A = arith.constant 8 : i32
        %div3A_2408 = arith.divsi %add3A_2407, %div3A : i32
        %rem3A_2409 = arith.constant 8 : i32
        %rem3A_2410 = arith.remsi %add3A_2407, %rem3A_2409 : i32
        %mul3A_2411 = arith.constant 16 : i32
        %mul3A_2412 = arith.muli %rem3A_2410, %mul3A_2411 : i32
        %swap3A_2413 = arith.index_cast %rem3A_613 : i32 to index
        %swap3A_2414 = arith.index_cast %div3A_2408 : i32 to index
        %swap3A_2415 = arith.index_cast %mul3A_2412 : i32 to index
        %swap3A_2416 = tpu.vector_load %arg11[%swap3A_2413, %swap3A_2414, %swap3A_2415] {strides = array<i32>} : memref<2x16x128xf32, #tpu.memory_space<vmem>>, vector<16xf32>,
        tpu.vector_store %arg11[%swap3A_2413, %swap3A_2414, %swap3A_2415], %add3A_1578 {strides = array<i32>} : memref<2x16x128xf32, #tpu.memory_space<vmem>>, vector<16xf32>,
        %mul3A_2417 = arith.constant 16 : i32
        %mul3A_2418 = arith.muli %scan3A_662, %mul3A_2417 : i32
        %add3A_2419 = arith.constant 1 : i32
        %add3A_2420 = arith.addi %mul3A_2418, %add3A_2419 : i32
        %div3A_2421 = arith.constant 8 : i32
        %div3A_2422 = arith.divsi %add3A_2420, %div3A_2421 : i32
        %rem3A_2423 = arith.constant 8 : i32
        %rem3A_2424 = arith.remsi %add3A_2420, %rem3A_2423 : i32
        %mul3A_2425 = arith.constant 16 : i32
        %mul3A_2426 = arith.muli %rem3A_2424, %mul3A_2425 : i32
        %swap3A_2427 = arith.index_cast %rem3A_613 : i32 to index
        %swap3A_2428 = arith.index_cast %div3A_2422 : i32 to index
        %swap3A_2429 = arith.index_cast %mul3A_2426 : i32 to index
        %swap3A_2430 = tpu.vector_load %arg11[%swap3A_2427, %swap3A_2428, %swap3A_2429] {strides = array<i32>} : memref<2x16x128xf32, #tpu.memory_space<vmem>>, vector<16xf32>,
        tpu.vector_store %arg11[%swap3A_2427, %swap3A_2428, %swap3A_2429], %add3A_1633 {strides = array<i32>} : memref<2x16x128xf32, #tpu.memory_space<vmem>>, vector<16xf32>,
        %mul3A_2431 = arith.constant 16 : i32
        %mul3A_2432 = arith.muli %scan3A_662, %mul3A_2431 : i32
        %add3A_2433 = arith.constant 2 : i32
        %add3A_2434 = arith.addi %mul3A_2432, %add3A_2433 : i32
        %div3A_2435 = arith.constant 8 : i32
        %div3A_2436 = arith.divsi %add3A_2434, %div3A_2435 : i32
        %rem3A_2437 = arith.constant 8 : i32
        %rem3A_2438 = arith.remsi %add3A_2434, %rem3A_2437 : i32
        %mul3A_2439 = arith.constant 16 : i32
        %mul3A_2440 = arith.muli %rem3A_2438, %mul3A_2439 : i32
        %swap3A_2441 = arith.index_cast %rem3A_613 : i32 to index
        %swap3A_2442 = arith.index_cast %div3A_2436 : i32 to index
        %swap3A_2443 = arith.index_cast %mul3A_2440 : i32 to index
        %swap3A_2444 = tpu.vector_load %arg11[%swap3A_2441, %swap3A_2442, %swap3A_2443] {strides = array<i32>} : memref<2x16x128xf32, #tpu.memory_space<vmem>>, vector<16xf32>,
        tpu.vector_store %arg11[%swap3A_2441, %swap3A_2442, %swap3A_2443], %add3A_1688 {strides = array<i32>} : memref<2x16x128xf32, #tpu.memory_space<vmem>>, vector<16xf32>,
        %mul3A_2445 = arith.constant 16 : i32
        %mul3A_2446 = arith.muli %scan3A_662, %mul3A_2445 : i32
        %add3A_2447 = arith.constant 3 : i32
        %add3A_2448 = arith.addi %mul3A_2446, %add3A_2447 : i32
        %div3A_2449 = arith.constant 8 : i32
        %div3A_2450 = arith.divsi %add3A_2448, %div3A_2449 : i32
        %rem3A_2451 = arith.constant 8 : i32
        %rem3A_2452 = arith.remsi %add3A_2448, %rem3A_2451 : i32
        %mul3A_2453 = arith.constant 16 : i32
        %mul3A_2454 = arith.muli %rem3A_2452, %mul3A_2453 : i32
        %swap3A_2455 = arith.index_cast %rem3A_613 : i32 to index
        %swap3A_2456 = arith.index_cast %div3A_2450 : i32 to index
        %swap3A_2457 = arith.index_cast %mul3A_2454 : i32 to index
        %swap3A_2458 = tpu.vector_load %arg11[%swap3A_2455, %swap3A_2456, %swap3A_2457] {strides = array<i32>} : memref<2x16x128xf32, #tpu.memory_space<vmem>>, vector<16xf32>,
        tpu.vector_store %arg11[%swap3A_2455, %swap3A_2456, %swap3A_2457], %add3A_1743 {strides = array<i32>} : memref<2x16x128xf32, #tpu.memory_space<vmem>>, vector<16xf32>,
        %mul3A_2459 = arith.constant 16 : i32
        %mul3A_2460 = arith.muli %scan3A_662, %mul3A_2459 : i32
        %add3A_2461 = arith.constant 4 : i32
        %add3A_2462 = arith.addi %mul3A_2460, %add3A_2461 : i32
        %div3A_2463 = arith.constant 8 : i32
        %div3A_2464 = arith.divsi %add3A_2462, %div3A_2463 : i32
        %rem3A_2465 = arith.constant 8 : i32
        %rem3A_2466 = arith.remsi %add3A_2462, %rem3A_2465 : i32
        %mul3A_2467 = arith.constant 16 : i32
        %mul3A_2468 = arith.muli %rem3A_2466, %mul3A_2467 : i32
        %swap3A_2469 = arith.index_cast %rem3A_613 : i32 to index
        %swap3A_2470 = arith.index_cast %div3A_2464 : i32 to index
        %swap3A_2471 = arith.index_cast %mul3A_2468 : i32 to index
        %swap3A_2472 = tpu.vector_load %arg11[%swap3A_2469, %swap3A_2470, %swap3A_2471] {strides = array<i32>} : memref<2x16x128xf32, #tpu.memory_space<vmem>>, vector<16xf32>,
        tpu.vector_store %arg11[%swap3A_2469, %swap3A_2470, %swap3A_2471], %add3A_1798 {strides = array<i32>} : memref<2x16x128xf32, #tpu.memory_space<vmem>>, vector<16xf32>,
        %mul3A_2473 = arith.constant 16 : i32
        %mul3A_2474 = arith.muli %scan3A_662, %mul3A_2473 : i32
        %add3A_2475 = arith.constant 5 : i32
        %add3A_2476 = arith.addi %mul3A_2474, %add3A_2475 : i32
        %div3A_2477 = arith.constant 8 : i32
        %div3A_2478 = arith.divsi %add3A_2476, %div3A_2477 : i32
        %rem3A_2479 = arith.constant 8 : i32
        %rem3A_2480 = arith.remsi %add3A_2476, %rem3A_2479 : i32
        %mul3A_2481 = arith.constant 16 : i32
        %mul3A_2482 = arith.muli %rem3A_2480, %mul3A_2481 : i32
        %swap3A_2483 = arith.index_cast %rem3A_613 : i32 to index
        %swap3A_2484 = arith.index_cast %div3A_2478 : i32 to index
        %swap3A_2485 = arith.index_cast %mul3A_2482 : i32 to index
        %swap3A_2486 = tpu.vector_load %arg11[%swap3A_2483, %swap3A_2484, %swap3A_2485] {strides = array<i32>} : memref<2x16x128xf32, #tpu.memory_space<vmem>>, vector<16xf32>,
        tpu.vector_store %arg11[%swap3A_2483, %swap3A_2484, %swap3A_2485], %add3A_1853 {strides = array<i32>} : memref<2x16x128xf32, #tpu.memory_space<vmem>>, vector<16xf32>,
        %mul3A_2487 = arith.constant 16 : i32
        %mul3A_2488 = arith.muli %scan3A_662, %mul3A_2487 : i32
        %add3A_2489 = arith.constant 6 : i32
        %add3A_2490 = arith.addi %mul3A_2488, %add3A_2489 : i32
        %div3A_2491 = arith.constant 8 : i32
        %div3A_2492 = arith.divsi %add3A_2490, %div3A_2491 : i32
        %rem3A_2493 = arith.constant 8 : i32
        %rem3A_2494 = arith.remsi %add3A_2490, %rem3A_2493 : i32
        %mul3A_2495 = arith.constant 16 : i32
        %mul3A_2496 = arith.muli %rem3A_2494, %mul3A_2495 : i32
        %swap3A_2497 = arith.index_cast %rem3A_613 : i32 to index
        %swap3A_2498 = arith.index_cast %div3A_2492 : i32 to index
        %swap3A_2499 = arith.index_cast %mul3A_2496 : i32 to index
        %swap3A_2500 = tpu.vector_load %arg11[%swap3A_2497, %swap3A_2498, %swap3A_2499] {strides = array<i32>} : memref<2x16x128xf32, #tpu.memory_space<vmem>>, vector<16xf32>,
        tpu.vector_store %arg11[%swap3A_2497, %swap3A_2498, %swap3A_2499], %add3A_1908 {strides = array<i32>} : memref<2x16x128xf32, #tpu.memory_space<vmem>>, vector<16xf32>,
        %mul3A_2501 = arith.constant 16 : i32
        %mul3A_2502 = arith.muli %scan3A_662, %mul3A_2501 : i32
        %add3A_2503 = arith.constant 7 : i32
        %add3A_2504 = arith.addi %mul3A_2502, %add3A_2503 : i32
        %div3A_2505 = arith.constant 8 : i32
        %div3A_2506 = arith.divsi %add3A_2504, %div3A_2505 : i32
        %rem3A_2507 = arith.constant 8 : i32
        %rem3A_2508 = arith.remsi %add3A_2504, %rem3A_2507 : i32
        %mul3A_2509 = arith.constant 16 : i32
        %mul3A_2510 = arith.muli %rem3A_2508, %mul3A_2509 : i32
        %swap3A_2511 = arith.index_cast %rem3A_613 : i32 to index
        %swap3A_2512 = arith.index_cast %div3A_2506 : i32 to index
        %swap3A_2513 = arith.index_cast %mul3A_2510 : i32 to index
        %swap3A_2514 = tpu.vector_load %arg11[%swap3A_2511, %swap3A_2512, %swap3A_2513] {strides = array<i32>} : memref<2x16x128xf32, #tpu.memory_space<vmem>>, vector<16xf32>,
        tpu.vector_store %arg11[%swap3A_2511, %swap3A_2512, %swap3A_2513], %add3A_1963 {strides = array<i32>} : memref<2x16x128xf32, #tpu.memory_space<vmem>>, vector<16xf32>,
        %mul3A_2515 = arith.constant 16 : i32
        %mul3A_2516 = arith.muli %scan3A_662, %mul3A_2515 : i32
        %add3A_2517 = arith.constant 8 : i32
        %add3A_2518 = arith.addi %mul3A_2516, %add3A_2517 : i32
        %div3A_2519 = arith.constant 8 : i32
        %div3A_2520 = arith.divsi %add3A_2518, %div3A_2519 : i32
        %rem3A_2521 = arith.constant 8 : i32
        %rem3A_2522 = arith.remsi %add3A_2518, %rem3A_2521 : i32
        %mul3A_2523 = arith.constant 16 : i32
        %mul3A_2524 = arith.muli %rem3A_2522, %mul3A_2523 : i32
        %swap3A_2525 = arith.index_cast %rem3A_613 : i32 to index
        %swap3A_2526 = arith.index_cast %div3A_2520 : i32 to index
        %swap3A_2527 = arith.index_cast %mul3A_2524 : i32 to index
        %swap3A_2528 = tpu.vector_load %arg11[%swap3A_2525, %swap3A_2526, %swap3A_2527] {strides = array<i32>} : memref<2x16x128xf32, #tpu.memory_space<vmem>>, vector<16xf32>,
        tpu.vector_store %arg11[%swap3A_2525, %swap3A_2526, %swap3A_2527], %add3A_2018 {strides = array<i32>} : memref<2x16x128xf32, #tpu.memory_space<vmem>>, vector<16xf32>,
        %mul3A_2529 = arith.constant 16 : i32
        %mul3A_2530 = arith.muli %scan3A_662, %mul3A_2529 : i32
        %add3A_2531 = arith.constant 9 : i32
        %add3A_2532 = arith.addi %mul3A_2530, %add3A_2531 : i32
        %div3A_2533 = arith.constant 8 : i32
        %div3A_2534 = arith.divsi %add3A_2532, %div3A_2533 : i32
        %rem3A_2535 = arith.constant 8 : i32
        %rem3A_2536 = arith.remsi %add3A_2532, %rem3A_2535 : i32
        %mul3A_2537 = arith.constant 16 : i32
        %mul3A_2538 = arith.muli %rem3A_2536, %mul3A_2537 : i32
        %swap3A_2539 = arith.index_cast %rem3A_613 : i32 to index
        %swap3A_2540 = arith.index_cast %div3A_2534 : i32 to index
        %swap3A_2541 = arith.index_cast %mul3A_2538 : i32 to index
        %swap3A_2542 = tpu.vector_load %arg11[%swap3A_2539, %swap3A_2540, %swap3A_2541] {strides = array<i32>} : memref<2x16x128xf32, #tpu.memory_space<vmem>>, vector<16xf32>,
        tpu.vector_store %arg11[%swap3A_2539, %swap3A_2540, %swap3A_2541], %add3A_2073 {strides = array<i32>} : memref<2x16x128xf32, #tpu.memory_space<vmem>>, vector<16xf32>,
        %mul3A_2543 = arith.constant 16 : i32
        %mul3A_2544 = arith.muli %scan3A_662, %mul3A_2543 : i32
        %add3A_2545 = arith.constant 10 : i32
        %add3A_2546 = arith.addi %mul3A_2544, %add3A_2545 : i32
        %div3A_2547 = arith.constant 8 : i32
        %div3A_2548 = arith.divsi %add3A_2546, %div3A_2547 : i32
        %rem3A_2549 = arith.constant 8 : i32
        %rem3A_2550 = arith.remsi %add3A_2546, %rem3A_2549 : i32
        %mul3A_2551 = arith.constant 16 : i32
        %mul3A_2552 = arith.muli %rem3A_2550, %mul3A_2551 : i32
        %swap3A_2553 = arith.index_cast %rem3A_613 : i32 to index
        %swap3A_2554 = arith.index_cast %div3A_2548 : i32 to index
        %swap3A_2555 = arith.index_cast %mul3A_2552 : i32 to index
        %swap3A_2556 = tpu.vector_load %arg11[%swap3A_2553, %swap3A_2554, %swap3A_2555] {strides = array<i32>} : memref<2x16x128xf32, #tpu.memory_space<vmem>>, vector<16xf32>,
        tpu.vector_store %arg11[%swap3A_2553, %swap3A_2554, %swap3A_2555], %add3A_2128 {strides = array<i32>} : memref<2x16x128xf32, #tpu.memory_space<vmem>>, vector<16xf32>,
        %mul3A_2557 = arith.constant 16 : i32
        %mul3A_2558 = arith.muli %scan3A_662, %mul3A_2557 : i32
        %add3A_2559 = arith.constant 11 : i32
        %add3A_2560 = arith.addi %mul3A_2558, %add3A_2559 : i32
        %div3A_2561 = arith.constant 8 : i32
        %div3A_2562 = arith.divsi %add3A_2560, %div3A_2561 : i32
        %rem3A_2563 = arith.constant 8 : i32
        %rem3A_2564 = arith.remsi %add3A_2560, %rem3A_2563 : i32
        %mul3A_2565 = arith.constant 16 : i32
        %mul3A_2566 = arith.muli %rem3A_2564, %mul3A_2565 : i32
        %swap3A_2567 = arith.index_cast %rem3A_613 : i32 to index
        %swap3A_2568 = arith.index_cast %div3A_2562 : i32 to index
        %swap3A_2569 = arith.index_cast %mul3A_2566 : i32 to index
        %swap3A_2570 = tpu.vector_load %arg11[%swap3A_2567, %swap3A_2568, %swap3A_2569] {strides = array<i32>} : memref<2x16x128xf32, #tpu.memory_space<vmem>>, vector<16xf32>,
        tpu.vector_store %arg11[%swap3A_2567, %swap3A_2568, %swap3A_2569], %add3A_2183 {strides = array<i32>} : memref<2x16x128xf32, #tpu.memory_space<vmem>>, vector<16xf32>,
        %mul3A_2571 = arith.constant 16 : i32
        %mul3A_2572 = arith.muli %scan3A_662, %mul3A_2571 : i32
        %add3A_2573 = arith.constant 12 : i32
        %add3A_2574 = arith.addi %mul3A_2572, %add3A_2573 : i32
        %div3A_2575 = arith.constant 8 : i32
        %div3A_2576 = arith.divsi %add3A_2574, %div3A_2575 : i32
        %rem3A_2577 = arith.constant 8 : i32
        %rem3A_2578 = arith.remsi %add3A_2574, %rem3A_2577 : i32
        %mul3A_2579 = arith.constant 16 : i32
        %mul3A_2580 = arith.muli %rem3A_2578, %mul3A_2579 : i32
        %swap3A_2581 = arith.index_cast %rem3A_613 : i32 to index
        %swap3A_2582 = arith.index_cast %div3A_2576 : i32 to index
        %swap3A_2583 = arith.index_cast %mul3A_2580 : i32 to index
        %swap3A_2584 = tpu.vector_load %arg11[%swap3A_2581, %swap3A_2582, %swap3A_2583] {strides = array<i32>} : memref<2x16x128xf32, #tpu.memory_space<vmem>>, vector<16xf32>,
        tpu.vector_store %arg11[%swap3A_2581, %swap3A_2582, %swap3A_2583], %add3A_2238 {strides = array<i32>} : memref<2x16x128xf32, #tpu.memory_space<vmem>>, vector<16xf32>,
        %mul3A_2585 = arith.constant 16 : i32
        %mul3A_2586 = arith.muli %scan3A_662, %mul3A_2585 : i32
        %add3A_2587 = arith.constant 13 : i32
        %add3A_2588 = arith.addi %mul3A_2586, %add3A_2587 : i32
        %div3A_2589 = arith.constant 8 : i32
        %div3A_2590 = arith.divsi %add3A_2588, %div3A_2589 : i32
        %rem3A_2591 = arith.constant 8 : i32
        %rem3A_2592 = arith.remsi %add3A_2588, %rem3A_2591 : i32
        %mul3A_2593 = arith.constant 16 : i32
        %mul3A_2594 = arith.muli %rem3A_2592, %mul3A_2593 : i32
        %swap3A_2595 = arith.index_cast %rem3A_613 : i32 to index
        %swap3A_2596 = arith.index_cast %div3A_2590 : i32 to index
        %swap3A_2597 = arith.index_cast %mul3A_2594 : i32 to index
        %swap3A_2598 = tpu.vector_load %arg11[%swap3A_2595, %swap3A_2596, %swap3A_2597] {strides = array<i32>} : memref<2x16x128xf32, #tpu.memory_space<vmem>>, vector<16xf32>,
        tpu.vector_store %arg11[%swap3A_2595, %swap3A_2596, %swap3A_2597], %add3A_2293 {strides = array<i32>} : memref<2x16x128xf32, #tpu.memory_space<vmem>>, vector<16xf32>,
        %mul3A_2599 = arith.constant 16 : i32
        %mul3A_2600 = arith.muli %scan3A_662, %mul3A_2599 : i32
        %add3A_2601 = arith.constant 14 : i32
        %add3A_2602 = arith.addi %mul3A_2600, %add3A_2601 : i32
        %div3A_2603 = arith.constant 8 : i32
        %div3A_2604 = arith.divsi %add3A_2602, %div3A_2603 : i32
        %rem3A_2605 = arith.constant 8 : i32
        %rem3A_2606 = arith.remsi %add3A_2602, %rem3A_2605 : i32
        %mul3A_2607 = arith.constant 16 : i32
        %mul3A_2608 = arith.muli %rem3A_2606, %mul3A_2607 : i32
        %swap3A_2609 = arith.index_cast %rem3A_613 : i32 to index
        %swap3A_2610 = arith.index_cast %div3A_2604 : i32 to index
        %swap3A_2611 = arith.index_cast %mul3A_2608 : i32 to index
        %swap3A_2612 = tpu.vector_load %arg11[%swap3A_2609, %swap3A_2610, %swap3A_2611] {strides = array<i32>} : memref<2x16x128xf32, #tpu.memory_space<vmem>>, vector<16xf32>,
        tpu.vector_store %arg11[%swap3A_2609, %swap3A_2610, %swap3A_2611], %add3A_2348 {strides = array<i32>} : memref<2x16x128xf32, #tpu.memory_space<vmem>>, vector<16xf32>,
        %mul3A_2613 = arith.constant 16 : i32
        %mul3A_2614 = arith.muli %scan3A_662, %mul3A_2613 : i32
        %add3A_2615 = arith.constant 15 : i32
        %add3A_2616 = arith.addi %mul3A_2614, %add3A_2615 : i32
        %div3A_2617 = arith.constant 8 : i32
        %div3A_2618 = arith.divsi %add3A_2616, %div3A_2617 : i32
        %rem3A_2619 = arith.constant 8 : i32
        %rem3A_2620 = arith.remsi %add3A_2616, %rem3A_2619 : i32
        %mul3A_2621 = arith.constant 16 : i32
        %mul3A_2622 = arith.muli %rem3A_2620, %mul3A_2621 : i32
        %swap3A_2623 = arith.index_cast %rem3A_613 : i32 to index
        %swap3A_2624 = arith.index_cast %div3A_2618 : i32 to index
        %swap3A_2625 = arith.index_cast %mul3A_2622 : i32 to index
        %swap3A_2626 = tpu.vector_load %arg11[%swap3A_2623, %swap3A_2624, %swap3A_2625] {strides = array<i32>} : memref<2x16x128xf32, #tpu.memory_space<vmem>>, vector<16xf32>,
        tpu.vector_store %arg11[%swap3A_2623, %swap3A_2624, %swap3A_2625], %add3A_2403 {strides = array<i32>} : memref<2x16x128xf32, #tpu.memory_space<vmem>>, vector<16xf32>,
        %scan3A_2627 = arith.constant 0 : i32
        scf.yield %scan3A_2627 : i32
      }
      %scan3A_647 = arith.constant 8 : i32
      %mul3A_648 = arith.constant 16 : i32
      %mul3A_649 = arith.muli %scan3A_611, %mul3A_648 : i32
      %add3A_650 = vector.broadcast %mul3A_649 : i32 to vector<16xi32>
      %add3A_651 = arith.addi %add3A_650, %iota3A : vector<16xi32>
      %dma_start3A_652 = arith.constant 0 : i32
      %dma_start3A_653 = arith.constant 0 : i32
      %dma_start3A_654 = tpu.memref_slice %arg11[%rem3A_613, %dma_start3A_652, %dma_start3A_653] : memref<2x16x128xf32, #tpu.memory_space<vmem>> -> memref<1x16x128xf32, #tpu.memory_space<vmem>>
      %dma_start3A_655 = tpu.memref_squeeze %dma_start3A_654 : memref<1x16x128xf32, #tpu.memory_space<vmem>> -> memref<16x128xf32, #tpu.memory_space<vmem>>
      %dma_start3A_656 = arith.constant 0 : i32
      %dma_start3A_657 = arith.constant 0 : i32
      %dma_start3A_658 = tpu.memref_slice %arg7[%dma_start3A_656, %dma_start3A_657] : memref<1280x128xf32, #tpu.memory_space<vmem_shared>> -> memref<1280x128xf32, #tpu.memory_space<vmem_shared>>
      %dma_start3A_659 = tpu.memref_slice %arg13[%rem3A_613] : memref<2x!tpu.dma_semaphore, #tpu.memory_space<semaphore_mem>> -> memref<1x!tpu.dma_semaphore, #tpu.memory_space<semaphore_mem>>
      %dma_start3A_660 = tpu.memref_squeeze %dma_start3A_659 : memref<1x!tpu.dma_semaphore, #tpu.memory_space<semaphore_mem>> -> memref<!tpu.dma_semaphore, #tpu.memory_space<semaphore_mem>>
      tpu.enqueue_indirect_dma source(%dma_start3A_655 : memref<16x128xf32, #tpu.memory_space<vmem>>) target(%dma_start3A_658 : memref<1280x128xf32, #tpu.memory_space<vmem_shared>>) offsets(%add3A_651 : vector<16xi32>) semaphore(%dma_start3A_660 : memref<!tpu.dma_semaphore, #tpu.memory_space<semaphore_mem>>) {add = true}
      %scan3A_661 = arith.constant 0 : i32
      scf.yield %scan3A_661 : i32
    }
    %scan3A_572 = arith.constant 79 : i32
    %dma_wait3A = arith.constant 0 : i32
    %dma_wait3A_573 = arith.constant 0 : i32
    %dma_wait3A_574 = arith.constant 0 : i32
    %dma_wait3A_575 = arith.constant 0 : i32
    %dma_wait3A_576 = tpu.memref_slice %arg11[%dma_wait3A, %dma_wait3A_574, %dma_wait3A_575] : memref<2x16x128xf32, #tpu.memory_space<vmem>> -> memref<1x16x128xf32, #tpu.memory_space<vmem>>
    %dma_wait3A_577 = tpu.memref_squeeze %dma_wait3A_576 : memref<1x16x128xf32, #tpu.memory_space<vmem>> -> memref<16x128xf32, #tpu.memory_space<vmem>>
    %dma_wait3A_578 = arith.constant 0 : i32
    %dma_wait3A_579 = arith.constant 0 : i32
    %dma_wait3A_580 = tpu.memref_slice %arg7[%dma_wait3A_578, %dma_wait3A_579] : memref<1280x128xf32, #tpu.memory_space<vmem_shared>> -> memref<16x128xf32, #tpu.memory_space<vmem_shared>>
    %dma_wait3A_581 = tpu.memref_slice %arg13[%dma_wait3A_573] : memref<2x!tpu.dma_semaphore, #tpu.memory_space<semaphore_mem>> -> memref<1x!tpu.dma_semaphore, #tpu.memory_space<semaphore_mem>>
    %dma_wait3A_582 = tpu.memref_squeeze %dma_wait3A_581 : memref<1x!tpu.dma_semaphore, #tpu.memory_space<semaphore_mem>> -> memref<!tpu.dma_semaphore, #tpu.memory_space<semaphore_mem>>
    %dma_wait3A_583 = arith.constant 0 : i32
    %dma_wait3A_584 = arith.constant 0 : i32
    %dma_wait3A_585 = tpu.memref_slice %arg7[%dma_wait3A_583, %dma_wait3A_584] : memref<1280x128xf32, #tpu.memory_space<vmem_shared>> -> memref<16x128xf32, #tpu.memory_space<vmem_shared>>
    %dma_wait3A_586 = arith.constant 0 : i32
    %dma_wait3A_587 = arith.constant 0 : i32
    %dma_wait3A_588 = tpu.memref_slice %arg11[%dma_wait3A, %dma_wait3A_586, %dma_wait3A_587] : memref<2x16x128xf32, #tpu.memory_space<vmem>> -> memref<1x16x128xf32, #tpu.memory_space<vmem>>
    %dma_wait3A_589 = tpu.memref_squeeze %dma_wait3A_588 : memref<1x16x128xf32, #tpu.memory_space<vmem>> -> memref<16x128xf32, #tpu.memory_space<vmem>>
    tpu.wait_dma2 semaphore(%dma_wait3A_582 : memref<!tpu.dma_semaphore, #tpu.memory_space<semaphore_mem>>) src(%dma_wait3A_589 : memref<16x128xf32, #tpu.memory_space<vmem>>) dst(%dma_wait3A_585 : memref<16x128xf32, #tpu.memory_space<vmem_shared>>)
    %dma_wait3A_590 = arith.constant 1 : i32
    %dma_wait3A_591 = arith.constant 1 : i32
    %dma_wait3A_592 = arith.constant 0 : i32
    %dma_wait3A_593 = arith.constant 0 : i32
    %dma_wait3A_594 = tpu.memref_slice %arg11[%dma_wait3A_590, %dma_wait3A_592, %dma_wait3A_593] : memref<2x16x128xf32, #tpu.memory_space<vmem>> -> memref<1x16x128xf32, #tpu.memory_space<vmem>>
    %dma_wait3A_595 = tpu.memref_squeeze %dma_wait3A_594 : memref<1x16x128xf32, #tpu.memory_space<vmem>> -> memref<16x128xf32, #tpu.memory_space<vmem>>
    %dma_wait3A_596 = arith.constant 0 : i32
    %dma_wait3A_597 = arith.constant 0 : i32
    %dma_wait3A_598 = tpu.memref_slice %arg7[%dma_wait3A_596, %dma_wait3A_597] : memref<1280x128xf32, #tpu.memory_space<vmem_shared>> -> memref<16x128xf32, #tpu.memory_space<vmem_shared>>
    %dma_wait3A_599 = tpu.memref_slice %arg13[%dma_wait3A_591] : memref<2x!tpu.dma_semaphore, #tpu.memory_space<semaphore_mem>> -> memref<1x!tpu.dma_semaphore, #tpu.memory_space<semaphore_mem>>
    %dma_wait3A_600 = tpu.memref_squeeze %dma_wait3A_599 : memref<1x!tpu.dma_semaphore, #tpu.memory_space<semaphore_mem>> -> memref<!tpu.dma_semaphore, #tpu.memory_space<semaphore_mem>>
    %dma_wait3A_601 = arith.constant 0 : i32
    %dma_wait3A_602 = arith.constant 0 : i32
    %dma_wait3A_603 = tpu.memref_slice %arg7[%dma_wait3A_601, %dma_wait3A_602] : memref<1280x128xf32, #tpu.memory_space<vmem_shared>> -> memref<16x128xf32, #tpu.memory_space<vmem_shared>>
    %dma_wait3A_604 = arith.constant 0 : i32
    %dma_wait3A_605 = arith.constant 0 : i32
    %dma_wait3A_606 = tpu.memref_slice %arg11[%dma_wait3A_590, %dma_wait3A_604, %dma_wait3A_605] : memref<2x16x128xf32, #tpu.memory_space<vmem>> -> memref<1x16x128xf32, #tpu.memory_space<vmem>>
    %dma_wait3A_607 = tpu.memref_squeeze %dma_wait3A_606 : memref<1x16x128xf32, #tpu.memory_space<vmem>> -> memref<16x128xf32, #tpu.memory_space<vmem>>
    tpu.wait_dma2 semaphore(%dma_wait3A_600 : memref<!tpu.dma_semaphore, #tpu.memory_space<semaphore_mem>>) src(%dma_wait3A_607 : memref<16x128xf32, #tpu.memory_space<vmem>>) dst(%dma_wait3A_603 : memref<16x128xf32, #tpu.memory_space<vmem_shared>>)
    %barrier3A_608 = arith.constant 0 : index
    tpu.barrier barrier_id(%barrier3A_608)
    %lt3A = arith.constant 10 : i32
    %lt3A_609 = arith.cmpi slt, %arg1, %lt3A : i32
    %convert_element_type3A = arith.extui %lt3A_609 : i1 to i32
    %cond3A = arith.constant 0 : i32
    %cond3A_610 = arith.cmpi ne, %convert_element_type3A, %cond3A : i32
    scf.if %cond3A_610 {
      %mul3A_611 = arith.constant 125 : i32
      %mul3A_612 = arith.muli %arg1, %mul3A_611 : i32
      %mul3A_613 = arith.constant 1250 : i32
      %mul3A_614 = arith.muli %arg0, %mul3A_613 : i32
      %mul3A_615 = arith.constant 125 : i32
      %mul3A_616 = arith.muli %arg1, %mul3A_615 : i32
      %add3A_617 = arith.addi %mul3A_614, %mul3A_616 : i32
      "tpu.region"() ({
        %run_scoped3A = tpu.sem_alloc : memref<!tpu.dma_semaphore, #tpu.memory_space<semaphore_mem>>
        %dma_start3A_618 = arith.constant 0 : i32
        %dma_start3A_619 = tpu.memref_slice %arg6[%add3A_617, %dma_start3A_618] : memref<2500x128xf32, #tpu.memory_space<hbm>> -> memref<125x128xf32, #tpu.memory_space<hbm>>
        %dma_start3A_620 = arith.constant 0 : i32
        %dma_start3A_621 = tpu.memref_slice %arg7[%mul3A_612, %dma_start3A_620] : memref<1280x128xf32, #tpu.memory_space<vmem_shared>> -> memref<125x128xf32, #tpu.memory_space<vmem_shared>>
        tpu.enqueue_dma source(%dma_start3A_621 : memref<125x128xf32, #tpu.memory_space<vmem_shared>>) target(%dma_start3A_619 : memref<125x128xf32, #tpu.memory_space<hbm>>) target_semaphore(%run_scoped3A : memref<!tpu.dma_semaphore, #tpu.memory_space<semaphore_mem>>)
        %dma_wait3A_622 = arith.constant 0 : i32
        %dma_wait3A_623 = tpu.memref_slice %arg6[%add3A_617, %dma_wait3A_622] : memref<2500x128xf32, #tpu.memory_space<hbm>> -> memref<125x128xf32, #tpu.memory_space<hbm>>
        %dma_wait3A_624 = arith.constant 0 : i32
        %dma_wait3A_625 = tpu.memref_slice %arg7[%mul3A_612, %dma_wait3A_624] : memref<1280x128xf32, #tpu.memory_space<vmem_shared>> -> memref<125x128xf32, #tpu.memory_space<vmem_shared>>
        tpu.wait_dma2 semaphore(%run_scoped3A : memref<!tpu.dma_semaphore, #tpu.memory_space<semaphore_mem>>) src(%dma_wait3A_625 : memref<125x128xf32, #tpu.memory_space<vmem_shared>>) dst(%dma_wait3A_623 : memref<125x128xf32, #tpu.memory_space<hbm>>)
        tpu.yield
      }) : () -> ()
    } else {
    }
    return
  }
}

</mosaic_0001>

<sc_bundles>
// kernel: kernel.3.cloned.1.call-start
scs
__scs_entry_jumppad:
0x0: {  	(pc) =	sbr.rel $0x88, $3  }
0x1: {  	(tag) =	ssettag $0x0;
	lr =	simm.s32 $0x1  }
0x2: {  	[smem:$0x3F9E] =	sst lr;
	_ =	strace $0xD0000000  }
0x3: {  	_ = 	snop  }
0x4: {  	_ = 	snop  }
0x5: {  	_ = 	snop  }
0x6: {  	_ = 	snop  }
0x7: {  	_ = 	snop  }
__scs_overlays_trampoline_lowered:
0x8: {  	[smem:$0x3FAD] =	sst s0  }
0x9: {  	[smem:$0x3FAE] =	sst s1  }
0xa: {  	[smem:$0x3FAF] =	sst s2  }
0xb: {  	[smem:$0x3FB0] =	sst s3  }
0xc: {  	[smem:$0x3FB1] =	sst s4  }
0xd: {  	[smem:$0x3FB2] =	sst s5  }
0xe: {  	[smem:$0x3FB3] =	sst s6  }
0xf: {  	[smem:$0x3FB4] =	sst s7  }
0x10: {  	[smem:$0x3FB5] =	sst s8  }
0x11: {  	[smem:$0x3FB6] =	sst s9;
	s0 =	simm.s32 @!p0 $0x0  }
0x12: {  	s1 =	sld [smem:$0x3F9C];
	s0 =	simm.s32 @p0 $0x1  }
0x13: {  	[smem:$0x3FB7] =	sst s0;
	s0 =	simm.s32 @!p1 $0x0  }
0x14: {  	s2 =	sld [smem:$0x3F9B];
	s0 =	simm.s32 @p1 $0x1  }
0x15: {  	[smem:$0x3FB8] =	sst s0;
	s0 =	simm.s32 @!p2 $0x0  }
0x16: {  	s3 =	sld [smem:$0x3FDB];
	s0 =	simm.s32 @p2 $0x1  }
0x17: {  	s4 =	simm.s32 $0x1BF5;
	[smem:$0x3FBA] =	sst s0  }
0x18: {  	s0 =	sld [smem:$0x3F9D];
	_ =	swait.ge [sflag:s4], $0x0  }
0x19: {  	s7 =	sld [smem:$0x3F9E]  }
0x1a: {  	s8 =	sadd.s32 $0xFFFFE003, lr  }
0x1b: {  	s9 =	sadd.s32 $0xFFFFFEF7, lr;
	s5 =	simm.s32 $0xFFFFFFFF;
	p2 =	slt.u32 s8, $0xFFFFF086  }
0x1c: {  	p1 =	slt.u32 s9, $0xF7A;
	s5 =	simm.s32 @!p2 $0x0  }
0x1d: {  	s5 =	simm.s32 @p1 $0x1;
	p0 =	seq.s32 s7, s2  }
0x1e: {  	s7 =	smul.u32 @!p0 $0xF7A, s2;
	p2 =	seq.s32 @!p0 s5, $0x0  }
0x1f: {  	s9 =	smul.u32 $0xF7A, s1;
	s8 =	simm.s32 @!p0 $0x1BF5;
	p2 =	por !p2, p0  }
0x20: {  	[sflag:s8] =	ssyncset.s32 @!p0 $0xFFFFF086;
	s6 =	sadd.s32 @!p0 s3, s7;
	s7 =	simm.s32 @!p0 $0x108  }
0x21: {  	s3 =	sadd.s32 s3, s9;
	s6 =	sadd.s32 @!p0 $0x88, s6;
	s7 =	simm.s32 @p2 $0x1082  }
0x22: {  	[simem:s7], [sflag:s8] =	dma.local @!p0 [hbm:s6], $0xF7A  }
0x23: {  	s9 =	sor.u32 $0xD0000000, s2;
	s6 =	simm.s32 $0x108;
	_ =	swait.ge @!p0 [sflag:s8], $0x0  }
0x24: {  	s3 =	sadd.s32 $0x88, s3;
	s6 =	simm.s32 @!p1 $0x1082;
	[sflag:s4] =	ssyncset.s32 $0xFFFFF086  }
0x25: {  	[simem:s6], [sflag:s4] =	dma.local [hbm:s3], $0xF7A  }
0x26: {  	[smem:$0x3F9E] =	sst s1;
	(tag) =	ssettag s2;
	_ =	strace s9  }
0x27: {  	s1 =	sld [smem:$0x3FAE]  }
0x28: {  	s2 =	sld [smem:$0x3FAF]  }
0x29: {  	s4 =	sld [smem:$0x3FB1]  }
0x2a: {  	p0 =	seq.s32 s5, $0x0;
	s5 =	sld [smem:$0x3FB2]  }
0x2b: {  	s6 =	sld [smem:$0x3FB3]  }
0x2c: {  	s7 =	sld [smem:$0x3FB4]  }
0x2d: {  	s3 =	simm.s32 $0x108;
	s8 =	sld [smem:$0x3FB5]  }
0x2e: {  	s3 =	simm.s32 @!p0 $0x1082;
	s9 =	sld [smem:$0x3FB6]  }
0x2f: {  	lr =	sadd.s32 s0, s3;
	s0 =	sld [smem:$0x3FAD]  }
0x30: {  	s3 =	sld [smem:$0x3FB0]  }
0x31: {  	[smem:$0x3FB9] =	sst s10  }
0x32: {  	s10 =	sld [smem:$0x3FB7];
	_ =	sdelay $0x3  }
0x33: {  	p0 =	seq.s32 s10, $0x1;
	s10 =	sld [smem:$0x3FB9];
	_ =	sdelay $0x3  }
0x34: {  	[smem:$0x3FB9] =	sst s10  }
0x35: {  	s10 =	sld [smem:$0x3FB8];
	_ =	sdelay $0x3  }
0x36: {  	p1 =	seq.s32 s10, $0x1;
	s10 =	sld [smem:$0x3FB9];
	_ =	sdelay $0x3  }
0x37: {  	[smem:$0x3FB9] =	sst s10  }
0x38: {  	s10 =	sld [smem:$0x3FBA]  }
0x39: {  	_ = 	snop;
	(pc) =	sbr.ind lr, $3  }
0x3a: {  	_ = 	snop  }
0x3b: {  	_ = 	snop  }
0x3c: {  	p2 =	seq.s32 s10, $0x1;
	s10 =	sld [smem:$0x3FB9]  }
0x3d: {  	_ =	shalt  }
0x3e: {  	_ =	shalt  }
0x3f: {  	_ =	shalt  }
0x40: {  	_ =	shalt  }
0x41: {  	_ =	shalt  }
0x42: {  	_ =	shalt  }
0x43: {  	_ =	shalt  }
0x44: {  	_ =	shalt  }
0x45: {  	_ =	shalt  }
0x46: {  	_ =	shalt  }
0x47: {  	_ =	shalt  }
0x48: {  	_ =	shalt  }
0x49: {  	_ =	shalt  }
0x4a: {  	_ =	shalt  }
0x4b: {  	_ =	shalt  }
0x4c: {  	_ =	shalt  }
0x4d: {  	_ =	shalt  }
0x4e: {  	_ =	shalt  }
0x4f: {  	_ =	shalt  }
0x50: {  	_ =	shalt  }
0x51: {  	_ =	shalt  }
0x52: {  	_ =	shalt  }
0x53: {  	_ =	shalt  }
0x54: {  	_ =	shalt  }
0x55: {  	_ =	shalt  }
0x56: {  	_ =	shalt  }
0x57: {  	_ =	shalt  }
0x58: {  	_ =	shalt  }
0x59: {  	_ =	shalt  }
0x5a: {  	_ =	shalt  }
0x5b: {  	_ =	shalt  }
0x5c: {  	_ =	shalt  }
0x5d: {  	_ =	shalt  }
0x5e: {  	_ =	shalt  }
0x5f: {  	_ =	shalt  }
0x60: {  	_ =	shalt  }
0x61: {  	_ =	shalt  }
0x62: {  	_ =	shalt  }
0x63: {  	_ =	shalt  }
0x64: {  	_ =	shalt  }
0x65: {  	_ =	shalt  }
0x66: {  	_ =	shalt  }
0x67: {  	_ =	shalt  }
0x68: {  	_ =	shalt  }
0x69: {  	_ =	shalt  }
0x6a: {  	_ =	shalt  }
0x6b: {  	_ =	shalt  }
0x6c: {  	_ =	shalt  }
0x6d: {  	_ =	shalt  }
0x6e: {  	_ =	shalt  }
0x6f: {  	_ =	shalt  }
0x70: {  	_ =	shalt  }
0x71: {  	_ =	shalt  }
0x72: {  	_ =	shalt  }
0x73: {  	_ =	shalt  }
0x74: {  	_ =	shalt  }
0x75: {  	_ =	shalt  }
0x76: {  	_ =	shalt  }
0x77: {  	_ =	shalt  }
0x78: {  	_ =	shalt  }
0x79: {  	_ =	shalt  }
0x7a: {  	_ =	shalt  }
0x7b: {  	_ =	shalt  }
0x7c: {  	_ =	shalt  }
0x7d: {  	_ =	shalt  }
0x7e: {  	_ =	shalt  }
0x7f: {  	_ =	shalt  }
0x80: {  	_ =	shalt  }
0x81: {  	_ =	shalt  }
0x82: {  	_ =	shalt  }
0x83: {  	_ =	shalt  }
0x84: {  	_ =	shalt  }
0x85: {  	_ =	shalt  }
0x86: {  	_ =	shalt  }
0x87: {  	_ =	shalt  }
.Lfunc_end0:
.L_simem_size_0:
called_computation_lowered:
.L_overlay_start_0:
0x88: {  	s2 =	sld [smem:$0x3FD9]  }
0x89: {  	s3 =	sld [smem:$0x3FFE];
	_ =	sdelay $0x1  }
0x8a: {  	s1 =	srdreg.scid  }
0x8b: {  	s0 =	sand.u32 $0x1, s1  }
0x8c: {  	s17 =	sshll.u32 s0, $0xA;
	s2 =	sadd.s32 s3, s2  }
0x8d: {  	s2 =	sadd.s32 s2, s17  }
0x8e: {  	[smem:$0x3FC5] =	sst s2  }
0x8f: {  	_ = 	snop  }
0x90: {  	s2 =	sld [smem:$0x3FD0];
	(tm) =	ssettm $0x1  }
0x91: {  	s18 =	sld [smem:$0x3FFB];
	_ =	sdelay $0x3  }
0x92: {  	_ =	strace s18  }
0x93: {  	s3 =	sld [smem:$0x3FFC];
	_ =	sdelay $0x3  }
0x94: {  	_ =	strace s3  }
0x95: {  	s3 =	sld [smem:$0x3FFD];
	_ =	sdelay $0x3  }
0x96: {  	_ =	strace s3  }
0x97: {  	_ =	strace $0x8FFFFFFF  }
0x98: {  	s19 =	sld [smem:$0x3FDB];
	_ =	sdelay $0x1  }
0x99: {  	s4 =	simm.s32 $_scs_section_size  }
0x9a: {  	s5 =	simm.s32 $_size__tile_overlayer_lowered;
	s6 =	simm.s32 $_tile_overlayer_lowered  }
0x9b: {  	s22 =	simm.s32 $0x1BFF;
	s21 =	sshll.u32 s6, $0x1;
	s3 =	sadd.s32 s4, s19  }
0x9c: {  	s7 =	simm.s32 $0x0;
	s20 =	sshll.u32 s5, $0x1;
	s5 =	sadd.s32 s21, s3  }
0x9d: {  	[timem:s7], [sflag:s22] =	dma.local [hbm:s5], s20  }
0x9e: {  	_ =	swait.ge [sflag:s22], s20  }
0x9f: {  	s4 =	ssub.s32 $0x0, s20;
	[sflag:s22] =	ssyncset.done $0x0  }
0xa0: {  	[sflag:s22] =	ssyncadd.s32 s4;
	_ =	sdelay $0x1  }
0xa1: {  	s23 =	simm.s32 $0x1B8B  }
0xa2: {  	_ =	swait.ge [sflag:s23], $0x1  }
0xa3: {  	[sflag:s23] =	ssyncset.done $0x0  }
0xa4: {  	s25 =	simm.s32 $0x1B8E;
	s24 =	sld [smem:$0x3FFE];
	[sflag:s23] =	ssyncadd.s32 $0xFFFFFFFF  }
0xa5: {  	s26 =	simm.s32 $execute0_lowered;
	[smem:$0x3FD2] =	sst s25  }
0xa6: {  	s5 =	sshll.u32 s26, $0x1;
	_ =	strace $0x80000046;
	[dreg:$0x1] =	wrdreg $0xFFFFFFFF  }
0xa7: {  	s28 =	simm.s32 $_size_execute0_lowered;
	s3 =	sadd.s32 s3, s5;
	[dreg:$0x0] =	wrdreg $0x0  }
0xa8: {  	s5 =	sshll.u32 s28, $0x1;
	[dreg:$0x2] =	wrdreg s3  }
0xa9: {  	[dreg:$0x3] =	wrdreg s5  }
0xaa: {  	[dreg:$0x4] =	wrdreg $0xC0  }
0xab: {  	_ =	task [dreg:s7], $0x5FFFF  }
0xac: {  	[dreg:$0x1] =	wrdreg $0xFFFFFFFF  }
0xad: {  	[dreg:$0x0] =	wrdreg $0x60  }
0xae: {  	[dreg:$0x2] =	wrdreg s24  }
0xaf: {  	[dreg:$0x3] =	wrdreg s2  }
0xb0: {  	[dreg:$0x4] =	wrdreg $0x0  }
0xb1: {  	[dreg:$0x5] =	wrdreg $0x9  }
0xb2: {  	_ =	task.clear_ibuf [dreg:s7], $0x6FFFF;
	_ =	strace $0x90000046  }
0xb3: {  	s29 =	simm.s32 $0x9;
	_ =	strace $0x80000048  }
0xb4: {  	_ =	swait.ge [sflag:s29], $0x1  }
0xb5: {  	[sflag:s29] =	ssyncadd.s32 $0xFFFFFFFF  }
0xb6: {  	_ =	strace $0x90000048  }
0xb7: {  	_ =	sfence  }
0xb8: {  	s30 =	sld [smem:$0x0];
	_ =	sdelay $0x2  }
0xb9: {  	s31 =	sshll.u32 s1, $0xD;
	s1 =	sshrl.u32 s1, $0x2  }
0xba: {  	s3 =	sand.u32 $0x4000, s31;
	s1 =	sadd.s32 s1, s30  }
0xbb: {  	s0 =	sor.u32 s3, s0;
	s1 =	sshll.u32 s1, $0x11  }
0xbc: {  	s0 =	sor.u32 s1, s0  }
0xbd: {  	s0 =	sadd.s32 $0x8F2B, s0  }
0xbe: {  	[sflag:s0] =	ssyncadd.remote.s32 $0x1  }
0xbf: {  	_ =	sfence.sel $0xFFFF  }
0xc0: {  	[dreg:$0x0] =	wrdreg $0xFFFFFFFF;
	(pc) =	sbr.abs _section_cstart, $3  }
0xc1: {  	[dreg:$0x1] =	wrdreg $0xFFFFFFFF  }
0xc2: {  	_ =	task.clear_ibuf [dreg:s7], $0x2FFFF;
	_ =	strace $0x9FFFFFFF  }
0xc3: {  	(tm) =	ssettm $0x7FFFFFFF  }
tec
execute0_lowered:
.L_overlay_start_1:
0x0: {  	(tag) =	ssettag $0x1  }
0x1: {  	s0 =	rddreg [dreg:$0x0]  }
0x2: {  	s2 =	rddreg [dreg:$0x1]  }
0x3: {  	s1 =	rddreg [dreg:$0x2]  }
0x4: {  	s3 =	simm.s32 $0x0;
	s4 =	srdreg.scid;
	s13 =	stileid.u32  }
0x5: {  	s28 =	simm.s32 $0x11B50;
	s29 =	simm.s32 $0x6F10;
	s7 =	smul.u32 $0xA000, s13  }
0x6: {  	s30 =	simm.s32 $0x14260;
	s31 =	simm.s32 $0x9620;
	s10 =	smul.u32 $0x1388, s13  }
0x7: {  	[smem:$0x7FF] =	sst s3;
	s9 =	sand.u32 $0x1, s4;
	s21 =	smul.u32 $0x7D0, s13  }
0x8: {  	s4 =	sadd.s32 $0x31200, s0;
	s5 =	sadd.s32 $0x27400, s0;
	s12 =	smul.u32 $0xFA00, s13  }
0x9: {  	p0 =	sgt.u32 s13, $0x9;
	_ =	strace $0x80000047;
	s6 =	ssub.s32 $0x2, s9  }
0xa: {  	s18 =	smul.u32 $0x4E20, s9;
	s8 =	sshrl.u32 s6, $0x1;
	s16 =	sshrl.u32 s7, $0x2  }
0xb: {  	s7 =	sadd.s32 s0, s10;
	s25 =	sshrl.u32 s12, $0x2;
	s11 =	ssub.s32 s6, s8  }
0xc: {  	s6 =	smul.u32 $0x27100, s9;
	s8 =	sadd.s32 s16, s1;
	s0 =	sadd.s32 $0x13A00, s7  }
0xd: {  	s9 =	simm.s32 $0x0;
	[dreg:$0x4] =	wrdreg s0;
	s17 =	sadd.s32 $0x800, s8  }
0xe: {  	s19 =	sadd.s32 $0x1000, s8;
	s20 =	sadd.s32 $0x1800, s8;
	[dreg:$0x5] =	wrdreg s17  }
0xf: {  	s22 =	sadd.s32 $0x2000, s8;
	s0 =	sadd.s32 s21, s18;
	[dreg:$0x6] =	wrdreg s19  }
0x10: {  	s26 =	smax.u32 s11, $0x1;
	s21 =	simm.s32 $0x5;
	[dreg:$0x7] =	wrdreg s20  }
0x11: {  	[dreg:$0x8] =	wrdreg s22;
	s23 =	sshrl.u32 s6, $0x3;
	s0 =	sadd.s32 s2, s0  }
0x12: {  	[dreg:$0xc] =	wrdreg s26;
	s20 =	simm.s32 $0xF440;
	s22 =	simm.s32 $0x4800  }
0x13: {  	s26 =	simm.s32 $0x3;
	s2 =	simm.s32 $0x4;
	s14 =	sadd.s32 s4, s23  }
0x14: {  	s24 =	sadd.s32 s5, s23;
	s10 =	sadd.s32 $0x4E00, s23;
	[dreg:$0xb] =	wrdreg s0  }
0x15: {  	s0 =	sadd.s32 s25, s1;
	s23 =	simm.s32 $0x19080;
	[dreg:$0x9] =	wrdreg s14  }
0x16: {  	[dreg:$0xa] =	wrdreg s24;
	s16 =	sadd.s32 s4, s10;
	s17 =	sadd.s32 s5, s10  }
0x17: {  	v0 =	vimm.f32 $0.0e+00;
	v1 =	vlaneseq.u32;
	vm0 =	vmmov $0xffff;
	s25 =	sshrl.u32 @!p0 s0, $0x3;
	s0 =	simm.s32 $0x16970;
	s24 =	simm.s32 $0xBD30  }
.LBB2_1:
0x18: {  	[tilespmem:s20], [sflag:$0x5] =	stream.linear.gather [hbm4b:s7+s3], $0x9C40, $0x38;
	[tilespmem:$0x19880] =	vst v63  }
0x19: {  	_ =	swait.ge [sflag:s21], $0x9C40  }
0x1a: {  	[sflag:s21] =	ssyncset.done $0x0  }
0x1b: {  	s10 =	rddreg [dreg:$0x4];
	[sflag:s21] =	ssyncadd.s32 $0xFFFF63C0  }
0x1c: {  	[tilespmem:s22], [sflag:$0x5] =	stream.linear.gather [hbm4b:s10+s3], $0x9C40, $0x38;
	[tilespmem:$0x19880] =	vst v63  }
0x1d: {  	_ =	swait.ge [sflag:s21], $0x9C40  }
0x1e: {  	[sflag:s21] =	ssyncset.done $0x0  }
0x1f: {  	[sflag:s21] =	ssyncadd.s32 $0xFFFF63C0  }
0x20: {  	[tilespmem:$0x19080] =	vst v0  }
0x21: {  	[tilespmem:$0x19090] =	vst v0  }
0x22: {  	[tilespmem:$0x190A0] =	vst v0  }
0x23: {  	[tilespmem:$0x190B0] =	vst v0  }
0x24: {  	[tilespmem:$0x190C0] =	vst v0  }
0x25: {  	[tilespmem:$0x190D0] =	vst v0  }
0x26: {  	[tilespmem:$0x190E0] =	vst v0  }
0x27: {  	[tilespmem:$0x190F0] =	vst v0  }
0x28: {  	[tilespmem:$0x19100] =	vst v0  }
0x29: {  	[tilespmem:$0x19110] =	vst v0  }
0x2a: {  	[tilespmem:$0x19120] =	vst v0  }
0x2b: {  	[tilespmem:$0x19130] =	vst v0  }
0x2c: {  	[tilespmem:$0x19140] =	vst v0  }
0x2d: {  	[tilespmem:$0x19150] =	vst v0  }
0x2e: {  	[tilespmem:$0x19160] =	vst v0  }
0x2f: {  	[tilespmem:$0x19170] =	vst v0  }
0x30: {  	[tilespmem:$0x19180] =	vst v0  }
0x31: {  	[tilespmem:$0x19190] =	vst v0  }
0x32: {  	[tilespmem:$0x191A0] =	vst v0  }
0x33: {  	[tilespmem:$0x191B0] =	vst v0  }
0x34: {  	[tilespmem:$0x191C0] =	vst v0  }
0x35: {  	[tilespmem:$0x191D0] =	vst v0  }
0x36: {  	[tilespmem:$0x191E0] =	vst v0  }
0x37: {  	[tilespmem:$0x191F0] =	vst v0  }
0x38: {  	[tilespmem:$0x19200] =	vst v0  }
0x39: {  	[tilespmem:$0x19210] =	vst v0  }
0x3a: {  	[tilespmem:$0x19220] =	vst v0  }
0x3b: {  	[tilespmem:$0x19230] =	vst v0  }
0x3c: {  	[tilespmem:$0x19240] =	vst v0  }
0x3d: {  	[tilespmem:$0x19250] =	vst v0  }
0x3e: {  	[tilespmem:$0x19260] =	vst v0  }
0x3f: {  	[tilespmem:$0x19270] =	vst v0  }
0x40: {  	[tilespmem:$0x19280] =	vst v0  }
0x41: {  	[tilespmem:$0x19290] =	vst v0  }
0x42: {  	[tilespmem:$0x192A0] =	vst v0  }
0x43: {  	[tilespmem:$0x192B0] =	vst v0  }
0x44: {  	[tilespmem:$0x192C0] =	vst v0  }
0x45: {  	[tilespmem:$0x192D0] =	vst v0  }
0x46: {  	[tilespmem:$0x192E0] =	vst v0  }
0x47: {  	[tilespmem:$0x192F0] =	vst v0  }
0x48: {  	[tilespmem:$0x19300] =	vst v0  }
0x49: {  	[tilespmem:$0x19310] =	vst v0  }
0x4a: {  	[tilespmem:$0x19320] =	vst v0  }
0x4b: {  	[tilespmem:$0x19330] =	vst v0  }
0x4c: {  	[tilespmem:$0x19340] =	vst v0  }
0x4d: {  	[tilespmem:$0x19350] =	vst v0  }
0x4e: {  	[tilespmem:$0x19360] =	vst v0  }
0x4f: {  	[tilespmem:$0x19370] =	vst v0  }
0x50: {  	[tilespmem:$0x19380] =	vst v0  }
0x51: {  	[tilespmem:$0x19390] =	vst v0  }
0x52: {  	[tilespmem:$0x193A0] =	vst v0  }
0x53: {  	[tilespmem:$0x193B0] =	vst v0  }
0x54: {  	[tilespmem:$0x193C0] =	vst v0  }
0x55: {  	[tilespmem:$0x193D0] =	vst v0  }
0x56: {  	[tilespmem:$0x193E0] =	vst v0  }
0x57: {  	[tilespmem:$0x193F0] =	vst v0  }
0x58: {  	[tilespmem:$0x19400] =	vst v0  }
0x59: {  	[tilespmem:$0x19410] =	vst v0  }
0x5a: {  	[tilespmem:$0x19420] =	vst v0  }
0x5b: {  	[tilespmem:$0x19430] =	vst v0  }
0x5c: {  	[tilespmem:$0x19440] =	vst v0  }
0x5d: {  	[tilespmem:$0x19450] =	vst v0  }
0x5e: {  	[tilespmem:$0x19460] =	vst v0  }
0x5f: {  	[tilespmem:$0x19470] =	vst v0  }
0x60: {  	[tilespmem:$0x19480] =	vst v0  }
0x61: {  	[tilespmem:$0x19490] =	vst v0  }
0x62: {  	[tilespmem:$0x194A0] =	vst v0  }
0x63: {  	[tilespmem:$0x194B0] =	vst v0  }
0x64: {  	[tilespmem:$0x194C0] =	vst v0  }
0x65: {  	[tilespmem:$0x194D0] =	vst v0  }
0x66: {  	[tilespmem:$0x194E0] =	vst v0  }
0x67: {  	[tilespmem:$0x194F0] =	vst v0  }
0x68: {  	[tilespmem:$0x19500] =	vst v0  }
0x69: {  	[tilespmem:$0x19510] =	vst v0  }
0x6a: {  	[tilespmem:$0x19520] =	vst v0  }
0x6b: {  	[tilespmem:$0x19530] =	vst v0  }
0x6c: {  	[tilespmem:$0x19540] =	vst v0  }
0x6d: {  	[tilespmem:$0x19550] =	vst v0  }
0x6e: {  	[tilespmem:$0x19560] =	vst v0  }
0x6f: {  	[tilespmem:$0x19570] =	vst v0  }
0x70: {  	[tilespmem:$0x19580] =	vst v0  }
0x71: {  	[tilespmem:$0x19590] =	vst v0  }
0x72: {  	[tilespmem:$0x195A0] =	vst v0  }
0x73: {  	[tilespmem:$0x195B0] =	vst v0  }
0x74: {  	[tilespmem:$0x195C0] =	vst v0  }
0x75: {  	[tilespmem:$0x195D0] =	vst v0  }
0x76: {  	[tilespmem:$0x195E0] =	vst v0  }
0x77: {  	[tilespmem:$0x195F0] =	vst v0  }
0x78: {  	[tilespmem:$0x19600] =	vst v0  }
0x79: {  	[tilespmem:$0x19610] =	vst v0  }
0x7a: {  	[tilespmem:$0x19620] =	vst v0  }
0x7b: {  	[tilespmem:$0x19630] =	vst v0  }
0x7c: {  	[tilespmem:$0x19640] =	vst v0  }
0x7d: {  	[tilespmem:$0x19650] =	vst v0  }
0x7e: {  	[tilespmem:$0x19660] =	vst v0  }
0x7f: {  	[tilespmem:$0x19670] =	vst v0  }
0x80: {  	[tilespmem:$0x19680] =	vst v0  }
0x81: {  	[tilespmem:$0x19690] =	vst v0  }
0x82: {  	[tilespmem:$0x196A0] =	vst v0  }
0x83: {  	[tilespmem:$0x196B0] =	vst v0  }
0x84: {  	[tilespmem:$0x196C0] =	vst v0  }
0x85: {  	[tilespmem:$0x196D0] =	vst v0  }
0x86: {  	[tilespmem:$0x196E0] =	vst v0  }
0x87: {  	[tilespmem:$0x196F0] =	vst v0  }
0x88: {  	[tilespmem:$0x19700] =	vst v0  }
0x89: {  	[tilespmem:$0x19710] =	vst v0  }
0x8a: {  	[tilespmem:$0x19720] =	vst v0  }
0x8b: {  	[tilespmem:$0x19730] =	vst v0  }
0x8c: {  	[tilespmem:$0x19740] =	vst v0  }
0x8d: {  	[tilespmem:$0x19750] =	vst v0  }
0x8e: {  	[tilespmem:$0x19760] =	vst v0  }
0x8f: {  	[tilespmem:$0x19770] =	vst v0  }
0x90: {  	[tilespmem:$0x19780] =	vst v0  }
0x91: {  	[tilespmem:$0x19790] =	vst v0  }
0x92: {  	[tilespmem:$0x197A0] =	vst v0  }
0x93: {  	[tilespmem:$0x197B0] =	vst v0  }
0x94: {  	[tilespmem:$0x197C0] =	vst v0  }
0x95: {  	[tilespmem:$0x197D0] =	vst v0  }
0x96: {  	[tilespmem:$0x197E0] =	vst v0  }
0x97: {  	[tilespmem:$0x197F0] =	vst v0  }
0x98: {  	[tilespmem:$0x19800] =	vst v0  }
0x99: {  	[tilespmem:$0x19810] =	vst v0  }
0x9a: {  	[tilespmem:$0x19820] =	vst v0  }
0x9b: {  	[tilespmem:$0x19830] =	vst v0  }
0x9c: {  	[tilespmem:$0x19840] =	vst v0  }
0x9d: {  	[tilespmem:$0x19850] =	vst v0  }
0x9e: {  	[tilespmem:$0x19860] =	vst v0  }
0x9f: {  	[tilespmem:$0x19870] =	vst v0  }
0xa0: {  	[spmem:s8] =	stream.linear.scatter [tilespmem:s23], [sflag:$0x5], $0x800, $0x38;
	[tilespmem:$0x19880] =	vst v63  }
0xa1: {  	_ =	swait.ge [sflag:s21], $0x800  }
0xa2: {  	[sflag:s21] =	ssyncset.done $0x0  }
0xa3: {  	s11 =	rddreg [dreg:$0x5];
	[sflag:s21] =	ssyncadd.s32 $0xFFFFF800  }
0xa4: {  	[spmem:s11] =	stream.linear.scatter [tilespmem:s23], [sflag:$0x5], $0x800, $0x38;
	[tilespmem:$0x19880] =	vst v63  }
0xa5: {  	_ =	swait.ge [sflag:s21], $0x800  }
0xa6: {  	[sflag:s21] =	ssyncset.done $0x0  }
0xa7: {  	s12 =	rddreg [dreg:$0x6];
	[sflag:s21] =	ssyncadd.s32 $0xFFFFF800  }
0xa8: {  	[spmem:s12] =	stream.linear.scatter [tilespmem:s23], [sflag:$0x5], $0x800, $0x38;
	[tilespmem:$0x19880] =	vst v63  }
0xa9: {  	_ =	swait.ge [sflag:s21], $0x800  }
0xaa: {  	[sflag:s21] =	ssyncset.done $0x0  }
0xab: {  	s13 =	rddreg [dreg:$0x7];
	[sflag:s21] =	ssyncadd.s32 $0xFFFFF800  }
0xac: {  	[spmem:s13] =	stream.linear.scatter [tilespmem:s23], [sflag:$0x5], $0x800, $0x38;
	[tilespmem:$0x19880] =	vst v63  }
0xad: {  	_ =	swait.ge [sflag:s21], $0x800  }
0xae: {  	[sflag:s21] =	ssyncset.done $0x0  }
0xaf: {  	s14 =	rddreg [dreg:$0x8];
	[sflag:s21] =	ssyncadd.s32 $0xFFFFF800  }
0xb0: {  	[spmem:s14] =	stream.linear.scatter [tilespmem:s23], [sflag:$0x5], $0x800, $0x38;
	[tilespmem:$0x19880] =	vst v63  }
0xb1: {  	_ =	swait.ge [sflag:s21], $0x800  }
0xb2: {  	[sflag:s21] =	ssyncset.done $0x0  }
0xb3: {  	[sflag:s21] =	ssyncadd.s32 $0xFFFFF800  }
0xb4: {  	[bflag:$0x0] =	sbarrier.arrive $0xFFFF  }
0xb5: {  	s19 =	simm.s32 $0x3800;
	s11 =	simm.s32 $0x2800;
	s15 =	rddreg [dreg:$0x9]  }
0xb6: {  	[tilespmem:s11], [sflag:$0x1] =	stream.linear.gather [hbm4b:s15+s3], $0x800, $0x38;
	[tilespmem:$0x19880] =	vst v63  }
0xb7: {  	p1 =	por $0x0, $0x0;
	s10 =	simm.s32 $0x0;
	s18 =	rddreg [dreg:$0xa]  }
0xb8: {  	[tilespmem:s19], [sflag:$0x1] =	stream.linear.gather [hbm4b:s18+s3], $0x800, $0x38;
	[tilespmem:$0x19880] =	vst v63  }
.LBB2_2:
0xb9: {  	p2 =	slt.u32 s10, $0x4D  }
.Ltmp0:
0xba: {  	_ = 	snop;
	(pc) =	sbr.rel @!p2 .LBB2_3-.Ltmp0, $2  }
0xbb: {  	_ =	sdelay $0x2  }
0xbc: {  	s12 =	sand.u32 $0x1, s10;
	s11 =	sadd.s32 $0x1, s10  }
0xbd: {  	s13 =	sshll.u32 s11, $0xB;
	s14 =	sand.u32 $0x1, s11  }
0xbe: {  	p2 =	slt.u32 s10, $0x2;
	s13 =	sadd.s32 s6, s13;
	s15 =	sshll.u32 s14, $0xB  }
.Ltmp1:
0xbf: {  	s14 =	sadd.s32 $0x1, s14;
	s13 =	sshrl.u32 s13, $0x3;
	(pc) =	sbr.rel @p2 .LBB2_6-.Ltmp1, $4  }
.Ltmp2:
0xc0: {  	s18 =	sadd.s32 $0x2800, s15;
	s19 =	sadd.s32 s4, s13;
	(pc) =	sbr.rel @!p2 .LBB2_5-.Ltmp2, $4  }
0xc1: {  	[tilespmem:s18], [sflag:s14] =	stream.linear.gather [hbm4b:s19+s3], $0x800, $0x38;
	[tilespmem:$0x19880] =	vst v63  }
0xc2: {  	s15 =	sadd.s32 $0x3800, s15;
	s13 =	sadd.s32 s5, s13  }
0xc3: {  	[tilespmem:s15], [sflag:s14] =	stream.linear.gather [hbm4b:s13+s3], $0x800, $0x38;
	[tilespmem:$0x19880] =	vst v63  }
0xc4: {  	_ = 	snop  }
.LBB2_3:
0xc5: {  	p2 =	sne.s32 s11, $0x4E  }
0xc6: {  	s13 =	simm.s32 @!p2 $0x0;
	s14 =	simm.s32 @!p2 $0x2800  }
0xc7: {  	[tilespmem:s14], [sflag:$0x1] =	stream.linear.gather @!p2 [hbm4b:s16+s13], $0x100, $0x38;
	[tilespmem:$0x19880] =	vst v63  }
0xc8: {  	s14 =	simm.s32 @!p2 $0x3800  }
0xc9: {  	[tilespmem:s14], [sflag:$0x1] =	stream.linear.gather @!p2 [hbm4b:s17+s13], $0x100, $0x38;
	[tilespmem:$0x19880] =	vst v63  }
.LBB2_5:
0xca: {  	p2 =	seq.s32 s10, $0x4E  }
.Ltmp3:
0xcb: {  	_ = 	snop;
	(pc) =	sbr.rel @!p2 .LBB2_6-.Ltmp3, $4  }
0xcc: {  	s13 =	sadd.s32 $0x3, s12  }
0xcd: {  	_ =	swait.ge [sflag:s13], $0x800  }
0xce: {  	[sflag:s13] =	ssyncset.done $0x0  }
0xcf: {  	[sflag:s13] =	ssyncadd.s32 $0xFFFFF800  }
0xd0: {  	s13 =	sadd.s32 $0x1, s12  }
0xd1: {  	_ =	swait.ge [sflag:s13], $0x100  }
.Ltmp4:
0xd2: {  	[sflag:s13] =	ssyncset.done $0x0;
	(pc) =	sbr.rel .LBB2_8-.Ltmp4, $4  }
0xd3: {  	[sflag:s13] =	ssyncadd.s32 $0xFFFFFF00  }
0xd4: {  	_ =	swait.ge [sflag:s13], $0x100  }
0xd5: {  	[sflag:s13] =	ssyncset.done $0x0  }
0xd6: {  	[sflag:s13] =	ssyncadd.s32 $0xFFFFFF00  }
.LBB2_6:
0xd7: {  	s13 =	sadd.s32 $0x1, s12  }
0xd8: {  	_ =	swait.ge [sflag:s13], $0x800  }
0xd9: {  	[sflag:s13] =	ssyncset.done $0x0  }
0xda: {  	[sflag:s13] =	ssyncadd.s32 $0xFFFFF800  }
0xdb: {  	_ =	swait.ge [sflag:s13], $0x800  }
0xdc: {  	[sflag:s13] =	ssyncset.done $0x0  }
0xdd: {  	[sflag:s13] =	ssyncadd.s32 $0xFFFFF800  }
.LBB2_8:
0xde: {  	s13 =	simm.s32 $0x1  }
0xdf: {  	s13 =	simm.s32 @!p1 $0x0  }
0xe0: {  	s13 =	sshll.u32 s13, $0xB  }
0xe1: {  	s15 =	sadd.s32 $0x28F0, s13  }
0xe2: {  	s14 =	sadd.s32 $0x38F0, s13;
	v2 =	vmov s15  }
0xe3: {  	v3 =	vmov s14  }
0xe4: {  	s18 =	sor.u32 $0xE440, s13  }
0xe5: {  	s13 =	simm.s32 $0x0;
	v4 =	vmov s18  }
.LBB2_9:
0xe6: {  	s14 =	sshra.s32 s13, $0x2  }
0xe7: {  	v5 =	vld.idx.msk [tilespmem:v2+s14+$0xFFFFFF10 ss:$0x1], $0xffff  }
0xe8: {  	v6 =	vld.idx.msk [tilespmem:v3+s14+$0xFFFFFF10 ss:$0x1], $0xffff  }
0xe9: {  	v9 =	vld.idx.msk [tilespmem:v2+s14+$0xFFFFFF20 ss:$0x1], $0xffff  }
0xea: {  	v10 =	vld.idx.msk [tilespmem:v3+s14+$0xFFFFFF20 ss:$0x1], $0xffff  }
0xeb: {  	v17 =	vld.idx.msk [tilespmem:v2+s14+$0xFFFFFF30 ss:$0x1], $0xffff  }
0xec: {  	v18 =	vld.idx.msk [tilespmem:v3+s14+$0xFFFFFF30 ss:$0x1], $0xffff  }
0xed: {  	v25 =	vld.idx.msk [tilespmem:v2+s14+$0xFFFFFF40 ss:$0x1], $0xffff  }
0xee: {  	v26 =	vld.idx.msk [tilespmem:v3+s14+$0xFFFFFF40 ss:$0x1], $0xffff  }
0xef: {  	v33 =	vld.idx.msk [tilespmem:v2+s14+$0xFFFFFF50 ss:$0x1], $0xffff  }
0xf0: {  	v34 =	vld.idx.msk [tilespmem:v3+s14+$0xFFFFFF50 ss:$0x1], $0xffff  }
0xf1: {  	v7 =	vld.idx.msk [tilespmem:v5+s20+$0x0], $0xffff  }
0xf2: {  	v8 =	vld.idx.msk [tilespmem:v6+s22+$0x0], $0xffff  }
0xf3: {  	v11 =	vld.idx.msk [tilespmem:v5+s28+$0x0], $0xffff  }
0xf4: {  	v12 =	vld.idx.msk [tilespmem:v6+s29+$0x0], $0xffff  }
0xf5: {  	v13 =	vld.idx.msk [tilespmem:v5+s30+$0x0], $0xffff  }
0xf6: {  	v14 =	vld.idx.msk [tilespmem:v6+s31+$0x0], $0xffff  }
0xf7: {  	v5 =	vld.idx.msk [tilespmem:v5+s0+$0x0], $0xffff  }
0xf8: {  	v6 =	vld.idx.msk [tilespmem:v6+s24+$0x0], $0xffff  }
0xf9: {  	v15 =	vld.idx.msk [tilespmem:v9+s20+$0x0], $0xffff  }
0xfa: {  	v16 =	vld.idx.msk [tilespmem:v10+s22+$0x0], $0xffff  }
0xfb: {  	v19 =	vld.idx.msk [tilespmem:v9+s28+$0x0], $0xffff  }
0xfc: {  	v20 =	vld.idx.msk [tilespmem:v10+s29+$0x0], $0xffff  }
0xfd: {  	v21 =	vld.idx.msk [tilespmem:v9+s30+$0x0], $0xffff  }
0xfe: {  	v22 =	vld.idx.msk [tilespmem:v10+s31+$0x0], $0xffff  }
0xff: {  	v9 =	vld.idx.msk [tilespmem:v9+s0+$0x0], $0xffff  }
0x100: {  	v10 =	vld.idx.msk [tilespmem:v10+s24+$0x0], $0xffff  }
0x101: {  	v23 =	vld.idx.msk [tilespmem:v17+s20+$0x0], $0xffff  }
0x102: {  	v24 =	vld.idx.msk [tilespmem:v18+s22+$0x0], $0xffff  }
0x103: {  	v27 =	vld.idx.msk [tilespmem:v17+s28+$0x0], $0xffff  }
0x104: {  	v28 =	vld.idx.msk [tilespmem:v18+s29+$0x0], $0xffff  }
0x105: {  	v29 =	vld.idx.msk [tilespmem:v17+s30+$0x0], $0xffff  }
0x106: {  	v30 =	vld.idx.msk [tilespmem:v18+s31+$0x0], $0xffff  }
0x107: {  	v17 =	vld.idx.msk [tilespmem:v17+s0+$0x0], $0xffff  }
0x108: {  	v18 =	vld.idx.msk [tilespmem:v18+s24+$0x0], $0xffff  }
0x109: {  	v31 =	vld.idx.msk [tilespmem:v25+s20+$0x0], $0xffff  }
0x10a: {  	v32 =	vld.idx.msk [tilespmem:v26+s22+$0x0], $0xffff  }
0x10b: {  	v35 =	vld.idx.msk [tilespmem:v25+s28+$0x0], $0xffff  }
0x10c: {  	v36 =	vld.idx.msk [tilespmem:v26+s29+$0x0], $0xffff  }
0x10d: {  	v37 =	vld.idx.msk [tilespmem:v25+s30+$0x0], $0xffff;
	v39 =	vshll.u32 v7, $0x10;
	v40 =	vshll.u32 v8, $0x10  }
0x10e: {  	v38 =	vld.idx.msk [tilespmem:v26+s31+$0x0], $0xffff;
	v7 =	vmul.f32 v8, v7;
	v54 =	vshll.u32 v11, $0x10;
	v55 =	vshll.u32 v12, $0x10  }
0x10f: {  	v25 =	vld.idx.msk [tilespmem:v25+s0+$0x0], $0xffff;
	v11 =	vmul.f32 v12, v11;
	v56 =	vshll.u32 v13, $0x10;
	v41 =	vshll.u32 v14, $0x10  }
0x110: {  	v26 =	vld.idx.msk [tilespmem:v26+s24+$0x0], $0xffff;
	v57 =	vmul.f32 v14, v13;
	v59 =	vshll.u32 v5, $0x10;
	v60 =	vshll.u32 v6, $0x10  }
0x111: {  	v42 =	vld.idx.msk [tilespmem:v34+s22+$0x0], $0xffff;
	v5 =	vmul.f32 v6, v5;
	v61 =	vshll.u32 v15, $0x10;
	v62 =	vshll.u32 v16, $0x10  }
0x112: {  	v44 =	vld.idx.msk [tilespmem:v33+s30+$0x0], $0xffff;
	v15 =	vmul.f32 v16, v15;
	v63 =	vshll.u32 v19, $0x10;
	v43 =	vshll.u32 v20, $0x10  }
0x113: {  	v12 =	vld.idx.msk [tilespmem:v33+s20+$0x0], $0xffff;
	v45 =	vmul.f32 v20, v19;
	v47 =	vshll.u32 v21, $0x10;
	v21 =	vmul.f32 v22, v21  }
0x114: {  	v14 =	vld.idx.msk [tilespmem:v2+s14+$0xFFFFFF60 ss:$0x1], $0xffff;
	v48 =	vshll.u32 v22, $0x10;
	v53 =	vmul.f32 v40, v39;
	v39 =	vmul.f32 v55, v54  }
0x115: {  	v13 =	vld.idx.msk [tilespmem:v33+s28+$0x0], $0xffff;
	v50 =	vshll.u32 v9, $0x10;
	v58 =	vmul.f32 v41, v56;
	v6 =	vmul.f32 v60, v59  }
0x116: {  	v16 =	vld.idx.msk [tilespmem:v34+s29+$0x0], $0xffff;
	v51 =	vshll.u32 v10, $0x10;
	v46 =	vmul.f32 v43, v63;
	v49 =	vmul.f32 v48, v47  }
0x117: {  	v20 =	vld.idx.msk [tilespmem:v34+s31+$0x0], $0xffff;
	v52 =	vmul.f32 v51, v50;
	v48 =	vshll.u32 v35, $0x10;
	v7 =	vadd.f32 v53, v7  }
0x118: {  	v22 =	vld.idx.msk [tilespmem:v33+s0+$0x0], $0xffff;
	v50 =	vmul.f32 v36, v35;
	v11 =	vadd.f32 v39, v11;
	v8 =	vadd.f32 v58, v57  }
0x119: {  	v34 =	vld.idx.msk [tilespmem:v34+s24+$0x0], $0xffff;
	v39 =	vmul.f32 v62, v61;
	v5 =	vadd.f32 v6, v5;
	v6 =	vmul.f32 v10, v9  }
0x11a: {  	v41 =	vld.idx.msk [tilespmem:v3+s14+$0xFFFFFF60 ss:$0x1], $0xffff;
	v21 =	vadd.f32 v49, v21;
	v61 =	vshll.u32 v17, $0x10;
	v7 =	vadd.f32 v8, v7  }
0x11b: {  	v35 =	vld.idx.msk [tilespmem:v3+s14+$0xFFFFFF80 ss:$0x1], $0xffff;
	v62 =	vshll.u32 v18, $0x10;
	v15 =	vadd.f32 v39, v15;
	v8 =	vadd.f32 v46, v45  }
0x11c: {  	v9 =	vld.idx.msk [tilespmem:v2+s14+$0xFFFFFF70 ss:$0x1], $0xffff;
	v45 =	vmul.f32 v62, v61;
	v61 =	vshll.u32 v42, $0x10;
	v62 =	vmul.f32 v42, v12  }
0x11d: {  	v42 =	vshll.u32 v13, $0x10;
	v43 =	vshll.u32 v16, $0x10;
	v13 =	vmul.f32 v16, v13;
	v16 =	vld.idx.msk [tilespmem:v3+s14+$0xFFFFFF90 ss:$0x1], $0xffff  }
0x11e: {  	v54 =	vshll.u32 v23, $0x10;
	v53 =	vadd.f32 v21, v15;
	v15 =	vld.idx.msk [tilespmem:v3+s14+$0xFFFFFF70 ss:$0x1], $0xffff  }
0x11f: {  	v55 =	vshll.u32 v24, $0x10;
	v56 =	vshll.u32 v27, $0x10;
	v5 =	vadd.f32 v5, v11;
	v10 =	vld.idx.msk [tilespmem:v14+s20+$0x0], $0xffff  }
0x120: {  	v59 =	vshll.u32 v29, $0x10;
	v47 =	vshll.u32 v32, $0x10;
	v51 =	vshll.u32 v37, $0x10;
	v21 =	vld.idx.msk [tilespmem:v14+s28+$0x0], $0xffff  }
0x121: {  	v37 =	vmul.f32 v38, v37;
	v5 =	vadd.f32 v5, v7;
	v7 =	vmul.f32 v24, v23;
	v24 =	vld.idx.msk [tilespmem:v14+s30+$0x0], $0xffff  }
0x122: {  	v57 =	vshll.u32 v28, $0x10;
	v58 =	vmul.f32 v28, v27;
	v6 =	vadd.f32 v52, v6;
	v14 =	vld.idx.msk [tilespmem:v14+s0+$0x0], $0xffff  }
0x123: {  	v46 =	vshll.u32 v31, $0x10;
	v31 =	vmul.f32 v32, v31;
	v52 =	vshll.u32 v38, $0x10;
	v33 =	vld.idx.msk [tilespmem:v41+s22+$0x0], $0xffff  }
0x124: {  	v49 =	vshll.u32 v36, $0x10;
	v28 =	vmul.f32 v47, v46;
	v36 =	vmul.f32 v52, v51;
	v19 =	vld.idx.msk [tilespmem:v41+s29+$0x0], $0xffff  }
0x125: {  	v60 =	vshll.u32 v30, $0x10;
	v6 =	vadd.f32 v6, v8;
	v8 =	vmul.f32 v55, v54;
	v23 =	vld.idx.msk [tilespmem:v41+s31+$0x0], $0xffff  }
0x126: {  	v11 =	vmul.f32 v57, v56;
	v28 =	vadd.f32 v28, v31;
	v57 =	vadd.f32 v36, v37;
	v39 =	vld.idx.msk [tilespmem:v41+s24+$0x0], $0xffff  }
0x127: {  	v29 =	vmul.f32 v30, v29;
	v27 =	vmul.f32 v60, v59;
	v7 =	vadd.f32 v8, v7;
	v41 =	vld.idx.msk [tilespmem:v2+s14+$0xFFFFFF80 ss:$0x1], $0xffff  }
0x128: {  	v8 =	vadd.f32 v11, v58;
	v58 =	vadd.f32 v57, v28;
	v28 =	vld.idx.msk [tilespmem:v35+s29+$0x0], $0xffff  }
0x129: {  	v63 =	vmul.f32 v18, v17;
	v30 =	vmul.f32 v49, v48;
	v27 =	vadd.f32 v27, v29;
	v18 =	vld.idx.msk [tilespmem:v9+s20+$0x0], $0xffff  }
0x12a: {  	v54 =	vshll.u32 v26, $0x10;
	v6 =	vadd.f32 v6, v53;
	v53 =	vshll.u32 v25, $0x10;
	v38 =	vld.idx.msk [tilespmem:v9+s28+$0x0], $0xffff  }
0x12b: {  	v55 =	vmul.f32 v26, v25;
	v56 =	vmul.f32 v54, v53;
	v40 =	vld.idx.msk [tilespmem:v9+s30+$0x0], $0xffff  }
0x12c: {  	v26 =	vld.idx.msk [tilespmem:v9+s0+$0x0], $0xffff;
	v7 =	vadd.f32 v27, v7;
	v27 =	vmul.f32 v43, v42  }
0x12d: {  	v60 =	vshll.u32 v12, $0x10;
	v29 =	vadd.f32 v30, v50;
	v43 =	vld.idx.msk [tilespmem:v2+s14+$0xFFFFFFA0 ss:$0x1], $0xffff;
	v17 =	vadd.f32 v56, v55  }
0x12e: {  	v11 =	vadd.f32 v45, v63;
	v63 =	vmul.f32 v61, v60;
	v13 =	vadd.f32 v27, v13;
	v27 =	vld.idx.msk [tilespmem:v35+s31+$0x0], $0xffff  }
0x12f: {  	v59 =	vadd.f32 v17, v29;
	v29 =	vld.idx.msk [tilespmem:v35+s22+$0x0], $0xffff  }
0x130: {  	v9 =	vadd.f32 v63, v62;
	v35 =	vld.idx.msk [tilespmem:v35+s24+$0x0], $0xffff  }
0x131: {  	v61 =	vshll.u32 v14, $0x10;
	v62 =	vshll.u32 v39, $0x10;
	v14 =	vmul.f32 v39, v14;
	v39 =	vld.idx.msk [tilespmem:v3+s14+$0xFFFFFFA0 ss:$0x1], $0xffff  }
0x132: {  	v56 =	vshll.u32 v19, $0x10;
	v57 =	vmul.f32 v19, v21;
	v19 =	vld.idx.msk [tilespmem:v16+s29+$0x0], $0xffff  }
0x133: {  	v32 =	vld.idx.msk [tilespmem:v15+s22+$0x0], $0xffff  }
0x134: {  	v25 =	vld.idx.msk [tilespmem:v15+s29+$0x0], $0xffff  }
0x135: {  	v8 =	vadd.f32 v11, v8;
	v30 =	vld.idx.msk [tilespmem:v15+s31+$0x0], $0xffff  }
0x136: {  	v11 =	vld.idx.msk [tilespmem:v15+s24+$0x0], $0xffff  }
0x137: {  	v49 =	vshll.u32 v22, $0x10;
	v8 =	vadd.f32 v8, v7;
	v60 =	vshll.u32 v23, $0x10;
	v15 =	vld.idx.msk [tilespmem:v2+s14+$0xFFFFFF90 ss:$0x1], $0xffff  }
0x138: {  	v23 =	vmul.f32 v23, v24;
	v7 =	vadd.f32 v59, v58;
	v59 =	vshll.u32 v24, $0x10;
	v24 =	vld.idx.msk [tilespmem:v16+s22+$0x0], $0xffff  }
0x139: {  	v46 =	vshll.u32 v20, $0x10;
	v47 =	vmul.f32 v20, v44;
	v50 =	vshll.u32 v34, $0x10;
	v17 =	vld.idx.msk [tilespmem:v41+s20+$0x0], $0xffff  }
0x13a: {  	v51 =	vmul.f32 v34, v22;
	v52 =	vmul.f32 v50, v49;
	v45 =	vshll.u32 v44, $0x10;
	v36 =	vld.idx.msk [tilespmem:v41+s28+$0x0], $0xffff  }
0x13b: {  	v48 =	vmul.f32 v46, v45;
	v37 =	vld.idx.msk [tilespmem:v41+s30+$0x0], $0xffff;
	v34 =	vmul.f32 v60, v59  }
0x13c: {  	v53 =	vshll.u32 v10, $0x10;
	v54 =	vshll.u32 v33, $0x10;
	v10 =	vmul.f32 v33, v10;
	v33 =	vld.idx.msk [tilespmem:v41+s0+$0x0], $0xffff  }
0x13d: {  	v20 =	vadd.f32 v52, v51;
	v31 =	vmul.f32 v54, v53;
	v23 =	vadd.f32 v34, v23;
	v34 =	vld.idx.msk [tilespmem:v43+s30+$0x0], $0xffff  }
0x13e: {  	v12 =	vadd.f32 v48, v47;
	v42 =	vshll.u32 v18, $0x10;
	v45 =	vmul.f32 v32, v18;
	v18 =	vld.idx.msk [tilespmem:v43+s20+$0x0], $0xffff  }
0x13f: {  	v46 =	vshll.u32 v38, $0x10;
	v10 =	vadd.f32 v31, v10;
	v48 =	vmul.f32 v25, v38;
	v38 =	vld.idx.msk [tilespmem:v2+s14+$0xFFFFFFB0 ss:$0x1], $0xffff  }
0x140: {  	v55 =	vshll.u32 v21, $0x10;
	v9 =	vadd.f32 v12, v9;
	v47 =	vshll.u32 v25, $0x10;
	v25 =	vld.idx.msk [tilespmem:v3+s14+$0xFFFFFFB0 ss:$0x1], $0xffff  }
0x141: {  	v63 =	vmul.f32 v62, v61;
	v58 =	vmul.f32 v56, v55;
	v10 =	vadd.f32 v23, v10;
	v23 =	vld.idx.msk [tilespmem:v16+s31+$0x0], $0xffff  }
0x142: {  	v13 =	vadd.f32 v20, v13;
	v49 =	vshll.u32 v40, $0x10;
	v51 =	vshll.u32 v26, $0x10;
	v16 =	vld.idx.msk [tilespmem:v16+s24+$0x0], $0xffff  }
0x143: {  	v14 =	vadd.f32 v63, v14;
	v12 =	vadd.f32 v58, v57;
	v44 =	vshll.u32 v32, $0x10;
	v32 =	vld.idx.msk [tilespmem:v39+s22+$0x0], $0xffff  }
0x144: {  	v55 =	vshll.u32 v29, $0x10;
	v54 =	vshll.u32 v17, $0x10;
	v17 =	vmul.f32 v29, v17;
	v29 =	vld.idx.msk [tilespmem:v43+s28+$0x0], $0xffff  }
0x145: {  	v9 =	vadd.f32 v13, v9;
	v60 =	vshll.u32 v27, $0x10;
	v62 =	vshll.u32 v35, $0x10;
	v41 =	vld.idx.msk [tilespmem:v39+s29+$0x0], $0xffff  }
0x146: {  	v12 =	vadd.f32 v14, v12;
	v59 =	vshll.u32 v37, $0x10;
	v27 =	vmul.f32 v27, v37;
	v37 =	vld.idx.msk [tilespmem:v39+s31+$0x0], $0xffff  }
0x147: {  	v50 =	vshll.u32 v30, $0x10;
	v30 =	vmul.f32 v30, v40;
	v63 =	vmul.f32 v35, v33;
	v35 =	vld.idx.msk [tilespmem:v43+s0+$0x0], $0xffff  }
0x148: {  	v52 =	vshll.u32 v11, $0x10;
	v11 =	vmul.f32 v11, v26;
	v14 =	vmul.f32 v44, v42;
	v39 =	vld.idx.msk [tilespmem:v39+s24+$0x0], $0xffff  }
0x149: {  	v57 =	vshll.u32 v28, $0x10;
	v22 =	vmul.f32 v50, v49;
	v28 =	vmul.f32 v28, v36;
	v21 =	vld.idx.msk [tilespmem:v15+s20+$0x0], $0xffff  }
0x14a: {  	v56 =	vshll.u32 v36, $0x10;
	v31 =	vld.idx.msk [tilespmem:v15+s28+$0x0], $0xffff;
	v26 =	vmul.f32 v55, v54;
	v36 =	vmul.f32 v60, v59  }
0x14b: {  	v20 =	vld.idx.msk [tilespmem:v15+s30+$0x0], $0xffff;
	v13 =	vadd.f32 v14, v45;
	v22 =	vadd.f32 v22, v30  }
0x14c: {  	v15 =	vld.idx.msk [tilespmem:v15+s0+$0x0], $0xffff;
	v17 =	vadd.f32 v26, v17;
	v27 =	vadd.f32 v36, v27  }
0x14d: {  	v58 =	vmul.f32 v57, v56;
	v13 =	vadd.f32 v22, v13;
	v22 =	vld.idx.msk [tilespmem:v2+s14+$0xFFFFFFC0 ss:$0x1], $0xffff  }
0x14e: {  	v45 =	vadd.f32 v27, v17;
	v17 =	vld.idx.msk [tilespmem:v3+s14+$0xFFFFFFC0 ss:$0x1], $0xffff  }
0x14f: {  	v53 =	vmul.f32 v52, v51;
	v44 =	vadd.f32 v58, v28;
	v28 =	vld.idx.msk [tilespmem:v38+s20+$0x0], $0xffff  }
0x150: {  	v61 =	vshll.u32 v33, $0x10;
	v10 =	vadd.f32 v12, v10;
	v12 =	vmul.f32 v47, v46;
	v30 =	vld.idx.msk [tilespmem:v25+s22+$0x0], $0xffff  }
0x151: {  	v52 =	vshll.u32 v19, $0x10;
	v11 =	vadd.f32 v53, v11;
	v42 =	vmul.f32 v62, v61;
	v27 =	vld.idx.msk [tilespmem:v38+s28+$0x0], $0xffff  }
0x152: {  	v12 =	vadd.f32 v12, v48;
	v46 =	vshll.u32 v21, $0x10;
	v48 =	vmul.f32 v24, v21;
	v21 =	vld.idx.msk [tilespmem:v25+s29+$0x0], $0xffff  }
0x153: {  	v47 =	vshll.u32 v24, $0x10;
	v14 =	vadd.f32 v42, v63;
	v58 =	vshll.u32 v18, $0x10;
	v36 =	vld.idx.msk [tilespmem:v38+s30+$0x0], $0xffff  }
0x154: {  	v63 =	vshll.u32 v34, $0x10;
	v51 =	vshll.u32 v23, $0x10;
	v11 =	vadd.f32 v11, v12;
	v33 =	vld.idx.msk [tilespmem:v25+s31+$0x0], $0xffff  }
0x155: {  	v14 =	vadd.f32 v14, v44;
	v50 =	vshll.u32 v20, $0x10;
	v20 =	vmul.f32 v23, v20;
	v23 =	vld.idx.msk [tilespmem:v38+s0+$0x0], $0xffff  }
0x156: {  	v25 =	vld.idx.msk [tilespmem:v25+s24+$0x0], $0xffff;
	v11 =	vadd.f32 v11, v13;
	v13 =	vmul.f32 v47, v46;
	v26 =	vmul.f32 v51, v50  }
0x157: {  	v56 =	vshll.u32 v16, $0x10;
	v38 =	vld.idx.msk [tilespmem:v3+s14+$0xFFFFFFD0 ss:$0x1], $0xffff;
	v12 =	vadd.f32 v14, v45;
	v45 =	vshll.u32 v35, $0x10  }
0x158: {  	v47 =	vmul.f32 v39, v35;
	v35 =	vld.idx.msk [tilespmem:v2+s14+$0xFFFFFFF0 ss:$0x1], $0xffff;
	v13 =	vadd.f32 v13, v48;
	v20 =	vadd.f32 v26, v20  }
0x159: {  	v40 =	vshll.u32 v37, $0x10;
	v34 =	vmul.f32 v37, v34;
	v53 =	vmul.f32 v19, v31;
	v19 =	vld.idx.msk [tilespmem:v22+s20+$0x0], $0xffff  }
0x15a: {  	v49 =	vshll.u32 v31, $0x10;
	v31 =	vmul.f32 v40, v63;
	v13 =	vadd.f32 v20, v13;
	v20 =	vld.idx.msk [tilespmem:v2+s14+$0xFFFFFFD0 ss:$0x1], $0xffff  }
0x15b: {  	v59 =	vshll.u32 v32, $0x10;
	v60 =	vmul.f32 v32, v18;
	v54 =	vmul.f32 v52, v49;
	v32 =	vld.idx.msk [tilespmem:v22+s28+$0x0], $0xffff  }
0x15c: {  	v55 =	vshll.u32 v15, $0x10;
	v15 =	vmul.f32 v16, v15;
	v44 =	vadd.f32 v31, v34;
	v31 =	vld.idx.msk [tilespmem:v22+s30+$0x0], $0xffff  }
0x15d: {  	v61 =	vmul.f32 v59, v58;
	v57 =	vmul.f32 v56, v55;
	v14 =	vadd.f32 v54, v53;
	v22 =	vld.idx.msk [tilespmem:v22+s0+$0x0], $0xffff  }
0x15e: {  	v54 =	vshll.u32 v36, $0x10;
	v55 =	vshll.u32 v33, $0x10;
	v33 =	vmul.f32 v33, v36;
	v36 =	vld.idx.msk [tilespmem:v2+s14+$0xFFFFFFE0 ss:$0x1], $0xffff  }
0x15f: {  	v15 =	vadd.f32 v57, v15;
	v57 =	vshll.u32 v25, $0x10;
	v58 =	vmul.f32 v25, v23;
	v25 =	vld.idx.msk [tilespmem:v3+s14+$0xFFFFFFE0 ss:$0x1], $0xffff  }
0x160: {  	v48 =	vshll.u32 v28, $0x10;
	v49 =	vshll.u32 v30, $0x10;
	v28 =	vmul.f32 v30, v28;
	v30 =	vld.idx.msk [tilespmem:v2+s14+$0x0 ss:$0x1], $0xffff  }
0x161: {  	v62 =	vshll.u32 v29, $0x10;
	v42 =	vshll.u32 v41, $0x10;
	v16 =	vadd.f32 v61, v60;
	v26 =	vld.idx.msk [tilespmem:v17+s22+$0x0], $0xffff  }
0x162: {  	v43 =	vmul.f32 v41, v29;
	v24 =	vmul.f32 v42, v62;
	v29 =	vld.idx.msk [tilespmem:v17+s29+$0x0], $0xffff  }
0x163: {  	v46 =	vshll.u32 v39, $0x10;
	v16 =	vadd.f32 v44, v16;
	v37 =	vld.idx.msk [tilespmem:v17+s31+$0x0], $0xffff  }
0x164: {  	v14 =	vadd.f32 v15, v14;
	v15 =	vadd.f32 v24, v43;
	v24 =	vmul.f32 v46, v45;
	v17 =	vld.idx.msk [tilespmem:v17+s24+$0x0], $0xffff  }
0x165: {  	v51 =	vshll.u32 v27, $0x10;
	v52 =	vshll.u32 v21, $0x10;
	v21 =	vmul.f32 v21, v27;
	v27 =	vld.idx.msk [tilespmem:v38+s22+$0x0], $0xffff  }
0x166: {  	v56 =	vshll.u32 v23, $0x10;
	v50 =	vmul.f32 v49, v48;
	v34 =	vmul.f32 v55, v54;
	v61 =	vld.idx.msk [tilespmem:v38+s29+$0x0], $0xffff  }
0x167: {  	v53 =	vmul.f32 v52, v51;
	v18 =	vadd.f32 v24, v47;
	v14 =	vadd.f32 v14, v13;
	v62 =	vld.idx.msk [tilespmem:v38+s31+$0x0], $0xffff  }
0x168: {  	v59 =	vmul.f32 v57, v56;
	v28 =	vadd.f32 v50, v28;
	v33 =	vadd.f32 v34, v33;
	v42 =	vld.idx.msk [tilespmem:v38+s24+$0x0], $0xffff  }
0x169: {  	v40 =	vshll.u32 v19, $0x10;
	v41 =	vshll.u32 v26, $0x10;
	v19 =	vmul.f32 v26, v19;
	v26 =	vld.idx.msk [tilespmem:v3+s14+$0x0 ss:$0x1], $0xffff  }
0x16a: {  	v21 =	vadd.f32 v53, v21;
	v15 =	vadd.f32 v18, v15;
	v39 =	vld.idx.msk [tilespmem:v20+s20+$0x0], $0xffff  }
0x16b: {  	v18 =	vadd.f32 v59, v58;
	v63 =	vadd.f32 v33, v28;
	v43 =	vshll.u32 v32, $0x10;
	v60 =	vld.idx.msk [tilespmem:v20+s28+$0x0], $0xffff  }
0x16c: {  	v47 =	vshll.u32 v31, $0x10;
	v49 =	vshll.u32 v22, $0x10;
	v13 =	vadd.f32 v15, v16;
	v23 =	vld.idx.msk [tilespmem:v20+s30+$0x0], $0xffff  }
0x16d: {  	v18 =	vadd.f32 v18, v21;
	v44 =	vshll.u32 v29, $0x10;
	v45 =	vmul.f32 v29, v32;
	v20 =	vld.idx.msk [tilespmem:v20+s0+$0x0], $0xffff  }
0x16e: {  	v31 =	vmul.f32 v37, v31;
	v50 =	vshll.u32 v17, $0x10;
	v17 =	vmul.f32 v17, v22;
	v34 =	vld.idx.msk [tilespmem:v36+s20+$0x0], $0xffff  }
0x16f: {  	v48 =	vshll.u32 v37, $0x10;
	v21 =	vmul.f32 v41, v40;
	v28 =	vmul.f32 v44, v43;
	v46 =	vld.idx.msk [tilespmem:v25+s22+$0x0], $0xffff  }
0x170: {  	v15 =	vadd.f32 v18, v63;
	v32 =	vmul.f32 v48, v47;
	v51 =	vmul.f32 v50, v49;
	v33 =	vld.idx.msk [tilespmem:v36+s28+$0x0], $0xffff  }
0x171: {  	v53 =	vld.idx.msk [tilespmem:v25+s29+$0x0], $0xffff;
	v19 =	vadd.f32 v21, v19;
	v18 =	vadd.f32 v28, v45  }
0x172: {  	v56 =	vld.idx.msk [tilespmem:v36+s30+$0x0], $0xffff;
	v52 =	vadd.f32 v32, v31;
	v17 =	vadd.f32 v51, v17  }
0x173: {  	v55 =	vshll.u32 v27, $0x10;
	v57 =	vld.idx.msk [tilespmem:v25+s31+$0x0], $0xffff;
	v59 =	vshll.u32 v61, $0x10  }
0x174: {  	v36 =	vld.idx.msk [tilespmem:v36+s0+$0x0], $0xffff;
	v40 =	vshll.u32 v42, $0x10;
	v19 =	vadd.f32 v52, v19;
	v17 =	vadd.f32 v17, v18  }
0x175: {  	v25 =	vld.idx.msk [tilespmem:v25+s24+$0x0], $0xffff;
	v54 =	vshll.u32 v39, $0x10;
	v27 =	vmul.f32 v27, v39;
	v58 =	vshll.u32 v60, $0x10  }
0x176: {  	v21 =	vld.idx.msk [tilespmem:v3+s14+$0xFFFFFFF0 ss:$0x1], $0xffff;
	v24 =	vmul.f32 v61, v60;
	v60 =	vshll.u32 v23, $0x10;
	v61 =	vshll.u32 v62, $0x10  }
0x177: {  	v49 =	vld.idx.msk [tilespmem:v35+s30+$0x0], $0xffff;
	v16 =	vmul.f32 v62, v23;
	v63 =	vshll.u32 v20, $0x10;
	v20 =	vmul.f32 v42, v20  }
0x178: {  	v45 =	vld.idx.msk [tilespmem:v35+s28+$0x0], $0xffff;
	v43 =	vshll.u32 v34, $0x10;
	v44 =	vshll.u32 v46, $0x10;
	v29 =	vmul.f32 v46, v34  }
0x179: {  	v62 =	vld.idx.msk [tilespmem:v35+s20+$0x0], $0xffff;
	v48 =	vshll.u32 v33, $0x10;
	v50 =	vshll.u32 v56, $0x10;
	v51 =	vshll.u32 v57, $0x10  }
0x17a: {  	v28 =	vmul.f32 v57, v56;
	v33 =	vmul.f32 v53, v33;
	v31 =	vshll.u32 v53, $0x10;
	v35 =	vld.idx.msk [tilespmem:v35+s0+$0x0], $0xffff  }
0x17b: {  	v53 =	vshll.u32 v36, $0x10;
	v56 =	vld.idx.msk [tilespmem:v30+s20+$0x0], $0xffff;
	v22 =	vmul.f32 v55, v54;
	v18 =	vmul.f32 v59, v58  }
0x17c: {  	v42 =	vmul.f32 v40, v63;
	v17 =	vadd.f32 v17, v19;
	v54 =	vshll.u32 v25, $0x10;
	v59 =	vld.idx.msk [tilespmem:v30+s28+$0x0], $0xffff  }
0x17d: {  	v25 =	vmul.f32 v25, v36;
	v58 =	vld.idx.msk [tilespmem:v26+s22+$0x0], $0xffff;
	v22 =	vadd.f32 v22, v27;
	v27 =	vmul.f32 v61, v60  }
0x17e: {  	v55 =	vmul.f32 v54, v53;
	v18 =	vadd.f32 v18, v24;
	v20 =	vadd.f32 v42, v20;
	v41 =	vld.idx.msk [tilespmem:v21+s22+$0x0], $0xffff  }
0x17f: {  	v63 =	vshll.u32 v45, $0x10;
	v16 =	vadd.f32 v27, v16;
	v27 =	vmul.f32 v44, v43;
	v46 =	vld.idx.msk [tilespmem:v21+s29+$0x0], $0xffff  }
0x180: {  	v25 =	vadd.f32 v55, v25;
	v18 =	vadd.f32 v20, v18;
	v52 =	vld.idx.msk [tilespmem:v21+s31+$0x0], $0xffff;
	v60 =	vshll.u32 v62, $0x10  }
0x181: {  	v21 =	vld.idx.msk [tilespmem:v21+s24+$0x0], $0xffff;
	v44 =	vshll.u32 v49, $0x10;
	v47 =	vadd.f32 v27, v29;
	v29 =	vmul.f32 v51, v50  }
0x182: {  	v43 =	vld.idx.msk [tilespmem:v26+s31+$0x0], $0xffff;
	v53 =	vshll.u32 v59, $0x10;
	v16 =	vadd.f32 v16, v22;
	v22 =	vmul.f32 v31, v48  }
0x183: {  	v51 =	vmul.f32 v58, v56;
	v28 =	vadd.f32 v29, v28;
	v23 =	vmul.f32 v41, v62;
	v62 =	vld.idx.msk [tilespmem:v26+s29+$0x0], $0xffff  }
0x184: {  	v16 =	vadd.f32 v18, v16;
	v57 =	vadd.f32 v22, v33;
	v61 =	vshll.u32 v41, $0x10;
	v41 =	vld.idx.msk [tilespmem:v30+s30+$0x0], $0xffff  }
0x185: {  	v40 =	vshll.u32 v46, $0x10;
	v19 =	vmul.f32 v46, v45;
	v45 =	vshll.u32 v52, $0x10;
	v30 =	vld.idx.msk [tilespmem:v30+s0+$0x0], $0xffff  }
0x186: {  	v27 =	vmul.f32 v52, v49;
	v48 =	vshll.u32 v21, $0x10;
	v49 =	vmul.f32 v21, v35;
	v26 =	vld.idx.msk [tilespmem:v26+s24+$0x0], $0xffff  }
0x187: {  	[tilespmem:v4+s14+$0x0 ss:$0x1] =	vst.idx.msk $0xffff, v5;
	v52 =	vshll.u32 v58, $0x10;
	v20 =	vadd.f32 v28, v47;
	v29 =	vmul.f32 v61, v60  }
0x188: {  	v18 =	vadd.f32 v25, v57;
	v42 =	vmul.f32 v40, v63;
	v47 =	vshll.u32 v35, $0x10;
	[tilespmem:v4+s14+$0x10 ss:$0x1] =	vst.idx.msk $0xffff, v6  }
0x189: {  	v46 =	vmul.f32 v45, v44;
	v6 =	vshll.u32 v56, $0x10;
	v50 =	vmul.f32 v48, v47;
	[tilespmem:v4+s14+$0x20 ss:$0x1] =	vst.idx.msk $0xffff, v8  }
0x18a: {  	v6 =	vmul.f32 v52, v6;
	v18 =	vadd.f32 v18, v20;
	v23 =	vadd.f32 v29, v23  }
0x18b: {  	v57 =	vshll.u32 v43, $0x10;
	v19 =	vadd.f32 v42, v19;
	v5 =	vadd.f32 v46, v27;
	[tilespmem:v4+s14+$0x30 ss:$0x1] =	vst.idx.msk $0xffff, v7  }
0x18c: {  	v20 =	vadd.f32 v50, v49;
	[tilespmem:v4+s14+$0x40 ss:$0x1] =	vst.idx.msk $0xffff, v9;
	v7 =	vshll.u32 v62, $0x10;
	v54 =	vmul.f32 v62, v59  }
0x18d: {  	[tilespmem:v4+s14+$0x50 ss:$0x1] =	vst.idx.msk $0xffff, v10;
	v55 =	vshll.u32 v41, $0x10;
	v56 =	vmul.f32 v43, v41;
	v58 =	vshll.u32 v30, $0x10  }
0x18e: {  	v59 =	vshll.u32 v26, $0x10;
	v60 =	vmul.f32 v26, v30;
	v7 =	vmul.f32 v7, v53;
	[tilespmem:v4+s14+$0x60 ss:$0x1] =	vst.idx.msk $0xffff, v11  }
0x18f: {  	v9 =	vmul.f32 v57, v55;
	v11 =	vmul.f32 v59, v58;
	[tilespmem:v4+s14+$0x70 ss:$0x1] =	vst.idx.msk $0xffff, v12  }
0x190: {  	v6 =	vadd.f32 v6, v51;
	v7 =	vadd.f32 v7, v54;
	[tilespmem:v4+s14+$0x80 ss:$0x1] =	vst.idx.msk $0xffff, v14  }
0x191: {  	v61 =	vadd.f32 v9, v56;
	v62 =	vadd.f32 v11, v60;
	[tilespmem:v4+s14+$0x90 ss:$0x1] =	vst.idx.msk $0xffff, v13  }
0x192: {  	p2 =	sne.s32 s13, $0x1C00;
	v5 =	vadd.f32 v5, v23;
	v63 =	vadd.f32 v20, v19;
	[tilespmem:v4+s14+$0xA0 ss:$0x1] =	vst.idx.msk $0xffff, v15  }
.Ltmp5:
0x193: {  	v6 =	vadd.f32 v61, v6;
	v7 =	vadd.f32 v62, v7;
	[tilespmem:v4+s14+$0xB0 ss:$0x1] =	vst.idx.msk $0xffff, v17;
	(pc) =	sbr.rel @p2 .LBB2_9-.Ltmp5, $4  }
0x194: {  	v5 =	vadd.f32 v63, v5;
	[tilespmem:v4+s14+$0xC0 ss:$0x1] =	vst.idx.msk $0xffff, v16  }
0x195: {  	v6 =	vadd.f32 v7, v6;
	[tilespmem:v4+s14+$0xD0 ss:$0x1] =	vst.idx.msk $0xffff, v18  }
0x196: {  	[tilespmem:v4+s14+$0xE0 ss:$0x1] =	vst.idx.msk $0xffff, v5  }
0x197: {  	s13 =	sadd.s32 $0x400, s13;
	[tilespmem:v4+s14+$0xF0 ss:$0x1] =	vst.idx.msk $0xffff, v6  }
0x198: {  	s10 =	sshll.u32 s10, $0x4  }
0x199: {  	v2 =	vor.u32 s10, v1  }
0x19a: {  	p2 =	sne.s32 s11, $0x4F  }
.Ltmp6:
0x19b: {  	_ = 	snop;
	(pc) =	sbr.rel @p2 .LBB2_2-.Ltmp6, $4  }
0x19c: {  	s18 =	sshll.u32 s12, $0xB  }
0x19d: {  	s19 =	sadd.s32 $0x3, s12;
	s10 =	sor.u32 $0xE440, s18  }
0x19e: {  	[spmem:s1] =	stream.indirect_vreg.scatter.add.f32 [tilespmem:s10], [sflag:s19], $0x80, v2, vm0, $0xb8;
	[tilespmem:$0x19880] =	vst v63  }
0x19f: {  	p1 =	por !p1, !p1;
	s10 =	smov.u32 s11  }
0x1a0: {  	_ =	swait.ge [sflag:s26], $0x800  }
0x1a1: {  	[sflag:s26] =	ssyncset.done $0x0  }
0x1a2: {  	[sflag:s26] =	ssyncadd.s32 $0xFFFFF800  }
0x1a3: {  	_ =	swait.ge [sflag:s2], $0x800  }
0x1a4: {  	[sflag:s2] =	ssyncset.done $0x0  }
0x1a5: {  	s10 =	stileid.u32;
	[sflag:s2] =	ssyncadd.s32 $0xFFFFF800  }
0x1a6: {  	s10 =	sshll.u32 @!p0 s10, $0x6;
	[bflag:$0x0] =	sbarrier.arrive $0xFFFF  }
0x1a7: {  	s10 =	sor.u32 @!p0 $0x1C05, s10;
	s11 =	rddreg [dreg:$0xb]  }
0x1a8: {  	[hbm:s11], [sflag:s10] =	dma.local @!p0 [spmem:s25], $0x7D0  }
0x1a9: {  	s10 =	simm.s32 @!p0 $0x5  }
0x1aa: {  	_ =	swait.ge @!p0 [sflag:s10], $0x7D0  }
0x1ab: {  	s9 =	sadd.s32 $0x1, s9;
	s19 =	rddreg [dreg:$0xc]  }
0x1ac: {  	p1 =	sne.s32 s9, s19  }
.Ltmp7:
0x1ad: {  	_ = 	snop;
	(pc) =	sbr.rel @p1 .LBB2_1-.Ltmp7, $3  }
0x1ae: {  	_ =	sdelay $0x1  }
0x1af: {  	[sflag:s10] =	ssyncset.done @!p0 $0x0  }
0x1b0: {  	[sflag:s10] =	ssyncadd.s32 @!p0 $0xFFFFF830  }
0x1b1: {  	_ =	sfence.sel $0x180000  }
0x1b2: {  	[bflag:$0x0] =	sbarrier.arrive $0xFFFF  }
0x1b3: {  	_ =	strace $0x90000047  }
0x1b4: {  	s0 =	stileid.u32;
	[bflag:$0x2] =	sbarrier.arrive $0xFFFF  }
0x1b5: {  	p0 =	sne.s32 s0, $0x0;
	s0 =	rddreg [dreg:$0x3]  }
0x1b6: {  	s0 =	sadd.s32 @!p0 $0x100000, s0  }
0x1b7: {  	[sflag:s0] =	ssyncadd.tile.s32 @!p0 $0x1;
	_ =	shalt  }
.Lfunc_end2:
_tile_overlayer_lowered:
.L_overlay_start_2:
0x1b8: {  	(tag) =	ssettag $0x2  }
0x1b9: {  	s0 =	rddreg [dreg:$0x0];
	s2 =	stileid.u32  }
0x1ba: {  	s1 =	rddreg [dreg:$0x1];
	p0 =	sne.s32 s2, $0x0  }
0x1bb: {  	s3 =	rddreg [dreg:$0x2];
	[bflag:$0x3] =	sbarrier.arrive $0xFFFF;
	s2 =	simm.s32 @!p0 $0x1C05  }
0x1bc: {  	[timem:s3], [sflag:s2] =	dma.local @!p0 [hbm:s0], s1  }
0x1bd: {  	s0 =	simm.s32 @!p0 $0x5  }
0x1be: {  	_ =	swait.ge @!p0 [sflag:s0], s1  }
0x1bf: {  	s1 =	ssub.s32 @!p0 $0x0, s1;
	[sflag:s0] =	ssyncset.done @!p0 $0x0  }
0x1c0: {  	[sflag:s0] =	ssyncadd.s32 @!p0 s1  }
0x1c1: {  	[bflag:$0x3] =	sbarrier.arrive $0xFFFF  }
0x1c2: {  	_ =	shalt  }

</sc_bundles>
